<compile_context>
chip_gen: v7x
topology: tpu7x:2x2x1
jax: 0.10.2.dev20260603
libtpu: 0.0.44.dev20260713+nightly
codegen_flags: <defaults>
</compile_context>

<pallas_src>
import jax
import jax.numpy as jnp
from jax import lax
from jax.experimental import pallas as pl
from jax.experimental.pallas import tpu as pltpu
from jax.experimental.pallas import tpu_sc as plsc

_NUM_CLASSES = 21
_C = 20
_CONF = 0.01
_IOU = 0.45
_STEPS = 100
_N_RAW = 20000
_N = 20480
_NW = 16
_P = _N // _NW
_NCH = _P // 16
_BIGF = 1e9
_NEGF = -3e38


def _lane():
    return lax.broadcasted_iota(jnp.int32, (16,), 0)


def _bcast_f(x):
    return jnp.full((16,), x, dtype=jnp.float32)


def _bcast_i(x):
    return jnp.full((16,), x, dtype=jnp.int32)


def _nms_body(lg_hbm, bb_hbm, an_hbm, out_hbm, buf_v, sc_v, geom_v, sca_v,
              cache_v, stage_v, exch_v, initstg_v, init_v, out_v, shared_step,
              shared_init, sem):
    wid = lax.axis_index("s")
    cid = lax.axis_index("c")
    base = wid * _P
    lane = _lane()

    srcs = ([lg_hbm.at[pl.ds(r * _N + base, _P)] for r in range(21)]
            + [bb_hbm.at[pl.ds(r * _N + base, _P)] for r in range(4)]
            + [an_hbm.at[pl.ds(r * _N + base, _P)] for r in range(4)])
    cps = [pltpu.async_copy(src, buf_v.at[pl.ds(r * _P, _P)], sem)
           for r, src in enumerate(srcs)]
    for cp in cps:
        cp.wait()

    def prep_chunk(i):
        off = i * 16
        logits = [buf_v[pl.ds(c * _P + off, 16)] for c in range(_NUM_CLASSES)]
        mx = logits[0]
        for c in range(1, _NUM_CLASSES):
            mx = jnp.maximum(mx, logits[c])
        es = [jnp.exp(l - mx) for l in logits]
        ssum = es[0]
        for c in range(1, _NUM_CLASSES):
            ssum = ssum + es[c]
        gidx = base + off + lane
        inb = gidx < _N_RAW
        for c in range(1, _NUM_CLASSES):
            s = es[c] / ssum
            s = jnp.where(inb & (s > _CONF), s, 0.0)
            sc_v[pl.ds((c - 1) * _P + off, 16)] = s
        lcx = buf_v[pl.ds(21 * _P + off, 16)]
        lcy = buf_v[pl.ds(22 * _P + off, 16)]
        lw = buf_v[pl.ds(23 * _P + off, 16)]
        lh = buf_v[pl.ds(24 * _P + off, 16)]
        acx = buf_v[pl.ds(25 * _P + off, 16)]
        acy = buf_v[pl.ds(26 * _P + off, 16)]
        aw = buf_v[pl.ds(27 * _P + off, 16)]
        ah = buf_v[pl.ds(28 * _P + off, 16)]
        cx = lcx * 0.1 * aw + acx
        cy = lcy * 0.1 * ah + acy
        sw = jnp.exp(lw * 0.2) * aw
        sh = jnp.exp(lh * 0.2) * ah
        x1 = cx - sw / 2.0
        y1 = cy - sh / 2.0
        x2 = cx + sw / 2.0
        y2 = cy + sh / 2.0
        geom_v[pl.ds(0 * _P + off, 16)] = x1
        geom_v[pl.ds(1 * _P + off, 16)] = y1
        geom_v[pl.ds(2 * _P + off, 16)] = x2
        geom_v[pl.ds(3 * _P + off, 16)] = y2
        for c in range(_C):
            offs = (c + 1) * 4.0
            a2 = (jnp.maximum((x2 + offs) - (x1 + offs), 0.0)
                  * jnp.maximum((y2 + offs) - (y1 + offs), 0.0))
            sca_v[pl.ds(c * _P + off, 16)] = a2

    plsc.parallel_loop(0, _NCH, unroll=4)(prep_chunk)

    glane = base + lane

    def rescan(cstar, ox1w, oy1w, ox2w, oy2w, warea, offs):
        coff = cstar * _P

        def chunk(i, carry):
            vmax, vj = carry
            off = i * 16
            s = sc_v[pl.ds(coff + off, 16)]
            ox1 = geom_v[pl.ds(0 * _P + off, 16)] + offs
            oy1 = geom_v[pl.ds(1 * _P + off, 16)] + offs
            ox2 = geom_v[pl.ds(2 * _P + off, 16)] + offs
            oy2 = geom_v[pl.ds(3 * _P + off, 16)] + offs
            ltx = jnp.maximum(ox1w, ox1)
            lty = jnp.maximum(oy1w, oy1)
            rbx = jnp.minimum(ox2w, ox2)
            rby = jnp.minimum(oy2w, oy2)
            inter = (jnp.maximum(rbx - ltx, 0.0)
                     * jnp.maximum(rby - lty, 0.0))
            a2 = sca_v[pl.ds(coff + off, 16)]
            iou = inter / jnp.maximum(warea + a2 - inter, 1e-9)
            s = jnp.where(iou > _IOU, 0.0, s)
            sc_v[pl.ds(coff + off, 16)] = s
            upd = s > vmax
            vmax = jnp.where(upd, s, vmax)
            vj = jnp.where(upd, glane + off, vj)
            return vmax, vj

        vmax, vj = plsc.parallel_loop(
            0, _NCH, unroll=4,
            carry=(_bcast_f(-1.0), _bcast_i(0)))(chunk)
        m_loc = jnp.max(vmax)
        j_loc = jnp.min(jnp.where(vmax == m_loc, vj, 2**30))
        ll = _bcast_i(j_loc - base)
        lx1 = jnp.max(plsc.load_gather(geom_v, [ll]))
        ly1 = jnp.max(plsc.load_gather(geom_v, [ll + _P]))
        lx2 = jnp.max(plsc.load_gather(geom_v, [ll + 2 * _P]))
        ly2 = jnp.max(plsc.load_gather(geom_v, [ll + 3 * _P]))
        return m_loc, j_loc, lx1, ly1, lx2, ly2

    def assemble(m_loc, j_loc, lx1, ly1, lx2, ly2):
        st = jnp.where(lane == 0, m_loc,
             jnp.where(lane == 1, j_loc.astype(jnp.float32),
             jnp.where(lane == 2, lx1,
             jnp.where(lane == 3, ly1,
             jnp.where(lane == 4, lx2,
             jnp.where(lane == 5, ly2, 0.0))))))
        return st

    def combine_into_cache(src_ref, srow, coff, cstar):
        mvec = plsc.load_gather(src_ref, [lane * srow + coff])
        jvec = plsc.load_gather(src_ref, [lane * srow + (coff + 1)])
        gm_c = jnp.max(mvec)
        jm = jnp.where(mvec == gm_c, jvec, _BIGF)
        jsel = jnp.min(jm)
        selm = jm == jsel
        vals = [gm_c, jsel]
        for f in range(2, 6):
            cv = plsc.load_gather(src_ref, [lane * srow + (coff + f)])
            vals.append(jnp.max(jnp.where(selm, cv, _NEGF)))
        for f in range(6):
            plsc.store_scatter(cache_v, [_bcast_i(f * 32 + cstar)],
                               _bcast_f(vals[f]), mask=lane == 0)
        return vals

    def cache_candidate(excl):
        m0 = cache_v[pl.ds(0, 16)]
        m1 = cache_v[pl.ds(16, 16)]
        m0 = jnp.where(lane == excl, -1.0, m0)
        m1 = jnp.where(lane + 16 == excl, -1.0, m1)
        j0 = cache_v[pl.ds(32, 16)]
        j1 = cache_v[pl.ds(48, 16)]
        gm = jnp.maximum(jnp.max(m0), jnp.max(m1))
        lf = lane.astype(jnp.float32)
        r0 = jnp.where(m0 == gm, j0 * 20.0 + lf, _BIGF)
        r1 = jnp.where(m1 == gm, j1 * 20.0 + (lf + 16.0), _BIGF)
        r = jnp.minimum(jnp.min(r0), jnp.min(r1))
        c = lax.rem(r.astype(jnp.int32), _C)
        gidxv = jnp.where(lane < 4, (lane + 2) * 32 + c, c)
        g = plsc.load_gather(cache_v, [gidxv])
        x1 = jnp.max(jnp.where(lane == 0, g, _NEGF))
        y1 = jnp.max(jnp.where(lane == 1, g, _NEGF))
        x2 = jnp.max(jnp.where(lane == 2, g, _NEGF))
        y2 = jnp.max(jnp.where(lane == 3, g, _NEGF))
        return gm, r, x1, y1, x2, y2

    cache_v[pl.ds(0, 16)] = _bcast_f(-1.0)
    cache_v[pl.ds(16, 16)] = jnp.where(lane < 4, 0.0, -1.0)

    def init_class(c, carry):
        coff = c * _P

        def chunk(i, carry2):
            vmax, vj = carry2
            off = i * 16
            s = sc_v[pl.ds(coff + off, 16)]
            upd = s > vmax
            return jnp.where(upd, s, vmax), jnp.where(upd, glane + off, vj)

        vmax, vj = plsc.parallel_loop(
            0, _NCH, unroll=8,
            carry=(_bcast_f(-1.0), _bcast_i(0)))(chunk)
        m_loc = jnp.max(vmax)
        j_loc = jnp.min(jnp.where(vmax == m_loc, vj, 2**30))
        ll = _bcast_i(j_loc - base)
        lx1 = jnp.max(plsc.load_gather(geom_v, [ll]))
        ly1 = jnp.max(plsc.load_gather(geom_v, [ll + _P]))
        lx2 = jnp.max(plsc.load_gather(geom_v, [ll + 2 * _P]))
        ly2 = jnp.max(plsc.load_gather(geom_v, [ll + 3 * _P]))
        initstg_v[pl.ds(c * 16, 16)] = assemble(
            m_loc, j_loc, lx1, ly1, lx2, ly2)
        return carry

    lax.fori_loop(0, _C, init_class, 0)
    pltpu.sync_copy(initstg_v, shared_init.at[pl.ds(wid * (_C * 16), _C * 16)])
    plsc.subcore_barrier()
    pltpu.sync_copy(shared_init, init_v)

    def init_reduce(c, carry):
        combine_into_cache(init_v, _C * 16, c * 16, c)
        return carry

    lax.fori_loop(0, _C, init_reduce, 0)

    def step(t, carry):
        gm, r, x1w, y1w, x2w, y2w = carry
        ri = r.astype(jnp.int32)
        cstar = lax.rem(ri, _C)
        jstar = lax.div(ri, _C)
        valid = gm > 0.0
        labf = (cstar + 1).astype(jnp.float32)
        ov = jnp.where(lane == 0, x1w,
             jnp.where(lane == 1, y1w,
             jnp.where(lane == 2, x2w,
             jnp.where(lane == 3, y2w,
             jnp.where(lane == 4, gm,
             jnp.where(lane == 5, labf, 0.0))))))
        dflt = jnp.where(lane == 5, -1.0, 0.0)
        out_v[pl.ds(t * 16, 16)] = jnp.where(valid, ov, dflt)
        offs = labf * 4.0
        ox1w = x1w + offs
        oy1w = y1w + offs
        ox2w = x2w + offs
        oy2w = y2w + offs
        warea = jnp.maximum(ox2w - ox1w, 0.0) * jnp.maximum(oy2w - oy1w, 0.0)
        jl = jstar - base
        own = (jl >= 0) & (jl < _P)
        jl = jnp.clip(jl, 0, _P - 1)
        plsc.store_scatter(sc_v, [_bcast_i(cstar * _P + jl)],
                           _bcast_f(0.0), mask=(lane == 0) & own)
        m_loc, j_loc, lx1, ly1, lx2, ly2 = rescan(
            cstar, ox1w, oy1w, ox2w, oy2w, warea, offs)
        stage_v[pl.ds(0, 16)] = assemble(m_loc, j_loc, lx1, ly1, lx2, ly2)
        boff = lax.rem(t, 2) * 128
        pltpu.sync_copy(stage_v.at[pl.ds(0, 8)],
                        shared_step.at[pl.ds(boff + wid * 8, 8)])
        plsc.subcore_barrier()
        rd = pltpu.async_copy(shared_step.at[pl.ds(boff, 128)], exch_v, sem)
        gm_r, r_r, rx1, ry1, rx2, ry2 = cache_candidate(cstar)
        rd.wait()
        vals = combine_into_cache(exch_v, 8, 0, cstar)
        m_new, j_new, nx1, ny1, nx2, ny2 = vals
        rank_new = j_new * 20.0 + cstar.astype(jnp.float32)
        take = (m_new > gm_r) | ((m_new == gm_r) & (rank_new < r_r))
        return (jnp.where(take, m_new, gm_r),
                jnp.where(take, rank_new, r_r),
                jnp.where(take, nx1, rx1),
                jnp.where(take, ny1, ry1),
                jnp.where(take, nx2, rx2),
                jnp.where(take, ny2, ry2))

    lax.fori_loop(0, _STEPS, step, cache_candidate(jnp.int32(-1)))

    @pl.when(jnp.logical_and(cid == 0, wid == 0))
    def _():
        pltpu.sync_copy(out_v, out_hbm)


@jax.jit
def _run(lg, bb, an):
    mesh = plsc.VectorSubcoreMesh(core_axis_name="c", subcore_axis_name="s",
                                  num_cores=2, num_subcores=_NW)
    f = pl.kernel(
        _nms_body,
        mesh=mesh,
        compiler_params=pltpu.CompilerParams(needs_layout_passes=False),
        out_type=jax.ShapeDtypeStruct((_STEPS * 16,), jnp.float32),
        scratch_types=[
            pltpu.VMEM((29 * _P,), jnp.float32),
            pltpu.VMEM((_C * _P,), jnp.float32),
            pltpu.VMEM((4 * _P,), jnp.float32),
            pltpu.VMEM((_C * _P,), jnp.float32),
            pltpu.VMEM((256,), jnp.float32),
            pltpu.VMEM((16,), jnp.float32),
            pltpu.VMEM((128,), jnp.float32),
            pltpu.VMEM((_C * 16,), jnp.float32),
            pltpu.VMEM((_NW * _C * 16,), jnp.float32),
            pltpu.VMEM((_STEPS * 16,), jnp.float32),
            pltpu.VMEM_SHARED((2 * _NW * 8,), jnp.float32),
            pltpu.VMEM_SHARED((_NW * _C * 16,), jnp.float32),
            pltpu.SemaphoreType.DMA,
        ],
    )
    return f(lg, bb, an)


def kernel(cls_logits, bbox_pred, anchors):
    pad = _N - _N_RAW
    lg = jnp.pad(cls_logits[0].T, ((0, 0), (0, pad))).reshape(-1)
    bb = jnp.pad(bbox_pred[0].T, ((0, 0), (0, pad))).reshape(-1)
    an = jnp.pad(anchors.T, ((0, 0), (0, pad))).reshape(-1)
    out = _run(lg, bb, an).reshape(_STEPS, 16)
    kb = out[:, 0:4]
    ks = out[:, 4]
    kl = out[:, 5].astype(jnp.int32)
    return kb, ks, kl

# --- scband reference (transcript-rebuilt; emitter-appended) ---
"""Pipeline reference for scband-rpnbox-head-44796508897837 (READ-ONLY COPY).

The authoritative reference and input builder live on the scoring server;
editing this copy changes nothing except your own understanding.
"""

import jax, jax.numpy as jnp
import numpy as np

NUM_CLASSES = 21
CENTER_VARIANCE = 0.1
SIZE_VARIANCE = 0.2
CONF_THRESH = 0.01
IOU_THRESH = 0.45
MAX_PER_IMAGE = 100
N_BOXES = 20000


def setup_inputs(seed: int = 0) -> dict:
    key = jax.random.key(seed)
    k1, k2, k3 = jax.random.split(key, 3)
    cls_logits = jax.random.normal(k1, (1, N_BOXES, NUM_CLASSES), dtype=jnp.float32)
    bbox_pred = jax.random.normal(k2, (1, N_BOXES, 4), dtype=jnp.float32) * 0.1
    a = jax.random.uniform(k3, (N_BOXES, 4), dtype=jnp.float32)
    # anchors in center form (cx, cy, w, h), normalized coords, positive sizes
    anchors = jnp.concatenate([a[:, :2], 0.05 + 0.2 * a[:, 2:]], axis=1)
    return {"cls_logits": cls_logits, "bbox_pred": bbox_pred, "anchors": anchors}


def _decode(locations, anchors):
    # box_utils.convert_locations_to_boxes
    centers = locations[..., :2] * CENTER_VARIANCE * anchors[..., 2:] + anchors[..., :2]
    sizes = jnp.exp(locations[..., 2:] * SIZE_VARIANCE) * anchors[..., 2:]
    return jnp.concatenate([centers, sizes], axis=-1)


def _center_to_corner(b):
    return jnp.concatenate([b[..., :2] - b[..., 2:] / 2.0, b[..., :2] + b[..., 2:] / 2.0], axis=-1)


def _iou_one_vs_all(box, boxes):
    lt = jnp.maximum(box[:2], boxes[:, :2])
    rb = jnp.minimum(box[2:], boxes[:, 2:])
    wh = jnp.clip(rb - lt, 0.0, None)
    inter = wh[:, 0] * wh[:, 1]
    area1 = jnp.clip(box[2] - box[0], 0.0, None) * jnp.clip(box[3] - box[1], 0.0, None)
    area2 = jnp.clip(boxes[:, 2] - boxes[:, 0], 0.0, None) * jnp.clip(boxes[:, 3] - boxes[:, 1], 0.0, None)
    return inter / jnp.maximum(area1 + area2 - inter, 1e-9)


def _batched_nms(boxes, scores, labels):
    # per-class NMS via class-offset trick (boxes of different classes never overlap)
    offset_boxes = boxes + labels[:, None].astype(jnp.float32) * 4.0
    n = scores.shape[0]
    idxs = jnp.arange(n)

    def step(scores_w, _):
        j = jnp.argmax(scores_w)
        s = scores_w[j]
        valid = s > 0.0
        kb = jnp.where(valid, boxes[j], jnp.zeros(4, jnp.float32))
        ks = jnp.where(valid, s, 0.0)
        kl = jnp.where(valid, labels[j], -1)
        iou = _iou_one_vs_all(offset_boxes[j], offset_boxes)
        suppress = (iou > IOU_THRESH) | (idxs == j)
        scores_w = jnp.where(suppress, 0.0, scores_w)
        return scores_w, (kb, ks, kl)

    _, (kb, ks, kl) = jax.lax.scan(step, scores, None, length=MAX_PER_IMAGE)
    return kb, ks, kl


def reference(cls_logits, bbox_pred, anchors):
    # _forward_test path of RPNBoxHead
    scores = jax.nn.softmax(cls_logits, axis=2)
    boxes = _center_to_corner(_decode(bbox_pred, anchors))
    # PostProcessor on batch element 0
    s = scores[0]
    b = boxes[0]
    C = s.shape[1]
    flat_scores = s[:, 1:].reshape(-1)  # drop background class 0
    flat_labels = jnp.tile(jnp.arange(1, C, dtype=jnp.int32), b.shape[0])
    flat_boxes = jnp.repeat(b, C - 1, axis=0)
    flat_scores = jnp.where(flat_scores > CONF_THRESH, flat_scores, 0.0)
    kb, ks, kl = _batched_nms(flat_boxes, flat_scores, flat_labels)
    return (kb, ks, kl)

if __name__ == "__main__":
    import jax
    _d = setup_inputs()
    print(jax.jit(kernel)(*tuple(_d.values())))

</pallas_src>

<mosaic_0001>
#map = affine_map<(d0, d1) -> (0)>
module attributes {stable_mosaic.version = 14 : i64} {
  func.func @_nms_body(%arg0: i32, %arg1: i32, %arg2: memref<430080xf32, #tpu.memory_space<hbm>>, %arg3: memref<81920xf32, #tpu.memory_space<hbm>>, %arg4: memref<81920xf32, #tpu.memory_space<hbm>>, %arg5: memref<1600xf32, #tpu.memory_space<hbm>>, %arg6: memref<37120xf32, #tpu.memory_space<vmem>>, %arg7: memref<25600xf32, #tpu.memory_space<vmem>>, %arg8: memref<5120xf32, #tpu.memory_space<vmem>>, %arg9: memref<25600xf32, #tpu.memory_space<vmem>>, %arg10: memref<256xf32, #tpu.memory_space<vmem>>, %arg11: memref<16xf32, #tpu.memory_space<vmem>>, %arg12: memref<128xf32, #tpu.memory_space<vmem>>, %arg13: memref<320xf32, #tpu.memory_space<vmem>>, %arg14: memref<5120xf32, #tpu.memory_space<vmem>>, %arg15: memref<1600xf32, #tpu.memory_space<vmem>>, %arg16: memref<256xf32, #tpu.memory_space<vmem_shared>>, %arg17: memref<5120xf32, #tpu.memory_space<vmem_shared>>, %arg18: memref<!tpu.dma_semaphore, #tpu.memory_space<semaphore_mem>>) attributes {dimension_semantics = [#tpu.dimension_semantics<core_parallel>, #tpu.dimension_semantics<subcore_parallel>], iteration_bounds = array<i64: 2, 16>, scalar_prefetch = 0 : i64, scratch_operands = 13 : i64, tpu.core_type = #tpu.core_type<sc_vector_subcore>, window_params = [{transform_indices = #map}, {transform_indices = #map}, {transform_indices = #map}, {transform_indices = #map}]} {
    %mul3A = arith.constant 1280 : i32
    %mul3A_0 = arith.muli %arg1, %mul3A : i32
    %iota3A = tpu.iota {dimensions = array<i32: 0>} : vector<16xi32>
    %add3A = arith.constant 0 : i32
    %add3A_1 = arith.addi %add3A, %mul3A_0 : i32
    %add3A_2 = arith.constant 20480 : i32
    %add3A_3 = arith.addi %add3A_2, %mul3A_0 : i32
    %add3A_4 = arith.constant 40960 : i32
    %add3A_5 = arith.addi %add3A_4, %mul3A_0 : i32
    %add3A_6 = arith.constant 61440 : i32
    %add3A_7 = arith.addi %add3A_6, %mul3A_0 : i32
    %add3A_8 = arith.constant 81920 : i32
    %add3A_9 = arith.addi %add3A_8, %mul3A_0 : i32
    %add3A_10 = arith.constant 102400 : i32
    %add3A_11 = arith.addi %add3A_10, %mul3A_0 : i32
    %add3A_12 = arith.constant 122880 : i32
    %add3A_13 = arith.addi %add3A_12, %mul3A_0 : i32
    %add3A_14 = arith.constant 143360 : i32
    %add3A_15 = arith.addi %add3A_14, %mul3A_0 : i32
    %add3A_16 = arith.constant 163840 : i32
    %add3A_17 = arith.addi %add3A_16, %mul3A_0 : i32
    %add3A_18 = arith.constant 184320 : i32
    %add3A_19 = arith.addi %add3A_18, %mul3A_0 : i32
    %add3A_20 = arith.constant 204800 : i32
    %add3A_21 = arith.addi %add3A_20, %mul3A_0 : i32
    %add3A_22 = arith.constant 225280 : i32
    %add3A_23 = arith.addi %add3A_22, %mul3A_0 : i32
    %add3A_24 = arith.constant 245760 : i32
    %add3A_25 = arith.addi %add3A_24, %mul3A_0 : i32
    %add3A_26 = arith.constant 266240 : i32
    %add3A_27 = arith.addi %add3A_26, %mul3A_0 : i32
    %add3A_28 = arith.constant 286720 : i32
    %add3A_29 = arith.addi %add3A_28, %mul3A_0 : i32
    %add3A_30 = arith.constant 307200 : i32
    %add3A_31 = arith.addi %add3A_30, %mul3A_0 : i32
    %add3A_32 = arith.constant 327680 : i32
    %add3A_33 = arith.addi %add3A_32, %mul3A_0 : i32
    %add3A_34 = arith.constant 348160 : i32
    %add3A_35 = arith.addi %add3A_34, %mul3A_0 : i32
    %add3A_36 = arith.constant 368640 : i32
    %add3A_37 = arith.addi %add3A_36, %mul3A_0 : i32
    %add3A_38 = arith.constant 389120 : i32
    %add3A_39 = arith.addi %add3A_38, %mul3A_0 : i32
    %add3A_40 = arith.constant 409600 : i32
    %add3A_41 = arith.addi %add3A_40, %mul3A_0 : i32
    %add3A_42 = arith.constant 0 : i32
    %add3A_43 = arith.addi %add3A_42, %mul3A_0 : i32
    %add3A_44 = arith.constant 20480 : i32
    %add3A_45 = arith.addi %add3A_44, %mul3A_0 : i32
    %add3A_46 = arith.constant 40960 : i32
    %add3A_47 = arith.addi %add3A_46, %mul3A_0 : i32
    %add3A_48 = arith.constant 61440 : i32
    %add3A_49 = arith.addi %add3A_48, %mul3A_0 : i32
    %add3A_50 = arith.constant 0 : i32
    %add3A_51 = arith.addi %add3A_50, %mul3A_0 : i32
    %add3A_52 = arith.constant 20480 : i32
    %add3A_53 = arith.addi %add3A_52, %mul3A_0 : i32
    %add3A_54 = arith.constant 40960 : i32
    %add3A_55 = arith.addi %add3A_54, %mul3A_0 : i32
    %add3A_56 = arith.constant 61440 : i32
    %add3A_57 = arith.addi %add3A_56, %mul3A_0 : i32
    %dma_start3A = arith.constant 0 : i32
    %dma_start3A_58 = tpu.memref_slice %arg6[%dma_start3A] : memref<37120xf32, #tpu.memory_space<vmem>> -> memref<1280xf32, #tpu.memory_space<vmem>>
    %dma_start3A_59 = tpu.memref_slice %arg2[%add3A_1] : memref<430080xf32, #tpu.memory_space<hbm>> -> memref<1280xf32, #tpu.memory_space<hbm>>
    %dma_start3A_60 = arith.constant 0 : i32
    %dma_start3A_61 = tpu.memref_slice %arg6[%dma_start3A_60] : memref<37120xf32, #tpu.memory_space<vmem>> -> memref<1280xf32, #tpu.memory_space<vmem>>
    %dma_start3A_62 = tpu.memref_slice %arg2[%add3A_1] : memref<430080xf32, #tpu.memory_space<hbm>> -> memref<1280xf32, #tpu.memory_space<hbm>>
    tpu.enqueue_dma source(%dma_start3A_62 : memref<1280xf32, #tpu.memory_space<hbm>>) target(%dma_start3A_61 : memref<1280xf32, #tpu.memory_space<vmem>>) target_semaphore(%arg18 : memref<!tpu.dma_semaphore, #tpu.memory_space<semaphore_mem>>)
    %dma_start3A_63 = arith.constant 1280 : i32
    %dma_start3A_64 = tpu.memref_slice %arg6[%dma_start3A_63] : memref<37120xf32, #tpu.memory_space<vmem>> -> memref<1280xf32, #tpu.memory_space<vmem>>
    %dma_start3A_65 = tpu.memref_slice %arg2[%add3A_3] : memref<430080xf32, #tpu.memory_space<hbm>> -> memref<1280xf32, #tpu.memory_space<hbm>>
    %dma_start3A_66 = arith.constant 1280 : i32
    %dma_start3A_67 = tpu.memref_slice %arg6[%dma_start3A_66] : memref<37120xf32, #tpu.memory_space<vmem>> -> memref<1280xf32, #tpu.memory_space<vmem>>
    %dma_start3A_68 = tpu.memref_slice %arg2[%add3A_3] : memref<430080xf32, #tpu.memory_space<hbm>> -> memref<1280xf32, #tpu.memory_space<hbm>>
    tpu.enqueue_dma source(%dma_start3A_68 : memref<1280xf32, #tpu.memory_space<hbm>>) target(%dma_start3A_67 : memref<1280xf32, #tpu.memory_space<vmem>>) target_semaphore(%arg18 : memref<!tpu.dma_semaphore, #tpu.memory_space<semaphore_mem>>)
    %dma_start3A_69 = arith.constant 2560 : i32
    %dma_start3A_70 = tpu.memref_slice %arg6[%dma_start3A_69] : memref<37120xf32, #tpu.memory_space<vmem>> -> memref<1280xf32, #tpu.memory_space<vmem>>
    %dma_start3A_71 = tpu.memref_slice %arg2[%add3A_5] : memref<430080xf32, #tpu.memory_space<hbm>> -> memref<1280xf32, #tpu.memory_space<hbm>>
    %dma_start3A_72 = arith.constant 2560 : i32
    %dma_start3A_73 = tpu.memref_slice %arg6[%dma_start3A_72] : memref<37120xf32, #tpu.memory_space<vmem>> -> memref<1280xf32, #tpu.memory_space<vmem>>
    %dma_start3A_74 = tpu.memref_slice %arg2[%add3A_5] : memref<430080xf32, #tpu.memory_space<hbm>> -> memref<1280xf32, #tpu.memory_space<hbm>>
    tpu.enqueue_dma source(%dma_start3A_74 : memref<1280xf32, #tpu.memory_space<hbm>>) target(%dma_start3A_73 : memref<1280xf32, #tpu.memory_space<vmem>>) target_semaphore(%arg18 : memref<!tpu.dma_semaphore, #tpu.memory_space<semaphore_mem>>)
    %dma_start3A_75 = arith.constant 3840 : i32
    %dma_start3A_76 = tpu.memref_slice %arg6[%dma_start3A_75] : memref<37120xf32, #tpu.memory_space<vmem>> -> memref<1280xf32, #tpu.memory_space<vmem>>
    %dma_start3A_77 = tpu.memref_slice %arg2[%add3A_7] : memref<430080xf32, #tpu.memory_space<hbm>> -> memref<1280xf32, #tpu.memory_space<hbm>>
    %dma_start3A_78 = arith.constant 3840 : i32
    %dma_start3A_79 = tpu.memref_slice %arg6[%dma_start3A_78] : memref<37120xf32, #tpu.memory_space<vmem>> -> memref<1280xf32, #tpu.memory_space<vmem>>
    %dma_start3A_80 = tpu.memref_slice %arg2[%add3A_7] : memref<430080xf32, #tpu.memory_space<hbm>> -> memref<1280xf32, #tpu.memory_space<hbm>>
    tpu.enqueue_dma source(%dma_start3A_80 : memref<1280xf32, #tpu.memory_space<hbm>>) target(%dma_start3A_79 : memref<1280xf32, #tpu.memory_space<vmem>>) target_semaphore(%arg18 : memref<!tpu.dma_semaphore, #tpu.memory_space<semaphore_mem>>)
    %dma_start3A_81 = arith.constant 5120 : i32
    %dma_start3A_82 = tpu.memref_slice %arg6[%dma_start3A_81] : memref<37120xf32, #tpu.memory_space<vmem>> -> memref<1280xf32, #tpu.memory_space<vmem>>
    %dma_start3A_83 = tpu.memref_slice %arg2[%add3A_9] : memref<430080xf32, #tpu.memory_space<hbm>> -> memref<1280xf32, #tpu.memory_space<hbm>>
    %dma_start3A_84 = arith.constant 5120 : i32
    %dma_start3A_85 = tpu.memref_slice %arg6[%dma_start3A_84] : memref<37120xf32, #tpu.memory_space<vmem>> -> memref<1280xf32, #tpu.memory_space<vmem>>
    %dma_start3A_86 = tpu.memref_slice %arg2[%add3A_9] : memref<430080xf32, #tpu.memory_space<hbm>> -> memref<1280xf32, #tpu.memory_space<hbm>>
    tpu.enqueue_dma source(%dma_start3A_86 : memref<1280xf32, #tpu.memory_space<hbm>>) target(%dma_start3A_85 : memref<1280xf32, #tpu.memory_space<vmem>>) target_semaphore(%arg18 : memref<!tpu.dma_semaphore, #tpu.memory_space<semaphore_mem>>)
    %dma_start3A_87 = arith.constant 6400 : i32
    %dma_start3A_88 = tpu.memref_slice %arg6[%dma_start3A_87] : memref<37120xf32, #tpu.memory_space<vmem>> -> memref<1280xf32, #tpu.memory_space<vmem>>
    %dma_start3A_89 = tpu.memref_slice %arg2[%add3A_11] : memref<430080xf32, #tpu.memory_space<hbm>> -> memref<1280xf32, #tpu.memory_space<hbm>>
    %dma_start3A_90 = arith.constant 6400 : i32
    %dma_start3A_91 = tpu.memref_slice %arg6[%dma_start3A_90] : memref<37120xf32, #tpu.memory_space<vmem>> -> memref<1280xf32, #tpu.memory_space<vmem>>
    %dma_start3A_92 = tpu.memref_slice %arg2[%add3A_11] : memref<430080xf32, #tpu.memory_space<hbm>> -> memref<1280xf32, #tpu.memory_space<hbm>>
    tpu.enqueue_dma source(%dma_start3A_92 : memref<1280xf32, #tpu.memory_space<hbm>>) target(%dma_start3A_91 : memref<1280xf32, #tpu.memory_space<vmem>>) target_semaphore(%arg18 : memref<!tpu.dma_semaphore, #tpu.memory_space<semaphore_mem>>)
    %dma_start3A_93 = arith.constant 7680 : i32
    %dma_start3A_94 = tpu.memref_slice %arg6[%dma_start3A_93] : memref<37120xf32, #tpu.memory_space<vmem>> -> memref<1280xf32, #tpu.memory_space<vmem>>
    %dma_start3A_95 = tpu.memref_slice %arg2[%add3A_13] : memref<430080xf32, #tpu.memory_space<hbm>> -> memref<1280xf32, #tpu.memory_space<hbm>>
    %dma_start3A_96 = arith.constant 7680 : i32
    %dma_start3A_97 = tpu.memref_slice %arg6[%dma_start3A_96] : memref<37120xf32, #tpu.memory_space<vmem>> -> memref<1280xf32, #tpu.memory_space<vmem>>
    %dma_start3A_98 = tpu.memref_slice %arg2[%add3A_13] : memref<430080xf32, #tpu.memory_space<hbm>> -> memref<1280xf32, #tpu.memory_space<hbm>>
    tpu.enqueue_dma source(%dma_start3A_98 : memref<1280xf32, #tpu.memory_space<hbm>>) target(%dma_start3A_97 : memref<1280xf32, #tpu.memory_space<vmem>>) target_semaphore(%arg18 : memref<!tpu.dma_semaphore, #tpu.memory_space<semaphore_mem>>)
    %dma_start3A_99 = arith.constant 8960 : i32
    %dma_start3A_100 = tpu.memref_slice %arg6[%dma_start3A_99] : memref<37120xf32, #tpu.memory_space<vmem>> -> memref<1280xf32, #tpu.memory_space<vmem>>
    %dma_start3A_101 = tpu.memref_slice %arg2[%add3A_15] : memref<430080xf32, #tpu.memory_space<hbm>> -> memref<1280xf32, #tpu.memory_space<hbm>>
    %dma_start3A_102 = arith.constant 8960 : i32
    %dma_start3A_103 = tpu.memref_slice %arg6[%dma_start3A_102] : memref<37120xf32, #tpu.memory_space<vmem>> -> memref<1280xf32, #tpu.memory_space<vmem>>
    %dma_start3A_104 = tpu.memref_slice %arg2[%add3A_15] : memref<430080xf32, #tpu.memory_space<hbm>> -> memref<1280xf32, #tpu.memory_space<hbm>>
    tpu.enqueue_dma source(%dma_start3A_104 : memref<1280xf32, #tpu.memory_space<hbm>>) target(%dma_start3A_103 : memref<1280xf32, #tpu.memory_space<vmem>>) target_semaphore(%arg18 : memref<!tpu.dma_semaphore, #tpu.memory_space<semaphore_mem>>)
    %dma_start3A_105 = arith.constant 10240 : i32
    %dma_start3A_106 = tpu.memref_slice %arg6[%dma_start3A_105] : memref<37120xf32, #tpu.memory_space<vmem>> -> memref<1280xf32, #tpu.memory_space<vmem>>
    %dma_start3A_107 = tpu.memref_slice %arg2[%add3A_17] : memref<430080xf32, #tpu.memory_space<hbm>> -> memref<1280xf32, #tpu.memory_space<hbm>>
    %dma_start3A_108 = arith.constant 10240 : i32
    %dma_start3A_109 = tpu.memref_slice %arg6[%dma_start3A_108] : memref<37120xf32, #tpu.memory_space<vmem>> -> memref<1280xf32, #tpu.memory_space<vmem>>
    %dma_start3A_110 = tpu.memref_slice %arg2[%add3A_17] : memref<430080xf32, #tpu.memory_space<hbm>> -> memref<1280xf32, #tpu.memory_space<hbm>>
    tpu.enqueue_dma source(%dma_start3A_110 : memref<1280xf32, #tpu.memory_space<hbm>>) target(%dma_start3A_109 : memref<1280xf32, #tpu.memory_space<vmem>>) target_semaphore(%arg18 : memref<!tpu.dma_semaphore, #tpu.memory_space<semaphore_mem>>)
    %dma_start3A_111 = arith.constant 11520 : i32
    %dma_start3A_112 = tpu.memref_slice %arg6[%dma_start3A_111] : memref<37120xf32, #tpu.memory_space<vmem>> -> memref<1280xf32, #tpu.memory_space<vmem>>
    %dma_start3A_113 = tpu.memref_slice %arg2[%add3A_19] : memref<430080xf32, #tpu.memory_space<hbm>> -> memref<1280xf32, #tpu.memory_space<hbm>>
    %dma_start3A_114 = arith.constant 11520 : i32
    %dma_start3A_115 = tpu.memref_slice %arg6[%dma_start3A_114] : memref<37120xf32, #tpu.memory_space<vmem>> -> memref<1280xf32, #tpu.memory_space<vmem>>
    %dma_start3A_116 = tpu.memref_slice %arg2[%add3A_19] : memref<430080xf32, #tpu.memory_space<hbm>> -> memref<1280xf32, #tpu.memory_space<hbm>>
    tpu.enqueue_dma source(%dma_start3A_116 : memref<1280xf32, #tpu.memory_space<hbm>>) target(%dma_start3A_115 : memref<1280xf32, #tpu.memory_space<vmem>>) target_semaphore(%arg18 : memref<!tpu.dma_semaphore, #tpu.memory_space<semaphore_mem>>)
    %dma_start3A_117 = arith.constant 12800 : i32
    %dma_start3A_118 = tpu.memref_slice %arg6[%dma_start3A_117] : memref<37120xf32, #tpu.memory_space<vmem>> -> memref<1280xf32, #tpu.memory_space<vmem>>
    %dma_start3A_119 = tpu.memref_slice %arg2[%add3A_21] : memref<430080xf32, #tpu.memory_space<hbm>> -> memref<1280xf32, #tpu.memory_space<hbm>>
    %dma_start3A_120 = arith.constant 12800 : i32
    %dma_start3A_121 = tpu.memref_slice %arg6[%dma_start3A_120] : memref<37120xf32, #tpu.memory_space<vmem>> -> memref<1280xf32, #tpu.memory_space<vmem>>
    %dma_start3A_122 = tpu.memref_slice %arg2[%add3A_21] : memref<430080xf32, #tpu.memory_space<hbm>> -> memref<1280xf32, #tpu.memory_space<hbm>>
    tpu.enqueue_dma source(%dma_start3A_122 : memref<1280xf32, #tpu.memory_space<hbm>>) target(%dma_start3A_121 : memref<1280xf32, #tpu.memory_space<vmem>>) target_semaphore(%arg18 : memref<!tpu.dma_semaphore, #tpu.memory_space<semaphore_mem>>)
    %dma_start3A_123 = arith.constant 14080 : i32
    %dma_start3A_124 = tpu.memref_slice %arg6[%dma_start3A_123] : memref<37120xf32, #tpu.memory_space<vmem>> -> memref<1280xf32, #tpu.memory_space<vmem>>
    %dma_start3A_125 = tpu.memref_slice %arg2[%add3A_23] : memref<430080xf32, #tpu.memory_space<hbm>> -> memref<1280xf32, #tpu.memory_space<hbm>>
    %dma_start3A_126 = arith.constant 14080 : i32
    %dma_start3A_127 = tpu.memref_slice %arg6[%dma_start3A_126] : memref<37120xf32, #tpu.memory_space<vmem>> -> memref<1280xf32, #tpu.memory_space<vmem>>
    %dma_start3A_128 = tpu.memref_slice %arg2[%add3A_23] : memref<430080xf32, #tpu.memory_space<hbm>> -> memref<1280xf32, #tpu.memory_space<hbm>>
    tpu.enqueue_dma source(%dma_start3A_128 : memref<1280xf32, #tpu.memory_space<hbm>>) target(%dma_start3A_127 : memref<1280xf32, #tpu.memory_space<vmem>>) target_semaphore(%arg18 : memref<!tpu.dma_semaphore, #tpu.memory_space<semaphore_mem>>)
    %dma_start3A_129 = arith.constant 15360 : i32
    %dma_start3A_130 = tpu.memref_slice %arg6[%dma_start3A_129] : memref<37120xf32, #tpu.memory_space<vmem>> -> memref<1280xf32, #tpu.memory_space<vmem>>
    %dma_start3A_131 = tpu.memref_slice %arg2[%add3A_25] : memref<430080xf32, #tpu.memory_space<hbm>> -> memref<1280xf32, #tpu.memory_space<hbm>>
    %dma_start3A_132 = arith.constant 15360 : i32
    %dma_start3A_133 = tpu.memref_slice %arg6[%dma_start3A_132] : memref<37120xf32, #tpu.memory_space<vmem>> -> memref<1280xf32, #tpu.memory_space<vmem>>
    %dma_start3A_134 = tpu.memref_slice %arg2[%add3A_25] : memref<430080xf32, #tpu.memory_space<hbm>> -> memref<1280xf32, #tpu.memory_space<hbm>>
    tpu.enqueue_dma source(%dma_start3A_134 : memref<1280xf32, #tpu.memory_space<hbm>>) target(%dma_start3A_133 : memref<1280xf32, #tpu.memory_space<vmem>>) target_semaphore(%arg18 : memref<!tpu.dma_semaphore, #tpu.memory_space<semaphore_mem>>)
    %dma_start3A_135 = arith.constant 16640 : i32
    %dma_start3A_136 = tpu.memref_slice %arg6[%dma_start3A_135] : memref<37120xf32, #tpu.memory_space<vmem>> -> memref<1280xf32, #tpu.memory_space<vmem>>
    %dma_start3A_137 = tpu.memref_slice %arg2[%add3A_27] : memref<430080xf32, #tpu.memory_space<hbm>> -> memref<1280xf32, #tpu.memory_space<hbm>>
    %dma_start3A_138 = arith.constant 16640 : i32
    %dma_start3A_139 = tpu.memref_slice %arg6[%dma_start3A_138] : memref<37120xf32, #tpu.memory_space<vmem>> -> memref<1280xf32, #tpu.memory_space<vmem>>
    %dma_start3A_140 = tpu.memref_slice %arg2[%add3A_27] : memref<430080xf32, #tpu.memory_space<hbm>> -> memref<1280xf32, #tpu.memory_space<hbm>>
    tpu.enqueue_dma source(%dma_start3A_140 : memref<1280xf32, #tpu.memory_space<hbm>>) target(%dma_start3A_139 : memref<1280xf32, #tpu.memory_space<vmem>>) target_semaphore(%arg18 : memref<!tpu.dma_semaphore, #tpu.memory_space<semaphore_mem>>)
    %dma_start3A_141 = arith.constant 17920 : i32
    %dma_start3A_142 = tpu.memref_slice %arg6[%dma_start3A_141] : memref<37120xf32, #tpu.memory_space<vmem>> -> memref<1280xf32, #tpu.memory_space<vmem>>
    %dma_start3A_143 = tpu.memref_slice %arg2[%add3A_29] : memref<430080xf32, #tpu.memory_space<hbm>> -> memref<1280xf32, #tpu.memory_space<hbm>>
    %dma_start3A_144 = arith.constant 17920 : i32
    %dma_start3A_145 = tpu.memref_slice %arg6[%dma_start3A_144] : memref<37120xf32, #tpu.memory_space<vmem>> -> memref<1280xf32, #tpu.memory_space<vmem>>
    %dma_start3A_146 = tpu.memref_slice %arg2[%add3A_29] : memref<430080xf32, #tpu.memory_space<hbm>> -> memref<1280xf32, #tpu.memory_space<hbm>>
    tpu.enqueue_dma source(%dma_start3A_146 : memref<1280xf32, #tpu.memory_space<hbm>>) target(%dma_start3A_145 : memref<1280xf32, #tpu.memory_space<vmem>>) target_semaphore(%arg18 : memref<!tpu.dma_semaphore, #tpu.memory_space<semaphore_mem>>)
    %dma_start3A_147 = arith.constant 19200 : i32
    %dma_start3A_148 = tpu.memref_slice %arg6[%dma_start3A_147] : memref<37120xf32, #tpu.memory_space<vmem>> -> memref<1280xf32, #tpu.memory_space<vmem>>
    %dma_start3A_149 = tpu.memref_slice %arg2[%add3A_31] : memref<430080xf32, #tpu.memory_space<hbm>> -> memref<1280xf32, #tpu.memory_space<hbm>>
    %dma_start3A_150 = arith.constant 19200 : i32
    %dma_start3A_151 = tpu.memref_slice %arg6[%dma_start3A_150] : memref<37120xf32, #tpu.memory_space<vmem>> -> memref<1280xf32, #tpu.memory_space<vmem>>
    %dma_start3A_152 = tpu.memref_slice %arg2[%add3A_31] : memref<430080xf32, #tpu.memory_space<hbm>> -> memref<1280xf32, #tpu.memory_space<hbm>>
    tpu.enqueue_dma source(%dma_start3A_152 : memref<1280xf32, #tpu.memory_space<hbm>>) target(%dma_start3A_151 : memref<1280xf32, #tpu.memory_space<vmem>>) target_semaphore(%arg18 : memref<!tpu.dma_semaphore, #tpu.memory_space<semaphore_mem>>)
    %dma_start3A_153 = arith.constant 20480 : i32
    %dma_start3A_154 = tpu.memref_slice %arg6[%dma_start3A_153] : memref<37120xf32, #tpu.memory_space<vmem>> -> memref<1280xf32, #tpu.memory_space<vmem>>
    %dma_start3A_155 = tpu.memref_slice %arg2[%add3A_33] : memref<430080xf32, #tpu.memory_space<hbm>> -> memref<1280xf32, #tpu.memory_space<hbm>>
    %dma_start3A_156 = arith.constant 20480 : i32
    %dma_start3A_157 = tpu.memref_slice %arg6[%dma_start3A_156] : memref<37120xf32, #tpu.memory_space<vmem>> -> memref<1280xf32, #tpu.memory_space<vmem>>
    %dma_start3A_158 = tpu.memref_slice %arg2[%add3A_33] : memref<430080xf32, #tpu.memory_space<hbm>> -> memref<1280xf32, #tpu.memory_space<hbm>>
    tpu.enqueue_dma source(%dma_start3A_158 : memref<1280xf32, #tpu.memory_space<hbm>>) target(%dma_start3A_157 : memref<1280xf32, #tpu.memory_space<vmem>>) target_semaphore(%arg18 : memref<!tpu.dma_semaphore, #tpu.memory_space<semaphore_mem>>)
    %dma_start3A_159 = arith.constant 21760 : i32
    %dma_start3A_160 = tpu.memref_slice %arg6[%dma_start3A_159] : memref<37120xf32, #tpu.memory_space<vmem>> -> memref<1280xf32, #tpu.memory_space<vmem>>
    %dma_start3A_161 = tpu.memref_slice %arg2[%add3A_35] : memref<430080xf32, #tpu.memory_space<hbm>> -> memref<1280xf32, #tpu.memory_space<hbm>>
    %dma_start3A_162 = arith.constant 21760 : i32
    %dma_start3A_163 = tpu.memref_slice %arg6[%dma_start3A_162] : memref<37120xf32, #tpu.memory_space<vmem>> -> memref<1280xf32, #tpu.memory_space<vmem>>
    %dma_start3A_164 = tpu.memref_slice %arg2[%add3A_35] : memref<430080xf32, #tpu.memory_space<hbm>> -> memref<1280xf32, #tpu.memory_space<hbm>>
    tpu.enqueue_dma source(%dma_start3A_164 : memref<1280xf32, #tpu.memory_space<hbm>>) target(%dma_start3A_163 : memref<1280xf32, #tpu.memory_space<vmem>>) target_semaphore(%arg18 : memref<!tpu.dma_semaphore, #tpu.memory_space<semaphore_mem>>)
    %dma_start3A_165 = arith.constant 23040 : i32
    %dma_start3A_166 = tpu.memref_slice %arg6[%dma_start3A_165] : memref<37120xf32, #tpu.memory_space<vmem>> -> memref<1280xf32, #tpu.memory_space<vmem>>
    %dma_start3A_167 = tpu.memref_slice %arg2[%add3A_37] : memref<430080xf32, #tpu.memory_space<hbm>> -> memref<1280xf32, #tpu.memory_space<hbm>>
    %dma_start3A_168 = arith.constant 23040 : i32
    %dma_start3A_169 = tpu.memref_slice %arg6[%dma_start3A_168] : memref<37120xf32, #tpu.memory_space<vmem>> -> memref<1280xf32, #tpu.memory_space<vmem>>
    %dma_start3A_170 = tpu.memref_slice %arg2[%add3A_37] : memref<430080xf32, #tpu.memory_space<hbm>> -> memref<1280xf32, #tpu.memory_space<hbm>>
    tpu.enqueue_dma source(%dma_start3A_170 : memref<1280xf32, #tpu.memory_space<hbm>>) target(%dma_start3A_169 : memref<1280xf32, #tpu.memory_space<vmem>>) target_semaphore(%arg18 : memref<!tpu.dma_semaphore, #tpu.memory_space<semaphore_mem>>)
    %dma_start3A_171 = arith.constant 24320 : i32
    %dma_start3A_172 = tpu.memref_slice %arg6[%dma_start3A_171] : memref<37120xf32, #tpu.memory_space<vmem>> -> memref<1280xf32, #tpu.memory_space<vmem>>
    %dma_start3A_173 = tpu.memref_slice %arg2[%add3A_39] : memref<430080xf32, #tpu.memory_space<hbm>> -> memref<1280xf32, #tpu.memory_space<hbm>>
    %dma_start3A_174 = arith.constant 24320 : i32
    %dma_start3A_175 = tpu.memref_slice %arg6[%dma_start3A_174] : memref<37120xf32, #tpu.memory_space<vmem>> -> memref<1280xf32, #tpu.memory_space<vmem>>
    %dma_start3A_176 = tpu.memref_slice %arg2[%add3A_39] : memref<430080xf32, #tpu.memory_space<hbm>> -> memref<1280xf32, #tpu.memory_space<hbm>>
    tpu.enqueue_dma source(%dma_start3A_176 : memref<1280xf32, #tpu.memory_space<hbm>>) target(%dma_start3A_175 : memref<1280xf32, #tpu.memory_space<vmem>>) target_semaphore(%arg18 : memref<!tpu.dma_semaphore, #tpu.memory_space<semaphore_mem>>)
    %dma_start3A_177 = arith.constant 25600 : i32
    %dma_start3A_178 = tpu.memref_slice %arg6[%dma_start3A_177] : memref<37120xf32, #tpu.memory_space<vmem>> -> memref<1280xf32, #tpu.memory_space<vmem>>
    %dma_start3A_179 = tpu.memref_slice %arg2[%add3A_41] : memref<430080xf32, #tpu.memory_space<hbm>> -> memref<1280xf32, #tpu.memory_space<hbm>>
    %dma_start3A_180 = arith.constant 25600 : i32
    %dma_start3A_181 = tpu.memref_slice %arg6[%dma_start3A_180] : memref<37120xf32, #tpu.memory_space<vmem>> -> memref<1280xf32, #tpu.memory_space<vmem>>
    %dma_start3A_182 = tpu.memref_slice %arg2[%add3A_41] : memref<430080xf32, #tpu.memory_space<hbm>> -> memref<1280xf32, #tpu.memory_space<hbm>>
    tpu.enqueue_dma source(%dma_start3A_182 : memref<1280xf32, #tpu.memory_space<hbm>>) target(%dma_start3A_181 : memref<1280xf32, #tpu.memory_space<vmem>>) target_semaphore(%arg18 : memref<!tpu.dma_semaphore, #tpu.memory_space<semaphore_mem>>)
    %dma_start3A_183 = arith.constant 26880 : i32
    %dma_start3A_184 = tpu.memref_slice %arg6[%dma_start3A_183] : memref<37120xf32, #tpu.memory_space<vmem>> -> memref<1280xf32, #tpu.memory_space<vmem>>
    %dma_start3A_185 = tpu.memref_slice %arg3[%add3A_43] : memref<81920xf32, #tpu.memory_space<hbm>> -> memref<1280xf32, #tpu.memory_space<hbm>>
    %dma_start3A_186 = arith.constant 26880 : i32
    %dma_start3A_187 = tpu.memref_slice %arg6[%dma_start3A_186] : memref<37120xf32, #tpu.memory_space<vmem>> -> memref<1280xf32, #tpu.memory_space<vmem>>
    %dma_start3A_188 = tpu.memref_slice %arg3[%add3A_43] : memref<81920xf32, #tpu.memory_space<hbm>> -> memref<1280xf32, #tpu.memory_space<hbm>>
    tpu.enqueue_dma source(%dma_start3A_188 : memref<1280xf32, #tpu.memory_space<hbm>>) target(%dma_start3A_187 : memref<1280xf32, #tpu.memory_space<vmem>>) target_semaphore(%arg18 : memref<!tpu.dma_semaphore, #tpu.memory_space<semaphore_mem>>)
    %dma_start3A_189 = arith.constant 28160 : i32
    %dma_start3A_190 = tpu.memref_slice %arg6[%dma_start3A_189] : memref<37120xf32, #tpu.memory_space<vmem>> -> memref<1280xf32, #tpu.memory_space<vmem>>
    %dma_start3A_191 = tpu.memref_slice %arg3[%add3A_45] : memref<81920xf32, #tpu.memory_space<hbm>> -> memref<1280xf32, #tpu.memory_space<hbm>>
    %dma_start3A_192 = arith.constant 28160 : i32
    %dma_start3A_193 = tpu.memref_slice %arg6[%dma_start3A_192] : memref<37120xf32, #tpu.memory_space<vmem>> -> memref<1280xf32, #tpu.memory_space<vmem>>
    %dma_start3A_194 = tpu.memref_slice %arg3[%add3A_45] : memref<81920xf32, #tpu.memory_space<hbm>> -> memref<1280xf32, #tpu.memory_space<hbm>>
    tpu.enqueue_dma source(%dma_start3A_194 : memref<1280xf32, #tpu.memory_space<hbm>>) target(%dma_start3A_193 : memref<1280xf32, #tpu.memory_space<vmem>>) target_semaphore(%arg18 : memref<!tpu.dma_semaphore, #tpu.memory_space<semaphore_mem>>)
    %dma_start3A_195 = arith.constant 29440 : i32
    %dma_start3A_196 = tpu.memref_slice %arg6[%dma_start3A_195] : memref<37120xf32, #tpu.memory_space<vmem>> -> memref<1280xf32, #tpu.memory_space<vmem>>
    %dma_start3A_197 = tpu.memref_slice %arg3[%add3A_47] : memref<81920xf32, #tpu.memory_space<hbm>> -> memref<1280xf32, #tpu.memory_space<hbm>>
    %dma_start3A_198 = arith.constant 29440 : i32
    %dma_start3A_199 = tpu.memref_slice %arg6[%dma_start3A_198] : memref<37120xf32, #tpu.memory_space<vmem>> -> memref<1280xf32, #tpu.memory_space<vmem>>
    %dma_start3A_200 = tpu.memref_slice %arg3[%add3A_47] : memref<81920xf32, #tpu.memory_space<hbm>> -> memref<1280xf32, #tpu.memory_space<hbm>>
    tpu.enqueue_dma source(%dma_start3A_200 : memref<1280xf32, #tpu.memory_space<hbm>>) target(%dma_start3A_199 : memref<1280xf32, #tpu.memory_space<vmem>>) target_semaphore(%arg18 : memref<!tpu.dma_semaphore, #tpu.memory_space<semaphore_mem>>)
    %dma_start3A_201 = arith.constant 30720 : i32
    %dma_start3A_202 = tpu.memref_slice %arg6[%dma_start3A_201] : memref<37120xf32, #tpu.memory_space<vmem>> -> memref<1280xf32, #tpu.memory_space<vmem>>
    %dma_start3A_203 = tpu.memref_slice %arg3[%add3A_49] : memref<81920xf32, #tpu.memory_space<hbm>> -> memref<1280xf32, #tpu.memory_space<hbm>>
    %dma_start3A_204 = arith.constant 30720 : i32
    %dma_start3A_205 = tpu.memref_slice %arg6[%dma_start3A_204] : memref<37120xf32, #tpu.memory_space<vmem>> -> memref<1280xf32, #tpu.memory_space<vmem>>
    %dma_start3A_206 = tpu.memref_slice %arg3[%add3A_49] : memref<81920xf32, #tpu.memory_space<hbm>> -> memref<1280xf32, #tpu.memory_space<hbm>>
    tpu.enqueue_dma source(%dma_start3A_206 : memref<1280xf32, #tpu.memory_space<hbm>>) target(%dma_start3A_205 : memref<1280xf32, #tpu.memory_space<vmem>>) target_semaphore(%arg18 : memref<!tpu.dma_semaphore, #tpu.memory_space<semaphore_mem>>)
    %dma_start3A_207 = arith.constant 32000 : i32
    %dma_start3A_208 = tpu.memref_slice %arg6[%dma_start3A_207] : memref<37120xf32, #tpu.memory_space<vmem>> -> memref<1280xf32, #tpu.memory_space<vmem>>
    %dma_start3A_209 = tpu.memref_slice %arg4[%add3A_51] : memref<81920xf32, #tpu.memory_space<hbm>> -> memref<1280xf32, #tpu.memory_space<hbm>>
    %dma_start3A_210 = arith.constant 32000 : i32
    %dma_start3A_211 = tpu.memref_slice %arg6[%dma_start3A_210] : memref<37120xf32, #tpu.memory_space<vmem>> -> memref<1280xf32, #tpu.memory_space<vmem>>
    %dma_start3A_212 = tpu.memref_slice %arg4[%add3A_51] : memref<81920xf32, #tpu.memory_space<hbm>> -> memref<1280xf32, #tpu.memory_space<hbm>>
    tpu.enqueue_dma source(%dma_start3A_212 : memref<1280xf32, #tpu.memory_space<hbm>>) target(%dma_start3A_211 : memref<1280xf32, #tpu.memory_space<vmem>>) target_semaphore(%arg18 : memref<!tpu.dma_semaphore, #tpu.memory_space<semaphore_mem>>)
    %dma_start3A_213 = arith.constant 33280 : i32
    %dma_start3A_214 = tpu.memref_slice %arg6[%dma_start3A_213] : memref<37120xf32, #tpu.memory_space<vmem>> -> memref<1280xf32, #tpu.memory_space<vmem>>
    %dma_start3A_215 = tpu.memref_slice %arg4[%add3A_53] : memref<81920xf32, #tpu.memory_space<hbm>> -> memref<1280xf32, #tpu.memory_space<hbm>>
    %dma_start3A_216 = arith.constant 33280 : i32
    %dma_start3A_217 = tpu.memref_slice %arg6[%dma_start3A_216] : memref<37120xf32, #tpu.memory_space<vmem>> -> memref<1280xf32, #tpu.memory_space<vmem>>
    %dma_start3A_218 = tpu.memref_slice %arg4[%add3A_53] : memref<81920xf32, #tpu.memory_space<hbm>> -> memref<1280xf32, #tpu.memory_space<hbm>>
    tpu.enqueue_dma source(%dma_start3A_218 : memref<1280xf32, #tpu.memory_space<hbm>>) target(%dma_start3A_217 : memref<1280xf32, #tpu.memory_space<vmem>>) target_semaphore(%arg18 : memref<!tpu.dma_semaphore, #tpu.memory_space<semaphore_mem>>)
    %dma_start3A_219 = arith.constant 34560 : i32
    %dma_start3A_220 = tpu.memref_slice %arg6[%dma_start3A_219] : memref<37120xf32, #tpu.memory_space<vmem>> -> memref<1280xf32, #tpu.memory_space<vmem>>
    %dma_start3A_221 = tpu.memref_slice %arg4[%add3A_55] : memref<81920xf32, #tpu.memory_space<hbm>> -> memref<1280xf32, #tpu.memory_space<hbm>>
    %dma_start3A_222 = arith.constant 34560 : i32
    %dma_start3A_223 = tpu.memref_slice %arg6[%dma_start3A_222] : memref<37120xf32, #tpu.memory_space<vmem>> -> memref<1280xf32, #tpu.memory_space<vmem>>
    %dma_start3A_224 = tpu.memref_slice %arg4[%add3A_55] : memref<81920xf32, #tpu.memory_space<hbm>> -> memref<1280xf32, #tpu.memory_space<hbm>>
    tpu.enqueue_dma source(%dma_start3A_224 : memref<1280xf32, #tpu.memory_space<hbm>>) target(%dma_start3A_223 : memref<1280xf32, #tpu.memory_space<vmem>>) target_semaphore(%arg18 : memref<!tpu.dma_semaphore, #tpu.memory_space<semaphore_mem>>)
    %dma_start3A_225 = arith.constant 35840 : i32
    %dma_start3A_226 = tpu.memref_slice %arg6[%dma_start3A_225] : memref<37120xf32, #tpu.memory_space<vmem>> -> memref<1280xf32, #tpu.memory_space<vmem>>
    %dma_start3A_227 = tpu.memref_slice %arg4[%add3A_57] : memref<81920xf32, #tpu.memory_space<hbm>> -> memref<1280xf32, #tpu.memory_space<hbm>>
    %dma_start3A_228 = arith.constant 35840 : i32
    %dma_start3A_229 = tpu.memref_slice %arg6[%dma_start3A_228] : memref<37120xf32, #tpu.memory_space<vmem>> -> memref<1280xf32, #tpu.memory_space<vmem>>
    %dma_start3A_230 = tpu.memref_slice %arg4[%add3A_57] : memref<81920xf32, #tpu.memory_space<hbm>> -> memref<1280xf32, #tpu.memory_space<hbm>>
    tpu.enqueue_dma source(%dma_start3A_230 : memref<1280xf32, #tpu.memory_space<hbm>>) target(%dma_start3A_229 : memref<1280xf32, #tpu.memory_space<vmem>>) target_semaphore(%arg18 : memref<!tpu.dma_semaphore, #tpu.memory_space<semaphore_mem>>)
    %dma_wait3A = arith.constant 0 : i32
    %dma_wait3A_231 = tpu.memref_slice %arg6[%dma_wait3A] : memref<37120xf32, #tpu.memory_space<vmem>> -> memref<1280xf32, #tpu.memory_space<vmem>>
    %dma_wait3A_232 = tpu.memref_slice %arg2[%add3A_1] : memref<430080xf32, #tpu.memory_space<hbm>> -> memref<1280xf32, #tpu.memory_space<hbm>>
    %dma_wait3A_233 = arith.constant 0 : i32
    %dma_wait3A_234 = tpu.memref_slice %arg6[%dma_wait3A_233] : memref<37120xf32, #tpu.memory_space<vmem>> -> memref<1280xf32, #tpu.memory_space<vmem>>
    %dma_wait3A_235 = tpu.memref_slice %arg2[%add3A_1] : memref<430080xf32, #tpu.memory_space<hbm>> -> memref<1280xf32, #tpu.memory_space<hbm>>
    tpu.wait_dma2 semaphore(%arg18 : memref<!tpu.dma_semaphore, #tpu.memory_space<semaphore_mem>>) src(%dma_wait3A_235 : memref<1280xf32, #tpu.memory_space<hbm>>) dst(%dma_wait3A_234 : memref<1280xf32, #tpu.memory_space<vmem>>)
    %dma_wait3A_236 = arith.constant 1280 : i32
    %dma_wait3A_237 = tpu.memref_slice %arg6[%dma_wait3A_236] : memref<37120xf32, #tpu.memory_space<vmem>> -> memref<1280xf32, #tpu.memory_space<vmem>>
    %dma_wait3A_238 = tpu.memref_slice %arg2[%add3A_3] : memref<430080xf32, #tpu.memory_space<hbm>> -> memref<1280xf32, #tpu.memory_space<hbm>>
    %dma_wait3A_239 = arith.constant 1280 : i32
    %dma_wait3A_240 = tpu.memref_slice %arg6[%dma_wait3A_239] : memref<37120xf32, #tpu.memory_space<vmem>> -> memref<1280xf32, #tpu.memory_space<vmem>>
    %dma_wait3A_241 = tpu.memref_slice %arg2[%add3A_3] : memref<430080xf32, #tpu.memory_space<hbm>> -> memref<1280xf32, #tpu.memory_space<hbm>>
    tpu.wait_dma2 semaphore(%arg18 : memref<!tpu.dma_semaphore, #tpu.memory_space<semaphore_mem>>) src(%dma_wait3A_241 : memref<1280xf32, #tpu.memory_space<hbm>>) dst(%dma_wait3A_240 : memref<1280xf32, #tpu.memory_space<vmem>>)
    %dma_wait3A_242 = arith.constant 2560 : i32
    %dma_wait3A_243 = tpu.memref_slice %arg6[%dma_wait3A_242] : memref<37120xf32, #tpu.memory_space<vmem>> -> memref<1280xf32, #tpu.memory_space<vmem>>
    %dma_wait3A_244 = tpu.memref_slice %arg2[%add3A_5] : memref<430080xf32, #tpu.memory_space<hbm>> -> memref<1280xf32, #tpu.memory_space<hbm>>
    %dma_wait3A_245 = arith.constant 2560 : i32
    %dma_wait3A_246 = tpu.memref_slice %arg6[%dma_wait3A_245] : memref<37120xf32, #tpu.memory_space<vmem>> -> memref<1280xf32, #tpu.memory_space<vmem>>
    %dma_wait3A_247 = tpu.memref_slice %arg2[%add3A_5] : memref<430080xf32, #tpu.memory_space<hbm>> -> memref<1280xf32, #tpu.memory_space<hbm>>
    tpu.wait_dma2 semaphore(%arg18 : memref<!tpu.dma_semaphore, #tpu.memory_space<semaphore_mem>>) src(%dma_wait3A_247 : memref<1280xf32, #tpu.memory_space<hbm>>) dst(%dma_wait3A_246 : memref<1280xf32, #tpu.memory_space<vmem>>)
    %dma_wait3A_248 = arith.constant 3840 : i32
    %dma_wait3A_249 = tpu.memref_slice %arg6[%dma_wait3A_248] : memref<37120xf32, #tpu.memory_space<vmem>> -> memref<1280xf32, #tpu.memory_space<vmem>>
    %dma_wait3A_250 = tpu.memref_slice %arg2[%add3A_7] : memref<430080xf32, #tpu.memory_space<hbm>> -> memref<1280xf32, #tpu.memory_space<hbm>>
    %dma_wait3A_251 = arith.constant 3840 : i32
    %dma_wait3A_252 = tpu.memref_slice %arg6[%dma_wait3A_251] : memref<37120xf32, #tpu.memory_space<vmem>> -> memref<1280xf32, #tpu.memory_space<vmem>>
    %dma_wait3A_253 = tpu.memref_slice %arg2[%add3A_7] : memref<430080xf32, #tpu.memory_space<hbm>> -> memref<1280xf32, #tpu.memory_space<hbm>>
    tpu.wait_dma2 semaphore(%arg18 : memref<!tpu.dma_semaphore, #tpu.memory_space<semaphore_mem>>) src(%dma_wait3A_253 : memref<1280xf32, #tpu.memory_space<hbm>>) dst(%dma_wait3A_252 : memref<1280xf32, #tpu.memory_space<vmem>>)
    %dma_wait3A_254 = arith.constant 5120 : i32
    %dma_wait3A_255 = tpu.memref_slice %arg6[%dma_wait3A_254] : memref<37120xf32, #tpu.memory_space<vmem>> -> memref<1280xf32, #tpu.memory_space<vmem>>
    %dma_wait3A_256 = tpu.memref_slice %arg2[%add3A_9] : memref<430080xf32, #tpu.memory_space<hbm>> -> memref<1280xf32, #tpu.memory_space<hbm>>
    %dma_wait3A_257 = arith.constant 5120 : i32
    %dma_wait3A_258 = tpu.memref_slice %arg6[%dma_wait3A_257] : memref<37120xf32, #tpu.memory_space<vmem>> -> memref<1280xf32, #tpu.memory_space<vmem>>
    %dma_wait3A_259 = tpu.memref_slice %arg2[%add3A_9] : memref<430080xf32, #tpu.memory_space<hbm>> -> memref<1280xf32, #tpu.memory_space<hbm>>
    tpu.wait_dma2 semaphore(%arg18 : memref<!tpu.dma_semaphore, #tpu.memory_space<semaphore_mem>>) src(%dma_wait3A_259 : memref<1280xf32, #tpu.memory_space<hbm>>) dst(%dma_wait3A_258 : memref<1280xf32, #tpu.memory_space<vmem>>)
    %dma_wait3A_260 = arith.constant 6400 : i32
    %dma_wait3A_261 = tpu.memref_slice %arg6[%dma_wait3A_260] : memref<37120xf32, #tpu.memory_space<vmem>> -> memref<1280xf32, #tpu.memory_space<vmem>>
    %dma_wait3A_262 = tpu.memref_slice %arg2[%add3A_11] : memref<430080xf32, #tpu.memory_space<hbm>> -> memref<1280xf32, #tpu.memory_space<hbm>>
    %dma_wait3A_263 = arith.constant 6400 : i32
    %dma_wait3A_264 = tpu.memref_slice %arg6[%dma_wait3A_263] : memref<37120xf32, #tpu.memory_space<vmem>> -> memref<1280xf32, #tpu.memory_space<vmem>>
    %dma_wait3A_265 = tpu.memref_slice %arg2[%add3A_11] : memref<430080xf32, #tpu.memory_space<hbm>> -> memref<1280xf32, #tpu.memory_space<hbm>>
    tpu.wait_dma2 semaphore(%arg18 : memref<!tpu.dma_semaphore, #tpu.memory_space<semaphore_mem>>) src(%dma_wait3A_265 : memref<1280xf32, #tpu.memory_space<hbm>>) dst(%dma_wait3A_264 : memref<1280xf32, #tpu.memory_space<vmem>>)
    %dma_wait3A_266 = arith.constant 7680 : i32
    %dma_wait3A_267 = tpu.memref_slice %arg6[%dma_wait3A_266] : memref<37120xf32, #tpu.memory_space<vmem>> -> memref<1280xf32, #tpu.memory_space<vmem>>
    %dma_wait3A_268 = tpu.memref_slice %arg2[%add3A_13] : memref<430080xf32, #tpu.memory_space<hbm>> -> memref<1280xf32, #tpu.memory_space<hbm>>
    %dma_wait3A_269 = arith.constant 7680 : i32
    %dma_wait3A_270 = tpu.memref_slice %arg6[%dma_wait3A_269] : memref<37120xf32, #tpu.memory_space<vmem>> -> memref<1280xf32, #tpu.memory_space<vmem>>
    %dma_wait3A_271 = tpu.memref_slice %arg2[%add3A_13] : memref<430080xf32, #tpu.memory_space<hbm>> -> memref<1280xf32, #tpu.memory_space<hbm>>
    tpu.wait_dma2 semaphore(%arg18 : memref<!tpu.dma_semaphore, #tpu.memory_space<semaphore_mem>>) src(%dma_wait3A_271 : memref<1280xf32, #tpu.memory_space<hbm>>) dst(%dma_wait3A_270 : memref<1280xf32, #tpu.memory_space<vmem>>)
    %dma_wait3A_272 = arith.constant 8960 : i32
    %dma_wait3A_273 = tpu.memref_slice %arg6[%dma_wait3A_272] : memref<37120xf32, #tpu.memory_space<vmem>> -> memref<1280xf32, #tpu.memory_space<vmem>>
    %dma_wait3A_274 = tpu.memref_slice %arg2[%add3A_15] : memref<430080xf32, #tpu.memory_space<hbm>> -> memref<1280xf32, #tpu.memory_space<hbm>>
    %dma_wait3A_275 = arith.constant 8960 : i32
    %dma_wait3A_276 = tpu.memref_slice %arg6[%dma_wait3A_275] : memref<37120xf32, #tpu.memory_space<vmem>> -> memref<1280xf32, #tpu.memory_space<vmem>>
    %dma_wait3A_277 = tpu.memref_slice %arg2[%add3A_15] : memref<430080xf32, #tpu.memory_space<hbm>> -> memref<1280xf32, #tpu.memory_space<hbm>>
    tpu.wait_dma2 semaphore(%arg18 : memref<!tpu.dma_semaphore, #tpu.memory_space<semaphore_mem>>) src(%dma_wait3A_277 : memref<1280xf32, #tpu.memory_space<hbm>>) dst(%dma_wait3A_276 : memref<1280xf32, #tpu.memory_space<vmem>>)
    %dma_wait3A_278 = arith.constant 10240 : i32
    %dma_wait3A_279 = tpu.memref_slice %arg6[%dma_wait3A_278] : memref<37120xf32, #tpu.memory_space<vmem>> -> memref<1280xf32, #tpu.memory_space<vmem>>
    %dma_wait3A_280 = tpu.memref_slice %arg2[%add3A_17] : memref<430080xf32, #tpu.memory_space<hbm>> -> memref<1280xf32, #tpu.memory_space<hbm>>
    %dma_wait3A_281 = arith.constant 10240 : i32
    %dma_wait3A_282 = tpu.memref_slice %arg6[%dma_wait3A_281] : memref<37120xf32, #tpu.memory_space<vmem>> -> memref<1280xf32, #tpu.memory_space<vmem>>
    %dma_wait3A_283 = tpu.memref_slice %arg2[%add3A_17] : memref<430080xf32, #tpu.memory_space<hbm>> -> memref<1280xf32, #tpu.memory_space<hbm>>
    tpu.wait_dma2 semaphore(%arg18 : memref<!tpu.dma_semaphore, #tpu.memory_space<semaphore_mem>>) src(%dma_wait3A_283 : memref<1280xf32, #tpu.memory_space<hbm>>) dst(%dma_wait3A_282 : memref<1280xf32, #tpu.memory_space<vmem>>)
    %dma_wait3A_284 = arith.constant 11520 : i32
    %dma_wait3A_285 = tpu.memref_slice %arg6[%dma_wait3A_284] : memref<37120xf32, #tpu.memory_space<vmem>> -> memref<1280xf32, #tpu.memory_space<vmem>>
    %dma_wait3A_286 = tpu.memref_slice %arg2[%add3A_19] : memref<430080xf32, #tpu.memory_space<hbm>> -> memref<1280xf32, #tpu.memory_space<hbm>>
    %dma_wait3A_287 = arith.constant 11520 : i32
    %dma_wait3A_288 = tpu.memref_slice %arg6[%dma_wait3A_287] : memref<37120xf32, #tpu.memory_space<vmem>> -> memref<1280xf32, #tpu.memory_space<vmem>>
    %dma_wait3A_289 = tpu.memref_slice %arg2[%add3A_19] : memref<430080xf32, #tpu.memory_space<hbm>> -> memref<1280xf32, #tpu.memory_space<hbm>>
    tpu.wait_dma2 semaphore(%arg18 : memref<!tpu.dma_semaphore, #tpu.memory_space<semaphore_mem>>) src(%dma_wait3A_289 : memref<1280xf32, #tpu.memory_space<hbm>>) dst(%dma_wait3A_288 : memref<1280xf32, #tpu.memory_space<vmem>>)
    %dma_wait3A_290 = arith.constant 12800 : i32
    %dma_wait3A_291 = tpu.memref_slice %arg6[%dma_wait3A_290] : memref<37120xf32, #tpu.memory_space<vmem>> -> memref<1280xf32, #tpu.memory_space<vmem>>
    %dma_wait3A_292 = tpu.memref_slice %arg2[%add3A_21] : memref<430080xf32, #tpu.memory_space<hbm>> -> memref<1280xf32, #tpu.memory_space<hbm>>
    %dma_wait3A_293 = arith.constant 12800 : i32
    %dma_wait3A_294 = tpu.memref_slice %arg6[%dma_wait3A_293] : memref<37120xf32, #tpu.memory_space<vmem>> -> memref<1280xf32, #tpu.memory_space<vmem>>
    %dma_wait3A_295 = tpu.memref_slice %arg2[%add3A_21] : memref<430080xf32, #tpu.memory_space<hbm>> -> memref<1280xf32, #tpu.memory_space<hbm>>
    tpu.wait_dma2 semaphore(%arg18 : memref<!tpu.dma_semaphore, #tpu.memory_space<semaphore_mem>>) src(%dma_wait3A_295 : memref<1280xf32, #tpu.memory_space<hbm>>) dst(%dma_wait3A_294 : memref<1280xf32, #tpu.memory_space<vmem>>)
    %dma_wait3A_296 = arith.constant 14080 : i32
    %dma_wait3A_297 = tpu.memref_slice %arg6[%dma_wait3A_296] : memref<37120xf32, #tpu.memory_space<vmem>> -> memref<1280xf32, #tpu.memory_space<vmem>>
    %dma_wait3A_298 = tpu.memref_slice %arg2[%add3A_23] : memref<430080xf32, #tpu.memory_space<hbm>> -> memref<1280xf32, #tpu.memory_space<hbm>>
    %dma_wait3A_299 = arith.constant 14080 : i32
    %dma_wait3A_300 = tpu.memref_slice %arg6[%dma_wait3A_299] : memref<37120xf32, #tpu.memory_space<vmem>> -> memref<1280xf32, #tpu.memory_space<vmem>>
    %dma_wait3A_301 = tpu.memref_slice %arg2[%add3A_23] : memref<430080xf32, #tpu.memory_space<hbm>> -> memref<1280xf32, #tpu.memory_space<hbm>>
    tpu.wait_dma2 semaphore(%arg18 : memref<!tpu.dma_semaphore, #tpu.memory_space<semaphore_mem>>) src(%dma_wait3A_301 : memref<1280xf32, #tpu.memory_space<hbm>>) dst(%dma_wait3A_300 : memref<1280xf32, #tpu.memory_space<vmem>>)
    %dma_wait3A_302 = arith.constant 15360 : i32
    %dma_wait3A_303 = tpu.memref_slice %arg6[%dma_wait3A_302] : memref<37120xf32, #tpu.memory_space<vmem>> -> memref<1280xf32, #tpu.memory_space<vmem>>
    %dma_wait3A_304 = tpu.memref_slice %arg2[%add3A_25] : memref<430080xf32, #tpu.memory_space<hbm>> -> memref<1280xf32, #tpu.memory_space<hbm>>
    %dma_wait3A_305 = arith.constant 15360 : i32
    %dma_wait3A_306 = tpu.memref_slice %arg6[%dma_wait3A_305] : memref<37120xf32, #tpu.memory_space<vmem>> -> memref<1280xf32, #tpu.memory_space<vmem>>
    %dma_wait3A_307 = tpu.memref_slice %arg2[%add3A_25] : memref<430080xf32, #tpu.memory_space<hbm>> -> memref<1280xf32, #tpu.memory_space<hbm>>
    tpu.wait_dma2 semaphore(%arg18 : memref<!tpu.dma_semaphore, #tpu.memory_space<semaphore_mem>>) src(%dma_wait3A_307 : memref<1280xf32, #tpu.memory_space<hbm>>) dst(%dma_wait3A_306 : memref<1280xf32, #tpu.memory_space<vmem>>)
    %dma_wait3A_308 = arith.constant 16640 : i32
    %dma_wait3A_309 = tpu.memref_slice %arg6[%dma_wait3A_308] : memref<37120xf32, #tpu.memory_space<vmem>> -> memref<1280xf32, #tpu.memory_space<vmem>>
    %dma_wait3A_310 = tpu.memref_slice %arg2[%add3A_27] : memref<430080xf32, #tpu.memory_space<hbm>> -> memref<1280xf32, #tpu.memory_space<hbm>>
    %dma_wait3A_311 = arith.constant 16640 : i32
    %dma_wait3A_312 = tpu.memref_slice %arg6[%dma_wait3A_311] : memref<37120xf32, #tpu.memory_space<vmem>> -> memref<1280xf32, #tpu.memory_space<vmem>>
    %dma_wait3A_313 = tpu.memref_slice %arg2[%add3A_27] : memref<430080xf32, #tpu.memory_space<hbm>> -> memref<1280xf32, #tpu.memory_space<hbm>>
    tpu.wait_dma2 semaphore(%arg18 : memref<!tpu.dma_semaphore, #tpu.memory_space<semaphore_mem>>) src(%dma_wait3A_313 : memref<1280xf32, #tpu.memory_space<hbm>>) dst(%dma_wait3A_312 : memref<1280xf32, #tpu.memory_space<vmem>>)
    %dma_wait3A_314 = arith.constant 17920 : i32
    %dma_wait3A_315 = tpu.memref_slice %arg6[%dma_wait3A_314] : memref<37120xf32, #tpu.memory_space<vmem>> -> memref<1280xf32, #tpu.memory_space<vmem>>
    %dma_wait3A_316 = tpu.memref_slice %arg2[%add3A_29] : memref<430080xf32, #tpu.memory_space<hbm>> -> memref<1280xf32, #tpu.memory_space<hbm>>
    %dma_wait3A_317 = arith.constant 17920 : i32
    %dma_wait3A_318 = tpu.memref_slice %arg6[%dma_wait3A_317] : memref<37120xf32, #tpu.memory_space<vmem>> -> memref<1280xf32, #tpu.memory_space<vmem>>
    %dma_wait3A_319 = tpu.memref_slice %arg2[%add3A_29] : memref<430080xf32, #tpu.memory_space<hbm>> -> memref<1280xf32, #tpu.memory_space<hbm>>
    tpu.wait_dma2 semaphore(%arg18 : memref<!tpu.dma_semaphore, #tpu.memory_space<semaphore_mem>>) src(%dma_wait3A_319 : memref<1280xf32, #tpu.memory_space<hbm>>) dst(%dma_wait3A_318 : memref<1280xf32, #tpu.memory_space<vmem>>)
    %dma_wait3A_320 = arith.constant 19200 : i32
    %dma_wait3A_321 = tpu.memref_slice %arg6[%dma_wait3A_320] : memref<37120xf32, #tpu.memory_space<vmem>> -> memref<1280xf32, #tpu.memory_space<vmem>>
    %dma_wait3A_322 = tpu.memref_slice %arg2[%add3A_31] : memref<430080xf32, #tpu.memory_space<hbm>> -> memref<1280xf32, #tpu.memory_space<hbm>>
    %dma_wait3A_323 = arith.constant 19200 : i32
    %dma_wait3A_324 = tpu.memref_slice %arg6[%dma_wait3A_323] : memref<37120xf32, #tpu.memory_space<vmem>> -> memref<1280xf32, #tpu.memory_space<vmem>>
    %dma_wait3A_325 = tpu.memref_slice %arg2[%add3A_31] : memref<430080xf32, #tpu.memory_space<hbm>> -> memref<1280xf32, #tpu.memory_space<hbm>>
    tpu.wait_dma2 semaphore(%arg18 : memref<!tpu.dma_semaphore, #tpu.memory_space<semaphore_mem>>) src(%dma_wait3A_325 : memref<1280xf32, #tpu.memory_space<hbm>>) dst(%dma_wait3A_324 : memref<1280xf32, #tpu.memory_space<vmem>>)
    %dma_wait3A_326 = arith.constant 20480 : i32
    %dma_wait3A_327 = tpu.memref_slice %arg6[%dma_wait3A_326] : memref<37120xf32, #tpu.memory_space<vmem>> -> memref<1280xf32, #tpu.memory_space<vmem>>
    %dma_wait3A_328 = tpu.memref_slice %arg2[%add3A_33] : memref<430080xf32, #tpu.memory_space<hbm>> -> memref<1280xf32, #tpu.memory_space<hbm>>
    %dma_wait3A_329 = arith.constant 20480 : i32
    %dma_wait3A_330 = tpu.memref_slice %arg6[%dma_wait3A_329] : memref<37120xf32, #tpu.memory_space<vmem>> -> memref<1280xf32, #tpu.memory_space<vmem>>
    %dma_wait3A_331 = tpu.memref_slice %arg2[%add3A_33] : memref<430080xf32, #tpu.memory_space<hbm>> -> memref<1280xf32, #tpu.memory_space<hbm>>
    tpu.wait_dma2 semaphore(%arg18 : memref<!tpu.dma_semaphore, #tpu.memory_space<semaphore_mem>>) src(%dma_wait3A_331 : memref<1280xf32, #tpu.memory_space<hbm>>) dst(%dma_wait3A_330 : memref<1280xf32, #tpu.memory_space<vmem>>)
    %dma_wait3A_332 = arith.constant 21760 : i32
    %dma_wait3A_333 = tpu.memref_slice %arg6[%dma_wait3A_332] : memref<37120xf32, #tpu.memory_space<vmem>> -> memref<1280xf32, #tpu.memory_space<vmem>>
    %dma_wait3A_334 = tpu.memref_slice %arg2[%add3A_35] : memref<430080xf32, #tpu.memory_space<hbm>> -> memref<1280xf32, #tpu.memory_space<hbm>>
    %dma_wait3A_335 = arith.constant 21760 : i32
    %dma_wait3A_336 = tpu.memref_slice %arg6[%dma_wait3A_335] : memref<37120xf32, #tpu.memory_space<vmem>> -> memref<1280xf32, #tpu.memory_space<vmem>>
    %dma_wait3A_337 = tpu.memref_slice %arg2[%add3A_35] : memref<430080xf32, #tpu.memory_space<hbm>> -> memref<1280xf32, #tpu.memory_space<hbm>>
    tpu.wait_dma2 semaphore(%arg18 : memref<!tpu.dma_semaphore, #tpu.memory_space<semaphore_mem>>) src(%dma_wait3A_337 : memref<1280xf32, #tpu.memory_space<hbm>>) dst(%dma_wait3A_336 : memref<1280xf32, #tpu.memory_space<vmem>>)
    %dma_wait3A_338 = arith.constant 23040 : i32
    %dma_wait3A_339 = tpu.memref_slice %arg6[%dma_wait3A_338] : memref<37120xf32, #tpu.memory_space<vmem>> -> memref<1280xf32, #tpu.memory_space<vmem>>
    %dma_wait3A_340 = tpu.memref_slice %arg2[%add3A_37] : memref<430080xf32, #tpu.memory_space<hbm>> -> memref<1280xf32, #tpu.memory_space<hbm>>
    %dma_wait3A_341 = arith.constant 23040 : i32
    %dma_wait3A_342 = tpu.memref_slice %arg6[%dma_wait3A_341] : memref<37120xf32, #tpu.memory_space<vmem>> -> memref<1280xf32, #tpu.memory_space<vmem>>
    %dma_wait3A_343 = tpu.memref_slice %arg2[%add3A_37] : memref<430080xf32, #tpu.memory_space<hbm>> -> memref<1280xf32, #tpu.memory_space<hbm>>
    tpu.wait_dma2 semaphore(%arg18 : memref<!tpu.dma_semaphore, #tpu.memory_space<semaphore_mem>>) src(%dma_wait3A_343 : memref<1280xf32, #tpu.memory_space<hbm>>) dst(%dma_wait3A_342 : memref<1280xf32, #tpu.memory_space<vmem>>)
    %dma_wait3A_344 = arith.constant 24320 : i32
    %dma_wait3A_345 = tpu.memref_slice %arg6[%dma_wait3A_344] : memref<37120xf32, #tpu.memory_space<vmem>> -> memref<1280xf32, #tpu.memory_space<vmem>>
    %dma_wait3A_346 = tpu.memref_slice %arg2[%add3A_39] : memref<430080xf32, #tpu.memory_space<hbm>> -> memref<1280xf32, #tpu.memory_space<hbm>>
    %dma_wait3A_347 = arith.constant 24320 : i32
    %dma_wait3A_348 = tpu.memref_slice %arg6[%dma_wait3A_347] : memref<37120xf32, #tpu.memory_space<vmem>> -> memref<1280xf32, #tpu.memory_space<vmem>>
    %dma_wait3A_349 = tpu.memref_slice %arg2[%add3A_39] : memref<430080xf32, #tpu.memory_space<hbm>> -> memref<1280xf32, #tpu.memory_space<hbm>>
    tpu.wait_dma2 semaphore(%arg18 : memref<!tpu.dma_semaphore, #tpu.memory_space<semaphore_mem>>) src(%dma_wait3A_349 : memref<1280xf32, #tpu.memory_space<hbm>>) dst(%dma_wait3A_348 : memref<1280xf32, #tpu.memory_space<vmem>>)
    %dma_wait3A_350 = arith.constant 25600 : i32
    %dma_wait3A_351 = tpu.memref_slice %arg6[%dma_wait3A_350] : memref<37120xf32, #tpu.memory_space<vmem>> -> memref<1280xf32, #tpu.memory_space<vmem>>
    %dma_wait3A_352 = tpu.memref_slice %arg2[%add3A_41] : memref<430080xf32, #tpu.memory_space<hbm>> -> memref<1280xf32, #tpu.memory_space<hbm>>
    %dma_wait3A_353 = arith.constant 25600 : i32
    %dma_wait3A_354 = tpu.memref_slice %arg6[%dma_wait3A_353] : memref<37120xf32, #tpu.memory_space<vmem>> -> memref<1280xf32, #tpu.memory_space<vmem>>
    %dma_wait3A_355 = tpu.memref_slice %arg2[%add3A_41] : memref<430080xf32, #tpu.memory_space<hbm>> -> memref<1280xf32, #tpu.memory_space<hbm>>
    tpu.wait_dma2 semaphore(%arg18 : memref<!tpu.dma_semaphore, #tpu.memory_space<semaphore_mem>>) src(%dma_wait3A_355 : memref<1280xf32, #tpu.memory_space<hbm>>) dst(%dma_wait3A_354 : memref<1280xf32, #tpu.memory_space<vmem>>)
    %dma_wait3A_356 = arith.constant 26880 : i32
    %dma_wait3A_357 = tpu.memref_slice %arg6[%dma_wait3A_356] : memref<37120xf32, #tpu.memory_space<vmem>> -> memref<1280xf32, #tpu.memory_space<vmem>>
    %dma_wait3A_358 = tpu.memref_slice %arg3[%add3A_43] : memref<81920xf32, #tpu.memory_space<hbm>> -> memref<1280xf32, #tpu.memory_space<hbm>>
    %dma_wait3A_359 = arith.constant 26880 : i32
    %dma_wait3A_360 = tpu.memref_slice %arg6[%dma_wait3A_359] : memref<37120xf32, #tpu.memory_space<vmem>> -> memref<1280xf32, #tpu.memory_space<vmem>>
    %dma_wait3A_361 = tpu.memref_slice %arg3[%add3A_43] : memref<81920xf32, #tpu.memory_space<hbm>> -> memref<1280xf32, #tpu.memory_space<hbm>>
    tpu.wait_dma2 semaphore(%arg18 : memref<!tpu.dma_semaphore, #tpu.memory_space<semaphore_mem>>) src(%dma_wait3A_361 : memref<1280xf32, #tpu.memory_space<hbm>>) dst(%dma_wait3A_360 : memref<1280xf32, #tpu.memory_space<vmem>>)
    %dma_wait3A_362 = arith.constant 28160 : i32
    %dma_wait3A_363 = tpu.memref_slice %arg6[%dma_wait3A_362] : memref<37120xf32, #tpu.memory_space<vmem>> -> memref<1280xf32, #tpu.memory_space<vmem>>
    %dma_wait3A_364 = tpu.memref_slice %arg3[%add3A_45] : memref<81920xf32, #tpu.memory_space<hbm>> -> memref<1280xf32, #tpu.memory_space<hbm>>
    %dma_wait3A_365 = arith.constant 28160 : i32
    %dma_wait3A_366 = tpu.memref_slice %arg6[%dma_wait3A_365] : memref<37120xf32, #tpu.memory_space<vmem>> -> memref<1280xf32, #tpu.memory_space<vmem>>
    %dma_wait3A_367 = tpu.memref_slice %arg3[%add3A_45] : memref<81920xf32, #tpu.memory_space<hbm>> -> memref<1280xf32, #tpu.memory_space<hbm>>
    tpu.wait_dma2 semaphore(%arg18 : memref<!tpu.dma_semaphore, #tpu.memory_space<semaphore_mem>>) src(%dma_wait3A_367 : memref<1280xf32, #tpu.memory_space<hbm>>) dst(%dma_wait3A_366 : memref<1280xf32, #tpu.memory_space<vmem>>)
    %dma_wait3A_368 = arith.constant 29440 : i32
    %dma_wait3A_369 = tpu.memref_slice %arg6[%dma_wait3A_368] : memref<37120xf32, #tpu.memory_space<vmem>> -> memref<1280xf32, #tpu.memory_space<vmem>>
    %dma_wait3A_370 = tpu.memref_slice %arg3[%add3A_47] : memref<81920xf32, #tpu.memory_space<hbm>> -> memref<1280xf32, #tpu.memory_space<hbm>>
    %dma_wait3A_371 = arith.constant 29440 : i32
    %dma_wait3A_372 = tpu.memref_slice %arg6[%dma_wait3A_371] : memref<37120xf32, #tpu.memory_space<vmem>> -> memref<1280xf32, #tpu.memory_space<vmem>>
    %dma_wait3A_373 = tpu.memref_slice %arg3[%add3A_47] : memref<81920xf32, #tpu.memory_space<hbm>> -> memref<1280xf32, #tpu.memory_space<hbm>>
    tpu.wait_dma2 semaphore(%arg18 : memref<!tpu.dma_semaphore, #tpu.memory_space<semaphore_mem>>) src(%dma_wait3A_373 : memref<1280xf32, #tpu.memory_space<hbm>>) dst(%dma_wait3A_372 : memref<1280xf32, #tpu.memory_space<vmem>>)
    %dma_wait3A_374 = arith.constant 30720 : i32
    %dma_wait3A_375 = tpu.memref_slice %arg6[%dma_wait3A_374] : memref<37120xf32, #tpu.memory_space<vmem>> -> memref<1280xf32, #tpu.memory_space<vmem>>
    %dma_wait3A_376 = tpu.memref_slice %arg3[%add3A_49] : memref<81920xf32, #tpu.memory_space<hbm>> -> memref<1280xf32, #tpu.memory_space<hbm>>
    %dma_wait3A_377 = arith.constant 30720 : i32
    %dma_wait3A_378 = tpu.memref_slice %arg6[%dma_wait3A_377] : memref<37120xf32, #tpu.memory_space<vmem>> -> memref<1280xf32, #tpu.memory_space<vmem>>
    %dma_wait3A_379 = tpu.memref_slice %arg3[%add3A_49] : memref<81920xf32, #tpu.memory_space<hbm>> -> memref<1280xf32, #tpu.memory_space<hbm>>
    tpu.wait_dma2 semaphore(%arg18 : memref<!tpu.dma_semaphore, #tpu.memory_space<semaphore_mem>>) src(%dma_wait3A_379 : memref<1280xf32, #tpu.memory_space<hbm>>) dst(%dma_wait3A_378 : memref<1280xf32, #tpu.memory_space<vmem>>)
    %dma_wait3A_380 = arith.constant 32000 : i32
    %dma_wait3A_381 = tpu.memref_slice %arg6[%dma_wait3A_380] : memref<37120xf32, #tpu.memory_space<vmem>> -> memref<1280xf32, #tpu.memory_space<vmem>>
    %dma_wait3A_382 = tpu.memref_slice %arg4[%add3A_51] : memref<81920xf32, #tpu.memory_space<hbm>> -> memref<1280xf32, #tpu.memory_space<hbm>>
    %dma_wait3A_383 = arith.constant 32000 : i32
    %dma_wait3A_384 = tpu.memref_slice %arg6[%dma_wait3A_383] : memref<37120xf32, #tpu.memory_space<vmem>> -> memref<1280xf32, #tpu.memory_space<vmem>>
    %dma_wait3A_385 = tpu.memref_slice %arg4[%add3A_51] : memref<81920xf32, #tpu.memory_space<hbm>> -> memref<1280xf32, #tpu.memory_space<hbm>>
    tpu.wait_dma2 semaphore(%arg18 : memref<!tpu.dma_semaphore, #tpu.memory_space<semaphore_mem>>) src(%dma_wait3A_385 : memref<1280xf32, #tpu.memory_space<hbm>>) dst(%dma_wait3A_384 : memref<1280xf32, #tpu.memory_space<vmem>>)
    %dma_wait3A_386 = arith.constant 33280 : i32
    %dma_wait3A_387 = tpu.memref_slice %arg6[%dma_wait3A_386] : memref<37120xf32, #tpu.memory_space<vmem>> -> memref<1280xf32, #tpu.memory_space<vmem>>
    %dma_wait3A_388 = tpu.memref_slice %arg4[%add3A_53] : memref<81920xf32, #tpu.memory_space<hbm>> -> memref<1280xf32, #tpu.memory_space<hbm>>
    %dma_wait3A_389 = arith.constant 33280 : i32
    %dma_wait3A_390 = tpu.memref_slice %arg6[%dma_wait3A_389] : memref<37120xf32, #tpu.memory_space<vmem>> -> memref<1280xf32, #tpu.memory_space<vmem>>
    %dma_wait3A_391 = tpu.memref_slice %arg4[%add3A_53] : memref<81920xf32, #tpu.memory_space<hbm>> -> memref<1280xf32, #tpu.memory_space<hbm>>
    tpu.wait_dma2 semaphore(%arg18 : memref<!tpu.dma_semaphore, #tpu.memory_space<semaphore_mem>>) src(%dma_wait3A_391 : memref<1280xf32, #tpu.memory_space<hbm>>) dst(%dma_wait3A_390 : memref<1280xf32, #tpu.memory_space<vmem>>)
    %dma_wait3A_392 = arith.constant 34560 : i32
    %dma_wait3A_393 = tpu.memref_slice %arg6[%dma_wait3A_392] : memref<37120xf32, #tpu.memory_space<vmem>> -> memref<1280xf32, #tpu.memory_space<vmem>>
    %dma_wait3A_394 = tpu.memref_slice %arg4[%add3A_55] : memref<81920xf32, #tpu.memory_space<hbm>> -> memref<1280xf32, #tpu.memory_space<hbm>>
    %dma_wait3A_395 = arith.constant 34560 : i32
    %dma_wait3A_396 = tpu.memref_slice %arg6[%dma_wait3A_395] : memref<37120xf32, #tpu.memory_space<vmem>> -> memref<1280xf32, #tpu.memory_space<vmem>>
    %dma_wait3A_397 = tpu.memref_slice %arg4[%add3A_55] : memref<81920xf32, #tpu.memory_space<hbm>> -> memref<1280xf32, #tpu.memory_space<hbm>>
    tpu.wait_dma2 semaphore(%arg18 : memref<!tpu.dma_semaphore, #tpu.memory_space<semaphore_mem>>) src(%dma_wait3A_397 : memref<1280xf32, #tpu.memory_space<hbm>>) dst(%dma_wait3A_396 : memref<1280xf32, #tpu.memory_space<vmem>>)
    %dma_wait3A_398 = arith.constant 35840 : i32
    %dma_wait3A_399 = tpu.memref_slice %arg6[%dma_wait3A_398] : memref<37120xf32, #tpu.memory_space<vmem>> -> memref<1280xf32, #tpu.memory_space<vmem>>
    %dma_wait3A_400 = tpu.memref_slice %arg4[%add3A_57] : memref<81920xf32, #tpu.memory_space<hbm>> -> memref<1280xf32, #tpu.memory_space<hbm>>
    %dma_wait3A_401 = arith.constant 35840 : i32
    %dma_wait3A_402 = tpu.memref_slice %arg6[%dma_wait3A_401] : memref<37120xf32, #tpu.memory_space<vmem>> -> memref<1280xf32, #tpu.memory_space<vmem>>
    %dma_wait3A_403 = tpu.memref_slice %arg4[%add3A_57] : memref<81920xf32, #tpu.memory_space<hbm>> -> memref<1280xf32, #tpu.memory_space<hbm>>
    tpu.wait_dma2 semaphore(%arg18 : memref<!tpu.dma_semaphore, #tpu.memory_space<semaphore_mem>>) src(%dma_wait3A_403 : memref<1280xf32, #tpu.memory_space<hbm>>) dst(%dma_wait3A_402 : memref<1280xf32, #tpu.memory_space<vmem>>)
    %parallel_loop3A = arith.constant 0 : i32
    %parallel_loop3A_404 = arith.constant 80 : i32
    %parallel_loop3A_405 = arith.constant 1 : i32
    scf.for %parallel_loop3A_553 = %parallel_loop3A to %parallel_loop3A_404 step %parallel_loop3A_405  : i32 {
      %parallel_loop3A_554 = arith.constant 16 : i32
      %parallel_loop3A_555 = arith.muli %parallel_loop3A_553, %parallel_loop3A_554 : i32
      %parallel_loop3A_556 = arith.constant 0 : i32
      %parallel_loop3A_557 = arith.addi %parallel_loop3A_556, %parallel_loop3A_555 : i32
      %parallel_loop3A_558 = arith.index_cast %parallel_loop3A_557 : i32 to index
      %parallel_loop3A_559 = tpu.vector_load %arg6[%parallel_loop3A_558] {strides = array<i32>} : memref<37120xf32, #tpu.memory_space<vmem>>, vector<16xf32>,
      %parallel_loop3A_560 = arith.constant 1280 : i32
      %parallel_loop3A_561 = arith.addi %parallel_loop3A_560, %parallel_loop3A_555 : i32
      %parallel_loop3A_562 = arith.index_cast %parallel_loop3A_561 : i32 to index
      %parallel_loop3A_563 = tpu.vector_load %arg6[%parallel_loop3A_562] {strides = array<i32>} : memref<37120xf32, #tpu.memory_space<vmem>>, vector<16xf32>,
      %parallel_loop3A_564 = arith.constant 2560 : i32
      %parallel_loop3A_565 = arith.addi %parallel_loop3A_564, %parallel_loop3A_555 : i32
      %parallel_loop3A_566 = arith.index_cast %parallel_loop3A_565 : i32 to index
      %parallel_loop3A_567 = tpu.vector_load %arg6[%parallel_loop3A_566] {strides = array<i32>} : memref<37120xf32, #tpu.memory_space<vmem>>, vector<16xf32>,
      %parallel_loop3A_568 = arith.constant 3840 : i32
      %parallel_loop3A_569 = arith.addi %parallel_loop3A_568, %parallel_loop3A_555 : i32
      %parallel_loop3A_570 = arith.index_cast %parallel_loop3A_569 : i32 to index
      %parallel_loop3A_571 = tpu.vector_load %arg6[%parallel_loop3A_570] {strides = array<i32>} : memref<37120xf32, #tpu.memory_space<vmem>>, vector<16xf32>,
      %parallel_loop3A_572 = arith.constant 5120 : i32
      %parallel_loop3A_573 = arith.addi %parallel_loop3A_572, %parallel_loop3A_555 : i32
      %parallel_loop3A_574 = arith.index_cast %parallel_loop3A_573 : i32 to index
      %parallel_loop3A_575 = tpu.vector_load %arg6[%parallel_loop3A_574] {strides = array<i32>} : memref<37120xf32, #tpu.memory_space<vmem>>, vector<16xf32>,
      %parallel_loop3A_576 = arith.constant 6400 : i32
      %parallel_loop3A_577 = arith.addi %parallel_loop3A_576, %parallel_loop3A_555 : i32
      %parallel_loop3A_578 = arith.index_cast %parallel_loop3A_577 : i32 to index
      %parallel_loop3A_579 = tpu.vector_load %arg6[%parallel_loop3A_578] {strides = array<i32>} : memref<37120xf32, #tpu.memory_space<vmem>>, vector<16xf32>,
      %parallel_loop3A_580 = arith.constant 7680 : i32
      %parallel_loop3A_581 = arith.addi %parallel_loop3A_580, %parallel_loop3A_555 : i32
      %parallel_loop3A_582 = arith.index_cast %parallel_loop3A_581 : i32 to index
      %parallel_loop3A_583 = tpu.vector_load %arg6[%parallel_loop3A_582] {strides = array<i32>} : memref<37120xf32, #tpu.memory_space<vmem>>, vector<16xf32>,
      %parallel_loop3A_584 = arith.constant 8960 : i32
      %parallel_loop3A_585 = arith.addi %parallel_loop3A_584, %parallel_loop3A_555 : i32
      %parallel_loop3A_586 = arith.index_cast %parallel_loop3A_585 : i32 to index
      %parallel_loop3A_587 = tpu.vector_load %arg6[%parallel_loop3A_586] {strides = array<i32>} : memref<37120xf32, #tpu.memory_space<vmem>>, vector<16xf32>,
      %parallel_loop3A_588 = arith.constant 10240 : i32
      %parallel_loop3A_589 = arith.addi %parallel_loop3A_588, %parallel_loop3A_555 : i32
      %parallel_loop3A_590 = arith.index_cast %parallel_loop3A_589 : i32 to index
      %parallel_loop3A_591 = tpu.vector_load %arg6[%parallel_loop3A_590] {strides = array<i32>} : memref<37120xf32, #tpu.memory_space<vmem>>, vector<16xf32>,
      %parallel_loop3A_592 = arith.constant 11520 : i32
      %parallel_loop3A_593 = arith.addi %parallel_loop3A_592, %parallel_loop3A_555 : i32
      %parallel_loop3A_594 = arith.index_cast %parallel_loop3A_593 : i32 to index
      %parallel_loop3A_595 = tpu.vector_load %arg6[%parallel_loop3A_594] {strides = array<i32>} : memref<37120xf32, #tpu.memory_space<vmem>>, vector<16xf32>,
      %parallel_loop3A_596 = arith.constant 12800 : i32
      %parallel_loop3A_597 = arith.addi %parallel_loop3A_596, %parallel_loop3A_555 : i32
      %parallel_loop3A_598 = arith.index_cast %parallel_loop3A_597 : i32 to index
      %parallel_loop3A_599 = tpu.vector_load %arg6[%parallel_loop3A_598] {strides = array<i32>} : memref<37120xf32, #tpu.memory_space<vmem>>, vector<16xf32>,
      %parallel_loop3A_600 = arith.constant 14080 : i32
      %parallel_loop3A_601 = arith.addi %parallel_loop3A_600, %parallel_loop3A_555 : i32
      %parallel_loop3A_602 = arith.index_cast %parallel_loop3A_601 : i32 to index
      %parallel_loop3A_603 = tpu.vector_load %arg6[%parallel_loop3A_602] {strides = array<i32>} : memref<37120xf32, #tpu.memory_space<vmem>>, vector<16xf32>,
      %parallel_loop3A_604 = arith.constant 15360 : i32
      %parallel_loop3A_605 = arith.addi %parallel_loop3A_604, %parallel_loop3A_555 : i32
      %parallel_loop3A_606 = arith.index_cast %parallel_loop3A_605 : i32 to index
      %parallel_loop3A_607 = tpu.vector_load %arg6[%parallel_loop3A_606] {strides = array<i32>} : memref<37120xf32, #tpu.memory_space<vmem>>, vector<16xf32>,
      %parallel_loop3A_608 = arith.constant 16640 : i32
      %parallel_loop3A_609 = arith.addi %parallel_loop3A_608, %parallel_loop3A_555 : i32
      %parallel_loop3A_610 = arith.index_cast %parallel_loop3A_609 : i32 to index
      %parallel_loop3A_611 = tpu.vector_load %arg6[%parallel_loop3A_610] {strides = array<i32>} : memref<37120xf32, #tpu.memory_space<vmem>>, vector<16xf32>,
      %parallel_loop3A_612 = arith.constant 17920 : i32
      %parallel_loop3A_613 = arith.addi %parallel_loop3A_612, %parallel_loop3A_555 : i32
      %parallel_loop3A_614 = arith.index_cast %parallel_loop3A_613 : i32 to index
      %parallel_loop3A_615 = tpu.vector_load %arg6[%parallel_loop3A_614] {strides = array<i32>} : memref<37120xf32, #tpu.memory_space<vmem>>, vector<16xf32>,
      %parallel_loop3A_616 = arith.constant 19200 : i32
      %parallel_loop3A_617 = arith.addi %parallel_loop3A_616, %parallel_loop3A_555 : i32
      %parallel_loop3A_618 = arith.index_cast %parallel_loop3A_617 : i32 to index
      %parallel_loop3A_619 = tpu.vector_load %arg6[%parallel_loop3A_618] {strides = array<i32>} : memref<37120xf32, #tpu.memory_space<vmem>>, vector<16xf32>,
      %parallel_loop3A_620 = arith.constant 20480 : i32
      %parallel_loop3A_621 = arith.addi %parallel_loop3A_620, %parallel_loop3A_555 : i32
      %parallel_loop3A_622 = arith.index_cast %parallel_loop3A_621 : i32 to index
      %parallel_loop3A_623 = tpu.vector_load %arg6[%parallel_loop3A_622] {strides = array<i32>} : memref<37120xf32, #tpu.memory_space<vmem>>, vector<16xf32>,
      %parallel_loop3A_624 = arith.constant 21760 : i32
      %parallel_loop3A_625 = arith.addi %parallel_loop3A_624, %parallel_loop3A_555 : i32
      %parallel_loop3A_626 = arith.index_cast %parallel_loop3A_625 : i32 to index
      %parallel_loop3A_627 = tpu.vector_load %arg6[%parallel_loop3A_626] {strides = array<i32>} : memref<37120xf32, #tpu.memory_space<vmem>>, vector<16xf32>,
      %parallel_loop3A_628 = arith.constant 23040 : i32
      %parallel_loop3A_629 = arith.addi %parallel_loop3A_628, %parallel_loop3A_555 : i32
      %parallel_loop3A_630 = arith.index_cast %parallel_loop3A_629 : i32 to index
      %parallel_loop3A_631 = tpu.vector_load %arg6[%parallel_loop3A_630] {strides = array<i32>} : memref<37120xf32, #tpu.memory_space<vmem>>, vector<16xf32>,
      %parallel_loop3A_632 = arith.constant 24320 : i32
      %parallel_loop3A_633 = arith.addi %parallel_loop3A_632, %parallel_loop3A_555 : i32
      %parallel_loop3A_634 = arith.index_cast %parallel_loop3A_633 : i32 to index
      %parallel_loop3A_635 = tpu.vector_load %arg6[%parallel_loop3A_634] {strides = array<i32>} : memref<37120xf32, #tpu.memory_space<vmem>>, vector<16xf32>,
      %parallel_loop3A_636 = arith.constant 25600 : i32
      %parallel_loop3A_637 = arith.addi %parallel_loop3A_636, %parallel_loop3A_555 : i32
      %parallel_loop3A_638 = arith.index_cast %parallel_loop3A_637 : i32 to index
      %parallel_loop3A_639 = tpu.vector_load %arg6[%parallel_loop3A_638] {strides = array<i32>} : memref<37120xf32, #tpu.memory_space<vmem>>, vector<16xf32>,
      %parallel_loop3A_640 = arith.maximumf %parallel_loop3A_559, %parallel_loop3A_563 : vector<16xf32>
      %parallel_loop3A_641 = arith.maximumf %parallel_loop3A_640, %parallel_loop3A_567 : vector<16xf32>
      %parallel_loop3A_642 = arith.maximumf %parallel_loop3A_641, %parallel_loop3A_571 : vector<16xf32>
      %parallel_loop3A_643 = arith.maximumf %parallel_loop3A_642, %parallel_loop3A_575 : vector<16xf32>
      %parallel_loop3A_644 = arith.maximumf %parallel_loop3A_643, %parallel_loop3A_579 : vector<16xf32>
      %parallel_loop3A_645 = arith.maximumf %parallel_loop3A_644, %parallel_loop3A_583 : vector<16xf32>
      %parallel_loop3A_646 = arith.maximumf %parallel_loop3A_645, %parallel_loop3A_587 : vector<16xf32>
      %parallel_loop3A_647 = arith.maximumf %parallel_loop3A_646, %parallel_loop3A_591 : vector<16xf32>
      %parallel_loop3A_648 = arith.maximumf %parallel_loop3A_647, %parallel_loop3A_595 : vector<16xf32>
      %parallel_loop3A_649 = arith.maximumf %parallel_loop3A_648, %parallel_loop3A_599 : vector<16xf32>
      %parallel_loop3A_650 = arith.maximumf %parallel_loop3A_649, %parallel_loop3A_603 : vector<16xf32>
      %parallel_loop3A_651 = arith.maximumf %parallel_loop3A_650, %parallel_loop3A_607 : vector<16xf32>
      %parallel_loop3A_652 = arith.maximumf %parallel_loop3A_651, %parallel_loop3A_611 : vector<16xf32>
      %parallel_loop3A_653 = arith.maximumf %parallel_loop3A_652, %parallel_loop3A_615 : vector<16xf32>
      %parallel_loop3A_654 = arith.maximumf %parallel_loop3A_653, %parallel_loop3A_619 : vector<16xf32>
      %parallel_loop3A_655 = arith.maximumf %parallel_loop3A_654, %parallel_loop3A_623 : vector<16xf32>
      %parallel_loop3A_656 = arith.maximumf %parallel_loop3A_655, %parallel_loop3A_627 : vector<16xf32>
      %parallel_loop3A_657 = arith.maximumf %parallel_loop3A_656, %parallel_loop3A_631 : vector<16xf32>
      %parallel_loop3A_658 = arith.maximumf %parallel_loop3A_657, %parallel_loop3A_635 : vector<16xf32>
      %parallel_loop3A_659 = arith.maximumf %parallel_loop3A_658, %parallel_loop3A_639 : vector<16xf32>
      %parallel_loop3A_660 = arith.subf %parallel_loop3A_559, %parallel_loop3A_659 : vector<16xf32>
      %parallel_loop3A_661 = math.exp %parallel_loop3A_660 : vector<16xf32>
      %parallel_loop3A_662 = arith.subf %parallel_loop3A_563, %parallel_loop3A_659 : vector<16xf32>
      %parallel_loop3A_663 = math.exp %parallel_loop3A_662 : vector<16xf32>
      %parallel_loop3A_664 = arith.subf %parallel_loop3A_567, %parallel_loop3A_659 : vector<16xf32>
      %parallel_loop3A_665 = math.exp %parallel_loop3A_664 : vector<16xf32>
      %parallel_loop3A_666 = arith.subf %parallel_loop3A_571, %parallel_loop3A_659 : vector<16xf32>
      %parallel_loop3A_667 = math.exp %parallel_loop3A_666 : vector<16xf32>
      %parallel_loop3A_668 = arith.subf %parallel_loop3A_575, %parallel_loop3A_659 : vector<16xf32>
      %parallel_loop3A_669 = math.exp %parallel_loop3A_668 : vector<16xf32>
      %parallel_loop3A_670 = arith.subf %parallel_loop3A_579, %parallel_loop3A_659 : vector<16xf32>
      %parallel_loop3A_671 = math.exp %parallel_loop3A_670 : vector<16xf32>
      %parallel_loop3A_672 = arith.subf %parallel_loop3A_583, %parallel_loop3A_659 : vector<16xf32>
      %parallel_loop3A_673 = math.exp %parallel_loop3A_672 : vector<16xf32>
      %parallel_loop3A_674 = arith.subf %parallel_loop3A_587, %parallel_loop3A_659 : vector<16xf32>
      %parallel_loop3A_675 = math.exp %parallel_loop3A_674 : vector<16xf32>
      %parallel_loop3A_676 = arith.subf %parallel_loop3A_591, %parallel_loop3A_659 : vector<16xf32>
      %parallel_loop3A_677 = math.exp %parallel_loop3A_676 : vector<16xf32>
      %parallel_loop3A_678 = arith.subf %parallel_loop3A_595, %parallel_loop3A_659 : vector<16xf32>
      %parallel_loop3A_679 = math.exp %parallel_loop3A_678 : vector<16xf32>
      %parallel_loop3A_680 = arith.subf %parallel_loop3A_599, %parallel_loop3A_659 : vector<16xf32>
      %parallel_loop3A_681 = math.exp %parallel_loop3A_680 : vector<16xf32>
      %parallel_loop3A_682 = arith.subf %parallel_loop3A_603, %parallel_loop3A_659 : vector<16xf32>
      %parallel_loop3A_683 = math.exp %parallel_loop3A_682 : vector<16xf32>
      %parallel_loop3A_684 = arith.subf %parallel_loop3A_607, %parallel_loop3A_659 : vector<16xf32>
      %parallel_loop3A_685 = math.exp %parallel_loop3A_684 : vector<16xf32>
      %parallel_loop3A_686 = arith.subf %parallel_loop3A_611, %parallel_loop3A_659 : vector<16xf32>
      %parallel_loop3A_687 = math.exp %parallel_loop3A_686 : vector<16xf32>
      %parallel_loop3A_688 = arith.subf %parallel_loop3A_615, %parallel_loop3A_659 : vector<16xf32>
      %parallel_loop3A_689 = math.exp %parallel_loop3A_688 : vector<16xf32>
      %parallel_loop3A_690 = arith.subf %parallel_loop3A_619, %parallel_loop3A_659 : vector<16xf32>
      %parallel_loop3A_691 = math.exp %parallel_loop3A_690 : vector<16xf32>
      %parallel_loop3A_692 = arith.subf %parallel_loop3A_623, %parallel_loop3A_659 : vector<16xf32>
      %parallel_loop3A_693 = math.exp %parallel_loop3A_692 : vector<16xf32>
      %parallel_loop3A_694 = arith.subf %parallel_loop3A_627, %parallel_loop3A_659 : vector<16xf32>
      %parallel_loop3A_695 = math.exp %parallel_loop3A_694 : vector<16xf32>
      %parallel_loop3A_696 = arith.subf %parallel_loop3A_631, %parallel_loop3A_659 : vector<16xf32>
      %parallel_loop3A_697 = math.exp %parallel_loop3A_696 : vector<16xf32>
      %parallel_loop3A_698 = arith.subf %parallel_loop3A_635, %parallel_loop3A_659 : vector<16xf32>
      %parallel_loop3A_699 = math.exp %parallel_loop3A_698 : vector<16xf32>
      %parallel_loop3A_700 = arith.subf %parallel_loop3A_639, %parallel_loop3A_659 : vector<16xf32>
      %parallel_loop3A_701 = math.exp %parallel_loop3A_700 : vector<16xf32>
      %parallel_loop3A_702 = arith.addf %parallel_loop3A_661, %parallel_loop3A_663 : vector<16xf32>
      %parallel_loop3A_703 = arith.addf %parallel_loop3A_702, %parallel_loop3A_665 : vector<16xf32>
      %parallel_loop3A_704 = arith.addf %parallel_loop3A_703, %parallel_loop3A_667 : vector<16xf32>
      %parallel_loop3A_705 = arith.addf %parallel_loop3A_704, %parallel_loop3A_669 : vector<16xf32>
      %parallel_loop3A_706 = arith.addf %parallel_loop3A_705, %parallel_loop3A_671 : vector<16xf32>
      %parallel_loop3A_707 = arith.addf %parallel_loop3A_706, %parallel_loop3A_673 : vector<16xf32>
      %parallel_loop3A_708 = arith.addf %parallel_loop3A_707, %parallel_loop3A_675 : vector<16xf32>
      %parallel_loop3A_709 = arith.addf %parallel_loop3A_708, %parallel_loop3A_677 : vector<16xf32>
      %parallel_loop3A_710 = arith.addf %parallel_loop3A_709, %parallel_loop3A_679 : vector<16xf32>
      %parallel_loop3A_711 = arith.addf %parallel_loop3A_710, %parallel_loop3A_681 : vector<16xf32>
      %parallel_loop3A_712 = arith.addf %parallel_loop3A_711, %parallel_loop3A_683 : vector<16xf32>
      %parallel_loop3A_713 = arith.addf %parallel_loop3A_712, %parallel_loop3A_685 : vector<16xf32>
      %parallel_loop3A_714 = arith.addf %parallel_loop3A_713, %parallel_loop3A_687 : vector<16xf32>
      %parallel_loop3A_715 = arith.addf %parallel_loop3A_714, %parallel_loop3A_689 : vector<16xf32>
      %parallel_loop3A_716 = arith.addf %parallel_loop3A_715, %parallel_loop3A_691 : vector<16xf32>
      %parallel_loop3A_717 = arith.addf %parallel_loop3A_716, %parallel_loop3A_693 : vector<16xf32>
      %parallel_loop3A_718 = arith.addf %parallel_loop3A_717, %parallel_loop3A_695 : vector<16xf32>
      %parallel_loop3A_719 = arith.addf %parallel_loop3A_718, %parallel_loop3A_697 : vector<16xf32>
      %parallel_loop3A_720 = arith.addf %parallel_loop3A_719, %parallel_loop3A_699 : vector<16xf32>
      %parallel_loop3A_721 = arith.addf %parallel_loop3A_720, %parallel_loop3A_701 : vector<16xf32>
      %parallel_loop3A_722 = arith.addi %mul3A_0, %parallel_loop3A_555 : i32
      %parallel_loop3A_723 = vector.broadcast %parallel_loop3A_722 : i32 to vector<16xi32>
      %parallel_loop3A_724 = arith.addi %parallel_loop3A_723, %iota3A : vector<16xi32>
      %parallel_loop3A_725 = arith.constant 20000 : i32
      %parallel_loop3A_726 = vector.broadcast %parallel_loop3A_725 : i32 to vector<16xi32>
      %parallel_loop3A_727 = arith.cmpi slt, %parallel_loop3A_724, %parallel_loop3A_726 : vector<16xi32>
      %parallel_loop3A_728 = arith.divf %parallel_loop3A_663, %parallel_loop3A_721 : vector<16xf32>
      %parallel_loop3A_729 = arith.constant 0.00999999977 : f32
      %parallel_loop3A_730 = vector.broadcast %parallel_loop3A_729 : f32 to vector<16xf32>
      %parallel_loop3A_731 = arith.cmpf ogt, %parallel_loop3A_728, %parallel_loop3A_730 : vector<16xf32>
      %parallel_loop3A_732 = arith.andi %parallel_loop3A_727, %parallel_loop3A_731 : vector<16xi1>
      %parallel_loop3A_733 = arith.constant 0.000000e+00 : f32
      %parallel_loop3A_734 = vector.broadcast %parallel_loop3A_733 : f32 to vector<16xf32>
      %parallel_loop3A_735 = arith.select %parallel_loop3A_732, %parallel_loop3A_728, %parallel_loop3A_734 : vector<16xi1>, vector<16xf32>
      %parallel_loop3A_736 = arith.constant 0 : i32
      %parallel_loop3A_737 = arith.addi %parallel_loop3A_736, %parallel_loop3A_555 : i32
      %parallel_loop3A_738 = arith.index_cast %parallel_loop3A_737 : i32 to index
      %parallel_loop3A_739 = tpu.vector_load %arg7[%parallel_loop3A_738] {strides = array<i32>} : memref<25600xf32, #tpu.memory_space<vmem>>, vector<16xf32>,
      tpu.vector_store %arg7[%parallel_loop3A_738], %parallel_loop3A_735 {strides = array<i32>} : memref<25600xf32, #tpu.memory_space<vmem>>, vector<16xf32>,
      %parallel_loop3A_740 = arith.divf %parallel_loop3A_665, %parallel_loop3A_721 : vector<16xf32>
      %parallel_loop3A_741 = arith.constant 0.00999999977 : f32
      %parallel_loop3A_742 = vector.broadcast %parallel_loop3A_741 : f32 to vector<16xf32>
      %parallel_loop3A_743 = arith.cmpf ogt, %parallel_loop3A_740, %parallel_loop3A_742 : vector<16xf32>
      %parallel_loop3A_744 = arith.andi %parallel_loop3A_727, %parallel_loop3A_743 : vector<16xi1>
      %parallel_loop3A_745 = arith.constant 0.000000e+00 : f32
      %parallel_loop3A_746 = vector.broadcast %parallel_loop3A_745 : f32 to vector<16xf32>
      %parallel_loop3A_747 = arith.select %parallel_loop3A_744, %parallel_loop3A_740, %parallel_loop3A_746 : vector<16xi1>, vector<16xf32>
      %parallel_loop3A_748 = arith.constant 1280 : i32
      %parallel_loop3A_749 = arith.addi %parallel_loop3A_748, %parallel_loop3A_555 : i32
      %parallel_loop3A_750 = arith.index_cast %parallel_loop3A_749 : i32 to index
      %parallel_loop3A_751 = tpu.vector_load %arg7[%parallel_loop3A_750] {strides = array<i32>} : memref<25600xf32, #tpu.memory_space<vmem>>, vector<16xf32>,
      tpu.vector_store %arg7[%parallel_loop3A_750], %parallel_loop3A_747 {strides = array<i32>} : memref<25600xf32, #tpu.memory_space<vmem>>, vector<16xf32>,
      %parallel_loop3A_752 = arith.divf %parallel_loop3A_667, %parallel_loop3A_721 : vector<16xf32>
      %parallel_loop3A_753 = arith.constant 0.00999999977 : f32
      %parallel_loop3A_754 = vector.broadcast %parallel_loop3A_753 : f32 to vector<16xf32>
      %parallel_loop3A_755 = arith.cmpf ogt, %parallel_loop3A_752, %parallel_loop3A_754 : vector<16xf32>
      %parallel_loop3A_756 = arith.andi %parallel_loop3A_727, %parallel_loop3A_755 : vector<16xi1>
      %parallel_loop3A_757 = arith.constant 0.000000e+00 : f32
      %parallel_loop3A_758 = vector.broadcast %parallel_loop3A_757 : f32 to vector<16xf32>
      %parallel_loop3A_759 = arith.select %parallel_loop3A_756, %parallel_loop3A_752, %parallel_loop3A_758 : vector<16xi1>, vector<16xf32>
      %parallel_loop3A_760 = arith.constant 2560 : i32
      %parallel_loop3A_761 = arith.addi %parallel_loop3A_760, %parallel_loop3A_555 : i32
      %parallel_loop3A_762 = arith.index_cast %parallel_loop3A_761 : i32 to index
      %parallel_loop3A_763 = tpu.vector_load %arg7[%parallel_loop3A_762] {strides = array<i32>} : memref<25600xf32, #tpu.memory_space<vmem>>, vector<16xf32>,
      tpu.vector_store %arg7[%parallel_loop3A_762], %parallel_loop3A_759 {strides = array<i32>} : memref<25600xf32, #tpu.memory_space<vmem>>, vector<16xf32>,
      %parallel_loop3A_764 = arith.divf %parallel_loop3A_669, %parallel_loop3A_721 : vector<16xf32>
      %parallel_loop3A_765 = arith.constant 0.00999999977 : f32
      %parallel_loop3A_766 = vector.broadcast %parallel_loop3A_765 : f32 to vector<16xf32>
      %parallel_loop3A_767 = arith.cmpf ogt, %parallel_loop3A_764, %parallel_loop3A_766 : vector<16xf32>
      %parallel_loop3A_768 = arith.andi %parallel_loop3A_727, %parallel_loop3A_767 : vector<16xi1>
      %parallel_loop3A_769 = arith.constant 0.000000e+00 : f32
      %parallel_loop3A_770 = vector.broadcast %parallel_loop3A_769 : f32 to vector<16xf32>
      %parallel_loop3A_771 = arith.select %parallel_loop3A_768, %parallel_loop3A_764, %parallel_loop3A_770 : vector<16xi1>, vector<16xf32>
      %parallel_loop3A_772 = arith.constant 3840 : i32
      %parallel_loop3A_773 = arith.addi %parallel_loop3A_772, %parallel_loop3A_555 : i32
      %parallel_loop3A_774 = arith.index_cast %parallel_loop3A_773 : i32 to index
      %parallel_loop3A_775 = tpu.vector_load %arg7[%parallel_loop3A_774] {strides = array<i32>} : memref<25600xf32, #tpu.memory_space<vmem>>, vector<16xf32>,
      tpu.vector_store %arg7[%parallel_loop3A_774], %parallel_loop3A_771 {strides = array<i32>} : memref<25600xf32, #tpu.memory_space<vmem>>, vector<16xf32>,
      %parallel_loop3A_776 = arith.divf %parallel_loop3A_671, %parallel_loop3A_721 : vector<16xf32>
      %parallel_loop3A_777 = arith.constant 0.00999999977 : f32
      %parallel_loop3A_778 = vector.broadcast %parallel_loop3A_777 : f32 to vector<16xf32>
      %parallel_loop3A_779 = arith.cmpf ogt, %parallel_loop3A_776, %parallel_loop3A_778 : vector<16xf32>
      %parallel_loop3A_780 = arith.andi %parallel_loop3A_727, %parallel_loop3A_779 : vector<16xi1>
      %parallel_loop3A_781 = arith.constant 0.000000e+00 : f32
      %parallel_loop3A_782 = vector.broadcast %parallel_loop3A_781 : f32 to vector<16xf32>
      %parallel_loop3A_783 = arith.select %parallel_loop3A_780, %parallel_loop3A_776, %parallel_loop3A_782 : vector<16xi1>, vector<16xf32>
      %parallel_loop3A_784 = arith.constant 5120 : i32
      %parallel_loop3A_785 = arith.addi %parallel_loop3A_784, %parallel_loop3A_555 : i32
      %parallel_loop3A_786 = arith.index_cast %parallel_loop3A_785 : i32 to index
      %parallel_loop3A_787 = tpu.vector_load %arg7[%parallel_loop3A_786] {strides = array<i32>} : memref<25600xf32, #tpu.memory_space<vmem>>, vector<16xf32>,
      tpu.vector_store %arg7[%parallel_loop3A_786], %parallel_loop3A_783 {strides = array<i32>} : memref<25600xf32, #tpu.memory_space<vmem>>, vector<16xf32>,
      %parallel_loop3A_788 = arith.divf %parallel_loop3A_673, %parallel_loop3A_721 : vector<16xf32>
      %parallel_loop3A_789 = arith.constant 0.00999999977 : f32
      %parallel_loop3A_790 = vector.broadcast %parallel_loop3A_789 : f32 to vector<16xf32>
      %parallel_loop3A_791 = arith.cmpf ogt, %parallel_loop3A_788, %parallel_loop3A_790 : vector<16xf32>
      %parallel_loop3A_792 = arith.andi %parallel_loop3A_727, %parallel_loop3A_791 : vector<16xi1>
      %parallel_loop3A_793 = arith.constant 0.000000e+00 : f32
      %parallel_loop3A_794 = vector.broadcast %parallel_loop3A_793 : f32 to vector<16xf32>
      %parallel_loop3A_795 = arith.select %parallel_loop3A_792, %parallel_loop3A_788, %parallel_loop3A_794 : vector<16xi1>, vector<16xf32>
      %parallel_loop3A_796 = arith.constant 6400 : i32
      %parallel_loop3A_797 = arith.addi %parallel_loop3A_796, %parallel_loop3A_555 : i32
      %parallel_loop3A_798 = arith.index_cast %parallel_loop3A_797 : i32 to index
      %parallel_loop3A_799 = tpu.vector_load %arg7[%parallel_loop3A_798] {strides = array<i32>} : memref<25600xf32, #tpu.memory_space<vmem>>, vector<16xf32>,
      tpu.vector_store %arg7[%parallel_loop3A_798], %parallel_loop3A_795 {strides = array<i32>} : memref<25600xf32, #tpu.memory_space<vmem>>, vector<16xf32>,
      %parallel_loop3A_800 = arith.divf %parallel_loop3A_675, %parallel_loop3A_721 : vector<16xf32>
      %parallel_loop3A_801 = arith.constant 0.00999999977 : f32
      %parallel_loop3A_802 = vector.broadcast %parallel_loop3A_801 : f32 to vector<16xf32>
      %parallel_loop3A_803 = arith.cmpf ogt, %parallel_loop3A_800, %parallel_loop3A_802 : vector<16xf32>
      %parallel_loop3A_804 = arith.andi %parallel_loop3A_727, %parallel_loop3A_803 : vector<16xi1>
      %parallel_loop3A_805 = arith.constant 0.000000e+00 : f32
      %parallel_loop3A_806 = vector.broadcast %parallel_loop3A_805 : f32 to vector<16xf32>
      %parallel_loop3A_807 = arith.select %parallel_loop3A_804, %parallel_loop3A_800, %parallel_loop3A_806 : vector<16xi1>, vector<16xf32>
      %parallel_loop3A_808 = arith.constant 7680 : i32
      %parallel_loop3A_809 = arith.addi %parallel_loop3A_808, %parallel_loop3A_555 : i32
      %parallel_loop3A_810 = arith.index_cast %parallel_loop3A_809 : i32 to index
      %parallel_loop3A_811 = tpu.vector_load %arg7[%parallel_loop3A_810] {strides = array<i32>} : memref<25600xf32, #tpu.memory_space<vmem>>, vector<16xf32>,
      tpu.vector_store %arg7[%parallel_loop3A_810], %parallel_loop3A_807 {strides = array<i32>} : memref<25600xf32, #tpu.memory_space<vmem>>, vector<16xf32>,
      %parallel_loop3A_812 = arith.divf %parallel_loop3A_677, %parallel_loop3A_721 : vector<16xf32>
      %parallel_loop3A_813 = arith.constant 0.00999999977 : f32
      %parallel_loop3A_814 = vector.broadcast %parallel_loop3A_813 : f32 to vector<16xf32>
      %parallel_loop3A_815 = arith.cmpf ogt, %parallel_loop3A_812, %parallel_loop3A_814 : vector<16xf32>
      %parallel_loop3A_816 = arith.andi %parallel_loop3A_727, %parallel_loop3A_815 : vector<16xi1>
      %parallel_loop3A_817 = arith.constant 0.000000e+00 : f32
      %parallel_loop3A_818 = vector.broadcast %parallel_loop3A_817 : f32 to vector<16xf32>
      %parallel_loop3A_819 = arith.select %parallel_loop3A_816, %parallel_loop3A_812, %parallel_loop3A_818 : vector<16xi1>, vector<16xf32>
      %parallel_loop3A_820 = arith.constant 8960 : i32
      %parallel_loop3A_821 = arith.addi %parallel_loop3A_820, %parallel_loop3A_555 : i32
      %parallel_loop3A_822 = arith.index_cast %parallel_loop3A_821 : i32 to index
      %parallel_loop3A_823 = tpu.vector_load %arg7[%parallel_loop3A_822] {strides = array<i32>} : memref<25600xf32, #tpu.memory_space<vmem>>, vector<16xf32>,
      tpu.vector_store %arg7[%parallel_loop3A_822], %parallel_loop3A_819 {strides = array<i32>} : memref<25600xf32, #tpu.memory_space<vmem>>, vector<16xf32>,
      %parallel_loop3A_824 = arith.divf %parallel_loop3A_679, %parallel_loop3A_721 : vector<16xf32>
      %parallel_loop3A_825 = arith.constant 0.00999999977 : f32
      %parallel_loop3A_826 = vector.broadcast %parallel_loop3A_825 : f32 to vector<16xf32>
      %parallel_loop3A_827 = arith.cmpf ogt, %parallel_loop3A_824, %parallel_loop3A_826 : vector<16xf32>
      %parallel_loop3A_828 = arith.andi %parallel_loop3A_727, %parallel_loop3A_827 : vector<16xi1>
      %parallel_loop3A_829 = arith.constant 0.000000e+00 : f32
      %parallel_loop3A_830 = vector.broadcast %parallel_loop3A_829 : f32 to vector<16xf32>
      %parallel_loop3A_831 = arith.select %parallel_loop3A_828, %parallel_loop3A_824, %parallel_loop3A_830 : vector<16xi1>, vector<16xf32>
      %parallel_loop3A_832 = arith.constant 10240 : i32
      %parallel_loop3A_833 = arith.addi %parallel_loop3A_832, %parallel_loop3A_555 : i32
      %parallel_loop3A_834 = arith.index_cast %parallel_loop3A_833 : i32 to index
      %parallel_loop3A_835 = tpu.vector_load %arg7[%parallel_loop3A_834] {strides = array<i32>} : memref<25600xf32, #tpu.memory_space<vmem>>, vector<16xf32>,
      tpu.vector_store %arg7[%parallel_loop3A_834], %parallel_loop3A_831 {strides = array<i32>} : memref<25600xf32, #tpu.memory_space<vmem>>, vector<16xf32>,
      %parallel_loop3A_836 = arith.divf %parallel_loop3A_681, %parallel_loop3A_721 : vector<16xf32>
      %parallel_loop3A_837 = arith.constant 0.00999999977 : f32
      %parallel_loop3A_838 = vector.broadcast %parallel_loop3A_837 : f32 to vector<16xf32>
      %parallel_loop3A_839 = arith.cmpf ogt, %parallel_loop3A_836, %parallel_loop3A_838 : vector<16xf32>
      %parallel_loop3A_840 = arith.andi %parallel_loop3A_727, %parallel_loop3A_839 : vector<16xi1>
      %parallel_loop3A_841 = arith.constant 0.000000e+00 : f32
      %parallel_loop3A_842 = vector.broadcast %parallel_loop3A_841 : f32 to vector<16xf32>
      %parallel_loop3A_843 = arith.select %parallel_loop3A_840, %parallel_loop3A_836, %parallel_loop3A_842 : vector<16xi1>, vector<16xf32>
      %parallel_loop3A_844 = arith.constant 11520 : i32
      %parallel_loop3A_845 = arith.addi %parallel_loop3A_844, %parallel_loop3A_555 : i32
      %parallel_loop3A_846 = arith.index_cast %parallel_loop3A_845 : i32 to index
      %parallel_loop3A_847 = tpu.vector_load %arg7[%parallel_loop3A_846] {strides = array<i32>} : memref<25600xf32, #tpu.memory_space<vmem>>, vector<16xf32>,
      tpu.vector_store %arg7[%parallel_loop3A_846], %parallel_loop3A_843 {strides = array<i32>} : memref<25600xf32, #tpu.memory_space<vmem>>, vector<16xf32>,
      %parallel_loop3A_848 = arith.divf %parallel_loop3A_683, %parallel_loop3A_721 : vector<16xf32>
      %parallel_loop3A_849 = arith.constant 0.00999999977 : f32
      %parallel_loop3A_850 = vector.broadcast %parallel_loop3A_849 : f32 to vector<16xf32>
      %parallel_loop3A_851 = arith.cmpf ogt, %parallel_loop3A_848, %parallel_loop3A_850 : vector<16xf32>
      %parallel_loop3A_852 = arith.andi %parallel_loop3A_727, %parallel_loop3A_851 : vector<16xi1>
      %parallel_loop3A_853 = arith.constant 0.000000e+00 : f32
      %parallel_loop3A_854 = vector.broadcast %parallel_loop3A_853 : f32 to vector<16xf32>
      %parallel_loop3A_855 = arith.select %parallel_loop3A_852, %parallel_loop3A_848, %parallel_loop3A_854 : vector<16xi1>, vector<16xf32>
      %parallel_loop3A_856 = arith.constant 12800 : i32
      %parallel_loop3A_857 = arith.addi %parallel_loop3A_856, %parallel_loop3A_555 : i32
      %parallel_loop3A_858 = arith.index_cast %parallel_loop3A_857 : i32 to index
      %parallel_loop3A_859 = tpu.vector_load %arg7[%parallel_loop3A_858] {strides = array<i32>} : memref<25600xf32, #tpu.memory_space<vmem>>, vector<16xf32>,
      tpu.vector_store %arg7[%parallel_loop3A_858], %parallel_loop3A_855 {strides = array<i32>} : memref<25600xf32, #tpu.memory_space<vmem>>, vector<16xf32>,
      %parallel_loop3A_860 = arith.divf %parallel_loop3A_685, %parallel_loop3A_721 : vector<16xf32>
      %parallel_loop3A_861 = arith.constant 0.00999999977 : f32
      %parallel_loop3A_862 = vector.broadcast %parallel_loop3A_861 : f32 to vector<16xf32>
      %parallel_loop3A_863 = arith.cmpf ogt, %parallel_loop3A_860, %parallel_loop3A_862 : vector<16xf32>
      %parallel_loop3A_864 = arith.andi %parallel_loop3A_727, %parallel_loop3A_863 : vector<16xi1>
      %parallel_loop3A_865 = arith.constant 0.000000e+00 : f32
      %parallel_loop3A_866 = vector.broadcast %parallel_loop3A_865 : f32 to vector<16xf32>
      %parallel_loop3A_867 = arith.select %parallel_loop3A_864, %parallel_loop3A_860, %parallel_loop3A_866 : vector<16xi1>, vector<16xf32>
      %parallel_loop3A_868 = arith.constant 14080 : i32
      %parallel_loop3A_869 = arith.addi %parallel_loop3A_868, %parallel_loop3A_555 : i32
      %parallel_loop3A_870 = arith.index_cast %parallel_loop3A_869 : i32 to index
      %parallel_loop3A_871 = tpu.vector_load %arg7[%parallel_loop3A_870] {strides = array<i32>} : memref<25600xf32, #tpu.memory_space<vmem>>, vector<16xf32>,
      tpu.vector_store %arg7[%parallel_loop3A_870], %parallel_loop3A_867 {strides = array<i32>} : memref<25600xf32, #tpu.memory_space<vmem>>, vector<16xf32>,
      %parallel_loop3A_872 = arith.divf %parallel_loop3A_687, %parallel_loop3A_721 : vector<16xf32>
      %parallel_loop3A_873 = arith.constant 0.00999999977 : f32
      %parallel_loop3A_874 = vector.broadcast %parallel_loop3A_873 : f32 to vector<16xf32>
      %parallel_loop3A_875 = arith.cmpf ogt, %parallel_loop3A_872, %parallel_loop3A_874 : vector<16xf32>
      %parallel_loop3A_876 = arith.andi %parallel_loop3A_727, %parallel_loop3A_875 : vector<16xi1>
      %parallel_loop3A_877 = arith.constant 0.000000e+00 : f32
      %parallel_loop3A_878 = vector.broadcast %parallel_loop3A_877 : f32 to vector<16xf32>
      %parallel_loop3A_879 = arith.select %parallel_loop3A_876, %parallel_loop3A_872, %parallel_loop3A_878 : vector<16xi1>, vector<16xf32>
      %parallel_loop3A_880 = arith.constant 15360 : i32
      %parallel_loop3A_881 = arith.addi %parallel_loop3A_880, %parallel_loop3A_555 : i32
      %parallel_loop3A_882 = arith.index_cast %parallel_loop3A_881 : i32 to index
      %parallel_loop3A_883 = tpu.vector_load %arg7[%parallel_loop3A_882] {strides = array<i32>} : memref<25600xf32, #tpu.memory_space<vmem>>, vector<16xf32>,
      tpu.vector_store %arg7[%parallel_loop3A_882], %parallel_loop3A_879 {strides = array<i32>} : memref<25600xf32, #tpu.memory_space<vmem>>, vector<16xf32>,
      %parallel_loop3A_884 = arith.divf %parallel_loop3A_689, %parallel_loop3A_721 : vector<16xf32>
      %parallel_loop3A_885 = arith.constant 0.00999999977 : f32
      %parallel_loop3A_886 = vector.broadcast %parallel_loop3A_885 : f32 to vector<16xf32>
      %parallel_loop3A_887 = arith.cmpf ogt, %parallel_loop3A_884, %parallel_loop3A_886 : vector<16xf32>
      %parallel_loop3A_888 = arith.andi %parallel_loop3A_727, %parallel_loop3A_887 : vector<16xi1>
      %parallel_loop3A_889 = arith.constant 0.000000e+00 : f32
      %parallel_loop3A_890 = vector.broadcast %parallel_loop3A_889 : f32 to vector<16xf32>
      %parallel_loop3A_891 = arith.select %parallel_loop3A_888, %parallel_loop3A_884, %parallel_loop3A_890 : vector<16xi1>, vector<16xf32>
      %parallel_loop3A_892 = arith.constant 16640 : i32
      %parallel_loop3A_893 = arith.addi %parallel_loop3A_892, %parallel_loop3A_555 : i32
      %parallel_loop3A_894 = arith.index_cast %parallel_loop3A_893 : i32 to index
      %parallel_loop3A_895 = tpu.vector_load %arg7[%parallel_loop3A_894] {strides = array<i32>} : memref<25600xf32, #tpu.memory_space<vmem>>, vector<16xf32>,
      tpu.vector_store %arg7[%parallel_loop3A_894], %parallel_loop3A_891 {strides = array<i32>} : memref<25600xf32, #tpu.memory_space<vmem>>, vector<16xf32>,
      %parallel_loop3A_896 = arith.divf %parallel_loop3A_691, %parallel_loop3A_721 : vector<16xf32>
      %parallel_loop3A_897 = arith.constant 0.00999999977 : f32
      %parallel_loop3A_898 = vector.broadcast %parallel_loop3A_897 : f32 to vector<16xf32>
      %parallel_loop3A_899 = arith.cmpf ogt, %parallel_loop3A_896, %parallel_loop3A_898 : vector<16xf32>
      %parallel_loop3A_900 = arith.andi %parallel_loop3A_727, %parallel_loop3A_899 : vector<16xi1>
      %parallel_loop3A_901 = arith.constant 0.000000e+00 : f32
      %parallel_loop3A_902 = vector.broadcast %parallel_loop3A_901 : f32 to vector<16xf32>
      %parallel_loop3A_903 = arith.select %parallel_loop3A_900, %parallel_loop3A_896, %parallel_loop3A_902 : vector<16xi1>, vector<16xf32>
      %parallel_loop3A_904 = arith.constant 17920 : i32
      %parallel_loop3A_905 = arith.addi %parallel_loop3A_904, %parallel_loop3A_555 : i32
      %parallel_loop3A_906 = arith.index_cast %parallel_loop3A_905 : i32 to index
      %parallel_loop3A_907 = tpu.vector_load %arg7[%parallel_loop3A_906] {strides = array<i32>} : memref<25600xf32, #tpu.memory_space<vmem>>, vector<16xf32>,
      tpu.vector_store %arg7[%parallel_loop3A_906], %parallel_loop3A_903 {strides = array<i32>} : memref<25600xf32, #tpu.memory_space<vmem>>, vector<16xf32>,
      %parallel_loop3A_908 = arith.divf %parallel_loop3A_693, %parallel_loop3A_721 : vector<16xf32>
      %parallel_loop3A_909 = arith.constant 0.00999999977 : f32
      %parallel_loop3A_910 = vector.broadcast %parallel_loop3A_909 : f32 to vector<16xf32>
      %parallel_loop3A_911 = arith.cmpf ogt, %parallel_loop3A_908, %parallel_loop3A_910 : vector<16xf32>
      %parallel_loop3A_912 = arith.andi %parallel_loop3A_727, %parallel_loop3A_911 : vector<16xi1>
      %parallel_loop3A_913 = arith.constant 0.000000e+00 : f32
      %parallel_loop3A_914 = vector.broadcast %parallel_loop3A_913 : f32 to vector<16xf32>
      %parallel_loop3A_915 = arith.select %parallel_loop3A_912, %parallel_loop3A_908, %parallel_loop3A_914 : vector<16xi1>, vector<16xf32>
      %parallel_loop3A_916 = arith.constant 19200 : i32
      %parallel_loop3A_917 = arith.addi %parallel_loop3A_916, %parallel_loop3A_555 : i32
      %parallel_loop3A_918 = arith.index_cast %parallel_loop3A_917 : i32 to index
      %parallel_loop3A_919 = tpu.vector_load %arg7[%parallel_loop3A_918] {strides = array<i32>} : memref<25600xf32, #tpu.memory_space<vmem>>, vector<16xf32>,
      tpu.vector_store %arg7[%parallel_loop3A_918], %parallel_loop3A_915 {strides = array<i32>} : memref<25600xf32, #tpu.memory_space<vmem>>, vector<16xf32>,
      %parallel_loop3A_920 = arith.divf %parallel_loop3A_695, %parallel_loop3A_721 : vector<16xf32>
      %parallel_loop3A_921 = arith.constant 0.00999999977 : f32
      %parallel_loop3A_922 = vector.broadcast %parallel_loop3A_921 : f32 to vector<16xf32>
      %parallel_loop3A_923 = arith.cmpf ogt, %parallel_loop3A_920, %parallel_loop3A_922 : vector<16xf32>
      %parallel_loop3A_924 = arith.andi %parallel_loop3A_727, %parallel_loop3A_923 : vector<16xi1>
      %parallel_loop3A_925 = arith.constant 0.000000e+00 : f32
      %parallel_loop3A_926 = vector.broadcast %parallel_loop3A_925 : f32 to vector<16xf32>
      %parallel_loop3A_927 = arith.select %parallel_loop3A_924, %parallel_loop3A_920, %parallel_loop3A_926 : vector<16xi1>, vector<16xf32>
      %parallel_loop3A_928 = arith.constant 20480 : i32
      %parallel_loop3A_929 = arith.addi %parallel_loop3A_928, %parallel_loop3A_555 : i32
      %parallel_loop3A_930 = arith.index_cast %parallel_loop3A_929 : i32 to index
      %parallel_loop3A_931 = tpu.vector_load %arg7[%parallel_loop3A_930] {strides = array<i32>} : memref<25600xf32, #tpu.memory_space<vmem>>, vector<16xf32>,
      tpu.vector_store %arg7[%parallel_loop3A_930], %parallel_loop3A_927 {strides = array<i32>} : memref<25600xf32, #tpu.memory_space<vmem>>, vector<16xf32>,
      %parallel_loop3A_932 = arith.divf %parallel_loop3A_697, %parallel_loop3A_721 : vector<16xf32>
      %parallel_loop3A_933 = arith.constant 0.00999999977 : f32
      %parallel_loop3A_934 = vector.broadcast %parallel_loop3A_933 : f32 to vector<16xf32>
      %parallel_loop3A_935 = arith.cmpf ogt, %parallel_loop3A_932, %parallel_loop3A_934 : vector<16xf32>
      %parallel_loop3A_936 = arith.andi %parallel_loop3A_727, %parallel_loop3A_935 : vector<16xi1>
      %parallel_loop3A_937 = arith.constant 0.000000e+00 : f32
      %parallel_loop3A_938 = vector.broadcast %parallel_loop3A_937 : f32 to vector<16xf32>
      %parallel_loop3A_939 = arith.select %parallel_loop3A_936, %parallel_loop3A_932, %parallel_loop3A_938 : vector<16xi1>, vector<16xf32>
      %parallel_loop3A_940 = arith.constant 21760 : i32
      %parallel_loop3A_941 = arith.addi %parallel_loop3A_940, %parallel_loop3A_555 : i32
      %parallel_loop3A_942 = arith.index_cast %parallel_loop3A_941 : i32 to index
      %parallel_loop3A_943 = tpu.vector_load %arg7[%parallel_loop3A_942] {strides = array<i32>} : memref<25600xf32, #tpu.memory_space<vmem>>, vector<16xf32>,
      tpu.vector_store %arg7[%parallel_loop3A_942], %parallel_loop3A_939 {strides = array<i32>} : memref<25600xf32, #tpu.memory_space<vmem>>, vector<16xf32>,
      %parallel_loop3A_944 = arith.divf %parallel_loop3A_699, %parallel_loop3A_721 : vector<16xf32>
      %parallel_loop3A_945 = arith.constant 0.00999999977 : f32
      %parallel_loop3A_946 = vector.broadcast %parallel_loop3A_945 : f32 to vector<16xf32>
      %parallel_loop3A_947 = arith.cmpf ogt, %parallel_loop3A_944, %parallel_loop3A_946 : vector<16xf32>
      %parallel_loop3A_948 = arith.andi %parallel_loop3A_727, %parallel_loop3A_947 : vector<16xi1>
      %parallel_loop3A_949 = arith.constant 0.000000e+00 : f32
      %parallel_loop3A_950 = vector.broadcast %parallel_loop3A_949 : f32 to vector<16xf32>
      %parallel_loop3A_951 = arith.select %parallel_loop3A_948, %parallel_loop3A_944, %parallel_loop3A_950 : vector<16xi1>, vector<16xf32>
      %parallel_loop3A_952 = arith.constant 23040 : i32
      %parallel_loop3A_953 = arith.addi %parallel_loop3A_952, %parallel_loop3A_555 : i32
      %parallel_loop3A_954 = arith.index_cast %parallel_loop3A_953 : i32 to index
      %parallel_loop3A_955 = tpu.vector_load %arg7[%parallel_loop3A_954] {strides = array<i32>} : memref<25600xf32, #tpu.memory_space<vmem>>, vector<16xf32>,
      tpu.vector_store %arg7[%parallel_loop3A_954], %parallel_loop3A_951 {strides = array<i32>} : memref<25600xf32, #tpu.memory_space<vmem>>, vector<16xf32>,
      %parallel_loop3A_956 = arith.divf %parallel_loop3A_701, %parallel_loop3A_721 : vector<16xf32>
      %parallel_loop3A_957 = arith.constant 0.00999999977 : f32
      %parallel_loop3A_958 = vector.broadcast %parallel_loop3A_957 : f32 to vector<16xf32>
      %parallel_loop3A_959 = arith.cmpf ogt, %parallel_loop3A_956, %parallel_loop3A_958 : vector<16xf32>
      %parallel_loop3A_960 = arith.andi %parallel_loop3A_727, %parallel_loop3A_959 : vector<16xi1>
      %parallel_loop3A_961 = arith.constant 0.000000e+00 : f32
      %parallel_loop3A_962 = vector.broadcast %parallel_loop3A_961 : f32 to vector<16xf32>
      %parallel_loop3A_963 = arith.select %parallel_loop3A_960, %parallel_loop3A_956, %parallel_loop3A_962 : vector<16xi1>, vector<16xf32>
      %parallel_loop3A_964 = arith.constant 24320 : i32
      %parallel_loop3A_965 = arith.addi %parallel_loop3A_964, %parallel_loop3A_555 : i32
      %parallel_loop3A_966 = arith.index_cast %parallel_loop3A_965 : i32 to index
      %parallel_loop3A_967 = tpu.vector_load %arg7[%parallel_loop3A_966] {strides = array<i32>} : memref<25600xf32, #tpu.memory_space<vmem>>, vector<16xf32>,
      tpu.vector_store %arg7[%parallel_loop3A_966], %parallel_loop3A_963 {strides = array<i32>} : memref<25600xf32, #tpu.memory_space<vmem>>, vector<16xf32>,
      %parallel_loop3A_968 = arith.constant 26880 : i32
      %parallel_loop3A_969 = arith.addi %parallel_loop3A_968, %parallel_loop3A_555 : i32
      %parallel_loop3A_970 = arith.index_cast %parallel_loop3A_969 : i32 to index
      %parallel_loop3A_971 = tpu.vector_load %arg6[%parallel_loop3A_970] {strides = array<i32>} : memref<37120xf32, #tpu.memory_space<vmem>>, vector<16xf32>,
      %parallel_loop3A_972 = arith.constant 28160 : i32
      %parallel_loop3A_973 = arith.addi %parallel_loop3A_972, %parallel_loop3A_555 : i32
      %parallel_loop3A_974 = arith.index_cast %parallel_loop3A_973 : i32 to index
      %parallel_loop3A_975 = tpu.vector_load %arg6[%parallel_loop3A_974] {strides = array<i32>} : memref<37120xf32, #tpu.memory_space<vmem>>, vector<16xf32>,
      %parallel_loop3A_976 = arith.constant 29440 : i32
      %parallel_loop3A_977 = arith.addi %parallel_loop3A_976, %parallel_loop3A_555 : i32
      %parallel_loop3A_978 = arith.index_cast %parallel_loop3A_977 : i32 to index
      %parallel_loop3A_979 = tpu.vector_load %arg6[%parallel_loop3A_978] {strides = array<i32>} : memref<37120xf32, #tpu.memory_space<vmem>>, vector<16xf32>,
      %parallel_loop3A_980 = arith.constant 30720 : i32
      %parallel_loop3A_981 = arith.addi %parallel_loop3A_980, %parallel_loop3A_555 : i32
      %parallel_loop3A_982 = arith.index_cast %parallel_loop3A_981 : i32 to index
      %parallel_loop3A_983 = tpu.vector_load %arg6[%parallel_loop3A_982] {strides = array<i32>} : memref<37120xf32, #tpu.memory_space<vmem>>, vector<16xf32>,
      %parallel_loop3A_984 = arith.constant 32000 : i32
      %parallel_loop3A_985 = arith.addi %parallel_loop3A_984, %parallel_loop3A_555 : i32
      %parallel_loop3A_986 = arith.index_cast %parallel_loop3A_985 : i32 to index
      %parallel_loop3A_987 = tpu.vector_load %arg6[%parallel_loop3A_986] {strides = array<i32>} : memref<37120xf32, #tpu.memory_space<vmem>>, vector<16xf32>,
      %parallel_loop3A_988 = arith.constant 33280 : i32
      %parallel_loop3A_989 = arith.addi %parallel_loop3A_988, %parallel_loop3A_555 : i32
      %parallel_loop3A_990 = arith.index_cast %parallel_loop3A_989 : i32 to index
      %parallel_loop3A_991 = tpu.vector_load %arg6[%parallel_loop3A_990] {strides = array<i32>} : memref<37120xf32, #tpu.memory_space<vmem>>, vector<16xf32>,
      %parallel_loop3A_992 = arith.constant 34560 : i32
      %parallel_loop3A_993 = arith.addi %parallel_loop3A_992, %parallel_loop3A_555 : i32
      %parallel_loop3A_994 = arith.index_cast %parallel_loop3A_993 : i32 to index
      %parallel_loop3A_995 = tpu.vector_load %arg6[%parallel_loop3A_994] {strides = array<i32>} : memref<37120xf32, #tpu.memory_space<vmem>>, vector<16xf32>,
      %parallel_loop3A_996 = arith.constant 35840 : i32
      %parallel_loop3A_997 = arith.addi %parallel_loop3A_996, %parallel_loop3A_555 : i32
      %parallel_loop3A_998 = arith.index_cast %parallel_loop3A_997 : i32 to index
      %parallel_loop3A_999 = tpu.vector_load %arg6[%parallel_loop3A_998] {strides = array<i32>} : memref<37120xf32, #tpu.memory_space<vmem>>, vector<16xf32>,
      %parallel_loop3A_1000 = arith.constant 1.000000e-01 : f32
      %parallel_loop3A_1001 = vector.broadcast %parallel_loop3A_1000 : f32 to vector<16xf32>
      %parallel_loop3A_1002 = arith.mulf %parallel_loop3A_971, %parallel_loop3A_1001 : vector<16xf32>
      %parallel_loop3A_1003 = arith.mulf %parallel_loop3A_1002, %parallel_loop3A_995 : vector<16xf32>
      %parallel_loop3A_1004 = arith.addf %parallel_loop3A_1003, %parallel_loop3A_987 : vector<16xf32>
      %parallel_loop3A_1005 = arith.constant 1.000000e-01 : f32
      %parallel_loop3A_1006 = vector.broadcast %parallel_loop3A_1005 : f32 to vector<16xf32>
      %parallel_loop3A_1007 = arith.mulf %parallel_loop3A_975, %parallel_loop3A_1006 : vector<16xf32>
      %parallel_loop3A_1008 = arith.mulf %parallel_loop3A_1007, %parallel_loop3A_999 : vector<16xf32>
      %parallel_loop3A_1009 = arith.addf %parallel_loop3A_1008, %parallel_loop3A_991 : vector<16xf32>
      %parallel_loop3A_1010 = arith.constant 2.000000e-01 : f32
      %parallel_loop3A_1011 = vector.broadcast %parallel_loop3A_1010 : f32 to vector<16xf32>
      %parallel_loop3A_1012 = arith.mulf %parallel_loop3A_979, %parallel_loop3A_1011 : vector<16xf32>
      %parallel_loop3A_1013 = math.exp %parallel_loop3A_1012 : vector<16xf32>
      %parallel_loop3A_1014 = arith.mulf %parallel_loop3A_1013, %parallel_loop3A_995 : vector<16xf32>
      %parallel_loop3A_1015 = arith.constant 2.000000e-01 : f32
      %parallel_loop3A_1016 = vector.broadcast %parallel_loop3A_1015 : f32 to vector<16xf32>
      %parallel_loop3A_1017 = arith.mulf %parallel_loop3A_983, %parallel_loop3A_1016 : vector<16xf32>
      %parallel_loop3A_1018 = math.exp %parallel_loop3A_1017 : vector<16xf32>
      %parallel_loop3A_1019 = arith.mulf %parallel_loop3A_1018, %parallel_loop3A_999 : vector<16xf32>
      %parallel_loop3A_1020 = arith.constant 2.000000e+00 : f32
      %parallel_loop3A_1021 = vector.broadcast %parallel_loop3A_1020 : f32 to vector<16xf32>
      %parallel_loop3A_1022 = arith.divf %parallel_loop3A_1014, %parallel_loop3A_1021 : vector<16xf32>
      %parallel_loop3A_1023 = arith.subf %parallel_loop3A_1004, %parallel_loop3A_1022 : vector<16xf32>
      %parallel_loop3A_1024 = arith.constant 2.000000e+00 : f32
      %parallel_loop3A_1025 = vector.broadcast %parallel_loop3A_1024 : f32 to vector<16xf32>
      %parallel_loop3A_1026 = arith.divf %parallel_loop3A_1019, %parallel_loop3A_1025 : vector<16xf32>
      %parallel_loop3A_1027 = arith.subf %parallel_loop3A_1009, %parallel_loop3A_1026 : vector<16xf32>
      %parallel_loop3A_1028 = arith.constant 2.000000e+00 : f32
      %parallel_loop3A_1029 = vector.broadcast %parallel_loop3A_1028 : f32 to vector<16xf32>
      %parallel_loop3A_1030 = arith.divf %parallel_loop3A_1014, %parallel_loop3A_1029 : vector<16xf32>
      %parallel_loop3A_1031 = arith.addf %parallel_loop3A_1004, %parallel_loop3A_1030 : vector<16xf32>
      %parallel_loop3A_1032 = arith.constant 2.000000e+00 : f32
      %parallel_loop3A_1033 = vector.broadcast %parallel_loop3A_1032 : f32 to vector<16xf32>
      %parallel_loop3A_1034 = arith.divf %parallel_loop3A_1019, %parallel_loop3A_1033 : vector<16xf32>
      %parallel_loop3A_1035 = arith.addf %parallel_loop3A_1009, %parallel_loop3A_1034 : vector<16xf32>
      %parallel_loop3A_1036 = arith.constant 0 : i32
      %parallel_loop3A_1037 = arith.addi %parallel_loop3A_1036, %parallel_loop3A_555 : i32
      %parallel_loop3A_1038 = arith.index_cast %parallel_loop3A_1037 : i32 to index
      %parallel_loop3A_1039 = tpu.vector_load %arg8[%parallel_loop3A_1038] {strides = array<i32>} : memref<5120xf32, #tpu.memory_space<vmem>>, vector<16xf32>,
      tpu.vector_store %arg8[%parallel_loop3A_1038], %parallel_loop3A_1023 {strides = array<i32>} : memref<5120xf32, #tpu.memory_space<vmem>>, vector<16xf32>,
      %parallel_loop3A_1040 = arith.constant 1280 : i32
      %parallel_loop3A_1041 = arith.addi %parallel_loop3A_1040, %parallel_loop3A_555 : i32
      %parallel_loop3A_1042 = arith.index_cast %parallel_loop3A_1041 : i32 to index
      %parallel_loop3A_1043 = tpu.vector_load %arg8[%parallel_loop3A_1042] {strides = array<i32>} : memref<5120xf32, #tpu.memory_space<vmem>>, vector<16xf32>,
      tpu.vector_store %arg8[%parallel_loop3A_1042], %parallel_loop3A_1027 {strides = array<i32>} : memref<5120xf32, #tpu.memory_space<vmem>>, vector<16xf32>,
      %parallel_loop3A_1044 = arith.constant 2560 : i32
      %parallel_loop3A_1045 = arith.addi %parallel_loop3A_1044, %parallel_loop3A_555 : i32
      %parallel_loop3A_1046 = arith.index_cast %parallel_loop3A_1045 : i32 to index
      %parallel_loop3A_1047 = tpu.vector_load %arg8[%parallel_loop3A_1046] {strides = array<i32>} : memref<5120xf32, #tpu.memory_space<vmem>>, vector<16xf32>,
      tpu.vector_store %arg8[%parallel_loop3A_1046], %parallel_loop3A_1031 {strides = array<i32>} : memref<5120xf32, #tpu.memory_space<vmem>>, vector<16xf32>,
      %parallel_loop3A_1048 = arith.constant 3840 : i32
      %parallel_loop3A_1049 = arith.addi %parallel_loop3A_1048, %parallel_loop3A_555 : i32
      %parallel_loop3A_1050 = arith.index_cast %parallel_loop3A_1049 : i32 to index
      %parallel_loop3A_1051 = tpu.vector_load %arg8[%parallel_loop3A_1050] {strides = array<i32>} : memref<5120xf32, #tpu.memory_space<vmem>>, vector<16xf32>,
      tpu.vector_store %arg8[%parallel_loop3A_1050], %parallel_loop3A_1035 {strides = array<i32>} : memref<5120xf32, #tpu.memory_space<vmem>>, vector<16xf32>,
      %parallel_loop3A_1052 = arith.constant 4.000000e+00 : f32
      %parallel_loop3A_1053 = vector.broadcast %parallel_loop3A_1052 : f32 to vector<16xf32>
      %parallel_loop3A_1054 = arith.addf %parallel_loop3A_1031, %parallel_loop3A_1053 : vector<16xf32>
      %parallel_loop3A_1055 = arith.constant 4.000000e+00 : f32
      %parallel_loop3A_1056 = vector.broadcast %parallel_loop3A_1055 : f32 to vector<16xf32>
      %parallel_loop3A_1057 = arith.addf %parallel_loop3A_1023, %parallel_loop3A_1056 : vector<16xf32>
      %parallel_loop3A_1058 = arith.subf %parallel_loop3A_1054, %parallel_loop3A_1057 : vector<16xf32>
      %parallel_loop3A_1059 = arith.constant 0.000000e+00 : f32
      %parallel_loop3A_1060 = vector.broadcast %parallel_loop3A_1059 : f32 to vector<16xf32>
      %parallel_loop3A_1061 = arith.maximumf %parallel_loop3A_1058, %parallel_loop3A_1060 : vector<16xf32>
      %parallel_loop3A_1062 = arith.constant 4.000000e+00 : f32
      %parallel_loop3A_1063 = vector.broadcast %parallel_loop3A_1062 : f32 to vector<16xf32>
      %parallel_loop3A_1064 = arith.addf %parallel_loop3A_1035, %parallel_loop3A_1063 : vector<16xf32>
      %parallel_loop3A_1065 = arith.constant 4.000000e+00 : f32
      %parallel_loop3A_1066 = vector.broadcast %parallel_loop3A_1065 : f32 to vector<16xf32>
      %parallel_loop3A_1067 = arith.addf %parallel_loop3A_1027, %parallel_loop3A_1066 : vector<16xf32>
      %parallel_loop3A_1068 = arith.subf %parallel_loop3A_1064, %parallel_loop3A_1067 : vector<16xf32>
      %parallel_loop3A_1069 = arith.constant 0.000000e+00 : f32
      %parallel_loop3A_1070 = vector.broadcast %parallel_loop3A_1069 : f32 to vector<16xf32>
      %parallel_loop3A_1071 = arith.maximumf %parallel_loop3A_1068, %parallel_loop3A_1070 : vector<16xf32>
      %parallel_loop3A_1072 = arith.mulf %parallel_loop3A_1061, %parallel_loop3A_1071 : vector<16xf32>
      %parallel_loop3A_1073 = arith.constant 0 : i32
      %parallel_loop3A_1074 = arith.addi %parallel_loop3A_1073, %parallel_loop3A_555 : i32
      %parallel_loop3A_1075 = arith.index_cast %parallel_loop3A_1074 : i32 to index
      %parallel_loop3A_1076 = tpu.vector_load %arg9[%parallel_loop3A_1075] {strides = array<i32>} : memref<25600xf32, #tpu.memory_space<vmem>>, vector<16xf32>,
      tpu.vector_store %arg9[%parallel_loop3A_1075], %parallel_loop3A_1072 {strides = array<i32>} : memref<25600xf32, #tpu.memory_space<vmem>>, vector<16xf32>,
      %parallel_loop3A_1077 = arith.constant 8.000000e+00 : f32
      %parallel_loop3A_1078 = vector.broadcast %parallel_loop3A_1077 : f32 to vector<16xf32>
      %parallel_loop3A_1079 = arith.addf %parallel_loop3A_1031, %parallel_loop3A_1078 : vector<16xf32>
      %parallel_loop3A_1080 = arith.constant 8.000000e+00 : f32
      %parallel_loop3A_1081 = vector.broadcast %parallel_loop3A_1080 : f32 to vector<16xf32>
      %parallel_loop3A_1082 = arith.addf %parallel_loop3A_1023, %parallel_loop3A_1081 : vector<16xf32>
      %parallel_loop3A_1083 = arith.subf %parallel_loop3A_1079, %parallel_loop3A_1082 : vector<16xf32>
      %parallel_loop3A_1084 = arith.constant 0.000000e+00 : f32
      %parallel_loop3A_1085 = vector.broadcast %parallel_loop3A_1084 : f32 to vector<16xf32>
      %parallel_loop3A_1086 = arith.maximumf %parallel_loop3A_1083, %parallel_loop3A_1085 : vector<16xf32>
      %parallel_loop3A_1087 = arith.constant 8.000000e+00 : f32
      %parallel_loop3A_1088 = vector.broadcast %parallel_loop3A_1087 : f32 to vector<16xf32>
      %parallel_loop3A_1089 = arith.addf %parallel_loop3A_1035, %parallel_loop3A_1088 : vector<16xf32>
      %parallel_loop3A_1090 = arith.constant 8.000000e+00 : f32
      %parallel_loop3A_1091 = vector.broadcast %parallel_loop3A_1090 : f32 to vector<16xf32>
      %parallel_loop3A_1092 = arith.addf %parallel_loop3A_1027, %parallel_loop3A_1091 : vector<16xf32>
      %parallel_loop3A_1093 = arith.subf %parallel_loop3A_1089, %parallel_loop3A_1092 : vector<16xf32>
      %parallel_loop3A_1094 = arith.constant 0.000000e+00 : f32
      %parallel_loop3A_1095 = vector.broadcast %parallel_loop3A_1094 : f32 to vector<16xf32>
      %parallel_loop3A_1096 = arith.maximumf %parallel_loop3A_1093, %parallel_loop3A_1095 : vector<16xf32>
      %parallel_loop3A_1097 = arith.mulf %parallel_loop3A_1086, %parallel_loop3A_1096 : vector<16xf32>
      %parallel_loop3A_1098 = arith.constant 1280 : i32
      %parallel_loop3A_1099 = arith.addi %parallel_loop3A_1098, %parallel_loop3A_555 : i32
      %parallel_loop3A_1100 = arith.index_cast %parallel_loop3A_1099 : i32 to index
      %parallel_loop3A_1101 = tpu.vector_load %arg9[%parallel_loop3A_1100] {strides = array<i32>} : memref<25600xf32, #tpu.memory_space<vmem>>, vector<16xf32>,
      tpu.vector_store %arg9[%parallel_loop3A_1100], %parallel_loop3A_1097 {strides = array<i32>} : memref<25600xf32, #tpu.memory_space<vmem>>, vector<16xf32>,
      %parallel_loop3A_1102 = arith.constant 1.200000e+01 : f32
      %parallel_loop3A_1103 = vector.broadcast %parallel_loop3A_1102 : f32 to vector<16xf32>
      %parallel_loop3A_1104 = arith.addf %parallel_loop3A_1031, %parallel_loop3A_1103 : vector<16xf32>
      %parallel_loop3A_1105 = arith.constant 1.200000e+01 : f32
      %parallel_loop3A_1106 = vector.broadcast %parallel_loop3A_1105 : f32 to vector<16xf32>
      %parallel_loop3A_1107 = arith.addf %parallel_loop3A_1023, %parallel_loop3A_1106 : vector<16xf32>
      %parallel_loop3A_1108 = arith.subf %parallel_loop3A_1104, %parallel_loop3A_1107 : vector<16xf32>
      %parallel_loop3A_1109 = arith.constant 0.000000e+00 : f32
      %parallel_loop3A_1110 = vector.broadcast %parallel_loop3A_1109 : f32 to vector<16xf32>
      %parallel_loop3A_1111 = arith.maximumf %parallel_loop3A_1108, %parallel_loop3A_1110 : vector<16xf32>
      %parallel_loop3A_1112 = arith.constant 1.200000e+01 : f32
      %parallel_loop3A_1113 = vector.broadcast %parallel_loop3A_1112 : f32 to vector<16xf32>
      %parallel_loop3A_1114 = arith.addf %parallel_loop3A_1035, %parallel_loop3A_1113 : vector<16xf32>
      %parallel_loop3A_1115 = arith.constant 1.200000e+01 : f32
      %parallel_loop3A_1116 = vector.broadcast %parallel_loop3A_1115 : f32 to vector<16xf32>
      %parallel_loop3A_1117 = arith.addf %parallel_loop3A_1027, %parallel_loop3A_1116 : vector<16xf32>
      %parallel_loop3A_1118 = arith.subf %parallel_loop3A_1114, %parallel_loop3A_1117 : vector<16xf32>
      %parallel_loop3A_1119 = arith.constant 0.000000e+00 : f32
      %parallel_loop3A_1120 = vector.broadcast %parallel_loop3A_1119 : f32 to vector<16xf32>
      %parallel_loop3A_1121 = arith.maximumf %parallel_loop3A_1118, %parallel_loop3A_1120 : vector<16xf32>
      %parallel_loop3A_1122 = arith.mulf %parallel_loop3A_1111, %parallel_loop3A_1121 : vector<16xf32>
      %parallel_loop3A_1123 = arith.constant 2560 : i32
      %parallel_loop3A_1124 = arith.addi %parallel_loop3A_1123, %parallel_loop3A_555 : i32
      %parallel_loop3A_1125 = arith.index_cast %parallel_loop3A_1124 : i32 to index
      %parallel_loop3A_1126 = tpu.vector_load %arg9[%parallel_loop3A_1125] {strides = array<i32>} : memref<25600xf32, #tpu.memory_space<vmem>>, vector<16xf32>,
      tpu.vector_store %arg9[%parallel_loop3A_1125], %parallel_loop3A_1122 {strides = array<i32>} : memref<25600xf32, #tpu.memory_space<vmem>>, vector<16xf32>,
      %parallel_loop3A_1127 = arith.constant 1.600000e+01 : f32
      %parallel_loop3A_1128 = vector.broadcast %parallel_loop3A_1127 : f32 to vector<16xf32>
      %parallel_loop3A_1129 = arith.addf %parallel_loop3A_1031, %parallel_loop3A_1128 : vector<16xf32>
      %parallel_loop3A_1130 = arith.constant 1.600000e+01 : f32
      %parallel_loop3A_1131 = vector.broadcast %parallel_loop3A_1130 : f32 to vector<16xf32>
      %parallel_loop3A_1132 = arith.addf %parallel_loop3A_1023, %parallel_loop3A_1131 : vector<16xf32>
      %parallel_loop3A_1133 = arith.subf %parallel_loop3A_1129, %parallel_loop3A_1132 : vector<16xf32>
      %parallel_loop3A_1134 = arith.constant 0.000000e+00 : f32
      %parallel_loop3A_1135 = vector.broadcast %parallel_loop3A_1134 : f32 to vector<16xf32>
      %parallel_loop3A_1136 = arith.maximumf %parallel_loop3A_1133, %parallel_loop3A_1135 : vector<16xf32>
      %parallel_loop3A_1137 = arith.constant 1.600000e+01 : f32
      %parallel_loop3A_1138 = vector.broadcast %parallel_loop3A_1137 : f32 to vector<16xf32>
      %parallel_loop3A_1139 = arith.addf %parallel_loop3A_1035, %parallel_loop3A_1138 : vector<16xf32>
      %parallel_loop3A_1140 = arith.constant 1.600000e+01 : f32
      %parallel_loop3A_1141 = vector.broadcast %parallel_loop3A_1140 : f32 to vector<16xf32>
      %parallel_loop3A_1142 = arith.addf %parallel_loop3A_1027, %parallel_loop3A_1141 : vector<16xf32>
      %parallel_loop3A_1143 = arith.subf %parallel_loop3A_1139, %parallel_loop3A_1142 : vector<16xf32>
      %parallel_loop3A_1144 = arith.constant 0.000000e+00 : f32
      %parallel_loop3A_1145 = vector.broadcast %parallel_loop3A_1144 : f32 to vector<16xf32>
      %parallel_loop3A_1146 = arith.maximumf %parallel_loop3A_1143, %parallel_loop3A_1145 : vector<16xf32>
      %parallel_loop3A_1147 = arith.mulf %parallel_loop3A_1136, %parallel_loop3A_1146 : vector<16xf32>
      %parallel_loop3A_1148 = arith.constant 3840 : i32
      %parallel_loop3A_1149 = arith.addi %parallel_loop3A_1148, %parallel_loop3A_555 : i32
      %parallel_loop3A_1150 = arith.index_cast %parallel_loop3A_1149 : i32 to index
      %parallel_loop3A_1151 = tpu.vector_load %arg9[%parallel_loop3A_1150] {strides = array<i32>} : memref<25600xf32, #tpu.memory_space<vmem>>, vector<16xf32>,
      tpu.vector_store %arg9[%parallel_loop3A_1150], %parallel_loop3A_1147 {strides = array<i32>} : memref<25600xf32, #tpu.memory_space<vmem>>, vector<16xf32>,
      %parallel_loop3A_1152 = arith.constant 2.000000e+01 : f32
      %parallel_loop3A_1153 = vector.broadcast %parallel_loop3A_1152 : f32 to vector<16xf32>
      %parallel_loop3A_1154 = arith.addf %parallel_loop3A_1031, %parallel_loop3A_1153 : vector<16xf32>
      %parallel_loop3A_1155 = arith.constant 2.000000e+01 : f32
      %parallel_loop3A_1156 = vector.broadcast %parallel_loop3A_1155 : f32 to vector<16xf32>
      %parallel_loop3A_1157 = arith.addf %parallel_loop3A_1023, %parallel_loop3A_1156 : vector<16xf32>
      %parallel_loop3A_1158 = arith.subf %parallel_loop3A_1154, %parallel_loop3A_1157 : vector<16xf32>
      %parallel_loop3A_1159 = arith.constant 0.000000e+00 : f32
      %parallel_loop3A_1160 = vector.broadcast %parallel_loop3A_1159 : f32 to vector<16xf32>
      %parallel_loop3A_1161 = arith.maximumf %parallel_loop3A_1158, %parallel_loop3A_1160 : vector<16xf32>
      %parallel_loop3A_1162 = arith.constant 2.000000e+01 : f32
      %parallel_loop3A_1163 = vector.broadcast %parallel_loop3A_1162 : f32 to vector<16xf32>
      %parallel_loop3A_1164 = arith.addf %parallel_loop3A_1035, %parallel_loop3A_1163 : vector<16xf32>
      %parallel_loop3A_1165 = arith.constant 2.000000e+01 : f32
      %parallel_loop3A_1166 = vector.broadcast %parallel_loop3A_1165 : f32 to vector<16xf32>
      %parallel_loop3A_1167 = arith.addf %parallel_loop3A_1027, %parallel_loop3A_1166 : vector<16xf32>
      %parallel_loop3A_1168 = arith.subf %parallel_loop3A_1164, %parallel_loop3A_1167 : vector<16xf32>
      %parallel_loop3A_1169 = arith.constant 0.000000e+00 : f32
      %parallel_loop3A_1170 = vector.broadcast %parallel_loop3A_1169 : f32 to vector<16xf32>
      %parallel_loop3A_1171 = arith.maximumf %parallel_loop3A_1168, %parallel_loop3A_1170 : vector<16xf32>
      %parallel_loop3A_1172 = arith.mulf %parallel_loop3A_1161, %parallel_loop3A_1171 : vector<16xf32>
      %parallel_loop3A_1173 = arith.constant 5120 : i32
      %parallel_loop3A_1174 = arith.addi %parallel_loop3A_1173, %parallel_loop3A_555 : i32
      %parallel_loop3A_1175 = arith.index_cast %parallel_loop3A_1174 : i32 to index
      %parallel_loop3A_1176 = tpu.vector_load %arg9[%parallel_loop3A_1175] {strides = array<i32>} : memref<25600xf32, #tpu.memory_space<vmem>>, vector<16xf32>,
      tpu.vector_store %arg9[%parallel_loop3A_1175], %parallel_loop3A_1172 {strides = array<i32>} : memref<25600xf32, #tpu.memory_space<vmem>>, vector<16xf32>,
      %parallel_loop3A_1177 = arith.constant 2.400000e+01 : f32
      %parallel_loop3A_1178 = vector.broadcast %parallel_loop3A_1177 : f32 to vector<16xf32>
      %parallel_loop3A_1179 = arith.addf %parallel_loop3A_1031, %parallel_loop3A_1178 : vector<16xf32>
      %parallel_loop3A_1180 = arith.constant 2.400000e+01 : f32
      %parallel_loop3A_1181 = vector.broadcast %parallel_loop3A_1180 : f32 to vector<16xf32>
      %parallel_loop3A_1182 = arith.addf %parallel_loop3A_1023, %parallel_loop3A_1181 : vector<16xf32>
      %parallel_loop3A_1183 = arith.subf %parallel_loop3A_1179, %parallel_loop3A_1182 : vector<16xf32>
      %parallel_loop3A_1184 = arith.constant 0.000000e+00 : f32
      %parallel_loop3A_1185 = vector.broadcast %parallel_loop3A_1184 : f32 to vector<16xf32>
      %parallel_loop3A_1186 = arith.maximumf %parallel_loop3A_1183, %parallel_loop3A_1185 : vector<16xf32>
      %parallel_loop3A_1187 = arith.constant 2.400000e+01 : f32
      %parallel_loop3A_1188 = vector.broadcast %parallel_loop3A_1187 : f32 to vector<16xf32>
      %parallel_loop3A_1189 = arith.addf %parallel_loop3A_1035, %parallel_loop3A_1188 : vector<16xf32>
      %parallel_loop3A_1190 = arith.constant 2.400000e+01 : f32
      %parallel_loop3A_1191 = vector.broadcast %parallel_loop3A_1190 : f32 to vector<16xf32>
      %parallel_loop3A_1192 = arith.addf %parallel_loop3A_1027, %parallel_loop3A_1191 : vector<16xf32>
      %parallel_loop3A_1193 = arith.subf %parallel_loop3A_1189, %parallel_loop3A_1192 : vector<16xf32>
      %parallel_loop3A_1194 = arith.constant 0.000000e+00 : f32
      %parallel_loop3A_1195 = vector.broadcast %parallel_loop3A_1194 : f32 to vector<16xf32>
      %parallel_loop3A_1196 = arith.maximumf %parallel_loop3A_1193, %parallel_loop3A_1195 : vector<16xf32>
      %parallel_loop3A_1197 = arith.mulf %parallel_loop3A_1186, %parallel_loop3A_1196 : vector<16xf32>
      %parallel_loop3A_1198 = arith.constant 6400 : i32
      %parallel_loop3A_1199 = arith.addi %parallel_loop3A_1198, %parallel_loop3A_555 : i32
      %parallel_loop3A_1200 = arith.index_cast %parallel_loop3A_1199 : i32 to index
      %parallel_loop3A_1201 = tpu.vector_load %arg9[%parallel_loop3A_1200] {strides = array<i32>} : memref<25600xf32, #tpu.memory_space<vmem>>, vector<16xf32>,
      tpu.vector_store %arg9[%parallel_loop3A_1200], %parallel_loop3A_1197 {strides = array<i32>} : memref<25600xf32, #tpu.memory_space<vmem>>, vector<16xf32>,
      %parallel_loop3A_1202 = arith.constant 2.800000e+01 : f32
      %parallel_loop3A_1203 = vector.broadcast %parallel_loop3A_1202 : f32 to vector<16xf32>
      %parallel_loop3A_1204 = arith.addf %parallel_loop3A_1031, %parallel_loop3A_1203 : vector<16xf32>
      %parallel_loop3A_1205 = arith.constant 2.800000e+01 : f32
      %parallel_loop3A_1206 = vector.broadcast %parallel_loop3A_1205 : f32 to vector<16xf32>
      %parallel_loop3A_1207 = arith.addf %parallel_loop3A_1023, %parallel_loop3A_1206 : vector<16xf32>
      %parallel_loop3A_1208 = arith.subf %parallel_loop3A_1204, %parallel_loop3A_1207 : vector<16xf32>
      %parallel_loop3A_1209 = arith.constant 0.000000e+00 : f32
      %parallel_loop3A_1210 = vector.broadcast %parallel_loop3A_1209 : f32 to vector<16xf32>
      %parallel_loop3A_1211 = arith.maximumf %parallel_loop3A_1208, %parallel_loop3A_1210 : vector<16xf32>
      %parallel_loop3A_1212 = arith.constant 2.800000e+01 : f32
      %parallel_loop3A_1213 = vector.broadcast %parallel_loop3A_1212 : f32 to vector<16xf32>
      %parallel_loop3A_1214 = arith.addf %parallel_loop3A_1035, %parallel_loop3A_1213 : vector<16xf32>
      %parallel_loop3A_1215 = arith.constant 2.800000e+01 : f32
      %parallel_loop3A_1216 = vector.broadcast %parallel_loop3A_1215 : f32 to vector<16xf32>
      %parallel_loop3A_1217 = arith.addf %parallel_loop3A_1027, %parallel_loop3A_1216 : vector<16xf32>
      %parallel_loop3A_1218 = arith.subf %parallel_loop3A_1214, %parallel_loop3A_1217 : vector<16xf32>
      %parallel_loop3A_1219 = arith.constant 0.000000e+00 : f32
      %parallel_loop3A_1220 = vector.broadcast %parallel_loop3A_1219 : f32 to vector<16xf32>
      %parallel_loop3A_1221 = arith.maximumf %parallel_loop3A_1218, %parallel_loop3A_1220 : vector<16xf32>
      %parallel_loop3A_1222 = arith.mulf %parallel_loop3A_1211, %parallel_loop3A_1221 : vector<16xf32>
      %parallel_loop3A_1223 = arith.constant 7680 : i32
      %parallel_loop3A_1224 = arith.addi %parallel_loop3A_1223, %parallel_loop3A_555 : i32
      %parallel_loop3A_1225 = arith.index_cast %parallel_loop3A_1224 : i32 to index
      %parallel_loop3A_1226 = tpu.vector_load %arg9[%parallel_loop3A_1225] {strides = array<i32>} : memref<25600xf32, #tpu.memory_space<vmem>>, vector<16xf32>,
      tpu.vector_store %arg9[%parallel_loop3A_1225], %parallel_loop3A_1222 {strides = array<i32>} : memref<25600xf32, #tpu.memory_space<vmem>>, vector<16xf32>,
      %parallel_loop3A_1227 = arith.constant 3.200000e+01 : f32
      %parallel_loop3A_1228 = vector.broadcast %parallel_loop3A_1227 : f32 to vector<16xf32>
      %parallel_loop3A_1229 = arith.addf %parallel_loop3A_1031, %parallel_loop3A_1228 : vector<16xf32>
      %parallel_loop3A_1230 = arith.constant 3.200000e+01 : f32
      %parallel_loop3A_1231 = vector.broadcast %parallel_loop3A_1230 : f32 to vector<16xf32>
      %parallel_loop3A_1232 = arith.addf %parallel_loop3A_1023, %parallel_loop3A_1231 : vector<16xf32>
      %parallel_loop3A_1233 = arith.subf %parallel_loop3A_1229, %parallel_loop3A_1232 : vector<16xf32>
      %parallel_loop3A_1234 = arith.constant 0.000000e+00 : f32
      %parallel_loop3A_1235 = vector.broadcast %parallel_loop3A_1234 : f32 to vector<16xf32>
      %parallel_loop3A_1236 = arith.maximumf %parallel_loop3A_1233, %parallel_loop3A_1235 : vector<16xf32>
      %parallel_loop3A_1237 = arith.constant 3.200000e+01 : f32
      %parallel_loop3A_1238 = vector.broadcast %parallel_loop3A_1237 : f32 to vector<16xf32>
      %parallel_loop3A_1239 = arith.addf %parallel_loop3A_1035, %parallel_loop3A_1238 : vector<16xf32>
      %parallel_loop3A_1240 = arith.constant 3.200000e+01 : f32
      %parallel_loop3A_1241 = vector.broadcast %parallel_loop3A_1240 : f32 to vector<16xf32>
      %parallel_loop3A_1242 = arith.addf %parallel_loop3A_1027, %parallel_loop3A_1241 : vector<16xf32>
      %parallel_loop3A_1243 = arith.subf %parallel_loop3A_1239, %parallel_loop3A_1242 : vector<16xf32>
      %parallel_loop3A_1244 = arith.constant 0.000000e+00 : f32
      %parallel_loop3A_1245 = vector.broadcast %parallel_loop3A_1244 : f32 to vector<16xf32>
      %parallel_loop3A_1246 = arith.maximumf %parallel_loop3A_1243, %parallel_loop3A_1245 : vector<16xf32>
      %parallel_loop3A_1247 = arith.mulf %parallel_loop3A_1236, %parallel_loop3A_1246 : vector<16xf32>
      %parallel_loop3A_1248 = arith.constant 8960 : i32
      %parallel_loop3A_1249 = arith.addi %parallel_loop3A_1248, %parallel_loop3A_555 : i32
      %parallel_loop3A_1250 = arith.index_cast %parallel_loop3A_1249 : i32 to index
      %parallel_loop3A_1251 = tpu.vector_load %arg9[%parallel_loop3A_1250] {strides = array<i32>} : memref<25600xf32, #tpu.memory_space<vmem>>, vector<16xf32>,
      tpu.vector_store %arg9[%parallel_loop3A_1250], %parallel_loop3A_1247 {strides = array<i32>} : memref<25600xf32, #tpu.memory_space<vmem>>, vector<16xf32>,
      %parallel_loop3A_1252 = arith.constant 3.600000e+01 : f32
      %parallel_loop3A_1253 = vector.broadcast %parallel_loop3A_1252 : f32 to vector<16xf32>
      %parallel_loop3A_1254 = arith.addf %parallel_loop3A_1031, %parallel_loop3A_1253 : vector<16xf32>
      %parallel_loop3A_1255 = arith.constant 3.600000e+01 : f32
      %parallel_loop3A_1256 = vector.broadcast %parallel_loop3A_1255 : f32 to vector<16xf32>
      %parallel_loop3A_1257 = arith.addf %parallel_loop3A_1023, %parallel_loop3A_1256 : vector<16xf32>
      %parallel_loop3A_1258 = arith.subf %parallel_loop3A_1254, %parallel_loop3A_1257 : vector<16xf32>
      %parallel_loop3A_1259 = arith.constant 0.000000e+00 : f32
      %parallel_loop3A_1260 = vector.broadcast %parallel_loop3A_1259 : f32 to vector<16xf32>
      %parallel_loop3A_1261 = arith.maximumf %parallel_loop3A_1258, %parallel_loop3A_1260 : vector<16xf32>
      %parallel_loop3A_1262 = arith.constant 3.600000e+01 : f32
      %parallel_loop3A_1263 = vector.broadcast %parallel_loop3A_1262 : f32 to vector<16xf32>
      %parallel_loop3A_1264 = arith.addf %parallel_loop3A_1035, %parallel_loop3A_1263 : vector<16xf32>
      %parallel_loop3A_1265 = arith.constant 3.600000e+01 : f32
      %parallel_loop3A_1266 = vector.broadcast %parallel_loop3A_1265 : f32 to vector<16xf32>
      %parallel_loop3A_1267 = arith.addf %parallel_loop3A_1027, %parallel_loop3A_1266 : vector<16xf32>
      %parallel_loop3A_1268 = arith.subf %parallel_loop3A_1264, %parallel_loop3A_1267 : vector<16xf32>
      %parallel_loop3A_1269 = arith.constant 0.000000e+00 : f32
      %parallel_loop3A_1270 = vector.broadcast %parallel_loop3A_1269 : f32 to vector<16xf32>
      %parallel_loop3A_1271 = arith.maximumf %parallel_loop3A_1268, %parallel_loop3A_1270 : vector<16xf32>
      %parallel_loop3A_1272 = arith.mulf %parallel_loop3A_1261, %parallel_loop3A_1271 : vector<16xf32>
      %parallel_loop3A_1273 = arith.constant 10240 : i32
      %parallel_loop3A_1274 = arith.addi %parallel_loop3A_1273, %parallel_loop3A_555 : i32
      %parallel_loop3A_1275 = arith.index_cast %parallel_loop3A_1274 : i32 to index
      %parallel_loop3A_1276 = tpu.vector_load %arg9[%parallel_loop3A_1275] {strides = array<i32>} : memref<25600xf32, #tpu.memory_space<vmem>>, vector<16xf32>,
      tpu.vector_store %arg9[%parallel_loop3A_1275], %parallel_loop3A_1272 {strides = array<i32>} : memref<25600xf32, #tpu.memory_space<vmem>>, vector<16xf32>,
      %parallel_loop3A_1277 = arith.constant 4.000000e+01 : f32
      %parallel_loop3A_1278 = vector.broadcast %parallel_loop3A_1277 : f32 to vector<16xf32>
      %parallel_loop3A_1279 = arith.addf %parallel_loop3A_1031, %parallel_loop3A_1278 : vector<16xf32>
      %parallel_loop3A_1280 = arith.constant 4.000000e+01 : f32
      %parallel_loop3A_1281 = vector.broadcast %parallel_loop3A_1280 : f32 to vector<16xf32>
      %parallel_loop3A_1282 = arith.addf %parallel_loop3A_1023, %parallel_loop3A_1281 : vector<16xf32>
      %parallel_loop3A_1283 = arith.subf %parallel_loop3A_1279, %parallel_loop3A_1282 : vector<16xf32>
      %parallel_loop3A_1284 = arith.constant 0.000000e+00 : f32
      %parallel_loop3A_1285 = vector.broadcast %parallel_loop3A_1284 : f32 to vector<16xf32>
      %parallel_loop3A_1286 = arith.maximumf %parallel_loop3A_1283, %parallel_loop3A_1285 : vector<16xf32>
      %parallel_loop3A_1287 = arith.constant 4.000000e+01 : f32
      %parallel_loop3A_1288 = vector.broadcast %parallel_loop3A_1287 : f32 to vector<16xf32>
      %parallel_loop3A_1289 = arith.addf %parallel_loop3A_1035, %parallel_loop3A_1288 : vector<16xf32>
      %parallel_loop3A_1290 = arith.constant 4.000000e+01 : f32
      %parallel_loop3A_1291 = vector.broadcast %parallel_loop3A_1290 : f32 to vector<16xf32>
      %parallel_loop3A_1292 = arith.addf %parallel_loop3A_1027, %parallel_loop3A_1291 : vector<16xf32>
      %parallel_loop3A_1293 = arith.subf %parallel_loop3A_1289, %parallel_loop3A_1292 : vector<16xf32>
      %parallel_loop3A_1294 = arith.constant 0.000000e+00 : f32
      %parallel_loop3A_1295 = vector.broadcast %parallel_loop3A_1294 : f32 to vector<16xf32>
      %parallel_loop3A_1296 = arith.maximumf %parallel_loop3A_1293, %parallel_loop3A_1295 : vector<16xf32>
      %parallel_loop3A_1297 = arith.mulf %parallel_loop3A_1286, %parallel_loop3A_1296 : vector<16xf32>
      %parallel_loop3A_1298 = arith.constant 11520 : i32
      %parallel_loop3A_1299 = arith.addi %parallel_loop3A_1298, %parallel_loop3A_555 : i32
      %parallel_loop3A_1300 = arith.index_cast %parallel_loop3A_1299 : i32 to index
      %parallel_loop3A_1301 = tpu.vector_load %arg9[%parallel_loop3A_1300] {strides = array<i32>} : memref<25600xf32, #tpu.memory_space<vmem>>, vector<16xf32>,
      tpu.vector_store %arg9[%parallel_loop3A_1300], %parallel_loop3A_1297 {strides = array<i32>} : memref<25600xf32, #tpu.memory_space<vmem>>, vector<16xf32>,
      %parallel_loop3A_1302 = arith.constant 4.400000e+01 : f32
      %parallel_loop3A_1303 = vector.broadcast %parallel_loop3A_1302 : f32 to vector<16xf32>
      %parallel_loop3A_1304 = arith.addf %parallel_loop3A_1031, %parallel_loop3A_1303 : vector<16xf32>
      %parallel_loop3A_1305 = arith.constant 4.400000e+01 : f32
      %parallel_loop3A_1306 = vector.broadcast %parallel_loop3A_1305 : f32 to vector<16xf32>
      %parallel_loop3A_1307 = arith.addf %parallel_loop3A_1023, %parallel_loop3A_1306 : vector<16xf32>
      %parallel_loop3A_1308 = arith.subf %parallel_loop3A_1304, %parallel_loop3A_1307 : vector<16xf32>
      %parallel_loop3A_1309 = arith.constant 0.000000e+00 : f32
      %parallel_loop3A_1310 = vector.broadcast %parallel_loop3A_1309 : f32 to vector<16xf32>
      %parallel_loop3A_1311 = arith.maximumf %parallel_loop3A_1308, %parallel_loop3A_1310 : vector<16xf32>
      %parallel_loop3A_1312 = arith.constant 4.400000e+01 : f32
      %parallel_loop3A_1313 = vector.broadcast %parallel_loop3A_1312 : f32 to vector<16xf32>
      %parallel_loop3A_1314 = arith.addf %parallel_loop3A_1035, %parallel_loop3A_1313 : vector<16xf32>
      %parallel_loop3A_1315 = arith.constant 4.400000e+01 : f32
      %parallel_loop3A_1316 = vector.broadcast %parallel_loop3A_1315 : f32 to vector<16xf32>
      %parallel_loop3A_1317 = arith.addf %parallel_loop3A_1027, %parallel_loop3A_1316 : vector<16xf32>
      %parallel_loop3A_1318 = arith.subf %parallel_loop3A_1314, %parallel_loop3A_1317 : vector<16xf32>
      %parallel_loop3A_1319 = arith.constant 0.000000e+00 : f32
      %parallel_loop3A_1320 = vector.broadcast %parallel_loop3A_1319 : f32 to vector<16xf32>
      %parallel_loop3A_1321 = arith.maximumf %parallel_loop3A_1318, %parallel_loop3A_1320 : vector<16xf32>
      %parallel_loop3A_1322 = arith.mulf %parallel_loop3A_1311, %parallel_loop3A_1321 : vector<16xf32>
      %parallel_loop3A_1323 = arith.constant 12800 : i32
      %parallel_loop3A_1324 = arith.addi %parallel_loop3A_1323, %parallel_loop3A_555 : i32
      %parallel_loop3A_1325 = arith.index_cast %parallel_loop3A_1324 : i32 to index
      %parallel_loop3A_1326 = tpu.vector_load %arg9[%parallel_loop3A_1325] {strides = array<i32>} : memref<25600xf32, #tpu.memory_space<vmem>>, vector<16xf32>,
      tpu.vector_store %arg9[%parallel_loop3A_1325], %parallel_loop3A_1322 {strides = array<i32>} : memref<25600xf32, #tpu.memory_space<vmem>>, vector<16xf32>,
      %parallel_loop3A_1327 = arith.constant 4.800000e+01 : f32
      %parallel_loop3A_1328 = vector.broadcast %parallel_loop3A_1327 : f32 to vector<16xf32>
      %parallel_loop3A_1329 = arith.addf %parallel_loop3A_1031, %parallel_loop3A_1328 : vector<16xf32>
      %parallel_loop3A_1330 = arith.constant 4.800000e+01 : f32
      %parallel_loop3A_1331 = vector.broadcast %parallel_loop3A_1330 : f32 to vector<16xf32>
      %parallel_loop3A_1332 = arith.addf %parallel_loop3A_1023, %parallel_loop3A_1331 : vector<16xf32>
      %parallel_loop3A_1333 = arith.subf %parallel_loop3A_1329, %parallel_loop3A_1332 : vector<16xf32>
      %parallel_loop3A_1334 = arith.constant 0.000000e+00 : f32
      %parallel_loop3A_1335 = vector.broadcast %parallel_loop3A_1334 : f32 to vector<16xf32>
      %parallel_loop3A_1336 = arith.maximumf %parallel_loop3A_1333, %parallel_loop3A_1335 : vector<16xf32>
      %parallel_loop3A_1337 = arith.constant 4.800000e+01 : f32
      %parallel_loop3A_1338 = vector.broadcast %parallel_loop3A_1337 : f32 to vector<16xf32>
      %parallel_loop3A_1339 = arith.addf %parallel_loop3A_1035, %parallel_loop3A_1338 : vector<16xf32>
      %parallel_loop3A_1340 = arith.constant 4.800000e+01 : f32
      %parallel_loop3A_1341 = vector.broadcast %parallel_loop3A_1340 : f32 to vector<16xf32>
      %parallel_loop3A_1342 = arith.addf %parallel_loop3A_1027, %parallel_loop3A_1341 : vector<16xf32>
      %parallel_loop3A_1343 = arith.subf %parallel_loop3A_1339, %parallel_loop3A_1342 : vector<16xf32>
      %parallel_loop3A_1344 = arith.constant 0.000000e+00 : f32
      %parallel_loop3A_1345 = vector.broadcast %parallel_loop3A_1344 : f32 to vector<16xf32>
      %parallel_loop3A_1346 = arith.maximumf %parallel_loop3A_1343, %parallel_loop3A_1345 : vector<16xf32>
      %parallel_loop3A_1347 = arith.mulf %parallel_loop3A_1336, %parallel_loop3A_1346 : vector<16xf32>
      %parallel_loop3A_1348 = arith.constant 14080 : i32
      %parallel_loop3A_1349 = arith.addi %parallel_loop3A_1348, %parallel_loop3A_555 : i32
      %parallel_loop3A_1350 = arith.index_cast %parallel_loop3A_1349 : i32 to index
      %parallel_loop3A_1351 = tpu.vector_load %arg9[%parallel_loop3A_1350] {strides = array<i32>} : memref<25600xf32, #tpu.memory_space<vmem>>, vector<16xf32>,
      tpu.vector_store %arg9[%parallel_loop3A_1350], %parallel_loop3A_1347 {strides = array<i32>} : memref<25600xf32, #tpu.memory_space<vmem>>, vector<16xf32>,
      %parallel_loop3A_1352 = arith.constant 5.200000e+01 : f32
      %parallel_loop3A_1353 = vector.broadcast %parallel_loop3A_1352 : f32 to vector<16xf32>
      %parallel_loop3A_1354 = arith.addf %parallel_loop3A_1031, %parallel_loop3A_1353 : vector<16xf32>
      %parallel_loop3A_1355 = arith.constant 5.200000e+01 : f32
      %parallel_loop3A_1356 = vector.broadcast %parallel_loop3A_1355 : f32 to vector<16xf32>
      %parallel_loop3A_1357 = arith.addf %parallel_loop3A_1023, %parallel_loop3A_1356 : vector<16xf32>
      %parallel_loop3A_1358 = arith.subf %parallel_loop3A_1354, %parallel_loop3A_1357 : vector<16xf32>
      %parallel_loop3A_1359 = arith.constant 0.000000e+00 : f32
      %parallel_loop3A_1360 = vector.broadcast %parallel_loop3A_1359 : f32 to vector<16xf32>
      %parallel_loop3A_1361 = arith.maximumf %parallel_loop3A_1358, %parallel_loop3A_1360 : vector<16xf32>
      %parallel_loop3A_1362 = arith.constant 5.200000e+01 : f32
      %parallel_loop3A_1363 = vector.broadcast %parallel_loop3A_1362 : f32 to vector<16xf32>
      %parallel_loop3A_1364 = arith.addf %parallel_loop3A_1035, %parallel_loop3A_1363 : vector<16xf32>
      %parallel_loop3A_1365 = arith.constant 5.200000e+01 : f32
      %parallel_loop3A_1366 = vector.broadcast %parallel_loop3A_1365 : f32 to vector<16xf32>
      %parallel_loop3A_1367 = arith.addf %parallel_loop3A_1027, %parallel_loop3A_1366 : vector<16xf32>
      %parallel_loop3A_1368 = arith.subf %parallel_loop3A_1364, %parallel_loop3A_1367 : vector<16xf32>
      %parallel_loop3A_1369 = arith.constant 0.000000e+00 : f32
      %parallel_loop3A_1370 = vector.broadcast %parallel_loop3A_1369 : f32 to vector<16xf32>
      %parallel_loop3A_1371 = arith.maximumf %parallel_loop3A_1368, %parallel_loop3A_1370 : vector<16xf32>
      %parallel_loop3A_1372 = arith.mulf %parallel_loop3A_1361, %parallel_loop3A_1371 : vector<16xf32>
      %parallel_loop3A_1373 = arith.constant 15360 : i32
      %parallel_loop3A_1374 = arith.addi %parallel_loop3A_1373, %parallel_loop3A_555 : i32
      %parallel_loop3A_1375 = arith.index_cast %parallel_loop3A_1374 : i32 to index
      %parallel_loop3A_1376 = tpu.vector_load %arg9[%parallel_loop3A_1375] {strides = array<i32>} : memref<25600xf32, #tpu.memory_space<vmem>>, vector<16xf32>,
      tpu.vector_store %arg9[%parallel_loop3A_1375], %parallel_loop3A_1372 {strides = array<i32>} : memref<25600xf32, #tpu.memory_space<vmem>>, vector<16xf32>,
      %parallel_loop3A_1377 = arith.constant 5.600000e+01 : f32
      %parallel_loop3A_1378 = vector.broadcast %parallel_loop3A_1377 : f32 to vector<16xf32>
      %parallel_loop3A_1379 = arith.addf %parallel_loop3A_1031, %parallel_loop3A_1378 : vector<16xf32>
      %parallel_loop3A_1380 = arith.constant 5.600000e+01 : f32
      %parallel_loop3A_1381 = vector.broadcast %parallel_loop3A_1380 : f32 to vector<16xf32>
      %parallel_loop3A_1382 = arith.addf %parallel_loop3A_1023, %parallel_loop3A_1381 : vector<16xf32>
      %parallel_loop3A_1383 = arith.subf %parallel_loop3A_1379, %parallel_loop3A_1382 : vector<16xf32>
      %parallel_loop3A_1384 = arith.constant 0.000000e+00 : f32
      %parallel_loop3A_1385 = vector.broadcast %parallel_loop3A_1384 : f32 to vector<16xf32>
      %parallel_loop3A_1386 = arith.maximumf %parallel_loop3A_1383, %parallel_loop3A_1385 : vector<16xf32>
      %parallel_loop3A_1387 = arith.constant 5.600000e+01 : f32
      %parallel_loop3A_1388 = vector.broadcast %parallel_loop3A_1387 : f32 to vector<16xf32>
      %parallel_loop3A_1389 = arith.addf %parallel_loop3A_1035, %parallel_loop3A_1388 : vector<16xf32>
      %parallel_loop3A_1390 = arith.constant 5.600000e+01 : f32
      %parallel_loop3A_1391 = vector.broadcast %parallel_loop3A_1390 : f32 to vector<16xf32>
      %parallel_loop3A_1392 = arith.addf %parallel_loop3A_1027, %parallel_loop3A_1391 : vector<16xf32>
      %parallel_loop3A_1393 = arith.subf %parallel_loop3A_1389, %parallel_loop3A_1392 : vector<16xf32>
      %parallel_loop3A_1394 = arith.constant 0.000000e+00 : f32
      %parallel_loop3A_1395 = vector.broadcast %parallel_loop3A_1394 : f32 to vector<16xf32>
      %parallel_loop3A_1396 = arith.maximumf %parallel_loop3A_1393, %parallel_loop3A_1395 : vector<16xf32>
      %parallel_loop3A_1397 = arith.mulf %parallel_loop3A_1386, %parallel_loop3A_1396 : vector<16xf32>
      %parallel_loop3A_1398 = arith.constant 16640 : i32
      %parallel_loop3A_1399 = arith.addi %parallel_loop3A_1398, %parallel_loop3A_555 : i32
      %parallel_loop3A_1400 = arith.index_cast %parallel_loop3A_1399 : i32 to index
      %parallel_loop3A_1401 = tpu.vector_load %arg9[%parallel_loop3A_1400] {strides = array<i32>} : memref<25600xf32, #tpu.memory_space<vmem>>, vector<16xf32>,
      tpu.vector_store %arg9[%parallel_loop3A_1400], %parallel_loop3A_1397 {strides = array<i32>} : memref<25600xf32, #tpu.memory_space<vmem>>, vector<16xf32>,
      %parallel_loop3A_1402 = arith.constant 6.000000e+01 : f32
      %parallel_loop3A_1403 = vector.broadcast %parallel_loop3A_1402 : f32 to vector<16xf32>
      %parallel_loop3A_1404 = arith.addf %parallel_loop3A_1031, %parallel_loop3A_1403 : vector<16xf32>
      %parallel_loop3A_1405 = arith.constant 6.000000e+01 : f32
      %parallel_loop3A_1406 = vector.broadcast %parallel_loop3A_1405 : f32 to vector<16xf32>
      %parallel_loop3A_1407 = arith.addf %parallel_loop3A_1023, %parallel_loop3A_1406 : vector<16xf32>
      %parallel_loop3A_1408 = arith.subf %parallel_loop3A_1404, %parallel_loop3A_1407 : vector<16xf32>
      %parallel_loop3A_1409 = arith.constant 0.000000e+00 : f32
      %parallel_loop3A_1410 = vector.broadcast %parallel_loop3A_1409 : f32 to vector<16xf32>
      %parallel_loop3A_1411 = arith.maximumf %parallel_loop3A_1408, %parallel_loop3A_1410 : vector<16xf32>
      %parallel_loop3A_1412 = arith.constant 6.000000e+01 : f32
      %parallel_loop3A_1413 = vector.broadcast %parallel_loop3A_1412 : f32 to vector<16xf32>
      %parallel_loop3A_1414 = arith.addf %parallel_loop3A_1035, %parallel_loop3A_1413 : vector<16xf32>
      %parallel_loop3A_1415 = arith.constant 6.000000e+01 : f32
      %parallel_loop3A_1416 = vector.broadcast %parallel_loop3A_1415 : f32 to vector<16xf32>
      %parallel_loop3A_1417 = arith.addf %parallel_loop3A_1027, %parallel_loop3A_1416 : vector<16xf32>
      %parallel_loop3A_1418 = arith.subf %parallel_loop3A_1414, %parallel_loop3A_1417 : vector<16xf32>
      %parallel_loop3A_1419 = arith.constant 0.000000e+00 : f32
      %parallel_loop3A_1420 = vector.broadcast %parallel_loop3A_1419 : f32 to vector<16xf32>
      %parallel_loop3A_1421 = arith.maximumf %parallel_loop3A_1418, %parallel_loop3A_1420 : vector<16xf32>
      %parallel_loop3A_1422 = arith.mulf %parallel_loop3A_1411, %parallel_loop3A_1421 : vector<16xf32>
      %parallel_loop3A_1423 = arith.constant 17920 : i32
      %parallel_loop3A_1424 = arith.addi %parallel_loop3A_1423, %parallel_loop3A_555 : i32
      %parallel_loop3A_1425 = arith.index_cast %parallel_loop3A_1424 : i32 to index
      %parallel_loop3A_1426 = tpu.vector_load %arg9[%parallel_loop3A_1425] {strides = array<i32>} : memref<25600xf32, #tpu.memory_space<vmem>>, vector<16xf32>,
      tpu.vector_store %arg9[%parallel_loop3A_1425], %parallel_loop3A_1422 {strides = array<i32>} : memref<25600xf32, #tpu.memory_space<vmem>>, vector<16xf32>,
      %parallel_loop3A_1427 = arith.constant 6.400000e+01 : f32
      %parallel_loop3A_1428 = vector.broadcast %parallel_loop3A_1427 : f32 to vector<16xf32>
      %parallel_loop3A_1429 = arith.addf %parallel_loop3A_1031, %parallel_loop3A_1428 : vector<16xf32>
      %parallel_loop3A_1430 = arith.constant 6.400000e+01 : f32
      %parallel_loop3A_1431 = vector.broadcast %parallel_loop3A_1430 : f32 to vector<16xf32>
      %parallel_loop3A_1432 = arith.addf %parallel_loop3A_1023, %parallel_loop3A_1431 : vector<16xf32>
      %parallel_loop3A_1433 = arith.subf %parallel_loop3A_1429, %parallel_loop3A_1432 : vector<16xf32>
      %parallel_loop3A_1434 = arith.constant 0.000000e+00 : f32
      %parallel_loop3A_1435 = vector.broadcast %parallel_loop3A_1434 : f32 to vector<16xf32>
      %parallel_loop3A_1436 = arith.maximumf %parallel_loop3A_1433, %parallel_loop3A_1435 : vector<16xf32>
      %parallel_loop3A_1437 = arith.constant 6.400000e+01 : f32
      %parallel_loop3A_1438 = vector.broadcast %parallel_loop3A_1437 : f32 to vector<16xf32>
      %parallel_loop3A_1439 = arith.addf %parallel_loop3A_1035, %parallel_loop3A_1438 : vector<16xf32>
      %parallel_loop3A_1440 = arith.constant 6.400000e+01 : f32
      %parallel_loop3A_1441 = vector.broadcast %parallel_loop3A_1440 : f32 to vector<16xf32>
      %parallel_loop3A_1442 = arith.addf %parallel_loop3A_1027, %parallel_loop3A_1441 : vector<16xf32>
      %parallel_loop3A_1443 = arith.subf %parallel_loop3A_1439, %parallel_loop3A_1442 : vector<16xf32>
      %parallel_loop3A_1444 = arith.constant 0.000000e+00 : f32
      %parallel_loop3A_1445 = vector.broadcast %parallel_loop3A_1444 : f32 to vector<16xf32>
      %parallel_loop3A_1446 = arith.maximumf %parallel_loop3A_1443, %parallel_loop3A_1445 : vector<16xf32>
      %parallel_loop3A_1447 = arith.mulf %parallel_loop3A_1436, %parallel_loop3A_1446 : vector<16xf32>
      %parallel_loop3A_1448 = arith.constant 19200 : i32
      %parallel_loop3A_1449 = arith.addi %parallel_loop3A_1448, %parallel_loop3A_555 : i32
      %parallel_loop3A_1450 = arith.index_cast %parallel_loop3A_1449 : i32 to index
      %parallel_loop3A_1451 = tpu.vector_load %arg9[%parallel_loop3A_1450] {strides = array<i32>} : memref<25600xf32, #tpu.memory_space<vmem>>, vector<16xf32>,
      tpu.vector_store %arg9[%parallel_loop3A_1450], %parallel_loop3A_1447 {strides = array<i32>} : memref<25600xf32, #tpu.memory_space<vmem>>, vector<16xf32>,
      %parallel_loop3A_1452 = arith.constant 6.800000e+01 : f32
      %parallel_loop3A_1453 = vector.broadcast %parallel_loop3A_1452 : f32 to vector<16xf32>
      %parallel_loop3A_1454 = arith.addf %parallel_loop3A_1031, %parallel_loop3A_1453 : vector<16xf32>
      %parallel_loop3A_1455 = arith.constant 6.800000e+01 : f32
      %parallel_loop3A_1456 = vector.broadcast %parallel_loop3A_1455 : f32 to vector<16xf32>
      %parallel_loop3A_1457 = arith.addf %parallel_loop3A_1023, %parallel_loop3A_1456 : vector<16xf32>
      %parallel_loop3A_1458 = arith.subf %parallel_loop3A_1454, %parallel_loop3A_1457 : vector<16xf32>
      %parallel_loop3A_1459 = arith.constant 0.000000e+00 : f32
      %parallel_loop3A_1460 = vector.broadcast %parallel_loop3A_1459 : f32 to vector<16xf32>
      %parallel_loop3A_1461 = arith.maximumf %parallel_loop3A_1458, %parallel_loop3A_1460 : vector<16xf32>
      %parallel_loop3A_1462 = arith.constant 6.800000e+01 : f32
      %parallel_loop3A_1463 = vector.broadcast %parallel_loop3A_1462 : f32 to vector<16xf32>
      %parallel_loop3A_1464 = arith.addf %parallel_loop3A_1035, %parallel_loop3A_1463 : vector<16xf32>
      %parallel_loop3A_1465 = arith.constant 6.800000e+01 : f32
      %parallel_loop3A_1466 = vector.broadcast %parallel_loop3A_1465 : f32 to vector<16xf32>
      %parallel_loop3A_1467 = arith.addf %parallel_loop3A_1027, %parallel_loop3A_1466 : vector<16xf32>
      %parallel_loop3A_1468 = arith.subf %parallel_loop3A_1464, %parallel_loop3A_1467 : vector<16xf32>
      %parallel_loop3A_1469 = arith.constant 0.000000e+00 : f32
      %parallel_loop3A_1470 = vector.broadcast %parallel_loop3A_1469 : f32 to vector<16xf32>
      %parallel_loop3A_1471 = arith.maximumf %parallel_loop3A_1468, %parallel_loop3A_1470 : vector<16xf32>
      %parallel_loop3A_1472 = arith.mulf %parallel_loop3A_1461, %parallel_loop3A_1471 : vector<16xf32>
      %parallel_loop3A_1473 = arith.constant 20480 : i32
      %parallel_loop3A_1474 = arith.addi %parallel_loop3A_1473, %parallel_loop3A_555 : i32
      %parallel_loop3A_1475 = arith.index_cast %parallel_loop3A_1474 : i32 to index
      %parallel_loop3A_1476 = tpu.vector_load %arg9[%parallel_loop3A_1475] {strides = array<i32>} : memref<25600xf32, #tpu.memory_space<vmem>>, vector<16xf32>,
      tpu.vector_store %arg9[%parallel_loop3A_1475], %parallel_loop3A_1472 {strides = array<i32>} : memref<25600xf32, #tpu.memory_space<vmem>>, vector<16xf32>,
      %parallel_loop3A_1477 = arith.constant 7.200000e+01 : f32
      %parallel_loop3A_1478 = vector.broadcast %parallel_loop3A_1477 : f32 to vector<16xf32>
      %parallel_loop3A_1479 = arith.addf %parallel_loop3A_1031, %parallel_loop3A_1478 : vector<16xf32>
      %parallel_loop3A_1480 = arith.constant 7.200000e+01 : f32
      %parallel_loop3A_1481 = vector.broadcast %parallel_loop3A_1480 : f32 to vector<16xf32>
      %parallel_loop3A_1482 = arith.addf %parallel_loop3A_1023, %parallel_loop3A_1481 : vector<16xf32>
      %parallel_loop3A_1483 = arith.subf %parallel_loop3A_1479, %parallel_loop3A_1482 : vector<16xf32>
      %parallel_loop3A_1484 = arith.constant 0.000000e+00 : f32
      %parallel_loop3A_1485 = vector.broadcast %parallel_loop3A_1484 : f32 to vector<16xf32>
      %parallel_loop3A_1486 = arith.maximumf %parallel_loop3A_1483, %parallel_loop3A_1485 : vector<16xf32>
      %parallel_loop3A_1487 = arith.constant 7.200000e+01 : f32
      %parallel_loop3A_1488 = vector.broadcast %parallel_loop3A_1487 : f32 to vector<16xf32>
      %parallel_loop3A_1489 = arith.addf %parallel_loop3A_1035, %parallel_loop3A_1488 : vector<16xf32>
      %parallel_loop3A_1490 = arith.constant 7.200000e+01 : f32
      %parallel_loop3A_1491 = vector.broadcast %parallel_loop3A_1490 : f32 to vector<16xf32>
      %parallel_loop3A_1492 = arith.addf %parallel_loop3A_1027, %parallel_loop3A_1491 : vector<16xf32>
      %parallel_loop3A_1493 = arith.subf %parallel_loop3A_1489, %parallel_loop3A_1492 : vector<16xf32>
      %parallel_loop3A_1494 = arith.constant 0.000000e+00 : f32
      %parallel_loop3A_1495 = vector.broadcast %parallel_loop3A_1494 : f32 to vector<16xf32>
      %parallel_loop3A_1496 = arith.maximumf %parallel_loop3A_1493, %parallel_loop3A_1495 : vector<16xf32>
      %parallel_loop3A_1497 = arith.mulf %parallel_loop3A_1486, %parallel_loop3A_1496 : vector<16xf32>
      %parallel_loop3A_1498 = arith.constant 21760 : i32
      %parallel_loop3A_1499 = arith.addi %parallel_loop3A_1498, %parallel_loop3A_555 : i32
      %parallel_loop3A_1500 = arith.index_cast %parallel_loop3A_1499 : i32 to index
      %parallel_loop3A_1501 = tpu.vector_load %arg9[%parallel_loop3A_1500] {strides = array<i32>} : memref<25600xf32, #tpu.memory_space<vmem>>, vector<16xf32>,
      tpu.vector_store %arg9[%parallel_loop3A_1500], %parallel_loop3A_1497 {strides = array<i32>} : memref<25600xf32, #tpu.memory_space<vmem>>, vector<16xf32>,
      %parallel_loop3A_1502 = arith.constant 7.600000e+01 : f32
      %parallel_loop3A_1503 = vector.broadcast %parallel_loop3A_1502 : f32 to vector<16xf32>
      %parallel_loop3A_1504 = arith.addf %parallel_loop3A_1031, %parallel_loop3A_1503 : vector<16xf32>
      %parallel_loop3A_1505 = arith.constant 7.600000e+01 : f32
      %parallel_loop3A_1506 = vector.broadcast %parallel_loop3A_1505 : f32 to vector<16xf32>
      %parallel_loop3A_1507 = arith.addf %parallel_loop3A_1023, %parallel_loop3A_1506 : vector<16xf32>
      %parallel_loop3A_1508 = arith.subf %parallel_loop3A_1504, %parallel_loop3A_1507 : vector<16xf32>
      %parallel_loop3A_1509 = arith.constant 0.000000e+00 : f32
      %parallel_loop3A_1510 = vector.broadcast %parallel_loop3A_1509 : f32 to vector<16xf32>
      %parallel_loop3A_1511 = arith.maximumf %parallel_loop3A_1508, %parallel_loop3A_1510 : vector<16xf32>
      %parallel_loop3A_1512 = arith.constant 7.600000e+01 : f32
      %parallel_loop3A_1513 = vector.broadcast %parallel_loop3A_1512 : f32 to vector<16xf32>
      %parallel_loop3A_1514 = arith.addf %parallel_loop3A_1035, %parallel_loop3A_1513 : vector<16xf32>
      %parallel_loop3A_1515 = arith.constant 7.600000e+01 : f32
      %parallel_loop3A_1516 = vector.broadcast %parallel_loop3A_1515 : f32 to vector<16xf32>
      %parallel_loop3A_1517 = arith.addf %parallel_loop3A_1027, %parallel_loop3A_1516 : vector<16xf32>
      %parallel_loop3A_1518 = arith.subf %parallel_loop3A_1514, %parallel_loop3A_1517 : vector<16xf32>
      %parallel_loop3A_1519 = arith.constant 0.000000e+00 : f32
      %parallel_loop3A_1520 = vector.broadcast %parallel_loop3A_1519 : f32 to vector<16xf32>
      %parallel_loop3A_1521 = arith.maximumf %parallel_loop3A_1518, %parallel_loop3A_1520 : vector<16xf32>
      %parallel_loop3A_1522 = arith.mulf %parallel_loop3A_1511, %parallel_loop3A_1521 : vector<16xf32>
      %parallel_loop3A_1523 = arith.constant 23040 : i32
      %parallel_loop3A_1524 = arith.addi %parallel_loop3A_1523, %parallel_loop3A_555 : i32
      %parallel_loop3A_1525 = arith.index_cast %parallel_loop3A_1524 : i32 to index
      %parallel_loop3A_1526 = tpu.vector_load %arg9[%parallel_loop3A_1525] {strides = array<i32>} : memref<25600xf32, #tpu.memory_space<vmem>>, vector<16xf32>,
      tpu.vector_store %arg9[%parallel_loop3A_1525], %parallel_loop3A_1522 {strides = array<i32>} : memref<25600xf32, #tpu.memory_space<vmem>>, vector<16xf32>,
      %parallel_loop3A_1527 = arith.constant 8.000000e+01 : f32
      %parallel_loop3A_1528 = vector.broadcast %parallel_loop3A_1527 : f32 to vector<16xf32>
      %parallel_loop3A_1529 = arith.addf %parallel_loop3A_1031, %parallel_loop3A_1528 : vector<16xf32>
      %parallel_loop3A_1530 = arith.constant 8.000000e+01 : f32
      %parallel_loop3A_1531 = vector.broadcast %parallel_loop3A_1530 : f32 to vector<16xf32>
      %parallel_loop3A_1532 = arith.addf %parallel_loop3A_1023, %parallel_loop3A_1531 : vector<16xf32>
      %parallel_loop3A_1533 = arith.subf %parallel_loop3A_1529, %parallel_loop3A_1532 : vector<16xf32>
      %parallel_loop3A_1534 = arith.constant 0.000000e+00 : f32
      %parallel_loop3A_1535 = vector.broadcast %parallel_loop3A_1534 : f32 to vector<16xf32>
      %parallel_loop3A_1536 = arith.maximumf %parallel_loop3A_1533, %parallel_loop3A_1535 : vector<16xf32>
      %parallel_loop3A_1537 = arith.constant 8.000000e+01 : f32
      %parallel_loop3A_1538 = vector.broadcast %parallel_loop3A_1537 : f32 to vector<16xf32>
      %parallel_loop3A_1539 = arith.addf %parallel_loop3A_1035, %parallel_loop3A_1538 : vector<16xf32>
      %parallel_loop3A_1540 = arith.constant 8.000000e+01 : f32
      %parallel_loop3A_1541 = vector.broadcast %parallel_loop3A_1540 : f32 to vector<16xf32>
      %parallel_loop3A_1542 = arith.addf %parallel_loop3A_1027, %parallel_loop3A_1541 : vector<16xf32>
      %parallel_loop3A_1543 = arith.subf %parallel_loop3A_1539, %parallel_loop3A_1542 : vector<16xf32>
      %parallel_loop3A_1544 = arith.constant 0.000000e+00 : f32
      %parallel_loop3A_1545 = vector.broadcast %parallel_loop3A_1544 : f32 to vector<16xf32>
      %parallel_loop3A_1546 = arith.maximumf %parallel_loop3A_1543, %parallel_loop3A_1545 : vector<16xf32>
      %parallel_loop3A_1547 = arith.mulf %parallel_loop3A_1536, %parallel_loop3A_1546 : vector<16xf32>
      %parallel_loop3A_1548 = arith.constant 24320 : i32
      %parallel_loop3A_1549 = arith.addi %parallel_loop3A_1548, %parallel_loop3A_555 : i32
      %parallel_loop3A_1550 = arith.index_cast %parallel_loop3A_1549 : i32 to index
      %parallel_loop3A_1551 = tpu.vector_load %arg9[%parallel_loop3A_1550] {strides = array<i32>} : memref<25600xf32, #tpu.memory_space<vmem>>, vector<16xf32>,
      tpu.vector_store %arg9[%parallel_loop3A_1550], %parallel_loop3A_1547 {strides = array<i32>} : memref<25600xf32, #tpu.memory_space<vmem>>, vector<16xf32>,
    } {sc.loop_unroll_factor = 4 : i64, sc.parallel_access}
    %add3A_406 = vector.broadcast %mul3A_0 : i32 to vector<16xi32>
    %add3A_407 = arith.addi %add3A_406, %iota3A : vector<16xi32>
    %broadcast_in_dim3A = arith.constant -1.000000e+00 : f32
    %broadcast_in_dim3A_408 = vector.broadcast %broadcast_in_dim3A : f32 to vector<16xf32>
    %swap3A = arith.constant 0 : index
    %swap3A_409 = tpu.vector_load %arg10[%swap3A] {strides = array<i32>} : memref<256xf32, #tpu.memory_space<vmem>>, vector<16xf32>,
    tpu.vector_store %arg10[%swap3A], %broadcast_in_dim3A_408 {strides = array<i32>} : memref<256xf32, #tpu.memory_space<vmem>>, vector<16xf32>,
    %lt3A = arith.constant 4 : i32
    %lt3A_410 = vector.broadcast %lt3A : i32 to vector<16xi32>
    %lt3A_411 = arith.cmpi slt, %iota3A, %lt3A_410 : vector<16xi32>
    %jit3A = arith.constant 0.000000e+00 : f32
    %jit3A_412 = arith.constant -1.000000e+00 : f32
    %broadcast_in_dim3A_413 = vector.broadcast %jit3A : f32 to vector<16xf32>
    %broadcast_in_dim3A_414 = vector.broadcast %jit3A_412 : f32 to vector<16xf32>
    %select_n3A = arith.select %lt3A_411, %broadcast_in_dim3A_413, %broadcast_in_dim3A_414 : vector<16xi1>, vector<16xf32>
    %swap3A_415 = arith.constant 16 : index
    %swap3A_416 = tpu.vector_load %arg10[%swap3A_415] {strides = array<i32>} : memref<256xf32, #tpu.memory_space<vmem>>, vector<16xf32>,
    tpu.vector_store %arg10[%swap3A_415], %select_n3A {strides = array<i32>} : memref<256xf32, #tpu.memory_space<vmem>>, vector<16xf32>,
    %scan3A = arith.constant 0 : i32
    %scan3A_417 = arith.constant 0 : i32
    %scan3A_418 = arith.constant 20 : i32
    %scan3A_419 = arith.addi %scan3A_417, %scan3A_418 : i32
    %scan3A_420 = arith.constant 1 : i32
    scf.for %scan3A_553 = %scan3A_417 to %scan3A_419 step %scan3A_420  : i32 {
      %mul3A_554 = arith.constant 1280 : i32
      %mul3A_555 = arith.muli %scan3A_553, %mul3A_554 : i32
      %broadcast_in_dim3A_556 = arith.constant -1.000000e+00 : f32
      %broadcast_in_dim3A_557 = vector.broadcast %broadcast_in_dim3A_556 : f32 to vector<16xf32>
      %broadcast_in_dim3A_558 = arith.constant 0 : i32
      %broadcast_in_dim3A_559 = vector.broadcast %broadcast_in_dim3A_558 : i32 to vector<16xi32>
      %parallel_loop3A_560 = arith.constant 0 : i32
      %parallel_loop3A_561 = arith.constant 80 : i32
      %parallel_loop3A_562 = arith.constant 1 : i32
      %parallel_loop3A_563:2 = scf.for %parallel_loop3A_648 = %parallel_loop3A_560 to %parallel_loop3A_561 step %parallel_loop3A_562 iter_args(%parallel_loop3A_649 = %broadcast_in_dim3A_557, %parallel_loop3A_650 = %broadcast_in_dim3A_559) -> (vector<16xf32>, vector<16xi32>)  : i32 {
        %parallel_loop3A_651 = arith.constant 16 : i32
        %parallel_loop3A_652 = arith.muli %parallel_loop3A_648, %parallel_loop3A_651 : i32
        %parallel_loop3A_653 = arith.addi %mul3A_555, %parallel_loop3A_652 : i32
        %parallel_loop3A_654 = arith.index_cast %parallel_loop3A_653 : i32 to index
        %parallel_loop3A_655 = tpu.vector_load %arg7[%parallel_loop3A_654] {strides = array<i32>} : memref<25600xf32, #tpu.memory_space<vmem>>, vector<16xf32>,
        %parallel_loop3A_656 = arith.cmpf ogt, %parallel_loop3A_655, %parallel_loop3A_649 : vector<16xf32>
        %parallel_loop3A_657 = arith.select %parallel_loop3A_656, %parallel_loop3A_655, %parallel_loop3A_649 : vector<16xi1>, vector<16xf32>
        %parallel_loop3A_658 = vector.broadcast %parallel_loop3A_652 : i32 to vector<16xi32>
        %parallel_loop3A_659 = arith.addi %add3A_407, %parallel_loop3A_658 : vector<16xi32>
        %parallel_loop3A_660 = arith.select %parallel_loop3A_656, %parallel_loop3A_659, %parallel_loop3A_650 : vector<16xi1>, vector<16xi32>
        scf.yield %parallel_loop3A_657, %parallel_loop3A_660 : vector<16xf32>, vector<16xi32>
      } {sc.loop_unroll_factor = 8 : i64, sc.parallel_access}
      %reduce_max3A_564 = arith.constant true
      %reduce_max3A_565 = vector.broadcast %reduce_max3A_564 : i1 to vector<16xi1>
      %reduce_max3A_566 = tpu.scan <max>, %parallel_loop3A_563#0 masked %reduce_max3A_565 : vector<16xf32>, vector<16xi1> -> vector<16xf32>
      %reduce_max3A_567 = vector.extract %reduce_max3A_566[15] : f32 from vector<16xf32>
      %eq3A_568 = vector.broadcast %reduce_max3A_567 : f32 to vector<16xf32>
      %eq3A_569 = arith.cmpf oeq, %parallel_loop3A_563#0, %eq3A_568 : vector<16xf32>
      %jit3A_570 = arith.constant 1073741824 : i32
      %broadcast_in_dim3A_571 = vector.broadcast %jit3A_570 : i32 to vector<16xi32>
      %select_n3A_572 = arith.select %eq3A_569, %parallel_loop3A_563#1, %broadcast_in_dim3A_571 : vector<16xi1>, vector<16xi32>
      %reduce_min3A_573 = arith.constant true
      %reduce_min3A_574 = vector.broadcast %reduce_min3A_573 : i1 to vector<16xi1>
      %reduce_min3A_575 = arith.constant -2147483648 : i32
      %reduce_min3A_576 = vector.broadcast %reduce_min3A_575 : i32 to vector<16xi32>
      %reduce_min3A_577 = arith.xori %select_n3A_572, %reduce_min3A_576 : vector<16xi32>
      %reduce_min3A_578 = tpu.scan <min>, %reduce_min3A_577 masked %reduce_min3A_574 : vector<16xi32>, vector<16xi1> -> vector<16xi32>
      %reduce_min3A_579 = arith.xori %reduce_min3A_578, %reduce_min3A_576 : vector<16xi32>
      %reduce_min3A_580 = vector.extract %reduce_min3A_579[15] : i32 from vector<16xi32>
      %sub3A = arith.subi %reduce_min3A_580, %mul3A_0 : i32
      %broadcast_in_dim3A_581 = vector.broadcast %sub3A : i32 to vector<16xi32>
      %gather3A_582 = tpu.vector_load_idx %arg8[%broadcast_in_dim3A_581] : memref<5120xf32, #tpu.memory_space<vmem>>[vector<16xi32>], vector<16xf32>,
      %reduce_max3A_583 = arith.constant true
      %reduce_max3A_584 = vector.broadcast %reduce_max3A_583 : i1 to vector<16xi1>
      %reduce_max3A_585 = tpu.scan <max>, %gather3A_582 masked %reduce_max3A_584 : vector<16xf32>, vector<16xi1> -> vector<16xf32>
      %reduce_max3A_586 = vector.extract %reduce_max3A_585[15] : f32 from vector<16xf32>
      %add3A_587 = arith.constant 1280 : i32
      %add3A_588 = vector.broadcast %add3A_587 : i32 to vector<16xi32>
      %add3A_589 = arith.addi %broadcast_in_dim3A_581, %add3A_588 : vector<16xi32>
      %gather3A_590 = tpu.vector_load_idx %arg8[%add3A_589] : memref<5120xf32, #tpu.memory_space<vmem>>[vector<16xi32>], vector<16xf32>,
      %reduce_max3A_591 = arith.constant true
      %reduce_max3A_592 = vector.broadcast %reduce_max3A_591 : i1 to vector<16xi1>
      %reduce_max3A_593 = tpu.scan <max>, %gather3A_590 masked %reduce_max3A_592 : vector<16xf32>, vector<16xi1> -> vector<16xf32>
      %reduce_max3A_594 = vector.extract %reduce_max3A_593[15] : f32 from vector<16xf32>
      %add3A_595 = arith.constant 2560 : i32
      %add3A_596 = vector.broadcast %add3A_595 : i32 to vector<16xi32>
      %add3A_597 = arith.addi %broadcast_in_dim3A_581, %add3A_596 : vector<16xi32>
      %gather3A_598 = tpu.vector_load_idx %arg8[%add3A_597] : memref<5120xf32, #tpu.memory_space<vmem>>[vector<16xi32>], vector<16xf32>,
      %reduce_max3A_599 = arith.constant true
      %reduce_max3A_600 = vector.broadcast %reduce_max3A_599 : i1 to vector<16xi1>
      %reduce_max3A_601 = tpu.scan <max>, %gather3A_598 masked %reduce_max3A_600 : vector<16xf32>, vector<16xi1> -> vector<16xf32>
      %reduce_max3A_602 = vector.extract %reduce_max3A_601[15] : f32 from vector<16xf32>
      %add3A_603 = arith.constant 3840 : i32
      %add3A_604 = vector.broadcast %add3A_603 : i32 to vector<16xi32>
      %add3A_605 = arith.addi %broadcast_in_dim3A_581, %add3A_604 : vector<16xi32>
      %gather3A_606 = tpu.vector_load_idx %arg8[%add3A_605] : memref<5120xf32, #tpu.memory_space<vmem>>[vector<16xi32>], vector<16xf32>,
      %reduce_max3A_607 = arith.constant true
      %reduce_max3A_608 = vector.broadcast %reduce_max3A_607 : i1 to vector<16xi1>
      %reduce_max3A_609 = tpu.scan <max>, %gather3A_606 masked %reduce_max3A_608 : vector<16xf32>, vector<16xi1> -> vector<16xf32>
      %reduce_max3A_610 = vector.extract %reduce_max3A_609[15] : f32 from vector<16xf32>
      %eq3A_611 = arith.constant 0 : i32
      %eq3A_612 = vector.broadcast %eq3A_611 : i32 to vector<16xi32>
      %eq3A_613 = arith.cmpi eq, %iota3A, %eq3A_612 : vector<16xi32>
      %eq3A_614 = arith.constant 1 : i32
      %eq3A_615 = vector.broadcast %eq3A_614 : i32 to vector<16xi32>
      %eq3A_616 = arith.cmpi eq, %iota3A, %eq3A_615 : vector<16xi32>
      %convert_element_type3A_617 = arith.sitofp %reduce_min3A_580 : i32 to f32
      %eq3A_618 = arith.constant 2 : i32
      %eq3A_619 = vector.broadcast %eq3A_618 : i32 to vector<16xi32>
      %eq3A_620 = arith.cmpi eq, %iota3A, %eq3A_619 : vector<16xi32>
      %eq3A_621 = arith.constant 3 : i32
      %eq3A_622 = vector.broadcast %eq3A_621 : i32 to vector<16xi32>
      %eq3A_623 = arith.cmpi eq, %iota3A, %eq3A_622 : vector<16xi32>
      %eq3A_624 = arith.constant 4 : i32
      %eq3A_625 = vector.broadcast %eq3A_624 : i32 to vector<16xi32>
      %eq3A_626 = arith.cmpi eq, %iota3A, %eq3A_625 : vector<16xi32>
      %eq3A_627 = arith.constant 5 : i32
      %eq3A_628 = vector.broadcast %eq3A_627 : i32 to vector<16xi32>
      %eq3A_629 = arith.cmpi eq, %iota3A, %eq3A_628 : vector<16xi32>
      %jit3A_630 = arith.constant 0.000000e+00 : f32
      %broadcast_in_dim3A_631 = vector.broadcast %reduce_max3A_610 : f32 to vector<16xf32>
      %broadcast_in_dim3A_632 = vector.broadcast %jit3A_630 : f32 to vector<16xf32>
      %select_n3A_633 = arith.select %eq3A_629, %broadcast_in_dim3A_631, %broadcast_in_dim3A_632 : vector<16xi1>, vector<16xf32>
      %broadcast_in_dim3A_634 = vector.broadcast %reduce_max3A_602 : f32 to vector<16xf32>
      %select_n3A_635 = arith.select %eq3A_626, %broadcast_in_dim3A_634, %select_n3A_633 : vector<16xi1>, vector<16xf32>
      %broadcast_in_dim3A_636 = vector.broadcast %reduce_max3A_594 : f32 to vector<16xf32>
      %select_n3A_637 = arith.select %eq3A_623, %broadcast_in_dim3A_636, %select_n3A_635 : vector<16xi1>, vector<16xf32>
      %broadcast_in_dim3A_638 = vector.broadcast %reduce_max3A_586 : f32 to vector<16xf32>
      %select_n3A_639 = arith.select %eq3A_620, %broadcast_in_dim3A_638, %select_n3A_637 : vector<16xi1>, vector<16xf32>
      %broadcast_in_dim3A_640 = vector.broadcast %convert_element_type3A_617 : f32 to vector<16xf32>
      %select_n3A_641 = arith.select %eq3A_616, %broadcast_in_dim3A_640, %select_n3A_639 : vector<16xi1>, vector<16xf32>
      %broadcast_in_dim3A_642 = vector.broadcast %reduce_max3A_567 : f32 to vector<16xf32>
      %select_n3A_643 = arith.select %eq3A_613, %broadcast_in_dim3A_642, %select_n3A_641 : vector<16xi1>, vector<16xf32>
      %mul3A_644 = arith.constant 16 : i32
      %mul3A_645 = arith.muli %scan3A_553, %mul3A_644 : i32
      %swap3A_646 = arith.index_cast %mul3A_645 : i32 to index
      %swap3A_647 = tpu.vector_load %arg13[%swap3A_646] {strides = array<i32>} : memref<320xf32, #tpu.memory_space<vmem>>, vector<16xf32>,
      tpu.vector_store %arg13[%swap3A_646], %select_n3A_643 {strides = array<i32>} : memref<320xf32, #tpu.memory_space<vmem>>, vector<16xf32>,
    }
    %scan3A_421 = arith.constant 20 : i32
    %mul3A_422 = arith.constant 320 : i32
    %mul3A_423 = arith.muli %arg1, %mul3A_422 : i32
    "tpu.region"() ({
      %run_scoped3A = tpu.sem_alloc : memref<!tpu.dma_semaphore, #tpu.memory_space<semaphore_mem>>
      %dma_start3A_553 = tpu.memref_slice %arg17[%mul3A_423] : memref<5120xf32, #tpu.memory_space<vmem_shared>> -> memref<320xf32, #tpu.memory_space<vmem_shared>>
      %dma_start3A_554 = tpu.memref_slice %arg17[%mul3A_423] : memref<5120xf32, #tpu.memory_space<vmem_shared>> -> memref<320xf32, #tpu.memory_space<vmem_shared>>
      tpu.enqueue_dma source(%arg13 : memref<320xf32, #tpu.memory_space<vmem>>) target(%dma_start3A_554 : memref<320xf32, #tpu.memory_space<vmem_shared>>) target_semaphore(%run_scoped3A : memref<!tpu.dma_semaphore, #tpu.memory_space<semaphore_mem>>)
      %dma_wait3A_555 = tpu.memref_slice %arg17[%mul3A_423] : memref<5120xf32, #tpu.memory_space<vmem_shared>> -> memref<320xf32, #tpu.memory_space<vmem_shared>>
      %dma_wait3A_556 = tpu.memref_slice %arg17[%mul3A_423] : memref<5120xf32, #tpu.memory_space<vmem_shared>> -> memref<320xf32, #tpu.memory_space<vmem_shared>>
      tpu.wait_dma2 semaphore(%run_scoped3A : memref<!tpu.dma_semaphore, #tpu.memory_space<semaphore_mem>>) src(%arg13 : memref<320xf32, #tpu.memory_space<vmem>>) dst(%dma_wait3A_556 : memref<320xf32, #tpu.memory_space<vmem_shared>>)
      tpu.yield
    }) : () -> ()
    %barrier3A = arith.constant 0 : index
    tpu.barrier barrier_id(%barrier3A)
    "tpu.region"() ({
      %run_scoped3A = tpu.sem_alloc : memref<!tpu.dma_semaphore, #tpu.memory_space<semaphore_mem>>
      tpu.enqueue_dma source(%arg17 : memref<5120xf32, #tpu.memory_space<vmem_shared>>) target(%arg14 : memref<5120xf32, #tpu.memory_space<vmem>>) target_semaphore(%run_scoped3A : memref<!tpu.dma_semaphore, #tpu.memory_space<semaphore_mem>>)
      tpu.wait_dma2 semaphore(%run_scoped3A : memref<!tpu.dma_semaphore, #tpu.memory_space<semaphore_mem>>) src(%arg17 : memref<5120xf32, #tpu.memory_space<vmem_shared>>) dst(%arg14 : memref<5120xf32, #tpu.memory_space<vmem>>)
      tpu.yield
    }) : () -> ()
    %scan3A_424 = arith.constant 0 : i32
    %scan3A_425 = arith.constant 0 : i32
    %scan3A_426 = arith.constant 20 : i32
    %scan3A_427 = arith.addi %scan3A_425, %scan3A_426 : i32
    %scan3A_428 = arith.constant 1 : i32
    scf.for %scan3A_553 = %scan3A_425 to %scan3A_427 step %scan3A_428  : i32 {
      %mul3A_554 = arith.constant 16 : i32
      %mul3A_555 = arith.muli %scan3A_553, %mul3A_554 : i32
      %mul3A_556 = arith.constant 320 : i32
      %mul3A_557 = vector.broadcast %mul3A_556 : i32 to vector<16xi32>
      %mul3A_558 = arith.muli %iota3A, %mul3A_557 : vector<16xi32>
      %add3A_559 = vector.broadcast %mul3A_555 : i32 to vector<16xi32>
      %add3A_560 = arith.addi %mul3A_558, %add3A_559 : vector<16xi32>
      %gather3A_561 = tpu.vector_load_idx %arg14[%add3A_560] : memref<5120xf32, #tpu.memory_space<vmem>>[vector<16xi32>], vector<16xf32>,
      %mul3A_562 = arith.constant 320 : i32
      %mul3A_563 = vector.broadcast %mul3A_562 : i32 to vector<16xi32>
      %mul3A_564 = arith.muli %iota3A, %mul3A_563 : vector<16xi32>
      %add3A_565 = arith.constant 1 : i32
      %add3A_566 = arith.addi %mul3A_555, %add3A_565 : i32
      %add3A_567 = vector.broadcast %add3A_566 : i32 to vector<16xi32>
      %add3A_568 = arith.addi %mul3A_564, %add3A_567 : vector<16xi32>
      %gather3A_569 = tpu.vector_load_idx %arg14[%add3A_568] : memref<5120xf32, #tpu.memory_space<vmem>>[vector<16xi32>], vector<16xf32>,
      %reduce_max3A_570 = arith.constant true
      %reduce_max3A_571 = vector.broadcast %reduce_max3A_570 : i1 to vector<16xi1>
      %reduce_max3A_572 = tpu.scan <max>, %gather3A_561 masked %reduce_max3A_571 : vector<16xf32>, vector<16xi1> -> vector<16xf32>
      %reduce_max3A_573 = vector.extract %reduce_max3A_572[15] : f32 from vector<16xf32>
      %eq3A_574 = vector.broadcast %reduce_max3A_573 : f32 to vector<16xf32>
      %eq3A_575 = arith.cmpf oeq, %gather3A_561, %eq3A_574 : vector<16xf32>
      %jit3A_576 = arith.constant 1.000000e+09 : f32
      %broadcast_in_dim3A_577 = vector.broadcast %jit3A_576 : f32 to vector<16xf32>
      %select_n3A_578 = arith.select %eq3A_575, %gather3A_569, %broadcast_in_dim3A_577 : vector<16xi1>, vector<16xf32>
      %reduce_min3A_579 = arith.constant true
      %reduce_min3A_580 = vector.broadcast %reduce_min3A_579 : i1 to vector<16xi1>
      %reduce_min3A_581 = tpu.scan <min>, %select_n3A_578 masked %reduce_min3A_580 : vector<16xf32>, vector<16xi1> -> vector<16xf32>
      %reduce_min3A_582 = vector.extract %reduce_min3A_581[15] : f32 from vector<16xf32>
      %eq3A_583 = vector.broadcast %reduce_min3A_582 : f32 to vector<16xf32>
      %eq3A_584 = arith.cmpf oeq, %select_n3A_578, %eq3A_583 : vector<16xf32>
      %mul3A_585 = arith.constant 320 : i32
      %mul3A_586 = vector.broadcast %mul3A_585 : i32 to vector<16xi32>
      %mul3A_587 = arith.muli %iota3A, %mul3A_586 : vector<16xi32>
      %add3A_588 = arith.constant 2 : i32
      %add3A_589 = arith.addi %mul3A_555, %add3A_588 : i32
      %add3A_590 = vector.broadcast %add3A_589 : i32 to vector<16xi32>
      %add3A_591 = arith.addi %mul3A_587, %add3A_590 : vector<16xi32>
      %gather3A_592 = tpu.vector_load_idx %arg14[%add3A_591] : memref<5120xf32, #tpu.memory_space<vmem>>[vector<16xi32>], vector<16xf32>,
      %jit3A_593 = arith.constant -3.000000e+38 : f32
      %broadcast_in_dim3A_594 = vector.broadcast %jit3A_593 : f32 to vector<16xf32>
      %select_n3A_595 = arith.select %eq3A_584, %gather3A_592, %broadcast_in_dim3A_594 : vector<16xi1>, vector<16xf32>
      %reduce_max3A_596 = arith.constant true
      %reduce_max3A_597 = vector.broadcast %reduce_max3A_596 : i1 to vector<16xi1>
      %reduce_max3A_598 = tpu.scan <max>, %select_n3A_595 masked %reduce_max3A_597 : vector<16xf32>, vector<16xi1> -> vector<16xf32>
      %reduce_max3A_599 = vector.extract %reduce_max3A_598[15] : f32 from vector<16xf32>
      %mul3A_600 = arith.constant 320 : i32
      %mul3A_601 = vector.broadcast %mul3A_600 : i32 to vector<16xi32>
      %mul3A_602 = arith.muli %iota3A, %mul3A_601 : vector<16xi32>
      %add3A_603 = arith.constant 3 : i32
      %add3A_604 = arith.addi %mul3A_555, %add3A_603 : i32
      %add3A_605 = vector.broadcast %add3A_604 : i32 to vector<16xi32>
      %add3A_606 = arith.addi %mul3A_602, %add3A_605 : vector<16xi32>
      %gather3A_607 = tpu.vector_load_idx %arg14[%add3A_606] : memref<5120xf32, #tpu.memory_space<vmem>>[vector<16xi32>], vector<16xf32>,
      %jit3A_608 = arith.constant -3.000000e+38 : f32
      %broadcast_in_dim3A_609 = vector.broadcast %jit3A_608 : f32 to vector<16xf32>
      %select_n3A_610 = arith.select %eq3A_584, %gather3A_607, %broadcast_in_dim3A_609 : vector<16xi1>, vector<16xf32>
      %reduce_max3A_611 = arith.constant true
      %reduce_max3A_612 = vector.broadcast %reduce_max3A_611 : i1 to vector<16xi1>
      %reduce_max3A_613 = tpu.scan <max>, %select_n3A_610 masked %reduce_max3A_612 : vector<16xf32>, vector<16xi1> -> vector<16xf32>
      %reduce_max3A_614 = vector.extract %reduce_max3A_613[15] : f32 from vector<16xf32>
      %mul3A_615 = arith.constant 320 : i32
      %mul3A_616 = vector.broadcast %mul3A_615 : i32 to vector<16xi32>
      %mul3A_617 = arith.muli %iota3A, %mul3A_616 : vector<16xi32>
      %add3A_618 = arith.constant 4 : i32
      %add3A_619 = arith.addi %mul3A_555, %add3A_618 : i32
      %add3A_620 = vector.broadcast %add3A_619 : i32 to vector<16xi32>
      %add3A_621 = arith.addi %mul3A_617, %add3A_620 : vector<16xi32>
      %gather3A_622 = tpu.vector_load_idx %arg14[%add3A_621] : memref<5120xf32, #tpu.memory_space<vmem>>[vector<16xi32>], vector<16xf32>,
      %jit3A_623 = arith.constant -3.000000e+38 : f32
      %broadcast_in_dim3A_624 = vector.broadcast %jit3A_623 : f32 to vector<16xf32>
      %select_n3A_625 = arith.select %eq3A_584, %gather3A_622, %broadcast_in_dim3A_624 : vector<16xi1>, vector<16xf32>
      %reduce_max3A_626 = arith.constant true
      %reduce_max3A_627 = vector.broadcast %reduce_max3A_626 : i1 to vector<16xi1>
      %reduce_max3A_628 = tpu.scan <max>, %select_n3A_625 masked %reduce_max3A_627 : vector<16xf32>, vector<16xi1> -> vector<16xf32>
      %reduce_max3A_629 = vector.extract %reduce_max3A_628[15] : f32 from vector<16xf32>
      %mul3A_630 = arith.constant 320 : i32
      %mul3A_631 = vector.broadcast %mul3A_630 : i32 to vector<16xi32>
      %mul3A_632 = arith.muli %iota3A, %mul3A_631 : vector<16xi32>
      %add3A_633 = arith.constant 5 : i32
      %add3A_634 = arith.addi %mul3A_555, %add3A_633 : i32
      %add3A_635 = vector.broadcast %add3A_634 : i32 to vector<16xi32>
      %add3A_636 = arith.addi %mul3A_632, %add3A_635 : vector<16xi32>
      %gather3A_637 = tpu.vector_load_idx %arg14[%add3A_636] : memref<5120xf32, #tpu.memory_space<vmem>>[vector<16xi32>], vector<16xf32>,
      %jit3A_638 = arith.constant -3.000000e+38 : f32
      %broadcast_in_dim3A_639 = vector.broadcast %jit3A_638 : f32 to vector<16xf32>
      %select_n3A_640 = arith.select %eq3A_584, %gather3A_637, %broadcast_in_dim3A_639 : vector<16xi1>, vector<16xf32>
      %reduce_max3A_641 = arith.constant true
      %reduce_max3A_642 = vector.broadcast %reduce_max3A_641 : i1 to vector<16xi1>
      %reduce_max3A_643 = tpu.scan <max>, %select_n3A_640 masked %reduce_max3A_642 : vector<16xf32>, vector<16xi1> -> vector<16xf32>
      %reduce_max3A_644 = vector.extract %reduce_max3A_643[15] : f32 from vector<16xf32>
      %add3A_645 = arith.constant 0 : i32
      %add3A_646 = arith.addi %add3A_645, %scan3A_553 : i32
      %broadcast_in_dim3A_647 = vector.broadcast %add3A_646 : i32 to vector<16xi32>
      %broadcast_in_dim3A_648 = vector.broadcast %reduce_max3A_573 : f32 to vector<16xf32>
      %eq3A_649 = arith.constant 0 : i32
      %eq3A_650 = vector.broadcast %eq3A_649 : i32 to vector<16xi32>
      %eq3A_651 = arith.cmpi eq, %iota3A, %eq3A_650 : vector<16xi32>
      tpu.vector_store_idx %arg10[%broadcast_in_dim3A_647], %broadcast_in_dim3A_648 masked %eq3A_651 : memref<256xf32, #tpu.memory_space<vmem>>[vector<16xi32>], vector<16xf32>, vector<16xi1>
      %add3A_652 = arith.constant 32 : i32
      %add3A_653 = arith.addi %add3A_652, %scan3A_553 : i32
      %broadcast_in_dim3A_654 = vector.broadcast %add3A_653 : i32 to vector<16xi32>
      %broadcast_in_dim3A_655 = vector.broadcast %reduce_min3A_582 : f32 to vector<16xf32>
      %eq3A_656 = arith.constant 0 : i32
      %eq3A_657 = vector.broadcast %eq3A_656 : i32 to vector<16xi32>
      %eq3A_658 = arith.cmpi eq, %iota3A, %eq3A_657 : vector<16xi32>
      tpu.vector_store_idx %arg10[%broadcast_in_dim3A_654], %broadcast_in_dim3A_655 masked %eq3A_658 : memref<256xf32, #tpu.memory_space<vmem>>[vector<16xi32>], vector<16xf32>, vector<16xi1>
      %add3A_659 = arith.constant 64 : i32
      %add3A_660 = arith.addi %add3A_659, %scan3A_553 : i32
      %broadcast_in_dim3A_661 = vector.broadcast %add3A_660 : i32 to vector<16xi32>
      %broadcast_in_dim3A_662 = vector.broadcast %reduce_max3A_599 : f32 to vector<16xf32>
      %eq3A_663 = arith.constant 0 : i32
      %eq3A_664 = vector.broadcast %eq3A_663 : i32 to vector<16xi32>
      %eq3A_665 = arith.cmpi eq, %iota3A, %eq3A_664 : vector<16xi32>
      tpu.vector_store_idx %arg10[%broadcast_in_dim3A_661], %broadcast_in_dim3A_662 masked %eq3A_665 : memref<256xf32, #tpu.memory_space<vmem>>[vector<16xi32>], vector<16xf32>, vector<16xi1>
      %add3A_666 = arith.constant 96 : i32
      %add3A_667 = arith.addi %add3A_666, %scan3A_553 : i32
      %broadcast_in_dim3A_668 = vector.broadcast %add3A_667 : i32 to vector<16xi32>
      %broadcast_in_dim3A_669 = vector.broadcast %reduce_max3A_614 : f32 to vector<16xf32>
      %eq3A_670 = arith.constant 0 : i32
      %eq3A_671 = vector.broadcast %eq3A_670 : i32 to vector<16xi32>
      %eq3A_672 = arith.cmpi eq, %iota3A, %eq3A_671 : vector<16xi32>
      tpu.vector_store_idx %arg10[%broadcast_in_dim3A_668], %broadcast_in_dim3A_669 masked %eq3A_672 : memref<256xf32, #tpu.memory_space<vmem>>[vector<16xi32>], vector<16xf32>, vector<16xi1>
      %add3A_673 = arith.constant 128 : i32
      %add3A_674 = arith.addi %add3A_673, %scan3A_553 : i32
      %broadcast_in_dim3A_675 = vector.broadcast %add3A_674 : i32 to vector<16xi32>
      %broadcast_in_dim3A_676 = vector.broadcast %reduce_max3A_629 : f32 to vector<16xf32>
      %eq3A_677 = arith.constant 0 : i32
      %eq3A_678 = vector.broadcast %eq3A_677 : i32 to vector<16xi32>
      %eq3A_679 = arith.cmpi eq, %iota3A, %eq3A_678 : vector<16xi32>
      tpu.vector_store_idx %arg10[%broadcast_in_dim3A_675], %broadcast_in_dim3A_676 masked %eq3A_679 : memref<256xf32, #tpu.memory_space<vmem>>[vector<16xi32>], vector<16xf32>, vector<16xi1>
      %add3A_680 = arith.constant 160 : i32
      %add3A_681 = arith.addi %add3A_680, %scan3A_553 : i32
      %broadcast_in_dim3A_682 = vector.broadcast %add3A_681 : i32 to vector<16xi32>
      %broadcast_in_dim3A_683 = vector.broadcast %reduce_max3A_644 : f32 to vector<16xf32>
      %eq3A_684 = arith.constant 0 : i32
      %eq3A_685 = vector.broadcast %eq3A_684 : i32 to vector<16xi32>
      %eq3A_686 = arith.cmpi eq, %iota3A, %eq3A_685 : vector<16xi32>
      tpu.vector_store_idx %arg10[%broadcast_in_dim3A_682], %broadcast_in_dim3A_683 masked %eq3A_686 : memref<256xf32, #tpu.memory_space<vmem>>[vector<16xi32>], vector<16xf32>, vector<16xi1>
    }
    %scan3A_429 = arith.constant 20 : i32
    %get3A = arith.constant 0 : index
    %get3A_430 = tpu.vector_load %arg10[%get3A] {strides = array<i32>} : memref<256xf32, #tpu.memory_space<vmem>>, vector<16xf32>,
    %get3A_431 = arith.constant 16 : index
    %get3A_432 = tpu.vector_load %arg10[%get3A_431] {strides = array<i32>} : memref<256xf32, #tpu.memory_space<vmem>>, vector<16xf32>,
    %eq3A = arith.constant -1 : i32
    %eq3A_433 = vector.broadcast %eq3A : i32 to vector<16xi32>
    %eq3A_434 = arith.cmpi eq, %iota3A, %eq3A_433 : vector<16xi32>
    %jit3A_435 = arith.constant -1.000000e+00 : f32
    %broadcast_in_dim3A_436 = vector.broadcast %jit3A_435 : f32 to vector<16xf32>
    %select_n3A_437 = arith.select %eq3A_434, %broadcast_in_dim3A_436, %get3A_430 : vector<16xi1>, vector<16xf32>
    %add3A_438 = arith.constant 16 : i32
    %add3A_439 = vector.broadcast %add3A_438 : i32 to vector<16xi32>
    %add3A_440 = arith.addi %iota3A, %add3A_439 : vector<16xi32>
    %eq3A_441 = arith.constant -1 : i32
    %eq3A_442 = vector.broadcast %eq3A_441 : i32 to vector<16xi32>
    %eq3A_443 = arith.cmpi eq, %add3A_440, %eq3A_442 : vector<16xi32>
    %jit3A_444 = arith.constant -1.000000e+00 : f32
    %broadcast_in_dim3A_445 = vector.broadcast %jit3A_444 : f32 to vector<16xf32>
    %select_n3A_446 = arith.select %eq3A_443, %broadcast_in_dim3A_445, %get3A_432 : vector<16xi1>, vector<16xf32>
    %get3A_447 = arith.constant 32 : index
    %get3A_448 = tpu.vector_load %arg10[%get3A_447] {strides = array<i32>} : memref<256xf32, #tpu.memory_space<vmem>>, vector<16xf32>,
    %get3A_449 = arith.constant 48 : index
    %get3A_450 = tpu.vector_load %arg10[%get3A_449] {strides = array<i32>} : memref<256xf32, #tpu.memory_space<vmem>>, vector<16xf32>,
    %reduce_max3A = arith.constant true
    %reduce_max3A_451 = vector.broadcast %reduce_max3A : i1 to vector<16xi1>
    %reduce_max3A_452 = tpu.scan <max>, %select_n3A_437 masked %reduce_max3A_451 : vector<16xf32>, vector<16xi1> -> vector<16xf32>
    %reduce_max3A_453 = vector.extract %reduce_max3A_452[15] : f32 from vector<16xf32>
    %reduce_max3A_454 = arith.constant true
    %reduce_max3A_455 = vector.broadcast %reduce_max3A_454 : i1 to vector<16xi1>
    %reduce_max3A_456 = tpu.scan <max>, %select_n3A_446 masked %reduce_max3A_455 : vector<16xf32>, vector<16xi1> -> vector<16xf32>
    %reduce_max3A_457 = vector.extract %reduce_max3A_456[15] : f32 from vector<16xf32>
    %max3A = arith.maximumf %reduce_max3A_453, %reduce_max3A_457 : f32
    %convert_element_type3A = arith.sitofp %iota3A : vector<16xi32> to vector<16xf32>
    %eq3A_458 = vector.broadcast %max3A : f32 to vector<16xf32>
    %eq3A_459 = arith.cmpf oeq, %select_n3A_437, %eq3A_458 : vector<16xf32>
    %mul3A_460 = arith.constant 2.000000e+01 : f32
    %mul3A_461 = vector.broadcast %mul3A_460 : f32 to vector<16xf32>
    %mul3A_462 = arith.mulf %get3A_448, %mul3A_461 : vector<16xf32>
    %add3A_463 = arith.addf %mul3A_462, %convert_element_type3A : vector<16xf32>
    %jit3A_464 = arith.constant 1.000000e+09 : f32
    %broadcast_in_dim3A_465 = vector.broadcast %jit3A_464 : f32 to vector<16xf32>
    %select_n3A_466 = arith.select %eq3A_459, %add3A_463, %broadcast_in_dim3A_465 : vector<16xi1>, vector<16xf32>
    %eq3A_467 = vector.broadcast %max3A : f32 to vector<16xf32>
    %eq3A_468 = arith.cmpf oeq, %select_n3A_446, %eq3A_467 : vector<16xf32>
    %mul3A_469 = arith.constant 2.000000e+01 : f32
    %mul3A_470 = vector.broadcast %mul3A_469 : f32 to vector<16xf32>
    %mul3A_471 = arith.mulf %get3A_450, %mul3A_470 : vector<16xf32>
    %add3A_472 = arith.constant 1.600000e+01 : f32
    %add3A_473 = vector.broadcast %add3A_472 : f32 to vector<16xf32>
    %add3A_474 = arith.addf %convert_element_type3A, %add3A_473 : vector<16xf32>
    %add3A_475 = arith.addf %mul3A_471, %add3A_474 : vector<16xf32>
    %jit3A_476 = arith.constant 1.000000e+09 : f32
    %broadcast_in_dim3A_477 = vector.broadcast %jit3A_476 : f32 to vector<16xf32>
    %select_n3A_478 = arith.select %eq3A_468, %add3A_475, %broadcast_in_dim3A_477 : vector<16xi1>, vector<16xf32>
    %reduce_min3A = arith.constant true
    %reduce_min3A_479 = vector.broadcast %reduce_min3A : i1 to vector<16xi1>
    %reduce_min3A_480 = tpu.scan <min>, %select_n3A_466 masked %reduce_min3A_479 : vector<16xf32>, vector<16xi1> -> vector<16xf32>
    %reduce_min3A_481 = vector.extract %reduce_min3A_480[15] : f32 from vector<16xf32>
    %reduce_min3A_482 = arith.constant true
    %reduce_min3A_483 = vector.broadcast %reduce_min3A_482 : i1 to vector<16xi1>
    %reduce_min3A_484 = tpu.scan <min>, %select_n3A_478 masked %reduce_min3A_483 : vector<16xf32>, vector<16xi1> -> vector<16xf32>
    %reduce_min3A_485 = vector.extract %reduce_min3A_484[15] : f32 from vector<16xf32>
    %min3A = arith.minimumf %reduce_min3A_481, %reduce_min3A_485 : f32
    %convert_element_type3A_486 = arith.fptosi %min3A : f32 to i32
    %rem3A = arith.constant 20 : i32
    %rem3A_487 = arith.remsi %convert_element_type3A_486, %rem3A : i32
    %lt3A_488 = arith.constant 4 : i32
    %lt3A_489 = vector.broadcast %lt3A_488 : i32 to vector<16xi32>
    %lt3A_490 = arith.cmpi slt, %iota3A, %lt3A_489 : vector<16xi32>
    %add3A_491 = arith.constant 2 : i32
    %add3A_492 = vector.broadcast %add3A_491 : i32 to vector<16xi32>
    %add3A_493 = arith.addi %iota3A, %add3A_492 : vector<16xi32>
    %mul3A_494 = arith.constant 32 : i32
    %mul3A_495 = vector.broadcast %mul3A_494 : i32 to vector<16xi32>
    %mul3A_496 = arith.muli %add3A_493, %mul3A_495 : vector<16xi32>
    %add3A_497 = vector.broadcast %rem3A_487 : i32 to vector<16xi32>
    %add3A_498 = arith.addi %mul3A_496, %add3A_497 : vector<16xi32>
    %broadcast_in_dim3A_499 = vector.broadcast %rem3A_487 : i32 to vector<16xi32>
    %select_n3A_500 = arith.select %lt3A_490, %add3A_498, %broadcast_in_dim3A_499 : vector<16xi1>, vector<16xi32>
    %gather3A = tpu.vector_load_idx %arg10[%select_n3A_500] : memref<256xf32, #tpu.memory_space<vmem>>[vector<16xi32>], vector<16xf32>,
    %eq3A_501 = arith.constant 0 : i32
    %eq3A_502 = vector.broadcast %eq3A_501 : i32 to vector<16xi32>
    %eq3A_503 = arith.cmpi eq, %iota3A, %eq3A_502 : vector<16xi32>
    %jit3A_504 = arith.constant -3.000000e+38 : f32
    %broadcast_in_dim3A_505 = vector.broadcast %jit3A_504 : f32 to vector<16xf32>
    %select_n3A_506 = arith.select %eq3A_503, %gather3A, %broadcast_in_dim3A_505 : vector<16xi1>, vector<16xf32>
    %reduce_max3A_507 = arith.constant true
    %reduce_max3A_508 = vector.broadcast %reduce_max3A_507 : i1 to vector<16xi1>
    %reduce_max3A_509 = tpu.scan <max>, %select_n3A_506 masked %reduce_max3A_508 : vector<16xf32>, vector<16xi1> -> vector<16xf32>
    %reduce_max3A_510 = vector.extract %reduce_max3A_509[15] : f32 from vector<16xf32>
    %eq3A_511 = arith.constant 1 : i32
    %eq3A_512 = vector.broadcast %eq3A_511 : i32 to vector<16xi32>
    %eq3A_513 = arith.cmpi eq, %iota3A, %eq3A_512 : vector<16xi32>
    %jit3A_514 = arith.constant -3.000000e+38 : f32
    %broadcast_in_dim3A_515 = vector.broadcast %jit3A_514 : f32 to vector<16xf32>
    %select_n3A_516 = arith.select %eq3A_513, %gather3A, %broadcast_in_dim3A_515 : vector<16xi1>, vector<16xf32>
    %reduce_max3A_517 = arith.constant true
    %reduce_max3A_518 = vector.broadcast %reduce_max3A_517 : i1 to vector<16xi1>
    %reduce_max3A_519 = tpu.scan <max>, %select_n3A_516 masked %reduce_max3A_518 : vector<16xf32>, vector<16xi1> -> vector<16xf32>
    %reduce_max3A_520 = vector.extract %reduce_max3A_519[15] : f32 from vector<16xf32>
    %eq3A_521 = arith.constant 2 : i32
    %eq3A_522 = vector.broadcast %eq3A_521 : i32 to vector<16xi32>
    %eq3A_523 = arith.cmpi eq, %iota3A, %eq3A_522 : vector<16xi32>
    %jit3A_524 = arith.constant -3.000000e+38 : f32
    %broadcast_in_dim3A_525 = vector.broadcast %jit3A_524 : f32 to vector<16xf32>
    %select_n3A_526 = arith.select %eq3A_523, %gather3A, %broadcast_in_dim3A_525 : vector<16xi1>, vector<16xf32>
    %reduce_max3A_527 = arith.constant true
    %reduce_max3A_528 = vector.broadcast %reduce_max3A_527 : i1 to vector<16xi1>
    %reduce_max3A_529 = tpu.scan <max>, %select_n3A_526 masked %reduce_max3A_528 : vector<16xf32>, vector<16xi1> -> vector<16xf32>
    %reduce_max3A_530 = vector.extract %reduce_max3A_529[15] : f32 from vector<16xf32>
    %eq3A_531 = arith.constant 3 : i32
    %eq3A_532 = vector.broadcast %eq3A_531 : i32 to vector<16xi32>
    %eq3A_533 = arith.cmpi eq, %iota3A, %eq3A_532 : vector<16xi32>
    %jit3A_534 = arith.constant -3.000000e+38 : f32
    %broadcast_in_dim3A_535 = vector.broadcast %jit3A_534 : f32 to vector<16xf32>
    %select_n3A_536 = arith.select %eq3A_533, %gather3A, %broadcast_in_dim3A_535 : vector<16xi1>, vector<16xf32>
    %reduce_max3A_537 = arith.constant true
    %reduce_max3A_538 = vector.broadcast %reduce_max3A_537 : i1 to vector<16xi1>
    %reduce_max3A_539 = tpu.scan <max>, %select_n3A_536 masked %reduce_max3A_538 : vector<16xf32>, vector<16xi1> -> vector<16xf32>
    %reduce_max3A_540 = vector.extract %reduce_max3A_539[15] : f32 from vector<16xf32>
    %scan3A_541 = arith.constant 0 : i32
    %scan3A_542 = arith.constant 100 : i32
    %scan3A_543 = arith.addi %scan3A_541, %scan3A_542 : i32
    %scan3A_544 = arith.constant 1 : i32
    %scan3A_545:6 = scf.for %scan3A_553 = %scan3A_541 to %scan3A_543 step %scan3A_544 iter_args(%scan3A_554 = %max3A, %scan3A_555 = %min3A, %scan3A_556 = %reduce_max3A_510, %scan3A_557 = %reduce_max3A_520, %scan3A_558 = %reduce_max3A_530, %scan3A_559 = %reduce_max3A_540) -> (f32, f32, f32, f32, f32, f32)  : i32 {
      %convert_element_type3A_560 = arith.fptosi %scan3A_555 : f32 to i32
      %rem3A_561 = arith.constant 20 : i32
      %rem3A_562 = arith.remsi %convert_element_type3A_560, %rem3A_561 : i32
      %div3A = arith.constant 20 : i32
      %div3A_563 = arith.divsi %convert_element_type3A_560, %div3A : i32
      %gt3A = arith.constant 0.000000e+00 : f32
      %gt3A_564 = arith.cmpf ogt, %scan3A_554, %gt3A : f32
      %add3A_565 = arith.constant 1 : i32
      %add3A_566 = arith.addi %rem3A_562, %add3A_565 : i32
      %convert_element_type3A_567 = arith.sitofp %add3A_566 : i32 to f32
      %eq3A_568 = arith.constant 0 : i32
      %eq3A_569 = vector.broadcast %eq3A_568 : i32 to vector<16xi32>
      %eq3A_570 = arith.cmpi eq, %iota3A, %eq3A_569 : vector<16xi32>
      %eq3A_571 = arith.constant 1 : i32
      %eq3A_572 = vector.broadcast %eq3A_571 : i32 to vector<16xi32>
      %eq3A_573 = arith.cmpi eq, %iota3A, %eq3A_572 : vector<16xi32>
      %eq3A_574 = arith.constant 2 : i32
      %eq3A_575 = vector.broadcast %eq3A_574 : i32 to vector<16xi32>
      %eq3A_576 = arith.cmpi eq, %iota3A, %eq3A_575 : vector<16xi32>
      %eq3A_577 = arith.constant 3 : i32
      %eq3A_578 = vector.broadcast %eq3A_577 : i32 to vector<16xi32>
      %eq3A_579 = arith.cmpi eq, %iota3A, %eq3A_578 : vector<16xi32>
      %eq3A_580 = arith.constant 4 : i32
      %eq3A_581 = vector.broadcast %eq3A_580 : i32 to vector<16xi32>
      %eq3A_582 = arith.cmpi eq, %iota3A, %eq3A_581 : vector<16xi32>
      %eq3A_583 = arith.constant 5 : i32
      %eq3A_584 = vector.broadcast %eq3A_583 : i32 to vector<16xi32>
      %eq3A_585 = arith.cmpi eq, %iota3A, %eq3A_584 : vector<16xi32>
      %jit3A_586 = arith.constant 0.000000e+00 : f32
      %broadcast_in_dim3A_587 = vector.broadcast %convert_element_type3A_567 : f32 to vector<16xf32>
      %broadcast_in_dim3A_588 = vector.broadcast %jit3A_586 : f32 to vector<16xf32>
      %select_n3A_589 = arith.select %eq3A_585, %broadcast_in_dim3A_587, %broadcast_in_dim3A_588 : vector<16xi1>, vector<16xf32>
      %broadcast_in_dim3A_590 = vector.broadcast %scan3A_554 : f32 to vector<16xf32>
      %select_n3A_591 = arith.select %eq3A_582, %broadcast_in_dim3A_590, %select_n3A_589 : vector<16xi1>, vector<16xf32>
      %broadcast_in_dim3A_592 = vector.broadcast %scan3A_559 : f32 to vector<16xf32>
      %select_n3A_593 = arith.select %eq3A_579, %broadcast_in_dim3A_592, %select_n3A_591 : vector<16xi1>, vector<16xf32>
      %broadcast_in_dim3A_594 = vector.broadcast %scan3A_558 : f32 to vector<16xf32>
      %select_n3A_595 = arith.select %eq3A_576, %broadcast_in_dim3A_594, %select_n3A_593 : vector<16xi1>, vector<16xf32>
      %broadcast_in_dim3A_596 = vector.broadcast %scan3A_557 : f32 to vector<16xf32>
      %select_n3A_597 = arith.select %eq3A_573, %broadcast_in_dim3A_596, %select_n3A_595 : vector<16xi1>, vector<16xf32>
      %broadcast_in_dim3A_598 = vector.broadcast %scan3A_556 : f32 to vector<16xf32>
      %select_n3A_599 = arith.select %eq3A_570, %broadcast_in_dim3A_598, %select_n3A_597 : vector<16xi1>, vector<16xf32>
      %eq3A_600 = arith.constant 5 : i32
      %eq3A_601 = vector.broadcast %eq3A_600 : i32 to vector<16xi32>
      %eq3A_602 = arith.cmpi eq, %iota3A, %eq3A_601 : vector<16xi32>
      %jit3A_603 = arith.constant -1.000000e+00 : f32
      %jit3A_604 = arith.constant 0.000000e+00 : f32
      %broadcast_in_dim3A_605 = vector.broadcast %jit3A_603 : f32 to vector<16xf32>
      %broadcast_in_dim3A_606 = vector.broadcast %jit3A_604 : f32 to vector<16xf32>
      %select_n3A_607 = arith.select %eq3A_602, %broadcast_in_dim3A_605, %broadcast_in_dim3A_606 : vector<16xi1>, vector<16xf32>
      %select_n3A_608 = arith.select %gt3A_564, %select_n3A_599, %select_n3A_607 : vector<16xf32>
      %mul3A_609 = arith.constant 16 : i32
      %mul3A_610 = arith.muli %scan3A_553, %mul3A_609 : i32
      %swap3A_611 = arith.index_cast %mul3A_610 : i32 to index
      %swap3A_612 = tpu.vector_load %arg15[%swap3A_611] {strides = array<i32>} : memref<1600xf32, #tpu.memory_space<vmem>>, vector<16xf32>,
      tpu.vector_store %arg15[%swap3A_611], %select_n3A_608 {strides = array<i32>} : memref<1600xf32, #tpu.memory_space<vmem>>, vector<16xf32>,
      %mul3A_613 = arith.constant 4.000000e+00 : f32
      %mul3A_614 = arith.mulf %convert_element_type3A_567, %mul3A_613 : f32
      %add3A_615 = arith.addf %scan3A_556, %mul3A_614 : f32
      %add3A_616 = arith.addf %scan3A_557, %mul3A_614 : f32
      %add3A_617 = arith.addf %scan3A_558, %mul3A_614 : f32
      %add3A_618 = arith.addf %scan3A_559, %mul3A_614 : f32
      %sub3A = arith.subf %add3A_617, %add3A_615 : f32
      %max3A_619 = arith.constant 0.000000e+00 : f32
      %max3A_620 = arith.maximumf %sub3A, %max3A_619 : f32
      %sub3A_621 = arith.subf %add3A_618, %add3A_616 : f32
      %max3A_622 = arith.constant 0.000000e+00 : f32
      %max3A_623 = arith.maximumf %sub3A_621, %max3A_622 : f32
      %mul3A_624 = arith.mulf %max3A_620, %max3A_623 : f32
      %sub3A_625 = arith.subi %div3A_563, %mul3A_0 : i32
      %ge3A = arith.constant 0 : i32
      %ge3A_626 = arith.cmpi sge, %sub3A_625, %ge3A : i32
      %lt3A_627 = arith.constant 1280 : i32
      %lt3A_628 = arith.cmpi slt, %sub3A_625, %lt3A_627 : i32
      %and3A_629 = arith.andi %ge3A_626, %lt3A_628 : i1
      %jit3A_630 = arith.constant 0 : i32
      %jit3A_631 = arith.constant 1279 : i32
      %max3A_632 = arith.maxsi %jit3A_630, %sub3A_625 : i32
      %min3A_633 = arith.minsi %jit3A_631, %max3A_632 : i32
      %mul3A_634 = arith.constant 1280 : i32
      %mul3A_635 = arith.muli %rem3A_562, %mul3A_634 : i32
      %add3A_636 = arith.addi %mul3A_635, %min3A_633 : i32
      %broadcast_in_dim3A_637 = vector.broadcast %add3A_636 : i32 to vector<16xi32>
      %broadcast_in_dim3A_638 = arith.constant 0.000000e+00 : f32
      %broadcast_in_dim3A_639 = vector.broadcast %broadcast_in_dim3A_638 : f32 to vector<16xf32>
      %eq3A_640 = arith.constant 0 : i32
      %eq3A_641 = vector.broadcast %eq3A_640 : i32 to vector<16xi32>
      %eq3A_642 = arith.cmpi eq, %iota3A, %eq3A_641 : vector<16xi32>
      %and3A_643 = vector.broadcast %and3A_629 : i1 to vector<16xi1>
      %and3A_644 = arith.andi %eq3A_642, %and3A_643 : vector<16xi1>
      tpu.vector_store_idx %arg7[%broadcast_in_dim3A_637], %broadcast_in_dim3A_639 masked %and3A_644 : memref<25600xf32, #tpu.memory_space<vmem>>[vector<16xi32>], vector<16xf32>, vector<16xi1>
      %mul3A_645 = arith.constant 1280 : i32
      %mul3A_646 = arith.muli %rem3A_562, %mul3A_645 : i32
      %broadcast_in_dim3A_647 = arith.constant -1.000000e+00 : f32
      %broadcast_in_dim3A_648 = vector.broadcast %broadcast_in_dim3A_647 : f32 to vector<16xf32>
      %broadcast_in_dim3A_649 = arith.constant 0 : i32
      %broadcast_in_dim3A_650 = vector.broadcast %broadcast_in_dim3A_649 : i32 to vector<16xi32>
      %parallel_loop3A_651 = arith.constant 0 : i32
      %parallel_loop3A_652 = arith.constant 80 : i32
      %parallel_loop3A_653 = arith.constant 1 : i32
      %parallel_loop3A_654:2 = scf.for %parallel_loop3A_1009 = %parallel_loop3A_651 to %parallel_loop3A_652 step %parallel_loop3A_653 iter_args(%parallel_loop3A_1010 = %broadcast_in_dim3A_648, %parallel_loop3A_1011 = %broadcast_in_dim3A_650) -> (vector<16xf32>, vector<16xi32>)  : i32 {
        %parallel_loop3A_1012 = arith.constant 16 : i32
        %parallel_loop3A_1013 = arith.muli %parallel_loop3A_1009, %parallel_loop3A_1012 : i32
        %parallel_loop3A_1014 = arith.addi %mul3A_646, %parallel_loop3A_1013 : i32
        %parallel_loop3A_1015 = arith.index_cast %parallel_loop3A_1014 : i32 to index
        %parallel_loop3A_1016 = tpu.vector_load %arg7[%parallel_loop3A_1015] {strides = array<i32>} : memref<25600xf32, #tpu.memory_space<vmem>>, vector<16xf32>,
        %parallel_loop3A_1017 = arith.constant 0 : i32
        %parallel_loop3A_1018 = arith.addi %parallel_loop3A_1017, %parallel_loop3A_1013 : i32
        %parallel_loop3A_1019 = arith.index_cast %parallel_loop3A_1018 : i32 to index
        %parallel_loop3A_1020 = tpu.vector_load %arg8[%parallel_loop3A_1019] {strides = array<i32>} : memref<5120xf32, #tpu.memory_space<vmem>>, vector<16xf32>,
        %parallel_loop3A_1021 = vector.broadcast %mul3A_614 : f32 to vector<16xf32>
        %parallel_loop3A_1022 = arith.addf %parallel_loop3A_1020, %parallel_loop3A_1021 : vector<16xf32>
        %parallel_loop3A_1023 = arith.constant 1280 : i32
        %parallel_loop3A_1024 = arith.addi %parallel_loop3A_1023, %parallel_loop3A_1013 : i32
        %parallel_loop3A_1025 = arith.index_cast %parallel_loop3A_1024 : i32 to index
        %parallel_loop3A_1026 = tpu.vector_load %arg8[%parallel_loop3A_1025] {strides = array<i32>} : memref<5120xf32, #tpu.memory_space<vmem>>, vector<16xf32>,
        %parallel_loop3A_1027 = vector.broadcast %mul3A_614 : f32 to vector<16xf32>
        %parallel_loop3A_1028 = arith.addf %parallel_loop3A_1026, %parallel_loop3A_1027 : vector<16xf32>
        %parallel_loop3A_1029 = arith.constant 2560 : i32
        %parallel_loop3A_1030 = arith.addi %parallel_loop3A_1029, %parallel_loop3A_1013 : i32
        %parallel_loop3A_1031 = arith.index_cast %parallel_loop3A_1030 : i32 to index
        %parallel_loop3A_1032 = tpu.vector_load %arg8[%parallel_loop3A_1031] {strides = array<i32>} : memref<5120xf32, #tpu.memory_space<vmem>>, vector<16xf32>,
        %parallel_loop3A_1033 = vector.broadcast %mul3A_614 : f32 to vector<16xf32>
        %parallel_loop3A_1034 = arith.addf %parallel_loop3A_1032, %parallel_loop3A_1033 : vector<16xf32>
        %parallel_loop3A_1035 = arith.constant 3840 : i32
        %parallel_loop3A_1036 = arith.addi %parallel_loop3A_1035, %parallel_loop3A_1013 : i32
        %parallel_loop3A_1037 = arith.index_cast %parallel_loop3A_1036 : i32 to index
        %parallel_loop3A_1038 = tpu.vector_load %arg8[%parallel_loop3A_1037] {strides = array<i32>} : memref<5120xf32, #tpu.memory_space<vmem>>, vector<16xf32>,
        %parallel_loop3A_1039 = vector.broadcast %mul3A_614 : f32 to vector<16xf32>
        %parallel_loop3A_1040 = arith.addf %parallel_loop3A_1038, %parallel_loop3A_1039 : vector<16xf32>
        %parallel_loop3A_1041 = vector.broadcast %add3A_615 : f32 to vector<16xf32>
        %parallel_loop3A_1042 = arith.maximumf %parallel_loop3A_1041, %parallel_loop3A_1022 : vector<16xf32>
        %parallel_loop3A_1043 = vector.broadcast %add3A_616 : f32 to vector<16xf32>
        %parallel_loop3A_1044 = arith.maximumf %parallel_loop3A_1043, %parallel_loop3A_1028 : vector<16xf32>
        %parallel_loop3A_1045 = vector.broadcast %add3A_617 : f32 to vector<16xf32>
        %parallel_loop3A_1046 = arith.minimumf %parallel_loop3A_1045, %parallel_loop3A_1034 : vector<16xf32>
        %parallel_loop3A_1047 = vector.broadcast %add3A_618 : f32 to vector<16xf32>
        %parallel_loop3A_1048 = arith.minimumf %parallel_loop3A_1047, %parallel_loop3A_1040 : vector<16xf32>
        %parallel_loop3A_1049 = arith.subf %parallel_loop3A_1046, %parallel_loop3A_1042 : vector<16xf32>
        %parallel_loop3A_1050 = arith.constant 0.000000e+00 : f32
        %parallel_loop3A_1051 = vector.broadcast %parallel_loop3A_1050 : f32 to vector<16xf32>
        %parallel_loop3A_1052 = arith.maximumf %parallel_loop3A_1049, %parallel_loop3A_1051 : vector<16xf32>
        %parallel_loop3A_1053 = arith.subf %parallel_loop3A_1048, %parallel_loop3A_1044 : vector<16xf32>
        %parallel_loop3A_1054 = arith.constant 0.000000e+00 : f32
        %parallel_loop3A_1055 = vector.broadcast %parallel_loop3A_1054 : f32 to vector<16xf32>
        %parallel_loop3A_1056 = arith.maximumf %parallel_loop3A_1053, %parallel_loop3A_1055 : vector<16xf32>
        %parallel_loop3A_1057 = arith.mulf %parallel_loop3A_1052, %parallel_loop3A_1056 : vector<16xf32>
        %parallel_loop3A_1058 = arith.addi %mul3A_646, %parallel_loop3A_1013 : i32
        %parallel_loop3A_1059 = arith.index_cast %parallel_loop3A_1058 : i32 to index
        %parallel_loop3A_1060 = tpu.vector_load %arg9[%parallel_loop3A_1059] {strides = array<i32>} : memref<25600xf32, #tpu.memory_space<vmem>>, vector<16xf32>,
        %parallel_loop3A_1061 = vector.broadcast %mul3A_624 : f32 to vector<16xf32>
        %parallel_loop3A_1062 = arith.addf %parallel_loop3A_1061, %parallel_loop3A_1060 : vector<16xf32>
        %parallel_loop3A_1063 = arith.subf %parallel_loop3A_1062, %parallel_loop3A_1057 : vector<16xf32>
        %parallel_loop3A_1064 = arith.constant 9.99999971E-10 : f32
        %parallel_loop3A_1065 = vector.broadcast %parallel_loop3A_1064 : f32 to vector<16xf32>
        %parallel_loop3A_1066 = arith.maximumf %parallel_loop3A_1063, %parallel_loop3A_1065 : vector<16xf32>
        %parallel_loop3A_1067 = arith.divf %parallel_loop3A_1057, %parallel_loop3A_1066 : vector<16xf32>
        %parallel_loop3A_1068 = arith.constant 4.500000e-01 : f32
        %parallel_loop3A_1069 = vector.broadcast %parallel_loop3A_1068 : f32 to vector<16xf32>
        %parallel_loop3A_1070 = arith.cmpf ogt, %parallel_loop3A_1067, %parallel_loop3A_1069 : vector<16xf32>
        %parallel_loop3A_1071 = arith.constant 0.000000e+00 : f32
        %parallel_loop3A_1072 = vector.broadcast %parallel_loop3A_1071 : f32 to vector<16xf32>
        %parallel_loop3A_1073 = arith.select %parallel_loop3A_1070, %parallel_loop3A_1072, %parallel_loop3A_1016 : vector<16xi1>, vector<16xf32>
        %parallel_loop3A_1074 = arith.addi %mul3A_646, %parallel_loop3A_1013 : i32
        %parallel_loop3A_1075 = arith.index_cast %parallel_loop3A_1074 : i32 to index
        %parallel_loop3A_1076 = tpu.vector_load %arg7[%parallel_loop3A_1075] {strides = array<i32>} : memref<25600xf32, #tpu.memory_space<vmem>>, vector<16xf32>,
        tpu.vector_store %arg7[%parallel_loop3A_1075], %parallel_loop3A_1073 {strides = array<i32>} : memref<25600xf32, #tpu.memory_space<vmem>>, vector<16xf32>,
        %parallel_loop3A_1077 = arith.cmpf ogt, %parallel_loop3A_1073, %parallel_loop3A_1010 : vector<16xf32>
        %parallel_loop3A_1078 = arith.select %parallel_loop3A_1077, %parallel_loop3A_1073, %parallel_loop3A_1010 : vector<16xi1>, vector<16xf32>
        %parallel_loop3A_1079 = vector.broadcast %parallel_loop3A_1013 : i32 to vector<16xi32>
        %parallel_loop3A_1080 = arith.addi %add3A_407, %parallel_loop3A_1079 : vector<16xi32>
        %parallel_loop3A_1081 = arith.select %parallel_loop3A_1077, %parallel_loop3A_1080, %parallel_loop3A_1011 : vector<16xi1>, vector<16xi32>
        scf.yield %parallel_loop3A_1078, %parallel_loop3A_1081 : vector<16xf32>, vector<16xi32>
      } {sc.loop_unroll_factor = 4 : i64, sc.parallel_access}
      %reduce_max3A_655 = arith.constant true
      %reduce_max3A_656 = vector.broadcast %reduce_max3A_655 : i1 to vector<16xi1>
      %reduce_max3A_657 = tpu.scan <max>, %parallel_loop3A_654#0 masked %reduce_max3A_656 : vector<16xf32>, vector<16xi1> -> vector<16xf32>
      %reduce_max3A_658 = vector.extract %reduce_max3A_657[15] : f32 from vector<16xf32>
      %eq3A_659 = vector.broadcast %reduce_max3A_658 : f32 to vector<16xf32>
      %eq3A_660 = arith.cmpf oeq, %parallel_loop3A_654#0, %eq3A_659 : vector<16xf32>
      %jit3A_661 = arith.constant 1073741824 : i32
      %broadcast_in_dim3A_662 = vector.broadcast %jit3A_661 : i32 to vector<16xi32>
      %select_n3A_663 = arith.select %eq3A_660, %parallel_loop3A_654#1, %broadcast_in_dim3A_662 : vector<16xi1>, vector<16xi32>
      %reduce_min3A_664 = arith.constant true
      %reduce_min3A_665 = vector.broadcast %reduce_min3A_664 : i1 to vector<16xi1>
      %reduce_min3A_666 = arith.constant -2147483648 : i32
      %reduce_min3A_667 = vector.broadcast %reduce_min3A_666 : i32 to vector<16xi32>
      %reduce_min3A_668 = arith.xori %select_n3A_663, %reduce_min3A_667 : vector<16xi32>
      %reduce_min3A_669 = tpu.scan <min>, %reduce_min3A_668 masked %reduce_min3A_665 : vector<16xi32>, vector<16xi1> -> vector<16xi32>
      %reduce_min3A_670 = arith.xori %reduce_min3A_669, %reduce_min3A_667 : vector<16xi32>
      %reduce_min3A_671 = vector.extract %reduce_min3A_670[15] : i32 from vector<16xi32>
      %sub3A_672 = arith.subi %reduce_min3A_671, %mul3A_0 : i32
      %broadcast_in_dim3A_673 = vector.broadcast %sub3A_672 : i32 to vector<16xi32>
      %gather3A_674 = tpu.vector_load_idx %arg8[%broadcast_in_dim3A_673] : memref<5120xf32, #tpu.memory_space<vmem>>[vector<16xi32>], vector<16xf32>,
      %reduce_max3A_675 = arith.constant true
      %reduce_max3A_676 = vector.broadcast %reduce_max3A_675 : i1 to vector<16xi1>
      %reduce_max3A_677 = tpu.scan <max>, %gather3A_674 masked %reduce_max3A_676 : vector<16xf32>, vector<16xi1> -> vector<16xf32>
      %reduce_max3A_678 = vector.extract %reduce_max3A_677[15] : f32 from vector<16xf32>
      %add3A_679 = arith.constant 1280 : i32
      %add3A_680 = vector.broadcast %add3A_679 : i32 to vector<16xi32>
      %add3A_681 = arith.addi %broadcast_in_dim3A_673, %add3A_680 : vector<16xi32>
      %gather3A_682 = tpu.vector_load_idx %arg8[%add3A_681] : memref<5120xf32, #tpu.memory_space<vmem>>[vector<16xi32>], vector<16xf32>,
      %reduce_max3A_683 = arith.constant true
      %reduce_max3A_684 = vector.broadcast %reduce_max3A_683 : i1 to vector<16xi1>
      %reduce_max3A_685 = tpu.scan <max>, %gather3A_682 masked %reduce_max3A_684 : vector<16xf32>, vector<16xi1> -> vector<16xf32>
      %reduce_max3A_686 = vector.extract %reduce_max3A_685[15] : f32 from vector<16xf32>
      %add3A_687 = arith.constant 2560 : i32
      %add3A_688 = vector.broadcast %add3A_687 : i32 to vector<16xi32>
      %add3A_689 = arith.addi %broadcast_in_dim3A_673, %add3A_688 : vector<16xi32>
      %gather3A_690 = tpu.vector_load_idx %arg8[%add3A_689] : memref<5120xf32, #tpu.memory_space<vmem>>[vector<16xi32>], vector<16xf32>,
      %reduce_max3A_691 = arith.constant true
      %reduce_max3A_692 = vector.broadcast %reduce_max3A_691 : i1 to vector<16xi1>
      %reduce_max3A_693 = tpu.scan <max>, %gather3A_690 masked %reduce_max3A_692 : vector<16xf32>, vector<16xi1> -> vector<16xf32>
      %reduce_max3A_694 = vector.extract %reduce_max3A_693[15] : f32 from vector<16xf32>
      %add3A_695 = arith.constant 3840 : i32
      %add3A_696 = vector.broadcast %add3A_695 : i32 to vector<16xi32>
      %add3A_697 = arith.addi %broadcast_in_dim3A_673, %add3A_696 : vector<16xi32>
      %gather3A_698 = tpu.vector_load_idx %arg8[%add3A_697] : memref<5120xf32, #tpu.memory_space<vmem>>[vector<16xi32>], vector<16xf32>,
      %reduce_max3A_699 = arith.constant true
      %reduce_max3A_700 = vector.broadcast %reduce_max3A_699 : i1 to vector<16xi1>
      %reduce_max3A_701 = tpu.scan <max>, %gather3A_698 masked %reduce_max3A_700 : vector<16xf32>, vector<16xi1> -> vector<16xf32>
      %reduce_max3A_702 = vector.extract %reduce_max3A_701[15] : f32 from vector<16xf32>
      %eq3A_703 = arith.constant 0 : i32
      %eq3A_704 = vector.broadcast %eq3A_703 : i32 to vector<16xi32>
      %eq3A_705 = arith.cmpi eq, %iota3A, %eq3A_704 : vector<16xi32>
      %eq3A_706 = arith.constant 1 : i32
      %eq3A_707 = vector.broadcast %eq3A_706 : i32 to vector<16xi32>
      %eq3A_708 = arith.cmpi eq, %iota3A, %eq3A_707 : vector<16xi32>
      %convert_element_type3A_709 = arith.sitofp %reduce_min3A_671 : i32 to f32
      %eq3A_710 = arith.constant 2 : i32
      %eq3A_711 = vector.broadcast %eq3A_710 : i32 to vector<16xi32>
      %eq3A_712 = arith.cmpi eq, %iota3A, %eq3A_711 : vector<16xi32>
      %eq3A_713 = arith.constant 3 : i32
      %eq3A_714 = vector.broadcast %eq3A_713 : i32 to vector<16xi32>
      %eq3A_715 = arith.cmpi eq, %iota3A, %eq3A_714 : vector<16xi32>
      %eq3A_716 = arith.constant 4 : i32
      %eq3A_717 = vector.broadcast %eq3A_716 : i32 to vector<16xi32>
      %eq3A_718 = arith.cmpi eq, %iota3A, %eq3A_717 : vector<16xi32>
      %eq3A_719 = arith.constant 5 : i32
      %eq3A_720 = vector.broadcast %eq3A_719 : i32 to vector<16xi32>
      %eq3A_721 = arith.cmpi eq, %iota3A, %eq3A_720 : vector<16xi32>
      %jit3A_722 = arith.constant 0.000000e+00 : f32
      %broadcast_in_dim3A_723 = vector.broadcast %reduce_max3A_702 : f32 to vector<16xf32>
      %broadcast_in_dim3A_724 = vector.broadcast %jit3A_722 : f32 to vector<16xf32>
      %select_n3A_725 = arith.select %eq3A_721, %broadcast_in_dim3A_723, %broadcast_in_dim3A_724 : vector<16xi1>, vector<16xf32>
      %broadcast_in_dim3A_726 = vector.broadcast %reduce_max3A_694 : f32 to vector<16xf32>
      %select_n3A_727 = arith.select %eq3A_718, %broadcast_in_dim3A_726, %select_n3A_725 : vector<16xi1>, vector<16xf32>
      %broadcast_in_dim3A_728 = vector.broadcast %reduce_max3A_686 : f32 to vector<16xf32>
      %select_n3A_729 = arith.select %eq3A_715, %broadcast_in_dim3A_728, %select_n3A_727 : vector<16xi1>, vector<16xf32>
      %broadcast_in_dim3A_730 = vector.broadcast %reduce_max3A_678 : f32 to vector<16xf32>
      %select_n3A_731 = arith.select %eq3A_712, %broadcast_in_dim3A_730, %select_n3A_729 : vector<16xi1>, vector<16xf32>
      %broadcast_in_dim3A_732 = vector.broadcast %convert_element_type3A_709 : f32 to vector<16xf32>
      %select_n3A_733 = arith.select %eq3A_708, %broadcast_in_dim3A_732, %select_n3A_731 : vector<16xi1>, vector<16xf32>
      %broadcast_in_dim3A_734 = vector.broadcast %reduce_max3A_658 : f32 to vector<16xf32>
      %select_n3A_735 = arith.select %eq3A_705, %broadcast_in_dim3A_734, %select_n3A_733 : vector<16xi1>, vector<16xf32>
      %swap3A_736 = arith.constant 0 : index
      %swap3A_737 = tpu.vector_load %arg11[%swap3A_736] {strides = array<i32>} : memref<16xf32, #tpu.memory_space<vmem>>, vector<16xf32>,
      tpu.vector_store %arg11[%swap3A_736], %select_n3A_735 {strides = array<i32>} : memref<16xf32, #tpu.memory_space<vmem>>, vector<16xf32>,
      %rem3A_738 = arith.constant 2 : i32
      %rem3A_739 = arith.remsi %scan3A_553, %rem3A_738 : i32
      %mul3A_740 = arith.constant 128 : i32
      %mul3A_741 = arith.muli %rem3A_739, %mul3A_740 : i32
      %mul3A_742 = arith.constant 8 : i32
      %mul3A_743 = arith.muli %arg1, %mul3A_742 : i32
      %add3A_744 = arith.addi %mul3A_741, %mul3A_743 : i32
      "tpu.region"() ({
        %run_scoped3A = tpu.sem_alloc : memref<!tpu.dma_semaphore, #tpu.memory_space<semaphore_mem>>
        %dma_start3A_1009 = arith.constant 0 : i32
        %dma_start3A_1010 = tpu.memref_slice %arg11[%dma_start3A_1009] : memref<16xf32, #tpu.memory_space<vmem>> -> memref<8xf32, #tpu.memory_space<vmem>>
        %dma_start3A_1011 = tpu.memref_slice %arg16[%add3A_744] : memref<256xf32, #tpu.memory_space<vmem_shared>> -> memref<8xf32, #tpu.memory_space<vmem_shared>>
        %dma_start3A_1012 = tpu.memref_slice %arg16[%add3A_744] : memref<256xf32, #tpu.memory_space<vmem_shared>> -> memref<8xf32, #tpu.memory_space<vmem_shared>>
        %dma_start3A_1013 = arith.constant 0 : i32
        %dma_start3A_1014 = tpu.memref_slice %arg11[%dma_start3A_1013] : memref<16xf32, #tpu.memory_space<vmem>> -> memref<8xf32, #tpu.memory_space<vmem>>
        tpu.enqueue_dma source(%dma_start3A_1014 : memref<8xf32, #tpu.memory_space<vmem>>) target(%dma_start3A_1012 : memref<8xf32, #tpu.memory_space<vmem_shared>>) target_semaphore(%run_scoped3A : memref<!tpu.dma_semaphore, #tpu.memory_space<semaphore_mem>>)
        %dma_wait3A_1015 = arith.constant 0 : i32
        %dma_wait3A_1016 = tpu.memref_slice %arg11[%dma_wait3A_1015] : memref<16xf32, #tpu.memory_space<vmem>> -> memref<8xf32, #tpu.memory_space<vmem>>
        %dma_wait3A_1017 = tpu.memref_slice %arg16[%add3A_744] : memref<256xf32, #tpu.memory_space<vmem_shared>> -> memref<8xf32, #tpu.memory_space<vmem_shared>>
        %dma_wait3A_1018 = tpu.memref_slice %arg16[%add3A_744] : memref<256xf32, #tpu.memory_space<vmem_shared>> -> memref<8xf32, #tpu.memory_space<vmem_shared>>
        %dma_wait3A_1019 = arith.constant 0 : i32
        %dma_wait3A_1020 = tpu.memref_slice %arg11[%dma_wait3A_1019] : memref<16xf32, #tpu.memory_space<vmem>> -> memref<8xf32, #tpu.memory_space<vmem>>
        tpu.wait_dma2 semaphore(%run_scoped3A : memref<!tpu.dma_semaphore, #tpu.memory_space<semaphore_mem>>) src(%dma_wait3A_1020 : memref<8xf32, #tpu.memory_space<vmem>>) dst(%dma_wait3A_1018 : memref<8xf32, #tpu.memory_space<vmem_shared>>)
        tpu.yield
      }) : () -> ()
      %barrier3A_745 = arith.constant 0 : index
      tpu.barrier barrier_id(%barrier3A_745)
      %dma_start3A_746 = tpu.memref_slice %arg16[%mul3A_741] : memref<256xf32, #tpu.memory_space<vmem_shared>> -> memref<128xf32, #tpu.memory_space<vmem_shared>>
      %dma_start3A_747 = tpu.memref_slice %arg16[%mul3A_741] : memref<256xf32, #tpu.memory_space<vmem_shared>> -> memref<128xf32, #tpu.memory_space<vmem_shared>>
      tpu.enqueue_dma source(%dma_start3A_747 : memref<128xf32, #tpu.memory_space<vmem_shared>>) target(%arg12 : memref<128xf32, #tpu.memory_space<vmem>>) target_semaphore(%arg18 : memref<!tpu.dma_semaphore, #tpu.memory_space<semaphore_mem>>)
      %get3A_748 = arith.constant 0 : index
      %get3A_749 = tpu.vector_load %arg10[%get3A_748] {strides = array<i32>} : memref<256xf32, #tpu.memory_space<vmem>>, vector<16xf32>,
      %get3A_750 = arith.constant 16 : index
      %get3A_751 = tpu.vector_load %arg10[%get3A_750] {strides = array<i32>} : memref<256xf32, #tpu.memory_space<vmem>>, vector<16xf32>,
      %eq3A_752 = vector.broadcast %rem3A_562 : i32 to vector<16xi32>
      %eq3A_753 = arith.cmpi eq, %iota3A, %eq3A_752 : vector<16xi32>
      %jit3A_754 = arith.constant -1.000000e+00 : f32
      %broadcast_in_dim3A_755 = vector.broadcast %jit3A_754 : f32 to vector<16xf32>
      %select_n3A_756 = arith.select %eq3A_753, %broadcast_in_dim3A_755, %get3A_749 : vector<16xi1>, vector<16xf32>
      %add3A_757 = arith.constant 16 : i32
      %add3A_758 = vector.broadcast %add3A_757 : i32 to vector<16xi32>
      %add3A_759 = arith.addi %iota3A, %add3A_758 : vector<16xi32>
      %eq3A_760 = vector.broadcast %rem3A_562 : i32 to vector<16xi32>
      %eq3A_761 = arith.cmpi eq, %add3A_759, %eq3A_760 : vector<16xi32>
      %jit3A_762 = arith.constant -1.000000e+00 : f32
      %broadcast_in_dim3A_763 = vector.broadcast %jit3A_762 : f32 to vector<16xf32>
      %select_n3A_764 = arith.select %eq3A_761, %broadcast_in_dim3A_763, %get3A_751 : vector<16xi1>, vector<16xf32>
      %get3A_765 = arith.constant 32 : index
      %get3A_766 = tpu.vector_load %arg10[%get3A_765] {strides = array<i32>} : memref<256xf32, #tpu.memory_space<vmem>>, vector<16xf32>,
      %get3A_767 = arith.constant 48 : index
      %get3A_768 = tpu.vector_load %arg10[%get3A_767] {strides = array<i32>} : memref<256xf32, #tpu.memory_space<vmem>>, vector<16xf32>,
      %reduce_max3A_769 = arith.constant true
      %reduce_max3A_770 = vector.broadcast %reduce_max3A_769 : i1 to vector<16xi1>
      %reduce_max3A_771 = tpu.scan <max>, %select_n3A_756 masked %reduce_max3A_770 : vector<16xf32>, vector<16xi1> -> vector<16xf32>
      %reduce_max3A_772 = vector.extract %reduce_max3A_771[15] : f32 from vector<16xf32>
      %reduce_max3A_773 = arith.constant true
      %reduce_max3A_774 = vector.broadcast %reduce_max3A_773 : i1 to vector<16xi1>
      %reduce_max3A_775 = tpu.scan <max>, %select_n3A_764 masked %reduce_max3A_774 : vector<16xf32>, vector<16xi1> -> vector<16xf32>
      %reduce_max3A_776 = vector.extract %reduce_max3A_775[15] : f32 from vector<16xf32>
      %max3A_777 = arith.maximumf %reduce_max3A_772, %reduce_max3A_776 : f32
      %convert_element_type3A_778 = arith.sitofp %iota3A : vector<16xi32> to vector<16xf32>
      %eq3A_779 = vector.broadcast %max3A_777 : f32 to vector<16xf32>
      %eq3A_780 = arith.cmpf oeq, %select_n3A_756, %eq3A_779 : vector<16xf32>
      %mul3A_781 = arith.constant 2.000000e+01 : f32
      %mul3A_782 = vector.broadcast %mul3A_781 : f32 to vector<16xf32>
      %mul3A_783 = arith.mulf %get3A_766, %mul3A_782 : vector<16xf32>
      %add3A_784 = arith.addf %mul3A_783, %convert_element_type3A_778 : vector<16xf32>
      %jit3A_785 = arith.constant 1.000000e+09 : f32
      %broadcast_in_dim3A_786 = vector.broadcast %jit3A_785 : f32 to vector<16xf32>
      %select_n3A_787 = arith.select %eq3A_780, %add3A_784, %broadcast_in_dim3A_786 : vector<16xi1>, vector<16xf32>
      %eq3A_788 = vector.broadcast %max3A_777 : f32 to vector<16xf32>
      %eq3A_789 = arith.cmpf oeq, %select_n3A_764, %eq3A_788 : vector<16xf32>
      %mul3A_790 = arith.constant 2.000000e+01 : f32
      %mul3A_791 = vector.broadcast %mul3A_790 : f32 to vector<16xf32>
      %mul3A_792 = arith.mulf %get3A_768, %mul3A_791 : vector<16xf32>
      %add3A_793 = arith.constant 1.600000e+01 : f32
      %add3A_794 = vector.broadcast %add3A_793 : f32 to vector<16xf32>
      %add3A_795 = arith.addf %convert_element_type3A_778, %add3A_794 : vector<16xf32>
      %add3A_796 = arith.addf %mul3A_792, %add3A_795 : vector<16xf32>
      %jit3A_797 = arith.constant 1.000000e+09 : f32
      %broadcast_in_dim3A_798 = vector.broadcast %jit3A_797 : f32 to vector<16xf32>
      %select_n3A_799 = arith.select %eq3A_789, %add3A_796, %broadcast_in_dim3A_798 : vector<16xi1>, vector<16xf32>
      %reduce_min3A_800 = arith.constant true
      %reduce_min3A_801 = vector.broadcast %reduce_min3A_800 : i1 to vector<16xi1>
      %reduce_min3A_802 = tpu.scan <min>, %select_n3A_787 masked %reduce_min3A_801 : vector<16xf32>, vector<16xi1> -> vector<16xf32>
      %reduce_min3A_803 = vector.extract %reduce_min3A_802[15] : f32 from vector<16xf32>
      %reduce_min3A_804 = arith.constant true
      %reduce_min3A_805 = vector.broadcast %reduce_min3A_804 : i1 to vector<16xi1>
      %reduce_min3A_806 = tpu.scan <min>, %select_n3A_799 masked %reduce_min3A_805 : vector<16xf32>, vector<16xi1> -> vector<16xf32>
      %reduce_min3A_807 = vector.extract %reduce_min3A_806[15] : f32 from vector<16xf32>
      %min3A_808 = arith.minimumf %reduce_min3A_803, %reduce_min3A_807 : f32
      %convert_element_type3A_809 = arith.fptosi %min3A_808 : f32 to i32
      %rem3A_810 = arith.constant 20 : i32
      %rem3A_811 = arith.remsi %convert_element_type3A_809, %rem3A_810 : i32
      %lt3A_812 = arith.constant 4 : i32
      %lt3A_813 = vector.broadcast %lt3A_812 : i32 to vector<16xi32>
      %lt3A_814 = arith.cmpi slt, %iota3A, %lt3A_813 : vector<16xi32>
      %add3A_815 = arith.constant 2 : i32
      %add3A_816 = vector.broadcast %add3A_815 : i32 to vector<16xi32>
      %add3A_817 = arith.addi %iota3A, %add3A_816 : vector<16xi32>
      %mul3A_818 = arith.constant 32 : i32
      %mul3A_819 = vector.broadcast %mul3A_818 : i32 to vector<16xi32>
      %mul3A_820 = arith.muli %add3A_817, %mul3A_819 : vector<16xi32>
      %add3A_821 = vector.broadcast %rem3A_811 : i32 to vector<16xi32>
      %add3A_822 = arith.addi %mul3A_820, %add3A_821 : vector<16xi32>
      %broadcast_in_dim3A_823 = vector.broadcast %rem3A_811 : i32 to vector<16xi32>
      %select_n3A_824 = arith.select %lt3A_814, %add3A_822, %broadcast_in_dim3A_823 : vector<16xi1>, vector<16xi32>
      %gather3A_825 = tpu.vector_load_idx %arg10[%select_n3A_824] : memref<256xf32, #tpu.memory_space<vmem>>[vector<16xi32>], vector<16xf32>,
      %eq3A_826 = arith.constant 0 : i32
      %eq3A_827 = vector.broadcast %eq3A_826 : i32 to vector<16xi32>
      %eq3A_828 = arith.cmpi eq, %iota3A, %eq3A_827 : vector<16xi32>
      %jit3A_829 = arith.constant -3.000000e+38 : f32
      %broadcast_in_dim3A_830 = vector.broadcast %jit3A_829 : f32 to vector<16xf32>
      %select_n3A_831 = arith.select %eq3A_828, %gather3A_825, %broadcast_in_dim3A_830 : vector<16xi1>, vector<16xf32>
      %reduce_max3A_832 = arith.constant true
      %reduce_max3A_833 = vector.broadcast %reduce_max3A_832 : i1 to vector<16xi1>
      %reduce_max3A_834 = tpu.scan <max>, %select_n3A_831 masked %reduce_max3A_833 : vector<16xf32>, vector<16xi1> -> vector<16xf32>
      %reduce_max3A_835 = vector.extract %reduce_max3A_834[15] : f32 from vector<16xf32>
      %eq3A_836 = arith.constant 1 : i32
      %eq3A_837 = vector.broadcast %eq3A_836 : i32 to vector<16xi32>
      %eq3A_838 = arith.cmpi eq, %iota3A, %eq3A_837 : vector<16xi32>
      %jit3A_839 = arith.constant -3.000000e+38 : f32
      %broadcast_in_dim3A_840 = vector.broadcast %jit3A_839 : f32 to vector<16xf32>
      %select_n3A_841 = arith.select %eq3A_838, %gather3A_825, %broadcast_in_dim3A_840 : vector<16xi1>, vector<16xf32>
      %reduce_max3A_842 = arith.constant true
      %reduce_max3A_843 = vector.broadcast %reduce_max3A_842 : i1 to vector<16xi1>
      %reduce_max3A_844 = tpu.scan <max>, %select_n3A_841 masked %reduce_max3A_843 : vector<16xf32>, vector<16xi1> -> vector<16xf32>
      %reduce_max3A_845 = vector.extract %reduce_max3A_844[15] : f32 from vector<16xf32>
      %eq3A_846 = arith.constant 2 : i32
      %eq3A_847 = vector.broadcast %eq3A_846 : i32 to vector<16xi32>
      %eq3A_848 = arith.cmpi eq, %iota3A, %eq3A_847 : vector<16xi32>
      %jit3A_849 = arith.constant -3.000000e+38 : f32
      %broadcast_in_dim3A_850 = vector.broadcast %jit3A_849 : f32 to vector<16xf32>
      %select_n3A_851 = arith.select %eq3A_848, %gather3A_825, %broadcast_in_dim3A_850 : vector<16xi1>, vector<16xf32>
      %reduce_max3A_852 = arith.constant true
      %reduce_max3A_853 = vector.broadcast %reduce_max3A_852 : i1 to vector<16xi1>
      %reduce_max3A_854 = tpu.scan <max>, %select_n3A_851 masked %reduce_max3A_853 : vector<16xf32>, vector<16xi1> -> vector<16xf32>
      %reduce_max3A_855 = vector.extract %reduce_max3A_854[15] : f32 from vector<16xf32>
      %eq3A_856 = arith.constant 3 : i32
      %eq3A_857 = vector.broadcast %eq3A_856 : i32 to vector<16xi32>
      %eq3A_858 = arith.cmpi eq, %iota3A, %eq3A_857 : vector<16xi32>
      %jit3A_859 = arith.constant -3.000000e+38 : f32
      %broadcast_in_dim3A_860 = vector.broadcast %jit3A_859 : f32 to vector<16xf32>
      %select_n3A_861 = arith.select %eq3A_858, %gather3A_825, %broadcast_in_dim3A_860 : vector<16xi1>, vector<16xf32>
      %reduce_max3A_862 = arith.constant true
      %reduce_max3A_863 = vector.broadcast %reduce_max3A_862 : i1 to vector<16xi1>
      %reduce_max3A_864 = tpu.scan <max>, %select_n3A_861 masked %reduce_max3A_863 : vector<16xf32>, vector<16xi1> -> vector<16xf32>
      %reduce_max3A_865 = vector.extract %reduce_max3A_864[15] : f32 from vector<16xf32>
      %dma_wait3A_866 = tpu.memref_slice %arg16[%mul3A_741] : memref<256xf32, #tpu.memory_space<vmem_shared>> -> memref<128xf32, #tpu.memory_space<vmem_shared>>
      %dma_wait3A_867 = tpu.memref_slice %arg16[%mul3A_741] : memref<256xf32, #tpu.memory_space<vmem_shared>> -> memref<128xf32, #tpu.memory_space<vmem_shared>>
      tpu.wait_dma2 semaphore(%arg18 : memref<!tpu.dma_semaphore, #tpu.memory_space<semaphore_mem>>) src(%dma_wait3A_867 : memref<128xf32, #tpu.memory_space<vmem_shared>>) dst(%arg12 : memref<128xf32, #tpu.memory_space<vmem>>)
      %mul3A_868 = arith.constant 8 : i32
      %mul3A_869 = vector.broadcast %mul3A_868 : i32 to vector<16xi32>
      %mul3A_870 = arith.muli %iota3A, %mul3A_869 : vector<16xi32>
      %add3A_871 = arith.constant 0 : i32
      %add3A_872 = vector.broadcast %add3A_871 : i32 to vector<16xi32>
      %add3A_873 = arith.addi %mul3A_870, %add3A_872 : vector<16xi32>
      %gather3A_874 = tpu.vector_load_idx %arg12[%add3A_873] : memref<128xf32, #tpu.memory_space<vmem>>[vector<16xi32>], vector<16xf32>,
      %mul3A_875 = arith.constant 8 : i32
      %mul3A_876 = vector.broadcast %mul3A_875 : i32 to vector<16xi32>
      %mul3A_877 = arith.muli %iota3A, %mul3A_876 : vector<16xi32>
      %add3A_878 = arith.constant 1 : i32
      %add3A_879 = vector.broadcast %add3A_878 : i32 to vector<16xi32>
      %add3A_880 = arith.addi %mul3A_877, %add3A_879 : vector<16xi32>
      %gather3A_881 = tpu.vector_load_idx %arg12[%add3A_880] : memref<128xf32, #tpu.memory_space<vmem>>[vector<16xi32>], vector<16xf32>,
      %reduce_max3A_882 = arith.constant true
      %reduce_max3A_883 = vector.broadcast %reduce_max3A_882 : i1 to vector<16xi1>
      %reduce_max3A_884 = tpu.scan <max>, %gather3A_874 masked %reduce_max3A_883 : vector<16xf32>, vector<16xi1> -> vector<16xf32>
      %reduce_max3A_885 = vector.extract %reduce_max3A_884[15] : f32 from vector<16xf32>
      %eq3A_886 = vector.broadcast %reduce_max3A_885 : f32 to vector<16xf32>
      %eq3A_887 = arith.cmpf oeq, %gather3A_874, %eq3A_886 : vector<16xf32>
      %jit3A_888 = arith.constant 1.000000e+09 : f32
      %broadcast_in_dim3A_889 = vector.broadcast %jit3A_888 : f32 to vector<16xf32>
      %select_n3A_890 = arith.select %eq3A_887, %gather3A_881, %broadcast_in_dim3A_889 : vector<16xi1>, vector<16xf32>
      %reduce_min3A_891 = arith.constant true
      %reduce_min3A_892 = vector.broadcast %reduce_min3A_891 : i1 to vector<16xi1>
      %reduce_min3A_893 = tpu.scan <min>, %select_n3A_890 masked %reduce_min3A_892 : vector<16xf32>, vector<16xi1> -> vector<16xf32>
      %reduce_min3A_894 = vector.extract %reduce_min3A_893[15] : f32 from vector<16xf32>
      %eq3A_895 = vector.broadcast %reduce_min3A_894 : f32 to vector<16xf32>
      %eq3A_896 = arith.cmpf oeq, %select_n3A_890, %eq3A_895 : vector<16xf32>
      %mul3A_897 = arith.constant 8 : i32
      %mul3A_898 = vector.broadcast %mul3A_897 : i32 to vector<16xi32>
      %mul3A_899 = arith.muli %iota3A, %mul3A_898 : vector<16xi32>
      %add3A_900 = arith.constant 2 : i32
      %add3A_901 = vector.broadcast %add3A_900 : i32 to vector<16xi32>
      %add3A_902 = arith.addi %mul3A_899, %add3A_901 : vector<16xi32>
      %gather3A_903 = tpu.vector_load_idx %arg12[%add3A_902] : memref<128xf32, #tpu.memory_space<vmem>>[vector<16xi32>], vector<16xf32>,
      %jit3A_904 = arith.constant -3.000000e+38 : f32
      %broadcast_in_dim3A_905 = vector.broadcast %jit3A_904 : f32 to vector<16xf32>
      %select_n3A_906 = arith.select %eq3A_896, %gather3A_903, %broadcast_in_dim3A_905 : vector<16xi1>, vector<16xf32>
      %reduce_max3A_907 = arith.constant true
      %reduce_max3A_908 = vector.broadcast %reduce_max3A_907 : i1 to vector<16xi1>
      %reduce_max3A_909 = tpu.scan <max>, %select_n3A_906 masked %reduce_max3A_908 : vector<16xf32>, vector<16xi1> -> vector<16xf32>
      %reduce_max3A_910 = vector.extract %reduce_max3A_909[15] : f32 from vector<16xf32>
      %mul3A_911 = arith.constant 8 : i32
      %mul3A_912 = vector.broadcast %mul3A_911 : i32 to vector<16xi32>
      %mul3A_913 = arith.muli %iota3A, %mul3A_912 : vector<16xi32>
      %add3A_914 = arith.constant 3 : i32
      %add3A_915 = vector.broadcast %add3A_914 : i32 to vector<16xi32>
      %add3A_916 = arith.addi %mul3A_913, %add3A_915 : vector<16xi32>
      %gather3A_917 = tpu.vector_load_idx %arg12[%add3A_916] : memref<128xf32, #tpu.memory_space<vmem>>[vector<16xi32>], vector<16xf32>,
      %jit3A_918 = arith.constant -3.000000e+38 : f32
      %broadcast_in_dim3A_919 = vector.broadcast %jit3A_918 : f32 to vector<16xf32>
      %select_n3A_920 = arith.select %eq3A_896, %gather3A_917, %broadcast_in_dim3A_919 : vector<16xi1>, vector<16xf32>
      %reduce_max3A_921 = arith.constant true
      %reduce_max3A_922 = vector.broadcast %reduce_max3A_921 : i1 to vector<16xi1>
      %reduce_max3A_923 = tpu.scan <max>, %select_n3A_920 masked %reduce_max3A_922 : vector<16xf32>, vector<16xi1> -> vector<16xf32>
      %reduce_max3A_924 = vector.extract %reduce_max3A_923[15] : f32 from vector<16xf32>
      %mul3A_925 = arith.constant 8 : i32
      %mul3A_926 = vector.broadcast %mul3A_925 : i32 to vector<16xi32>
      %mul3A_927 = arith.muli %iota3A, %mul3A_926 : vector<16xi32>
      %add3A_928 = arith.constant 4 : i32
      %add3A_929 = vector.broadcast %add3A_928 : i32 to vector<16xi32>
      %add3A_930 = arith.addi %mul3A_927, %add3A_929 : vector<16xi32>
      %gather3A_931 = tpu.vector_load_idx %arg12[%add3A_930] : memref<128xf32, #tpu.memory_space<vmem>>[vector<16xi32>], vector<16xf32>,
      %jit3A_932 = arith.constant -3.000000e+38 : f32
      %broadcast_in_dim3A_933 = vector.broadcast %jit3A_932 : f32 to vector<16xf32>
      %select_n3A_934 = arith.select %eq3A_896, %gather3A_931, %broadcast_in_dim3A_933 : vector<16xi1>, vector<16xf32>
      %reduce_max3A_935 = arith.constant true
      %reduce_max3A_936 = vector.broadcast %reduce_max3A_935 : i1 to vector<16xi1>
      %reduce_max3A_937 = tpu.scan <max>, %select_n3A_934 masked %reduce_max3A_936 : vector<16xf32>, vector<16xi1> -> vector<16xf32>
      %reduce_max3A_938 = vector.extract %reduce_max3A_937[15] : f32 from vector<16xf32>
      %mul3A_939 = arith.constant 8 : i32
      %mul3A_940 = vector.broadcast %mul3A_939 : i32 to vector<16xi32>
      %mul3A_941 = arith.muli %iota3A, %mul3A_940 : vector<16xi32>
      %add3A_942 = arith.constant 5 : i32
      %add3A_943 = vector.broadcast %add3A_942 : i32 to vector<16xi32>
      %add3A_944 = arith.addi %mul3A_941, %add3A_943 : vector<16xi32>
      %gather3A_945 = tpu.vector_load_idx %arg12[%add3A_944] : memref<128xf32, #tpu.memory_space<vmem>>[vector<16xi32>], vector<16xf32>,
      %jit3A_946 = arith.constant -3.000000e+38 : f32
      %broadcast_in_dim3A_947 = vector.broadcast %jit3A_946 : f32 to vector<16xf32>
      %select_n3A_948 = arith.select %eq3A_896, %gather3A_945, %broadcast_in_dim3A_947 : vector<16xi1>, vector<16xf32>
      %reduce_max3A_949 = arith.constant true
      %reduce_max3A_950 = vector.broadcast %reduce_max3A_949 : i1 to vector<16xi1>
      %reduce_max3A_951 = tpu.scan <max>, %select_n3A_948 masked %reduce_max3A_950 : vector<16xf32>, vector<16xi1> -> vector<16xf32>
      %reduce_max3A_952 = vector.extract %reduce_max3A_951[15] : f32 from vector<16xf32>
      %add3A_953 = arith.constant 0 : i32
      %add3A_954 = arith.addi %add3A_953, %rem3A_562 : i32
      %broadcast_in_dim3A_955 = vector.broadcast %add3A_954 : i32 to vector<16xi32>
      %broadcast_in_dim3A_956 = vector.broadcast %reduce_max3A_885 : f32 to vector<16xf32>
      %eq3A_957 = arith.constant 0 : i32
      %eq3A_958 = vector.broadcast %eq3A_957 : i32 to vector<16xi32>
      %eq3A_959 = arith.cmpi eq, %iota3A, %eq3A_958 : vector<16xi32>
      tpu.vector_store_idx %arg10[%broadcast_in_dim3A_955], %broadcast_in_dim3A_956 masked %eq3A_959 : memref<256xf32, #tpu.memory_space<vmem>>[vector<16xi32>], vector<16xf32>, vector<16xi1>
      %add3A_960 = arith.constant 32 : i32
      %add3A_961 = arith.addi %add3A_960, %rem3A_562 : i32
      %broadcast_in_dim3A_962 = vector.broadcast %add3A_961 : i32 to vector<16xi32>
      %broadcast_in_dim3A_963 = vector.broadcast %reduce_min3A_894 : f32 to vector<16xf32>
      %eq3A_964 = arith.constant 0 : i32
      %eq3A_965 = vector.broadcast %eq3A_964 : i32 to vector<16xi32>
      %eq3A_966 = arith.cmpi eq, %iota3A, %eq3A_965 : vector<16xi32>
      tpu.vector_store_idx %arg10[%broadcast_in_dim3A_962], %broadcast_in_dim3A_963 masked %eq3A_966 : memref<256xf32, #tpu.memory_space<vmem>>[vector<16xi32>], vector<16xf32>, vector<16xi1>
      %add3A_967 = arith.constant 64 : i32
      %add3A_968 = arith.addi %add3A_967, %rem3A_562 : i32
      %broadcast_in_dim3A_969 = vector.broadcast %add3A_968 : i32 to vector<16xi32>
      %broadcast_in_dim3A_970 = vector.broadcast %reduce_max3A_910 : f32 to vector<16xf32>
      %eq3A_971 = arith.constant 0 : i32
      %eq3A_972 = vector.broadcast %eq3A_971 : i32 to vector<16xi32>
      %eq3A_973 = arith.cmpi eq, %iota3A, %eq3A_972 : vector<16xi32>
      tpu.vector_store_idx %arg10[%broadcast_in_dim3A_969], %broadcast_in_dim3A_970 masked %eq3A_973 : memref<256xf32, #tpu.memory_space<vmem>>[vector<16xi32>], vector<16xf32>, vector<16xi1>
      %add3A_974 = arith.constant 96 : i32
      %add3A_975 = arith.addi %add3A_974, %rem3A_562 : i32
      %broadcast_in_dim3A_976 = vector.broadcast %add3A_975 : i32 to vector<16xi32>
      %broadcast_in_dim3A_977 = vector.broadcast %reduce_max3A_924 : f32 to vector<16xf32>
      %eq3A_978 = arith.constant 0 : i32
      %eq3A_979 = vector.broadcast %eq3A_978 : i32 to vector<16xi32>
      %eq3A_980 = arith.cmpi eq, %iota3A, %eq3A_979 : vector<16xi32>
      tpu.vector_store_idx %arg10[%broadcast_in_dim3A_976], %broadcast_in_dim3A_977 masked %eq3A_980 : memref<256xf32, #tpu.memory_space<vmem>>[vector<16xi32>], vector<16xf32>, vector<16xi1>
      %add3A_981 = arith.constant 128 : i32
      %add3A_982 = arith.addi %add3A_981, %rem3A_562 : i32
      %broadcast_in_dim3A_983 = vector.broadcast %add3A_982 : i32 to vector<16xi32>
      %broadcast_in_dim3A_984 = vector.broadcast %reduce_max3A_938 : f32 to vector<16xf32>
      %eq3A_985 = arith.constant 0 : i32
      %eq3A_986 = vector.broadcast %eq3A_985 : i32 to vector<16xi32>
      %eq3A_987 = arith.cmpi eq, %iota3A, %eq3A_986 : vector<16xi32>
      tpu.vector_store_idx %arg10[%broadcast_in_dim3A_983], %broadcast_in_dim3A_984 masked %eq3A_987 : memref<256xf32, #tpu.memory_space<vmem>>[vector<16xi32>], vector<16xf32>, vector<16xi1>
      %add3A_988 = arith.constant 160 : i32
      %add3A_989 = arith.addi %add3A_988, %rem3A_562 : i32
      %broadcast_in_dim3A_990 = vector.broadcast %add3A_989 : i32 to vector<16xi32>
      %broadcast_in_dim3A_991 = vector.broadcast %reduce_max3A_952 : f32 to vector<16xf32>
      %eq3A_992 = arith.constant 0 : i32
      %eq3A_993 = vector.broadcast %eq3A_992 : i32 to vector<16xi32>
      %eq3A_994 = arith.cmpi eq, %iota3A, %eq3A_993 : vector<16xi32>
      tpu.vector_store_idx %arg10[%broadcast_in_dim3A_990], %broadcast_in_dim3A_991 masked %eq3A_994 : memref<256xf32, #tpu.memory_space<vmem>>[vector<16xi32>], vector<16xf32>, vector<16xi1>
      %mul3A_995 = arith.constant 2.000000e+01 : f32
      %mul3A_996 = arith.mulf %reduce_min3A_894, %mul3A_995 : f32
      %convert_element_type3A_997 = arith.sitofp %rem3A_562 : i32 to f32
      %add3A_998 = arith.addf %mul3A_996, %convert_element_type3A_997 : f32
      %gt3A_999 = arith.cmpf ogt, %reduce_max3A_885, %max3A_777 : f32
      %eq3A_1000 = arith.cmpf oeq, %reduce_max3A_885, %max3A_777 : f32
      %lt3A_1001 = arith.cmpf olt, %add3A_998, %min3A_808 : f32
      %and3A_1002 = arith.andi %eq3A_1000, %lt3A_1001 : i1
      %or3A = arith.ori %gt3A_999, %and3A_1002 : i1
      %select_n3A_1003 = arith.select %or3A, %reduce_max3A_885, %max3A_777 : f32
      %select_n3A_1004 = arith.select %or3A, %add3A_998, %min3A_808 : f32
      %select_n3A_1005 = arith.select %or3A, %reduce_max3A_910, %reduce_max3A_835 : f32
      %select_n3A_1006 = arith.select %or3A, %reduce_max3A_924, %reduce_max3A_845 : f32
      %select_n3A_1007 = arith.select %or3A, %reduce_max3A_938, %reduce_max3A_855 : f32
      %select_n3A_1008 = arith.select %or3A, %reduce_max3A_952, %reduce_max3A_865 : f32
      scf.yield %select_n3A_1003, %select_n3A_1004, %select_n3A_1005, %select_n3A_1006, %select_n3A_1007, %select_n3A_1008 : f32, f32, f32, f32, f32, f32
    }
    %scan3A_546 = arith.constant 100 : i32
    %eq3A_547 = arith.constant 0 : i32
    %eq3A_548 = arith.cmpi eq, %arg0, %eq3A_547 : i32
    %eq3A_549 = arith.constant 0 : i32
    %eq3A_550 = arith.cmpi eq, %arg1, %eq3A_549 : i32
    %and3A = arith.andi %eq3A_548, %eq3A_550 : i1
    %convert_element_type3A_551 = arith.extui %and3A : i1 to i32
    %cond3A = arith.constant 0 : i32
    %cond3A_552 = arith.cmpi ne, %convert_element_type3A_551, %cond3A : i32
    scf.if %cond3A_552 {
      "tpu.region"() ({
        %run_scoped3A = tpu.sem_alloc : memref<!tpu.dma_semaphore, #tpu.memory_space<semaphore_mem>>
        tpu.enqueue_dma source(%arg15 : memref<1600xf32, #tpu.memory_space<vmem>>) target(%arg5 : memref<1600xf32, #tpu.memory_space<hbm>>) target_semaphore(%run_scoped3A : memref<!tpu.dma_semaphore, #tpu.memory_space<semaphore_mem>>)
        tpu.wait_dma2 semaphore(%run_scoped3A : memref<!tpu.dma_semaphore, #tpu.memory_space<semaphore_mem>>) src(%arg15 : memref<1600xf32, #tpu.memory_space<vmem>>) dst(%arg5 : memref<1600xf32, #tpu.memory_space<hbm>>)
        tpu.yield
      }) : () -> ()
    } else {
    }
    return
  }
}

</mosaic_0001>

<sc_bundles>
// kernel: _run.3.cloned.1.call-start
scs
__scs_entry_jumppad:
0x0: {  	(pc) =	sbr.rel $0x88, $3  }
0x1: {  	(tag) =	ssettag $0x0;
	lr =	simm.s32 $0x1  }
0x2: {  	[smem:$0x3F9E] =	sst lr;
	_ =	strace $0xD0000000  }
0x3: {  	_ = 	snop  }
0x4: {  	_ = 	snop  }
0x5: {  	_ = 	snop  }
0x6: {  	_ = 	snop  }
0x7: {  	_ = 	snop  }
__scs_overlays_trampoline_lowered:
0x8: {  	[smem:$0x3FAD] =	sst s0  }
0x9: {  	[smem:$0x3FAE] =	sst s1  }
0xa: {  	[smem:$0x3FAF] =	sst s2  }
0xb: {  	[smem:$0x3FB0] =	sst s3  }
0xc: {  	[smem:$0x3FB1] =	sst s4  }
0xd: {  	[smem:$0x3FB2] =	sst s5  }
0xe: {  	[smem:$0x3FB3] =	sst s6  }
0xf: {  	[smem:$0x3FB4] =	sst s7  }
0x10: {  	[smem:$0x3FB5] =	sst s8  }
0x11: {  	[smem:$0x3FB6] =	sst s9;
	s0 =	simm.s32 @!p0 $0x0  }
0x12: {  	s1 =	sld [smem:$0x3F9C];
	s0 =	simm.s32 @p0 $0x1  }
0x13: {  	[smem:$0x3FB7] =	sst s0;
	s0 =	simm.s32 @!p1 $0x0  }
0x14: {  	s2 =	sld [smem:$0x3F9B];
	s0 =	simm.s32 @p1 $0x1  }
0x15: {  	[smem:$0x3FB8] =	sst s0;
	s0 =	simm.s32 @!p2 $0x0  }
0x16: {  	s3 =	sld [smem:$0x3FDB];
	s0 =	simm.s32 @p2 $0x1  }
0x17: {  	s4 =	simm.s32 $0x1BF5;
	[smem:$0x3FBA] =	sst s0  }
0x18: {  	s0 =	sld [smem:$0x3F9D];
	_ =	swait.ge [sflag:s4], $0x0  }
0x19: {  	s7 =	sld [smem:$0x3F9E]  }
0x1a: {  	s8 =	sadd.s32 $0xFFFFE003, lr  }
0x1b: {  	s9 =	sadd.s32 $0xFFFFFEF7, lr;
	s5 =	simm.s32 $0xFFFFFFFF;
	p2 =	slt.u32 s8, $0xFFFFF086  }
0x1c: {  	p1 =	slt.u32 s9, $0xF7A;
	s5 =	simm.s32 @!p2 $0x0  }
0x1d: {  	s5 =	simm.s32 @p1 $0x1;
	p0 =	seq.s32 s7, s2  }
0x1e: {  	s7 =	smul.u32 @!p0 $0xF7A, s2;
	p2 =	seq.s32 @!p0 s5, $0x0  }
0x1f: {  	s9 =	smul.u32 $0xF7A, s1;
	s8 =	simm.s32 @!p0 $0x1BF5;
	p2 =	por !p2, p0  }
0x20: {  	[sflag:s8] =	ssyncset.s32 @!p0 $0xFFFFF086;
	s6 =	sadd.s32 @!p0 s3, s7;
	s7 =	simm.s32 @!p0 $0x108  }
0x21: {  	s3 =	sadd.s32 s3, s9;
	s6 =	sadd.s32 @!p0 $0x88, s6;
	s7 =	simm.s32 @p2 $0x1082  }
0x22: {  	[simem:s7], [sflag:s8] =	dma.local @!p0 [hbm:s6], $0xF7A  }
0x23: {  	s9 =	sor.u32 $0xD0000000, s2;
	s6 =	simm.s32 $0x108;
	_ =	swait.ge @!p0 [sflag:s8], $0x0  }
0x24: {  	s3 =	sadd.s32 $0x88, s3;
	s6 =	simm.s32 @!p1 $0x1082;
	[sflag:s4] =	ssyncset.s32 $0xFFFFF086  }
0x25: {  	[simem:s6], [sflag:s4] =	dma.local [hbm:s3], $0xF7A  }
0x26: {  	[smem:$0x3F9E] =	sst s1;
	(tag) =	ssettag s2;
	_ =	strace s9  }
0x27: {  	s1 =	sld [smem:$0x3FAE]  }
0x28: {  	s2 =	sld [smem:$0x3FAF]  }
0x29: {  	s4 =	sld [smem:$0x3FB1]  }
0x2a: {  	p0 =	seq.s32 s5, $0x0;
	s5 =	sld [smem:$0x3FB2]  }
0x2b: {  	s6 =	sld [smem:$0x3FB3]  }
0x2c: {  	s7 =	sld [smem:$0x3FB4]  }
0x2d: {  	s3 =	simm.s32 $0x108;
	s8 =	sld [smem:$0x3FB5]  }
0x2e: {  	s3 =	simm.s32 @!p0 $0x1082;
	s9 =	sld [smem:$0x3FB6]  }
0x2f: {  	lr =	sadd.s32 s0, s3;
	s0 =	sld [smem:$0x3FAD]  }
0x30: {  	s3 =	sld [smem:$0x3FB0]  }
0x31: {  	[smem:$0x3FB9] =	sst s10  }
0x32: {  	s10 =	sld [smem:$0x3FB7];
	_ =	sdelay $0x3  }
0x33: {  	p0 =	seq.s32 s10, $0x1;
	s10 =	sld [smem:$0x3FB9];
	_ =	sdelay $0x3  }
0x34: {  	[smem:$0x3FB9] =	sst s10  }
0x35: {  	s10 =	sld [smem:$0x3FB8];
	_ =	sdelay $0x3  }
0x36: {  	p1 =	seq.s32 s10, $0x1;
	s10 =	sld [smem:$0x3FB9];
	_ =	sdelay $0x3  }
0x37: {  	[smem:$0x3FB9] =	sst s10  }
0x38: {  	s10 =	sld [smem:$0x3FBA]  }
0x39: {  	_ = 	snop;
	(pc) =	sbr.ind lr, $3  }
0x3a: {  	_ = 	snop  }
0x3b: {  	_ = 	snop  }
0x3c: {  	p2 =	seq.s32 s10, $0x1;
	s10 =	sld [smem:$0x3FB9]  }
0x3d: {  	_ =	shalt  }
0x3e: {  	_ =	shalt  }
0x3f: {  	_ =	shalt  }
0x40: {  	_ =	shalt  }
0x41: {  	_ =	shalt  }
0x42: {  	_ =	shalt  }
0x43: {  	_ =	shalt  }
0x44: {  	_ =	shalt  }
0x45: {  	_ =	shalt  }
0x46: {  	_ =	shalt  }
0x47: {  	_ =	shalt  }
0x48: {  	_ =	shalt  }
0x49: {  	_ =	shalt  }
0x4a: {  	_ =	shalt  }
0x4b: {  	_ =	shalt  }
0x4c: {  	_ =	shalt  }
0x4d: {  	_ =	shalt  }
0x4e: {  	_ =	shalt  }
0x4f: {  	_ =	shalt  }
0x50: {  	_ =	shalt  }
0x51: {  	_ =	shalt  }
0x52: {  	_ =	shalt  }
0x53: {  	_ =	shalt  }
0x54: {  	_ =	shalt  }
0x55: {  	_ =	shalt  }
0x56: {  	_ =	shalt  }
0x57: {  	_ =	shalt  }
0x58: {  	_ =	shalt  }
0x59: {  	_ =	shalt  }
0x5a: {  	_ =	shalt  }
0x5b: {  	_ =	shalt  }
0x5c: {  	_ =	shalt  }
0x5d: {  	_ =	shalt  }
0x5e: {  	_ =	shalt  }
0x5f: {  	_ =	shalt  }
0x60: {  	_ =	shalt  }
0x61: {  	_ =	shalt  }
0x62: {  	_ =	shalt  }
0x63: {  	_ =	shalt  }
0x64: {  	_ =	shalt  }
0x65: {  	_ =	shalt  }
0x66: {  	_ =	shalt  }
0x67: {  	_ =	shalt  }
0x68: {  	_ =	shalt  }
0x69: {  	_ =	shalt  }
0x6a: {  	_ =	shalt  }
0x6b: {  	_ =	shalt  }
0x6c: {  	_ =	shalt  }
0x6d: {  	_ =	shalt  }
0x6e: {  	_ =	shalt  }
0x6f: {  	_ =	shalt  }
0x70: {  	_ =	shalt  }
0x71: {  	_ =	shalt  }
0x72: {  	_ =	shalt  }
0x73: {  	_ =	shalt  }
0x74: {  	_ =	shalt  }
0x75: {  	_ =	shalt  }
0x76: {  	_ =	shalt  }
0x77: {  	_ =	shalt  }
0x78: {  	_ =	shalt  }
0x79: {  	_ =	shalt  }
0x7a: {  	_ =	shalt  }
0x7b: {  	_ =	shalt  }
0x7c: {  	_ =	shalt  }
0x7d: {  	_ =	shalt  }
0x7e: {  	_ =	shalt  }
0x7f: {  	_ =	shalt  }
0x80: {  	_ =	shalt  }
0x81: {  	_ =	shalt  }
0x82: {  	_ =	shalt  }
0x83: {  	_ =	shalt  }
0x84: {  	_ =	shalt  }
0x85: {  	_ =	shalt  }
0x86: {  	_ =	shalt  }
0x87: {  	_ =	shalt  }
.Lfunc_end0:
.L_simem_size_0:
called_computation_lowered:
.L_overlay_start_0:
0x88: {  	s2 =	sld [smem:$0x3FD9]  }
0x89: {  	s3 =	sld [smem:$0x3FFE];
	_ =	sdelay $0x1  }
0x8a: {  	s1 =	srdreg.scid  }
0x8b: {  	s0 =	sand.u32 $0x1, s1  }
0x8c: {  	s18 =	sshll.u32 s0, $0xA;
	s2 =	sadd.s32 s3, s2  }
0x8d: {  	s2 =	sadd.s32 s2, s18  }
0x8e: {  	[smem:$0x3FC5] =	sst s2  }
0x8f: {  	_ = 	snop  }
0x90: {  	s2 =	sld [smem:$0x3FC9]  }
0x91: {  	s19 =	sld [smem:$0x3FC8]  }
0x92: {  	s4 =	sld [smem:$0x3FC7]  }
0x93: {  	s5 =	sld [smem:$0x3FD0];
	(tm) =	ssettm $0x1  }
0x94: {  	s6 =	sld [smem:$0x3FFB];
	_ =	sdelay $0x3  }
0x95: {  	_ =	strace s6  }
0x96: {  	s6 =	sld [smem:$0x3FFC];
	_ =	sdelay $0x3  }
0x97: {  	_ =	strace s6  }
0x98: {  	s6 =	sld [smem:$0x3FFD];
	_ =	sdelay $0x3  }
0x99: {  	_ =	strace s6  }
0x9a: {  	_ =	strace $0x8FFFFFFF  }
0x9b: {  	s20 =	sld [smem:$0x3FDB];
	_ =	sdelay $0x1  }
0x9c: {  	s7 =	simm.s32 $_scs_section_size  }
0x9d: {  	s8 =	simm.s32 $_size__tile_overlayer_lowered;
	s9 =	simm.s32 $_tile_overlayer_lowered  }
0x9e: {  	s23 =	simm.s32 $0x1BFF;
	s22 =	sshll.u32 s9, $0x1;
	s6 =	sadd.s32 s7, s20  }
0x9f: {  	s10 =	simm.s32 $0x0;
	s21 =	sshll.u32 s8, $0x1;
	s8 =	sadd.s32 s22, s6  }
0xa0: {  	[timem:s10], [sflag:s23] =	dma.local [hbm:s8], s21  }
0xa1: {  	_ =	swait.ge [sflag:s23], s21  }
0xa2: {  	s7 =	ssub.s32 $0x0, s21;
	[sflag:s23] =	ssyncset.done $0x0  }
0xa3: {  	[sflag:s23] =	ssyncadd.s32 s7;
	_ =	sdelay $0x1  }
0xa4: {  	s24 =	simm.s32 $0x1B8B  }
0xa5: {  	_ =	swait.ge [sflag:s24], $0x1  }
0xa6: {  	[sflag:s24] =	ssyncset.done $0x0  }
0xa7: {  	s25 =	simm.s32 $0x1B8E;
	[sflag:s24] =	ssyncadd.s32 $0xFFFFFFFF  }
0xa8: {  	s26 =	simm.s32 $execute0_lowered;
	[smem:$0x3FD2] =	sst s25  }
0xa9: {  	s7 =	sshll.u32 s26, $0x1;
	_ =	strace $0x80000046;
	[dreg:$0x1] =	wrdreg $0xFFFFFFFF  }
0xaa: {  	s28 =	simm.s32 $_size_execute0_lowered;
	s6 =	sadd.s32 s6, s7;
	[dreg:$0x0] =	wrdreg $0x0  }
0xab: {  	s7 =	sshll.u32 s28, $0x1;
	[dreg:$0x2] =	wrdreg s6  }
0xac: {  	[dreg:$0x3] =	wrdreg s7  }
0xad: {  	[dreg:$0x4] =	wrdreg $0xC0  }
0xae: {  	_ =	task [dreg:s10], $0x5FFFF  }
0xaf: {  	[dreg:$0x1] =	wrdreg $0xFFFFFFFF  }
0xb0: {  	[dreg:$0x0] =	wrdreg $0x60  }
0xb1: {  	[dreg:$0x2] =	wrdreg s2  }
0xb2: {  	[dreg:$0x3] =	wrdreg s19  }
0xb3: {  	[dreg:$0x4] =	wrdreg s4  }
0xb4: {  	[dreg:$0x5] =	wrdreg s5  }
0xb5: {  	[dreg:$0x6] =	wrdreg $0x18B100  }
0xb6: {  	[dreg:$0x7] =	wrdreg $0x18B000  }
0xb7: {  	[dreg:$0x8] =	wrdreg $0x9  }
0xb8: {  	_ =	task.clear_ibuf [dreg:s10], $0x9FFFF;
	_ =	strace $0x90000046  }
0xb9: {  	s29 =	simm.s32 $0x9;
	_ =	strace $0x80000048  }
0xba: {  	_ =	swait.ge [sflag:s29], $0x1  }
0xbb: {  	[sflag:s29] =	ssyncadd.s32 $0xFFFFFFFF  }
0xbc: {  	_ =	strace $0x90000048  }
0xbd: {  	_ =	sfence  }
0xbe: {  	s30 =	sld [smem:$0x0];
	_ =	sdelay $0x2  }
0xbf: {  	s31 =	sshll.u32 s1, $0xD;
	s1 =	sshrl.u32 s1, $0x2  }
0xc0: {  	s3 =	sand.u32 $0x4000, s31;
	s1 =	sadd.s32 s1, s30  }
0xc1: {  	s0 =	sor.u32 s3, s0;
	s1 =	sshll.u32 s1, $0x11  }
0xc2: {  	s0 =	sor.u32 s1, s0  }
0xc3: {  	s0 =	sadd.s32 $0x8F2B, s0  }
0xc4: {  	[sflag:s0] =	ssyncadd.remote.s32 $0x1  }
0xc5: {  	_ =	sfence.sel $0xFFFF  }
0xc6: {  	[dreg:$0x0] =	wrdreg $0xFFFFFFFF;
	(pc) =	sbr.abs _section_cstart, $3  }
0xc7: {  	[dreg:$0x1] =	wrdreg $0xFFFFFFFF  }
0xc8: {  	_ =	task.clear_ibuf [dreg:s10], $0x2FFFF;
	_ =	strace $0x9FFFFFFF  }
0xc9: {  	(tm) =	ssettm $0x7FFFFFFF  }
tec
execute0_lowered:
.L_overlay_start_1:
0x0: {  	(tag) =	ssettag $0x1  }
0x1: {  	s0 =	rddreg [dreg:$0x0]  }
0x2: {  	s1 =	rddreg [dreg:$0x1]  }
0x3: {  	s2 =	rddreg [dreg:$0x2]  }
0x4: {  	s3 =	srdreg.scid;
	s13 =	stileid.u32  }
0x5: {  	s14 =	rddreg [dreg:$0x4];
	s3 =	sand.u32 $0x1, s3;
	s6 =	smul.u32 $0x500, s13  }
0x6: {  	s4 =	rddreg [dreg:$0x5];
	s5 =	simm.s32 $0x0;
	s7 =	ssub.s32 $0x2, s3  }
0x7: {  	[smem:$0x7FF] =	sst s5;
	s8 =	sshrl.u32 s7, $0x1;
	s9 =	sshrl.u32 s6, $0x3  }
0x8: {  	_ =	strace $0x80000047;
	s8 =	ssub.s32 s7, s8;
	s26 =	sadd.s32 s1, s9  }
0x9: {  	s10 =	sadd.s32 $0xA00, s9;
	s31 =	sadd.s32 s2, s9;
	[dreg:$0xe] =	wrdreg s26  }
0xa: {  	s21 =	sadd.s32 $0x1400, s9;
	s11 =	sadd.s32 s0, s10;
	[dreg:$0x12] =	wrdreg s31  }
0xb: {  	s12 =	sadd.s32 $0x1E00, s9;
	s15 =	sadd.s32 s0, s21;
	[dreg:$0x7] =	wrdreg s11  }
0xc: {  	s7 =	sadd.s32 s0, s9;
	s0 =	sadd.s32 s0, s12;
	[dreg:$0x8] =	wrdreg s15  }
0xd: {  	s22 =	sadd.s32 $0x2800, s7;
	[dreg:$0x9] =	wrdreg s0  }
0xe: {  	s23 =	sadd.s32 $0x3200, s7;
	[dreg:$0xa] =	wrdreg s22  }
0xf: {  	s24 =	sadd.s32 $0x3C00, s7;
	[dreg:$0xb] =	wrdreg s23  }
0x10: {  	s25 =	sadd.s32 $0x4600, s7;
	[dreg:$0xc] =	wrdreg s24  }
0x11: {  	v0 =	vimm.f32 $2.000000000e+00;
	v1 =	vlaneseq.u32;
	s28 =	sadd.s32 s1, s10;
	[dreg:$0xd] =	wrdreg s25  }
0x12: {  	vm1 =	vcmask $0xF00;
	vm2 =	vcmask $0x300;
	vm3 =	vcmask $0x1714;
	s29 =	sadd.s32 s1, s21;
	[dreg:$0xf] =	wrdreg s28  }
0x13: {  	vm4 =	vcmask $0x704;
	vm5 =	vcmask $0x3F14;
	vm6 =	vcmask $0xB08;
	s30 =	sadd.s32 s1, s12;
	[dreg:$0x10] =	wrdreg s29  }
0x14: {  	vm12 =	vcmask $0xF0C;
	(erf) = vrcp.f32 v0;
	v0 =	vimm.f32 $1.500000000e+01;
	s1 =	sadd.s32 s2, s10;
	[dreg:$0x11] =	wrdreg s30  }
0x15: {  	v2 =	vimm.f32 $3.100000000e+01;
	vm13 =	vcmask $0x1310;
	v0 =	vsel vm2, $0x0, v0;
	s9 =	sadd.s32 s2, s21;
	[dreg:$0x13] =	wrdreg s1  }
0x16: {  	vm10 =	vcmask $0x1B18;
	v2 =	vsel vm2, $0x41800000, v2;
	s10 =	sadd.s32 s2, s12;
	v0 =	vsel vm4, $0x3F800000, v0;
	[dreg:$0x14] =	wrdreg s9  }
0x17: {  	vm11 =	vcmask $0x1F1C;
	v2 =	vsel vm4, $0x41880000, v2;
	s16 =	smax.u32 s8, $0x1;
	[dreg:$0x15] =	wrdreg s10;
	v0 =	vsel vm6, $0x40000000, v0  }
0x18: {  	vm14 =	vcmask $0x2B28;
	v2 =	vsel vm6, $0x41900000, v2;
	s17 =	sadd.s32 $0x5000, s7;
	[dreg:$0x17] =	wrdreg s16;
	v0 =	vsel vm12, $0x40400000, v0  }
0x19: {  	v3 =	vimm.s32 $0xA0806040;
	v2 =	vsel vm12, $0x41980000, v2;
	s18 =	sadd.s32 $0x5A00, s7;
	[dreg:$0x18] =	wrdreg s17;
	v0 =	vsel vm13, $0x40800000, v0  }
0x1a: {  	vm8 =	vmmov vm12;
	s12 =	sshrl.u32 s6, $0x2;
	s19 =	sadd.s32 $0x6400, s7;
	v2 =	vsel vm13, $0x41A00000, v2;
	[dreg:$0x19] =	wrdreg s18;
	v0 =	vsel vm3, $0x40A00000, v0  }
0x1b: {  	vm7 =	vmmov vm13;
	s20 =	sadd.s32 $0x6E00, s7;
	s21 =	sadd.s32 $0x7800, s7;
	[dreg:$0x1a] =	wrdreg s19;
	v2 =	vsel vm3, $0x41A80000, v2;
	v0 =	vsel vm10, $0x40C00000, v0  }
0x1c: {  	s26 =	sadd.s32 $0xA000, s7;
	s31 =	sadd.s32 $0xC800, s7;
	[dreg:$0x1b] =	wrdreg s20;
	vm12 =	vcmask $0x2320;
	v2 =	vsel vm10, $0x41B00000, v2;
	v0 =	vsel vm11, $0x40E00000, v0  }
0x1d: {  	s11 =	sor.u32 s13, s3;
	s15 =	sshll.u32 s13, $0x5;
	[dreg:$0x1c] =	wrdreg s21;
	vm13 =	vcmask $0x2724;
	v2 =	vsel vm11, $0x41B80000, v2;
	v0 =	vsel vm12, $0x41000000, v0  }
0x1e: {  	v3 =	vunpack.c.0.s8.s32 v3;
	s1 =	sadd.s32 s12, s14;
	s22 =	sadd.s32 $0x8200, s7;
	[smem:$0x7F9] =	sst s26;
	v2 =	vsel vm12, $0x41C00000, v2;
	v0 =	vsel vm13, $0x41100000, v0  }
0x1f: {  	s23 =	sadd.s32 $0x8C00, s7;
	s24 =	sadd.s32 $0x9600, s7;
	[smem:$0x7FD] =	sst s31;
	v2 =	vsel vm13, $0x41C80000, v2;
	vm11 =	vcmask $0x2F2C;
	v0 =	vsel vm14, $0x41200000, v0  }
0x20: {  	s28 =	sadd.s32 $0xAA00, s7;
	s29 =	sadd.s32 $0xB400, s7;
	[dreg:$0x16] =	wrdreg s1;
	v2 =	vsel vm14, $0x41D00000, v2;
	vm12 =	vcmask $0x3330;
	v0 =	vsel vm11, $0x41300000, v0  }
0x21: {  	s30 =	sadd.s32 $0xBE00, s7;
	s12 =	simm.s32 $0x1;
	[dreg:$0x1d] =	wrdreg s22;
	v2 =	vsel vm11, $0x41D80000, v2;
	vm13 =	vcmask $0x3734;
	v0 =	vsel vm12, $0x41400000, v0  }
0x22: {  	s13 =	simm.s32 $0xF500;
	s14 =	simm.s32 $0x2;
	[dreg:$0x1e] =	wrdreg s23;
	v47 =	vpop (erf);
	v2 =	vsel vm12, $0x41E00000, v2;
	vm11 =	vcmask $0x3B38;
	v0 =	vsel vm13, $0x41500000, v0  }
0x23: {  	vm9 =	vcmask $0x3F10;
	s16 =	simm.s32 $0x16D00;
	s17 =	simm.s32 $0x9100;
	[dreg:$0x1f] =	wrdreg s24;
	[tilespmem:$0x1FFF0] =	vst v47;
	v42 =	vsel vm11, $0x41600000, v0;
	v0 =	vsel vm13, $0x41E80000, v2  }
0x24: {  	vm0 =	vmxor vm0, vm0;
	s18 =	simm.s32 $0x16E00;
	s19 =	simm.s32 $0x16E80;
	[smem:$0x7FA] =	sst s28;
	v2 =	vand.u32 $0xFF, v3;
	v43 =	vsel vm11, $0x41F00000, v0;
	[tilespmem:$0x1FFC0] =	vst v42  }
0x25: {  	v1 =	vor.u32 s6, v1;
	s20 =	simm.s32 $0x0;
	p0 =	sne.s32 s11, $0x0;
	[smem:$0x7FB] =	sst s29;
	vm10 =	vcmask $0x3F0C;
	v44 =	vnsel vm1, $0x0, v2;
	[tilespmem:$0x1FFD0] =	vst v43  }
0x26: {  	s25 =	sshrl.u32 s15, $0x2;
	[smem:$0x7FC] =	sst s30;
	s15 =	simm.s32 $0x17080;
	vm12 =	vcmask $0x70C;
	vm13 =	vcmask $0xB10;
	vm11 =	vcmask $0x308;
	[tilespmem:$0x1FFE0] =	vst v44  }
.LBB2_1:
0x27: {  	[tilespmem:s5], [sflag:$0x1] =	stream.linear.gather [hbm4b:s7+s5], $0x500, $0x38;
	[tilespmem:$0x18C50] =	vst v63  }
0x28: {  	s0 =	rddreg [dreg:$0x7]  }
0x29: {  	s1 =	simm.s32 $0x500;
	s24 =	rddreg [dreg:$0x8]  }
0x2a: {  	[tilespmem:s1], [sflag:$0x1] =	stream.linear.gather [hbm4b:s0+s5], $0x500, $0x38;
	[tilespmem:$0x18C50] =	vst v63  }
0x2b: {  	s26 =	simm.s32 $0xA00;
	s28 =	rddreg [dreg:$0x9]  }
0x2c: {  	[tilespmem:s26], [sflag:$0x1] =	stream.linear.gather [hbm4b:s24+s5], $0x500, $0x38;
	[tilespmem:$0x18C50] =	vst v63  }
0x2d: {  	s29 =	simm.s32 $0xF00;
	s30 =	rddreg [dreg:$0xa]  }
0x2e: {  	[tilespmem:s29], [sflag:$0x1] =	stream.linear.gather [hbm4b:s28+s5], $0x500, $0x38;
	[tilespmem:$0x18C50] =	vst v63  }
0x2f: {  	s31 =	simm.s32 $0x1400;
	s3 =	rddreg [dreg:$0xc]  }
0x30: {  	[tilespmem:s31], [sflag:$0x1] =	stream.linear.gather [hbm4b:s30+s5], $0x500, $0x38;
	[tilespmem:$0x18C50] =	vst v63  }
0x31: {  	s2 =	simm.s32 $0x1900;
	s1 =	rddreg [dreg:$0xb]  }
0x32: {  	[tilespmem:s2], [sflag:$0x1] =	stream.linear.gather [hbm4b:s1+s5], $0x500, $0x38;
	[tilespmem:$0x18C50] =	vst v63  }
0x33: {  	s8 =	simm.s32 $0x1E00;
	s9 =	rddreg [dreg:$0xd]  }
0x34: {  	[tilespmem:s8], [sflag:$0x1] =	stream.linear.gather [hbm4b:s3+s5], $0x500, $0x38;
	[tilespmem:$0x18C50] =	vst v63  }
0x35: {  	s10 =	simm.s32 $0x2300;
	s11 =	rddreg [dreg:$0x18]  }
0x36: {  	[tilespmem:s10], [sflag:$0x1] =	stream.linear.gather [hbm4b:s9+s5], $0x500, $0x38;
	[tilespmem:$0x18C50] =	vst v63  }
0x37: {  	s21 =	simm.s32 $0x2800;
	s22 =	rddreg [dreg:$0x19]  }
0x38: {  	[tilespmem:s21], [sflag:$0x1] =	stream.linear.gather [hbm4b:s11+s5], $0x500, $0x38;
	[tilespmem:$0x18C50] =	vst v63  }
0x39: {  	s23 =	simm.s32 $0x2D00;
	s24 =	rddreg [dreg:$0x1a]  }
0x3a: {  	[tilespmem:s23], [sflag:$0x1] =	stream.linear.gather [hbm4b:s22+s5], $0x500, $0x38;
	[tilespmem:$0x18C50] =	vst v63  }
0x3b: {  	s26 =	simm.s32 $0x3200;
	s28 =	rddreg [dreg:$0x1b]  }
0x3c: {  	[tilespmem:s26], [sflag:$0x1] =	stream.linear.gather [hbm4b:s24+s5], $0x500, $0x38;
	[tilespmem:$0x18C50] =	vst v63  }
0x3d: {  	s29 =	simm.s32 $0x3700;
	s30 =	rddreg [dreg:$0x1c]  }
0x3e: {  	[tilespmem:s29], [sflag:$0x1] =	stream.linear.gather [hbm4b:s28+s5], $0x500, $0x38;
	[tilespmem:$0x18C50] =	vst v63  }
0x3f: {  	s31 =	simm.s32 $0x3C00;
	s1 =	rddreg [dreg:$0x1d]  }
0x40: {  	[tilespmem:s31], [sflag:$0x1] =	stream.linear.gather [hbm4b:s30+s5], $0x500, $0x38;
	[tilespmem:$0x18C50] =	vst v63  }
0x41: {  	s2 =	simm.s32 $0x4100;
	s3 =	rddreg [dreg:$0x1e]  }
0x42: {  	[tilespmem:s2], [sflag:$0x1] =	stream.linear.gather [hbm4b:s1+s5], $0x500, $0x38;
	[tilespmem:$0x18C50] =	vst v63  }
0x43: {  	s8 =	simm.s32 $0x4600;
	s9 =	rddreg [dreg:$0x1f]  }
0x44: {  	[tilespmem:s8], [sflag:$0x1] =	stream.linear.gather [hbm4b:s3+s5], $0x500, $0x38;
	[tilespmem:$0x18C50] =	vst v63  }
0x45: {  	s10 =	simm.s32 $0x4B00;
	s11 =	sld [smem:$0x7F9]  }
0x46: {  	[tilespmem:s10], [sflag:$0x1] =	stream.linear.gather [hbm4b:s9+s5], $0x500, $0x38;
	[tilespmem:$0x18C50] =	vst v63  }
0x47: {  	s21 =	simm.s32 $0x5000;
	s22 =	sld [smem:$0x7FA]  }
0x48: {  	[tilespmem:s21], [sflag:$0x1] =	stream.linear.gather [hbm4b:s11+s5], $0x500, $0x38;
	[tilespmem:$0x18C50] =	vst v63  }
0x49: {  	s23 =	simm.s32 $0x5500;
	s24 =	sld [smem:$0x7FB]  }
0x4a: {  	[tilespmem:s23], [sflag:$0x1] =	stream.linear.gather [hbm4b:s22+s5], $0x500, $0x38;
	[tilespmem:$0x18C50] =	vst v63  }
0x4b: {  	s26 =	simm.s32 $0x5A00;
	s28 =	sld [smem:$0x7FC]  }
0x4c: {  	[tilespmem:s26], [sflag:$0x1] =	stream.linear.gather [hbm4b:s24+s5], $0x500, $0x38;
	[tilespmem:$0x18C50] =	vst v63  }
0x4d: {  	s29 =	simm.s32 $0x5F00;
	s30 =	sld [smem:$0x7FD]  }
0x4e: {  	[tilespmem:s29], [sflag:$0x1] =	stream.linear.gather [hbm4b:s28+s5], $0x500, $0x38;
	[tilespmem:$0x18C50] =	vst v63  }
0x4f: {  	s31 =	simm.s32 $0x6400  }
0x50: {  	[tilespmem:s31], [sflag:$0x1] =	stream.linear.gather [hbm4b:s30+s5], $0x500, $0x38;
	[tilespmem:$0x18C50] =	vst v63  }
0x51: {  	s1 =	rddreg [dreg:$0xe];
	s2 =	simm.s32 $0x6900  }
0x52: {  	[tilespmem:s2], [sflag:$0x1] =	stream.linear.gather [hbm4b:s1+s5], $0x500, $0x38;
	[tilespmem:$0x18C50] =	vst v63  }
0x53: {  	s3 =	rddreg [dreg:$0xf];
	s8 =	simm.s32 $0x6E00  }
0x54: {  	[tilespmem:s8], [sflag:$0x1] =	stream.linear.gather [hbm4b:s3+s5], $0x500, $0x38;
	[tilespmem:$0x18C50] =	vst v63  }
0x55: {  	s9 =	rddreg [dreg:$0x10];
	s10 =	simm.s32 $0x7300  }
0x56: {  	[tilespmem:s10], [sflag:$0x1] =	stream.linear.gather [hbm4b:s9+s5], $0x500, $0x38;
	[tilespmem:$0x18C50] =	vst v63  }
0x57: {  	s11 =	rddreg [dreg:$0x11];
	s21 =	simm.s32 $0x7800  }
0x58: {  	[tilespmem:s21], [sflag:$0x1] =	stream.linear.gather [hbm4b:s11+s5], $0x500, $0x38;
	[tilespmem:$0x18C50] =	vst v63  }
0x59: {  	s22 =	rddreg [dreg:$0x12];
	s23 =	simm.s32 $0x7D00  }
0x5a: {  	[tilespmem:s23], [sflag:$0x1] =	stream.linear.gather [hbm4b:s22+s5], $0x500, $0x38;
	[tilespmem:$0x18C50] =	vst v63  }
0x5b: {  	s24 =	rddreg [dreg:$0x13];
	s26 =	simm.s32 $0x8200  }
0x5c: {  	[tilespmem:s26], [sflag:$0x1] =	stream.linear.gather [hbm4b:s24+s5], $0x500, $0x38;
	[tilespmem:$0x18C50] =	vst v63  }
0x5d: {  	s28 =	rddreg [dreg:$0x14];
	s29 =	simm.s32 $0x8700  }
0x5e: {  	[tilespmem:s29], [sflag:$0x1] =	stream.linear.gather [hbm4b:s28+s5], $0x500, $0x38;
	[tilespmem:$0x18C50] =	vst v63  }
0x5f: {  	s30 =	rddreg [dreg:$0x15];
	s31 =	simm.s32 $0x8C00  }
0x60: {  	[tilespmem:s31], [sflag:$0x1] =	stream.linear.gather [hbm4b:s30+s5], $0x500, $0x38;
	[tilespmem:$0x18C50] =	vst v63  }
0x61: {  	_ =	swait.ge [sflag:s12], $0x500  }
0x62: {  	[sflag:s12] =	ssyncset.done $0x0  }
0x63: {  	[sflag:s12] =	ssyncadd.s32 $0xFFFFFB00  }
0x64: {  	_ =	swait.ge [sflag:s12], $0x500  }
0x65: {  	[sflag:s12] =	ssyncset.done $0x0  }
0x66: {  	[sflag:s12] =	ssyncadd.s32 $0xFFFFFB00  }
0x67: {  	_ =	swait.ge [sflag:s12], $0x500  }
0x68: {  	[sflag:s12] =	ssyncset.done $0x0  }
0x69: {  	[sflag:s12] =	ssyncadd.s32 $0xFFFFFB00  }
0x6a: {  	_ =	swait.ge [sflag:s12], $0x500  }
0x6b: {  	[sflag:s12] =	ssyncset.done $0x0  }
0x6c: {  	[sflag:s12] =	ssyncadd.s32 $0xFFFFFB00  }
0x6d: {  	_ =	swait.ge [sflag:s12], $0x500  }
0x6e: {  	[sflag:s12] =	ssyncset.done $0x0  }
0x6f: {  	[sflag:s12] =	ssyncadd.s32 $0xFFFFFB00  }
0x70: {  	_ =	swait.ge [sflag:s12], $0x500  }
0x71: {  	[sflag:s12] =	ssyncset.done $0x0  }
0x72: {  	[sflag:s12] =	ssyncadd.s32 $0xFFFFFB00  }
0x73: {  	_ =	swait.ge [sflag:s12], $0x500  }
0x74: {  	[sflag:s12] =	ssyncset.done $0x0  }
0x75: {  	[sflag:s12] =	ssyncadd.s32 $0xFFFFFB00  }
0x76: {  	_ =	swait.ge [sflag:s12], $0x500  }
0x77: {  	[sflag:s12] =	ssyncset.done $0x0  }
0x78: {  	[sflag:s12] =	ssyncadd.s32 $0xFFFFFB00  }
0x79: {  	_ =	swait.ge [sflag:s12], $0x500  }
0x7a: {  	[sflag:s12] =	ssyncset.done $0x0  }
0x7b: {  	[sflag:s12] =	ssyncadd.s32 $0xFFFFFB00  }
0x7c: {  	_ =	swait.ge [sflag:s12], $0x500  }
0x7d: {  	[sflag:s12] =	ssyncset.done $0x0  }
0x7e: {  	[sflag:s12] =	ssyncadd.s32 $0xFFFFFB00  }
0x7f: {  	_ =	swait.ge [sflag:s12], $0x500  }
0x80: {  	[sflag:s12] =	ssyncset.done $0x0  }
0x81: {  	[sflag:s12] =	ssyncadd.s32 $0xFFFFFB00  }
0x82: {  	_ =	swait.ge [sflag:s12], $0x500  }
0x83: {  	[sflag:s12] =	ssyncset.done $0x0  }
0x84: {  	[sflag:s12] =	ssyncadd.s32 $0xFFFFFB00  }
0x85: {  	_ =	swait.ge [sflag:s12], $0x500  }
0x86: {  	[sflag:s12] =	ssyncset.done $0x0  }
0x87: {  	[sflag:s12] =	ssyncadd.s32 $0xFFFFFB00  }
0x88: {  	_ =	swait.ge [sflag:s12], $0x500  }
0x89: {  	[sflag:s12] =	ssyncset.done $0x0  }
0x8a: {  	[sflag:s12] =	ssyncadd.s32 $0xFFFFFB00  }
0x8b: {  	_ =	swait.ge [sflag:s12], $0x500  }
0x8c: {  	[sflag:s12] =	ssyncset.done $0x0  }
0x8d: {  	[sflag:s12] =	ssyncadd.s32 $0xFFFFFB00  }
0x8e: {  	_ =	swait.ge [sflag:s12], $0x500  }
0x8f: {  	[sflag:s12] =	ssyncset.done $0x0  }
0x90: {  	[sflag:s12] =	ssyncadd.s32 $0xFFFFFB00  }
0x91: {  	_ =	swait.ge [sflag:s12], $0x500  }
0x92: {  	[sflag:s12] =	ssyncset.done $0x0  }
0x93: {  	[sflag:s12] =	ssyncadd.s32 $0xFFFFFB00  }
0x94: {  	_ =	swait.ge [sflag:s12], $0x500  }
0x95: {  	[sflag:s12] =	ssyncset.done $0x0  }
0x96: {  	[sflag:s12] =	ssyncadd.s32 $0xFFFFFB00  }
0x97: {  	_ =	swait.ge [sflag:s12], $0x500  }
0x98: {  	[sflag:s12] =	ssyncset.done $0x0  }
0x99: {  	[sflag:s12] =	ssyncadd.s32 $0xFFFFFB00  }
0x9a: {  	_ =	swait.ge [sflag:s12], $0x500  }
0x9b: {  	[sflag:s12] =	ssyncset.done $0x0  }
0x9c: {  	[sflag:s12] =	ssyncadd.s32 $0xFFFFFB00  }
0x9d: {  	_ =	swait.ge [sflag:s12], $0x500  }
0x9e: {  	[sflag:s12] =	ssyncset.done $0x0  }
0x9f: {  	[sflag:s12] =	ssyncadd.s32 $0xFFFFFB00  }
0xa0: {  	_ =	swait.ge [sflag:s12], $0x500  }
0xa1: {  	[sflag:s12] =	ssyncset.done $0x0  }
0xa2: {  	[sflag:s12] =	ssyncadd.s32 $0xFFFFFB00  }
0xa3: {  	_ =	swait.ge [sflag:s12], $0x500  }
0xa4: {  	[sflag:s12] =	ssyncset.done $0x0  }
0xa5: {  	[sflag:s12] =	ssyncadd.s32 $0xFFFFFB00  }
0xa6: {  	_ =	swait.ge [sflag:s12], $0x500  }
0xa7: {  	[sflag:s12] =	ssyncset.done $0x0  }
0xa8: {  	[sflag:s12] =	ssyncadd.s32 $0xFFFFFB00  }
0xa9: {  	_ =	swait.ge [sflag:s12], $0x500  }
0xaa: {  	[sflag:s12] =	ssyncset.done $0x0  }
0xab: {  	[sflag:s12] =	ssyncadd.s32 $0xFFFFFB00  }
0xac: {  	_ =	swait.ge [sflag:s12], $0x500  }
0xad: {  	[sflag:s12] =	ssyncset.done $0x0  }
0xae: {  	[sflag:s12] =	ssyncadd.s32 $0xFFFFFB00  }
0xaf: {  	_ =	swait.ge [sflag:s12], $0x500  }
0xb0: {  	[sflag:s12] =	ssyncset.done $0x0  }
0xb1: {  	[sflag:s12] =	ssyncadd.s32 $0xFFFFFB00  }
0xb2: {  	_ =	swait.ge [sflag:s12], $0x500  }
0xb3: {  	[sflag:s12] =	ssyncset.done $0x0  }
0xb4: {  	[sflag:s12] =	ssyncadd.s32 $0xFFFFFB00  }
0xb5: {  	_ =	swait.ge [sflag:s12], $0x500  }
0xb6: {  	[sflag:s12] =	ssyncset.done $0x0  }
0xb7: {  	s21 =	simm.s32 $0x0;
	[sflag:s12] =	ssyncadd.s32 $0xFFFFFB00  }
.LBB2_2:
0xb8: {  	s22 =	sshll.u32 s21, $0x4  }
0xb9: {  	v0 =	vld [tilespmem:s22+$0x0];
	s23 =	sand.u32 $0x7C0, s22  }
0xba: {  	v2 =	vld [tilespmem:s23+$0x500]  }
0xbb: {  	v3 =	vld [tilespmem:s23+$0xA00]  }
0xbc: {  	v4 =	vld [tilespmem:s23+$0xF00]  }
0xbd: {  	v5 =	vld [tilespmem:s23+$0x1400]  }
0xbe: {  	v6 =	vld [tilespmem:s23+$0x1900]  }
0xbf: {  	v7 =	vld [tilespmem:s23+$0x1E00];
	v8 =	vmax.f32 v0, v2  }
0xc0: {  	s0 =	sor.u32 $0x2800, s22;
	v9 =	vld [tilespmem:s23+$0x2300];
	v8 =	vmax.f32 v8, v3  }
0xc1: {  	v10 =	vld [tilespmem:s0+$0x0];
	v8 =	vmax.f32 v8, v4  }
0xc2: {  	v11 =	vld [tilespmem:s23+$0x2D00];
	v8 =	vmax.f32 v8, v5  }
0xc3: {  	v12 =	vld [tilespmem:s23+$0x3200];
	v8 =	vmax.f32 v8, v6  }
0xc4: {  	v13 =	vld [tilespmem:s23+$0x3700];
	v8 =	vmax.f32 v8, v7  }
0xc5: {  	v14 =	vld [tilespmem:s23+$0x3C00];
	v8 =	vmax.f32 v8, v9  }
0xc6: {  	v15 =	vld [tilespmem:s23+$0x4100];
	v8 =	vmax.f32 v8, v10  }
0xc7: {  	v16 =	vld [tilespmem:s23+$0x4600];
	v8 =	vmax.f32 v8, v11  }
0xc8: {  	s29 =	sor.u32 $0x5000, s22;
	v17 =	vld [tilespmem:s23+$0x4B00];
	v8 =	vmax.f32 v8, v12  }
0xc9: {  	v18 =	vld [tilespmem:s29+$0x0];
	v8 =	vmax.f32 v8, v13  }
0xca: {  	v19 =	vld [tilespmem:s23+$0x5500];
	v8 =	vmax.f32 v8, v14  }
0xcb: {  	v20 =	vld [tilespmem:s23+$0x5A00];
	v8 =	vmax.f32 v8, v15  }
0xcc: {  	v21 =	vld [tilespmem:s23+$0x5F00];
	v8 =	vmax.f32 v8, v16  }
0xcd: {  	v22 =	vld [tilespmem:s23+$0x6400];
	v8 =	vmax.f32 v8, v17  }
0xce: {  	v8 =	vmax.f32 v8, v18  }
0xcf: {  	v8 =	vmax.f32 v8, v19  }
0xd0: {  	v8 =	vmax.f32 v8, v20  }
0xd1: {  	v8 =	vmax.f32 v8, v21  }
0xd2: {  	v8 =	vmax.f32 v8, v22  }
0xd3: {  	v0 =	vsub.f32 v0, v8  }
0xd4: {  	v2 =	vsub.f32 v2, v8  }
0xd5: {  	v0 =	vmul.f32 $1.442695020e+00, v0  }
0xd6: {  	v3 =	vsub.f32 v3, v8;
	v2 =	vmul.f32 $1.442695020e+00, v2  }
0xd7: {  	(erf) = vpow2.f32 v0  }
0xd8: {  	v0 =	vmul.f32 $1.442695020e+00, v3;
	(erf) = vpow2.f32 v2;
	v2 =	vsub.f32 v4, v8;
	_ =	sdelay $0x1  }
0xd9: {  	(erf) = vpow2.f32 v0;
	v0 =	vmul.f32 $1.442695020e+00, v2;
	v2 =	vsub.f32 v5, v8  }
0xda: {  	v3 =	vsub.f32 v7, v8  }
0xdb: {  	(erf) = vpow2.f32 v0;
	v0 =	vmul.f32 $1.442695020e+00, v2;
	v2 =	vsub.f32 v6, v8;
	_ =	sdelay $0x1  }
0xdc: {  	(erf) = vpow2.f32 v0;
	v0 =	vmul.f32 $1.442695020e+00, v2;
	_ =	sdelay $0x1  }
0xdd: {  	v2 =	vmul.f32 $1.442695020e+00, v3;
	v3 =	vpop (erf);
	(erf) = vpow2.f32 v0;
	v0 =	vsub.f32 v9, v8;
	_ =	sdelay $0x1  }
0xde: {  	v25 =	vpop (erf)  }
0xdf: {  	(erf) = vpow2.f32 v2;
	v2 =	vmul.f32 $1.442695020e+00, v0;
	v3 =	vadd.f32 v25, v3  }
0xe0: {  	v26 =	vsub.f32 v10, v8;
	v0 =	vpop (erf)  }
0xe1: {  	v3 =	vadd.f32 v3, v0  }
0xe2: {  	v27 =	vsub.f32 v11, v8;
	v4 =	vmul.f32 $1.442695020e+00, v26;
	(erf) = vpow2.f32 v2  }
0xe3: {  	v28 =	vsub.f32 v12, v8;
	v2 =	vpop (erf)  }
0xe4: {  	v6 =	vmul.f32 $1.442695020e+00, v27;
	(erf) = vpow2.f32 v4;
	v29 =	vadd.f32 v3, v2  }
0xe5: {  	v31 =	vsub.f32 v13, v8;
	v3 =	vpop (erf)  }
0xe6: {  	v30 =	vmul.f32 $1.442695020e+00, v28;
	(erf) = vpow2.f32 v6;
	v7 =	vadd.f32 v29, v3  }
0xe7: {  	v32 =	vsub.f32 v14, v8;
	v4 =	vpop (erf)  }
0xe8: {  	v33 =	vmul.f32 $1.442695020e+00, v31;
	(erf) = vpow2.f32 v30;
	v7 =	vadd.f32 v7, v4  }
0xe9: {  	v35 =	vsub.f32 v15, v8;
	v34 =	vpop (erf)  }
0xea: {  	v10 =	vmul.f32 $1.442695020e+00, v32;
	(erf) = vpow2.f32 v33;
	v7 =	vadd.f32 v7, v34  }
0xeb: {  	v37 =	vsub.f32 v16, v8;
	v36 =	vpop (erf)  }
0xec: {  	v6 =	vmul.f32 $1.442695020e+00, v35;
	(erf) = vpow2.f32 v10;
	v7 =	vadd.f32 v7, v36  }
0xed: {  	v39 =	vsub.f32 v17, v8;
	v38 =	vpop (erf)  }
0xee: {  	v40 =	vmul.f32 $1.442695020e+00, v37;
	(erf) = vpow2.f32 v6;
	v7 =	vadd.f32 v7, v38  }
0xef: {  	v42 =	vsub.f32 v18, v8;
	v41 =	vpop (erf)  }
0xf0: {  	v13 =	vmul.f32 $1.442695020e+00, v39;
	(erf) = vpow2.f32 v40;
	v7 =	vadd.f32 v7, v41  }
0xf1: {  	v44 =	vsub.f32 v19, v8;
	v43 =	vpop (erf)  }
0xf2: {  	v6 =	vmul.f32 $1.442695020e+00, v42;
	(erf) = vpow2.f32 v13;
	v7 =	vadd.f32 v7, v43  }
0xf3: {  	v46 =	vsub.f32 v20, v8;
	v45 =	vpop (erf)  }
0xf4: {  	v48 =	vmul.f32 $1.442695020e+00, v44;
	(erf) = vpow2.f32 v6;
	v7 =	vadd.f32 v7, v45  }
0xf5: {  	v50 =	vsub.f32 v21, v8;
	v49 =	vpop (erf)  }
0xf6: {  	v16 =	vmul.f32 $1.442695020e+00, v46;
	(erf) = vpow2.f32 v48;
	v7 =	vadd.f32 v7, v49  }
0xf7: {  	v8 =	vsub.f32 v22, v8;
	v51 =	vpop (erf)  }
0xf8: {  	v6 =	vmul.f32 $1.442695020e+00, v50;
	(erf) = vpow2.f32 v16;
	v7 =	vadd.f32 v7, v51  }
0xf9: {  	v52 =	vpop (erf)  }
0xfa: {  	v53 =	vmul.f32 $1.442695020e+00, v8;
	(erf) = vpow2.f32 v6;
	v7 =	vadd.f32 v7, v52  }
0xfb: {  	v54 =	vpop (erf)  }
0xfc: {  	(erf) = vpow2.f32 v53;
	v55 =	vadd.f32 v7, v54  }
0xfd: {  	v56 =	vpop (erf)  }
0xfe: {  	v6 =	vadd.f32 v55, v56  }
0xff: {  	v57 =	vpop (erf)  }
0x100: {  	v6 =	vadd.f32 v6, v57  }
0x101: {  	v58 =	vpop (erf)  }
0x102: {  	v6 =	vadd.f32 v6, v58  }
0x103: {  	v59 =	vpop (erf)  }
0x104: {  	v6 =	vadd.f32 v6, v59  }
0x105: {  	v60 =	vpop (erf)  }
0x106: {  	v6 =	vadd.f32 v6, v60;
	_ =	sdelay $0x1  }
0x107: {  	(erf) = vrcp.f32 v6;
	_ =	sdelay $0x8  }
0x108: {  	s30 =	sadd.s32 s6, s22;
	v6 =	vpop (erf)  }
0x109: {  	vm14 =	vmmov vm0;
	p1 =	slt.u32 s30, $0x4E20;
	v9 =	vmul.f32 v6, v34  }
0x10a: {  	vm14 =	vmneg @p1 vm14;
	v5 =	vmul.f32 v6, v25  }
0x10b: {  	v11 =	vmul.f32 v6, v36;
	v12 =	vmul.f32 v6, v38;
	vm1 =	vgt.f32 v9, $9.999999770e-03  }
0x10c: {  	v10 =	vmul.f32 v6, v41;
	vm15 =	vgt.f32 v5, $9.999999770e-03;
	vm1 =	vmand vm14, vm1  }
0x10d: {  	vm15 =	vmand vm14, vm15;
	v9 =	vnsel vm1, $0x0, v9;
	vm1 =	vgt.f32 v11, $9.999999770e-03  }
0x10e: {  	v5 =	vnsel vm15, $0x0, v5;
	vm15 =	vgt.f32 v12, $9.999999770e-03;
	vm1 =	vmand vm14, vm1  }
0x10f: {  	v62 =	vmul.f32 v6, v51;
	[tilespmem:s22+$0x9100] =	vst v5;
	v61 =	vnsel vm1, $0x0, v11;
	vm1 =	vmand vm14, vm15  }
0x110: {  	v7 =	vmul.f32 v6, v56;
	[tilespmem:s23+$0xAA00] =	vst v9;
	v63 =	vnsel vm1, $0x0, v12;
	vm1 =	vgt.f32 v10, $9.999999770e-03  }
0x111: {  	vm15 =	vgt.f32 v62, $9.999999770e-03;
	[tilespmem:s23+$0xAF00] =	vst v61;
	v12 =	vmul.f32 v6, v57;
	vm1 =	vmand vm14, vm1  }
0x112: {  	[tilespmem:s23+$0xB400] =	vst v63;
	v17 =	vnsel vm1, $0x0, v10;
	vm1 =	vmand vm14, vm15;
	vm15 =	vgt.f32 v7, $9.999999770e-03  }
0x113: {  	[tilespmem:s22+$0xB900] =	vst v17;
	v22 =	vnsel vm1, $0x0, v62;
	vm1 =	vmand vm14, vm15;
	vm15 =	vgt.f32 v12, $9.999999770e-03  }
0x114: {  	[tilespmem:s23+$0xCD00] =	vst v22;
	v7 =	vnsel vm1, $0x0, v7;
	vm1 =	vmand vm14, vm15  }
0x115: {  	[tilespmem:s23+$0xDC00] =	vst v7;
	v5 =	vnsel vm1, $0x0, v12  }
0x116: {  	[tilespmem:s22+$0xE100] =	vst v5  }
0x117: {  	v5 =	vld [tilespmem:s23+$0x7300]  }
0x118: {  	v23 =	vld [tilespmem:s23+$0x7800];
	_ =	sdelay $0x3  }
0x119: {  	v5 =	vmul.f32 $2.000000030e-01, v5  }
0x11a: {  	v7 =	vmul.f32 $2.000000030e-01, v23  }
0x11b: {  	v5 =	vmul.f32 $1.442695020e+00, v5  }
0x11c: {  	v7 =	vmul.f32 $1.442695020e+00, v7  }
0x11d: {  	(erf) = vpow2.f32 v5  }
0x11e: {  	(erf) = vpow2.f32 v7;
	_ =	sdelay $0x1  }
0x11f: {  	v24 =	vld [tilespmem:s23+$0x6900]  }
0x120: {  	v25 =	vld [tilespmem:s23+$0x6E00]  }
0x121: {  	v26 =	vld [tilespmem:s23+$0x8700]  }
0x122: {  	v27 =	vld [tilespmem:s23+$0x8C00]  }
0x123: {  	v28 =	vld [tilespmem:s23+$0x7D00]  }
0x124: {  	v5 =	vmul.f32 $1.000000010e-01, v24  }
0x125: {  	v0 =	vmul.f32 v6, v0;
	v30 =	vpop (erf)  }
0x126: {  	v29 =	vld [tilespmem:s23+$0x8200];
	v5 =	vmul.f32 v26, v5;
	v8 =	vmul.f32 v26, v30;
	v31 =	vpop (erf)  }
0x127: {  	v7 =	vmul.f32 $1.000000010e-01, v25;
	v9 =	vmul.f32 v27, v31  }
0x128: {  	v2 =	vmul.f32 v6, v2;
	[tilespmem:$0x1FA30] =	vst v0;
	v0 =	vadd.f32 v5, v28;
	v32 =	vmul.f32 v8, v47  }
0x129: {  	v7 =	vmul.f32 v27, v7;
	v33 =	vmul.f32 v9, v47  }
0x12a: {  	v11 =	vsub.f32 v0, v32;
	v9 =	vadd.f32 v32, v0;
	v0 =	vmul.f32 v6, v4  }
0x12b: {  	v3 =	vmul.f32 v6, v3;
	[tilespmem:$0x1FA40] =	vst v2;
	v2 =	vadd.f32 v7, v29  }
0x12c: {  	[tilespmem:$0x1FA60] =	vst v0;
	v0 =	vmul.f32 v6, v43  }
0x12d: {  	[tilespmem:$0x1FA50] =	vst v3;
	v3 =	vmul.f32 v6, v45;
	v10 =	vsub.f32 v2, v33;
	v37 =	vadd.f32 v33, v2  }
0x12e: {  	v2 =	vadd.f32 $4.000000000e+00, v11;
	[tilespmem:$0x1FA70] =	vst v0;
	v0 =	vadd.f32 $4.000000000e+00, v9  }
0x12f: {  	[tilespmem:$0x1FA80] =	vst v3;
	v3 =	vadd.f32 $4.000000000e+00, v37  }
0x130: {  	v34 =	vadd.f32 $4.000000000e+00, v10;
	v0 =	vsub.f32 v0, v2;
	v2 =	vmul.f32 v6, v58;
	_ =	sdelay $0x1  }
0x131: {  	v36 =	vadd.f32 $8.000000000e+00, v9;
	[tilespmem:$0x1FAC0] =	vst v2;
	v2 =	vsub.f32 v3, v34  }
0x132: {  	v38 =	vadd.f32 $8.000000000e+00, v11;
	v44 =	vadd.f32 $1.200000000e+01, v9  }
0x133: {  	v45 =	vadd.f32 $1.200000000e+01, v11;
	v0 =	vmax.f32 v0, $0.0e+00;
	v2 =	vmax.f32 v2, $0.0e+00  }
0x134: {  	v42 =	vadd.f32 $8.000000000e+00, v37;
	v43 =	vadd.f32 $8.000000000e+00, v10;
	v0 =	vmul.f32 v2, v0  }
0x135: {  	v35 =	vmul.f32 v6, v49;
	v46 =	vadd.f32 $1.200000000e+01, v37;
	v48 =	vadd.f32 $1.200000000e+01, v10  }
0x136: {  	v39 =	vmul.f32 v6, v52;
	v3 =	vsub.f32 v36, v38;
	[tilespmem:$0x1FAF0] =	vst v0;
	v0 =	vsub.f32 v42, v43  }
0x137: {  	v40 =	vmul.f32 v6, v54;
	v51 =	vadd.f32 $1.600000000e+01, v9;
	v49 =	vsub.f32 v46, v48  }
0x138: {  	v2 =	vmax.f32 v3, $0.0e+00;
	v3 =	vsub.f32 v44, v45;
	v0 =	vmax.f32 v0, $0.0e+00  }
0x139: {  	v52 =	vadd.f32 $1.600000000e+01, v11;
	v54 =	vadd.f32 $2.000000000e+01, v9;
	v0 =	vmul.f32 v0, v2  }
0x13a: {  	s24 =	sor.u32 $0x10, s22;
	v55 =	vadd.f32 $2.000000000e+01, v11;
	v4 =	vmax.f32 v49, $0.0e+00;
	v3 =	vmax.f32 v3, $0.0e+00  }
0x13b: {  	v50 =	vld [tilespmem:s24+$0x0];
	v3 =	vmul.f32 v4, v3;
	v2 =	vadd.f32 $1.600000000e+01, v10;
	[tilespmem:$0x1FB00] =	vst v0;
	v0 =	vadd.f32 $1.600000000e+01, v37  }
0x13c: {  	v53 =	vld [tilespmem:s22+$0x510];
	v56 =	vadd.f32 $2.000000000e+01, v37;
	v57 =	vadd.f32 $2.000000000e+01, v10  }
0x13d: {  	v21 =	vld [tilespmem:s22+$0xA10];
	[tilespmem:$0x1FB10] =	vst v3;
	v3 =	vsub.f32 v51, v52;
	v0 =	vsub.f32 v0, v2  }
0x13e: {  	v41 =	vmul.f32 v6, v59;
	v22 =	vld [tilespmem:s22+$0xF10];
	v59 =	vsub.f32 v56, v57;
	v6 =	vmul.f32 v6, v60  }
0x13f: {  	v23 =	vld [tilespmem:s22+$0x1410];
	v58 =	vsub.f32 v54, v55;
	v3 =	vmax.f32 v3, $0.0e+00;
	v0 =	vmax.f32 v0, $0.0e+00  }
0x140: {  	v2 =	vld [tilespmem:s22+$0x1910];
	v0 =	vmul.f32 v0, v3  }
0x141: {  	v24 =	vld [tilespmem:s22+$0x1E10];
	v60 =	vmax.f32 v50, v53;
	[tilespmem:$0x1FAE0] =	vst v6;
	v6 =	vmax.f32 v59, $0.0e+00;
	v4 =	vmax.f32 v58, $0.0e+00  }
0x142: {  	s31 =	sor.u32 $0x2810, s22;
	v25 =	vld [tilespmem:s22+$0x2310];
	v7 =	vmax.f32 v60, v21;
	[tilespmem:$0x1FB20] =	vst v0;
	v0 =	vmul.f32 v6, v4  }
0x143: {  	v26 =	vld [tilespmem:s31+$0x0];
	v61 =	vadd.f32 $2.400000000e+01, v9;
	v62 =	vadd.f32 $2.400000000e+01, v11;
	v7 =	vmax.f32 v7, v22  }
0x144: {  	v33 =	vadd.f32 $2.800000000e+01, v9;
	v30 =	vadd.f32 $3.200000000e+01, v9;
	v3 =	vld [tilespmem:s22+$0x2D10];
	[tilespmem:$0x1FB40] =	vst v0;
	v0 =	vmax.f32 v7, v23  }
0x145: {  	v27 =	vld [tilespmem:s22+$0x3210];
	v31 =	vadd.f32 $3.200000000e+01, v11;
	v63 =	vadd.f32 $2.400000000e+01, v37;
	v0 =	vmax.f32 v0, v2  }
0x146: {  	[tilespmem:$0x1FA90] =	vst v35;
	v28 =	vld [tilespmem:s22+$0x3710];
	v32 =	vadd.f32 $2.400000000e+01, v10;
	v35 =	vadd.f32 $2.800000000e+01, v37;
	v0 =	vmax.f32 v0, v24  }
0x147: {  	v29 =	vld [tilespmem:s22+$0x3C10];
	v46 =	vadd.f32 $3.600000000e+01, v11;
	v48 =	vadd.f32 $3.600000000e+01, v37;
	v0 =	vmax.f32 v0, v25  }
0x148: {  	v12 =	vld [tilespmem:s22+$0x4110];
	v54 =	vadd.f32 $4.000000000e+01, v10;
	v49 =	vadd.f32 $3.600000000e+01, v10;
	v0 =	vmax.f32 v0, v26  }
0x149: {  	v14 =	vld [tilespmem:s22+$0x4610];
	v34 =	vadd.f32 $2.800000000e+01, v11;
	v36 =	vadd.f32 $2.800000000e+01, v10;
	v0 =	vmax.f32 v0, v3  }
0x14a: {  	s1 =	sor.u32 $0x5010, s22;
	v17 =	vld [tilespmem:s22+$0x4B10];
	v38 =	vsub.f32 v63, v32;
	v32 =	vadd.f32 $3.200000000e+01, v37;
	v0 =	vmax.f32 v0, v27  }
0x14b: {  	v18 =	vld [tilespmem:s1+$0x0];
	[tilespmem:$0x1FAA0] =	vst v39;
	v59 =	vadd.f32 $4.400000000e+01, v11;
	v63 =	vadd.f32 $4.400000000e+01, v10;
	v0 =	vmax.f32 v0, v28  }
0x14c: {  	v16 =	vld [tilespmem:s22+$0x5510];
	[tilespmem:$0x1FAB0] =	vst v40;
	v39 =	vsub.f32 v33, v34;
	v40 =	vsub.f32 v35, v36;
	v0 =	vmax.f32 v0, v29  }
0x14d: {  	v15 =	vld [tilespmem:s22+$0x5A10];
	v33 =	vadd.f32 $3.200000000e+01, v10;
	v45 =	vadd.f32 $3.600000000e+01, v9;
	v0 =	vmax.f32 v0, v12  }
0x14e: {  	v13 =	vld [tilespmem:s22+$0x5F10];
	[tilespmem:$0x1FAD0] =	vst v41;
	v41 =	vmax.f32 v40, $0.0e+00;
	v7 =	vmax.f32 v39, $0.0e+00;
	v0 =	vmax.f32 v0, v14  }
0x14f: {  	v44 =	vsub.f32 v32, v33;
	v42 =	vmul.f32 v41, v7;
	v7 =	vld [tilespmem:s22+$0x6410];
	v0 =	vmax.f32 v0, v17  }
0x150: {  	v43 =	vsub.f32 v30, v31;
	v30 =	vsub.f32 v45, v46;
	v0 =	vmax.f32 v0, v18  }
0x151: {  	v31 =	vsub.f32 v48, v49;
	v4 =	vsub.f32 v61, v62;
	v0 =	vmax.f32 v0, v16  }
0x152: {  	v45 =	vadd.f32 $4.800000000e+01, v37;
	v46 =	vadd.f32 $4.800000000e+01, v10;
	v0 =	vmax.f32 v0, v15  }
0x153: {  	v6 =	vmax.f32 v38, $0.0e+00;
	v4 =	vmax.f32 v4, $0.0e+00;
	v0 =	vmax.f32 v0, v13  }
0x154: {  	v58 =	vadd.f32 $4.400000000e+01, v9;
	v4 =	vmul.f32 v6, v4;
	v19 =	vmax.f32 v0, v7  }
0x155: {  	v31 =	vmax.f32 v31, $0.0e+00;
	v51 =	vmax.f32 v30, $0.0e+00;
	v50 =	vsub.f32 v50, v19  }
0x156: {  	v5 =	vmul.f32 v31, v51;
	v6 =	vmax.f32 v44, $0.0e+00;
	[tilespmem:$0x1FB50] =	vst v4;
	v4 =	vmax.f32 v43, $0.0e+00  }
0x157: {  	v52 =	vadd.f32 $4.000000000e+01, v11;
	v0 =	vmul.f32 v6, v4;
	v4 =	vmul.f32 $1.442695020e+00, v50  }
0x158: {  	[tilespmem:$0x1FBB0] =	vst v5;
	v5 =	vsub.f32 v58, v59;
	v62 =	vadd.f32 $4.400000000e+01, v37  }
0x159: {  	v59 =	vadd.f32 $5.200000000e+01, v37;
	v20 =	vsub.f32 v53, v19;
	(erf) = vpow2.f32 v4  }
0x15a: {  	v38 =	vadd.f32 $4.800000000e+01, v9;
	v32 =	vsub.f32 v62, v63  }
0x15b: {  	v53 =	vadd.f32 $4.000000000e+01, v37;
	v21 =	vsub.f32 v21, v19;
	v20 =	vmul.f32 $1.442695020e+00, v20  }
0x15c: {  	v33 =	vmax.f32 v5, $0.0e+00;
	v57 =	vsub.f32 v22, v19;
	v61 =	vsub.f32 v23, v19  }
0x15d: {  	[tilespmem:$0x1FBA0] =	vst v0;
	v0 =	vadd.f32 $4.000000000e+01, v9;
	v56 =	vmul.f32 $1.442695020e+00, v21;
	(erf) = vpow2.f32 v20  }
0x15e: {  	v2 =	vsub.f32 v2, v19;
	v55 =	vsub.f32 v53, v54;
	v60 =	vmul.f32 $1.442695020e+00, v57  }
0x15f: {  	v30 =	vmul.f32 $1.442695020e+00, v61;
	v0 =	vsub.f32 v0, v52;
	(erf) = vpow2.f32 v56  }
0x160: {  	v39 =	vadd.f32 $4.800000000e+01, v11;
	v2 =	vmul.f32 $1.442695020e+00, v2;
	(erf) = vpow2.f32 v60  }
0x161: {  	v6 =	vmax.f32 v55, $0.0e+00;
	v0 =	vmax.f32 v0, $0.0e+00;
	(erf) = vpow2.f32 v30  }
0x162: {  	v0 =	vmul.f32 v6, v0;
	v36 =	vpop (erf);
	(erf) = vpow2.f32 v2;
	v2 =	vsub.f32 v25, v19  }
0x163: {  	v35 =	vmax.f32 v32, $0.0e+00;
	[tilespmem:$0x1FB60] =	vst v42;
	v42 =	vsub.f32 v38, v39;
	v31 =	vsub.f32 v24, v19  }
0x164: {  	v38 =	vadd.f32 $5.600000000e+01, v37;
	v40 =	vmul.f32 $1.442695020e+00, v2;
	v2 =	vmul.f32 v35, v33  }
0x165: {  	v41 =	vsub.f32 v26, v19;
	v43 =	vsub.f32 v3, v19;
	v34 =	vmul.f32 $1.442695020e+00, v31  }
0x166: {  	v49 =	vsub.f32 v27, v19;
	v58 =	vsub.f32 v12, v19;
	[tilespmem:$0x1FBC0] =	vst v0;
	v0 =	vpop (erf)  }
0x167: {  	v32 =	vsub.f32 v17, v19;
	(erf) = vpow2.f32 v34;
	v20 =	vadd.f32 v0, v36  }
0x168: {  	v39 =	vsub.f32 v16, v19;
	v15 =	vsub.f32 v15, v19;
	[tilespmem:$0x1FC00] =	vst v2;
	v2 =	vpop (erf)  }
0x169: {  	v44 =	vmul.f32 $1.442695020e+00, v41;
	(erf) = vpow2.f32 v40;
	v20 =	vadd.f32 v20, v2  }
0x16a: {  	v13 =	vsub.f32 v13, v19;
	v7 =	vsub.f32 v7, v19;
	v48 =	vmul.f32 $1.442695020e+00, v43;
	v3 =	vpop (erf)  }
0x16b: {  	v21 =	vsub.f32 v45, v46;
	(erf) = vpow2.f32 v44;
	v20 =	vadd.f32 v20, v3  }
0x16c: {  	v50 =	vadd.f32 $5.200000000e+01, v9;
	v51 =	vmul.f32 $1.442695020e+00, v49;
	v53 =	vmax.f32 v42, $0.0e+00;
	v4 =	vpop (erf)  }
0x16d: {  	v52 =	vsub.f32 v28, v19;
	(erf) = vpow2.f32 v48;
	v20 =	vadd.f32 v20, v4  }
0x16e: {  	v54 =	vadd.f32 $5.200000000e+01, v11;
	v23 =	vmul.f32 $1.442695020e+00, v58;
	v55 =	vsub.f32 v29, v19;
	v5 =	vpop (erf)  }
0x16f: {  	v56 =	vmul.f32 $1.442695020e+00, v52;
	(erf) = vpow2.f32 v51;
	v20 =	vadd.f32 v20, v5  }
0x170: {  	v61 =	vsub.f32 v14, v19;
	v41 =	vmul.f32 $1.442695020e+00, v39;
	v42 =	vadd.f32 $6.000000000e+01, v9;
	v6 =	vpop (erf)  }
0x171: {  	v57 =	vmul.f32 $1.442695020e+00, v55;
	(erf) = vpow2.f32 v56;
	v20 =	vadd.f32 v20, v6  }
0x172: {  	v43 =	vadd.f32 $6.000000000e+01, v11;
	v15 =	vmul.f32 $1.442695020e+00, v15;
	v49 =	vadd.f32 $6.000000000e+01, v10;
	v12 =	vpop (erf)  }
0x173: {  	v58 =	vadd.f32 $6.400000000e+01, v10;
	(erf) = vpow2.f32 v57;
	v20 =	vadd.f32 v20, v12  }
0x174: {  	v39 =	vadd.f32 $7.200000000e+01, v9;
	v21 =	vmax.f32 v21, $0.0e+00;
	v22 =	vsub.f32 v50, v54;
	v14 =	vpop (erf)  }
0x175: {  	v33 =	vmul.f32 $1.442695020e+00, v61;
	(erf) = vpow2.f32 v23;
	v20 =	vadd.f32 v20, v14  }
0x176: {  	v54 =	vadd.f32 $6.400000000e+01, v11;
	v60 =	vadd.f32 $5.200000000e+01, v10;
	v25 =	vmul.f32 $1.442695020e+00, v32;
	v17 =	vpop (erf)  }
0x177: {  	v36 =	vsub.f32 v18, v19;
	(erf) = vpow2.f32 v33;
	v20 =	vadd.f32 v20, v17  }
0x178: {  	v62 =	vmul.f32 v21, v53;
	v53 =	vadd.f32 $6.400000000e+01, v9;
	v63 =	vsub.f32 v59, v60;
	v18 =	vpop (erf)  }
0x179: {  	v23 =	vmul.f32 $1.442695020e+00, v36;
	(erf) = vpow2.f32 v25;
	v20 =	vadd.f32 v20, v18  }
0x17a: {  	v46 =	vmax.f32 v63, $0.0e+00;
	v63 =	vadd.f32 $6.800000000e+01, v11;
	v34 =	vadd.f32 $5.600000000e+01, v9;
	v16 =	vpop (erf)  }
0x17b: {  	v35 =	vadd.f32 $5.600000000e+01, v11;
	(erf) = vpow2.f32 v23;
	v20 =	vadd.f32 v20, v16  }
0x17c: {  	v13 =	vmul.f32 $1.442695020e+00, v13;
	v19 =	vsub.f32 v53, v54;
	v61 =	vadd.f32 $6.800000000e+01, v9;
	v29 =	vpop (erf)  }
0x17d: {  	v24 =	vsub.f32 v34, v35;
	(erf) = vpow2.f32 v41;
	v20 =	vadd.f32 v20, v29  }
0x17e: {  	v22 =	vmax.f32 v22, $0.0e+00;
	v34 =	vadd.f32 $6.800000000e+01, v10;
	v40 =	vadd.f32 $5.600000000e+01, v10;
	v26 =	vpop (erf)  }
0x17f: {  	v51 =	vmul.f32 v46, v22;
	(erf) = vpow2.f32 v15;
	v45 =	vadd.f32 v20, v26  }
0x180: {  	v7 =	vmul.f32 $1.442695020e+00, v7;
	[tilespmem:$0x1FC10] =	vst v62;
	v44 =	vsub.f32 v38, v40;
	v48 =	vadd.f32 $6.000000000e+01, v37;
	v27 =	vpop (erf)  }
0x181: {  	v40 =	vadd.f32 $7.200000000e+01, v11;
	[tilespmem:$0x1FC20] =	vst v51;
	(erf) = vpow2.f32 v13;
	v50 =	vadd.f32 v45, v27  }
0x182: {  	v52 =	vsub.f32 v48, v49;
	v48 =	vadd.f32 $7.600000000e+01, v9;
	v20 =	vpop (erf)  }
0x183: {  	v49 =	vadd.f32 $7.600000000e+01, v11;
	(erf) = vpow2.f32 v7;
	v55 =	vadd.f32 v50, v20  }
0x184: {  	v51 =	vadd.f32 $7.600000000e+01, v37;
	v57 =	vadd.f32 $6.400000000e+01, v37;
	v28 =	vpop (erf)  }
0x185: {  	v36 =	vsub.f32 v61, v63;
	v7 =	vadd.f32 v55, v28  }
0x186: {  	v60 =	vsub.f32 v57, v58;
	v33 =	vadd.f32 $6.800000000e+01, v37;
	v22 =	vpop (erf)  }
0x187: {  	v19 =	vmax.f32 v19, $0.0e+00;
	v25 =	vsub.f32 v42, v43;
	v7 =	vadd.f32 v7, v22  }
0x188: {  	v56 =	vmax.f32 v24, $0.0e+00;
	v42 =	vadd.f32 $7.200000000e+01, v37;
	v43 =	vadd.f32 $7.200000000e+01, v10;
	v31 =	vpop (erf)  }
0x189: {  	v23 =	vmax.f32 v44, $0.0e+00;
	v38 =	vsub.f32 v33, v34;
	v7 =	vadd.f32 v7, v31  }
0x18a: {  	v34 =	vadd.f32 $8.000000000e+01, v9;
	v59 =	vmul.f32 v23, v56;
	v62 =	vmax.f32 v25, $0.0e+00;
	v24 =	vpop (erf)  }
0x18b: {  	v56 =	vadd.f32 $8.000000000e+01, v10;
	v15 =	vmax.f32 v52, $0.0e+00;
	v46 =	vld [tilespmem:s22+$0x7310];
	v7 =	vadd.f32 v7, v24  }
0x18c: {  	v21 =	vmax.f32 v38, $0.0e+00;
	v52 =	vadd.f32 $7.600000000e+01, v10;
	v35 =	vmul.f32 v15, v62;
	v30 =	vpop (erf)  }
0x18d: {  	v13 =	vmax.f32 v60, $0.0e+00;
	v15 =	vmax.f32 v36, $0.0e+00;
	v7 =	vadd.f32 v7, v30  }
0x18e: {  	v41 =	vmul.f32 v13, v19;
	v44 =	vmul.f32 v21, v15;
	v13 =	vsub.f32 v42, v43;
	v53 =	vld [tilespmem:s22+$0x6910]  }
0x18f: {  	v21 =	vsub.f32 v48, v49;
	v57 =	vsub.f32 v51, v52;
	v50 =	vld [tilespmem:s22+$0x7810];
	(erf) = vrcp.f32 v7  }
0x190: {  	[tilespmem:$0x1FC70] =	vst v35;
	v45 =	vsub.f32 v39, v40;
	v35 =	vadd.f32 $8.000000000e+01, v11;
	v36 =	vld [tilespmem:s22+$0x6E10];
	v19 =	vmul.f32 $2.000000030e-01, v46  }
0x191: {  	v13 =	vmax.f32 v13, $0.0e+00;
	v21 =	vmax.f32 v21, $0.0e+00;
	v23 =	vmax.f32 v57, $0.0e+00;
	[tilespmem:$0x1FC60] =	vst v59;
	v59 =	vld [tilespmem:s22+$0x8710]  }
0x192: {  	v15 =	vmax.f32 v45, $0.0e+00;
	v58 =	vsub.f32 v34, v35;
	v34 =	vld [tilespmem:s22+$0x8C10];
	v19 =	vmul.f32 $1.442695020e+00, v19  }
0x193: {  	v21 =	vmul.f32 v23, v21;
	v54 =	vmul.f32 v13, v15;
	v55 =	vadd.f32 $8.000000000e+01, v37  }
0x194: {  	v7 =	vmul.f32 $2.000000030e-01, v50;
	(erf) = vpow2.f32 v19  }
0x195: {  	[tilespmem:$0x1FCD0] =	vst v54;
	v13 =	vsub.f32 v55, v56;
	v53 =	vmul.f32 $1.000000010e-01, v53;
	v54 =	vmul.f32 $1.000000010e-01, v36  }
0x196: {  	v63 =	vmax.f32 v58, $0.0e+00;
	v7 =	vmul.f32 $1.442695020e+00, v7  }
0x197: {  	v13 =	vmax.f32 v13, $0.0e+00;
	v57 =	vmul.f32 v59, v53;
	v61 =	vmul.f32 v34, v54  }
0x198: {  	[tilespmem:$0x1FCE0] =	vst v21;
	v13 =	vmul.f32 v13, v63;
	(erf) = vpow2.f32 v7;
	v21 =	vpop (erf)  }
0x199: {  	v60 =	vmul.f32 v21, v0;
	v0 =	vmul.f32 v21, v2  }
0x19a: {  	[tilespmem:$0x1FC80] =	vst v41;
	v63 =	vmul.f32 v21, v3;
	v62 =	vmul.f32 v21, v4  }
0x19b: {  	[tilespmem:$0x1FCC0] =	vst v44;
	v8 =	vld [tilespmem:s22+$0x7D10];
	v40 =	vmul.f32 v21, v17;
	v41 =	vmul.f32 v21, v18  }
0x19c: {  	[tilespmem:$0x1FD20] =	vst v13;
	v42 =	vmul.f32 v21, v16;
	v43 =	vmul.f32 v21, v29  }
0x19d: {  	v44 =	vmul.f32 v21, v26;
	v45 =	vmul.f32 v21, v27;
	v56 =	vpop (erf);
	[tilespmem:$0x1FB30] =	vst v0  }
0x19e: {  	v25 =	vld [tilespmem:s22+$0x8210];
	v46 =	vmul.f32 v21, v20;
	v18 =	vmul.f32 v59, v56;
	[tilespmem:$0x1FBE0] =	vst v40  }
0x19f: {  	v48 =	vmul.f32 v21, v28;
	v0 =	vmul.f32 v21, v5;
	[tilespmem:$0x1FC30] =	vst v42  }
0x1a0: {  	s26 =	sor.u32 $0x20, s22;
	v19 =	vadd.f32 v57, v8;
	v50 =	vmul.f32 v21, v22;
	[tilespmem:$0x1FC40] =	vst v43;
	v18 =	vmul.f32 v18, v47  }
0x1a1: {  	v23 =	vld [tilespmem:s26+$0x0];
	v51 =	vmul.f32 v21, v31;
	v59 =	vpop (erf);
	[tilespmem:$0x1FB70] =	vst v0;
	v0 =	vmul.f32 v21, v6  }
0x1a2: {  	v32 =	vld [tilespmem:s22+$0x520];
	[tilespmem:$0x1FC50] =	vst v44;
	v17 =	vmul.f32 v34, v59;
	v44 =	vsub.f32 v19, v18;
	v40 =	vadd.f32 v18, v19  }
0x1a3: {  	v35 =	vld [tilespmem:s22+$0xA20];
	v52 =	vmul.f32 v21, v24;
	v20 =	vadd.f32 v61, v25;
	[tilespmem:$0x1FB80] =	vst v0;
	v0 =	vmul.f32 v21, v12  }
0x1a4: {  	v2 =	vld [tilespmem:s22+$0xF20];
	[tilespmem:$0x1FC90] =	vst v45;
	v17 =	vmul.f32 v17, v47;
	v33 =	vadd.f32 $4.000000000e+00, v40;
	v34 =	vadd.f32 $4.000000000e+00, v44  }
0x1a5: {  	v3 =	vld [tilespmem:s22+$0x1420];
	v42 =	vadd.f32 $8.000000000e+00, v40;
	v45 =	vadd.f32 $8.000000000e+00, v44;
	[tilespmem:$0x1FB90] =	vst v0;
	v0 =	vmul.f32 v21, v14  }
0x1a6: {  	v13 =	vmul.f32 v21, v30;
	v5 =	vld [tilespmem:s22+$0x1920];
	[tilespmem:$0x1FD10] =	vst v52;
	v52 =	vadd.f32 $1.200000000e+01, v40;
	v53 =	vadd.f32 $1.200000000e+01, v44  }
0x1a7: {  	v6 =	vld [tilespmem:s22+$0x1E20];
	v43 =	vsub.f32 v20, v17;
	v39 =	vadd.f32 v17, v20;
	[tilespmem:$0x1FBD0] =	vst v0;
	v0 =	vmax.f32 v23, v32  }
0x1a8: {  	s2 =	sor.u32 $0x2820, s22;
	v38 =	vld [tilespmem:s22+$0x2320];
	v57 =	vadd.f32 $1.600000000e+01, v40;
	v22 =	vsub.f32 v33, v34;
	v0 =	vmax.f32 v0, v35  }
0x1a9: {  	v16 =	vld [tilespmem:s2+$0x0];
	[tilespmem:$0x1FBF0] =	vst v41;
	v36 =	vadd.f32 $4.000000000e+00, v39;
	v41 =	vadd.f32 $4.000000000e+00, v43;
	v0 =	vmax.f32 v0, v2  }
0x1aa: {  	v26 =	vld [tilespmem:s22+$0x2D20];
	[tilespmem:$0x1FCA0] =	vst v46;
	v46 =	vadd.f32 $8.000000000e+00, v39;
	v47 =	vadd.f32 $8.000000000e+00, v43;
	v0 =	vmax.f32 v0, v3  }
0x1ab: {  	v56 =	vadd.f32 $1.200000000e+01, v43;
	v33 =	vadd.f32 $1.600000000e+01, v39;
	v49 =	vmax.f32 v0, v5;
	v0 =	vld [tilespmem:s22+$0x3220]  }
0x1ac: {  	v7 =	vld [tilespmem:s22+$0x3720];
	v34 =	vadd.f32 $1.600000000e+01, v43;
	v22 =	vmax.f32 v22, $0.0e+00;
	v4 =	vmax.f32 v49, v6  }
0x1ad: {  	[tilespmem:$0x1FCB0] =	vst v48;
	v14 =	vld [tilespmem:s22+$0x3C20];
	v48 =	vsub.f32 v36, v41;
	v49 =	vsub.f32 v42, v45;
	v4 =	vmax.f32 v4, v38  }
0x1ae: {  	[tilespmem:$0x1FCF0] =	vst v50;
	v50 =	vsub.f32 v46, v47;
	v47 =	vadd.f32 $2.000000000e+01, v40;
	v55 =	vmax.f32 v4, v16  }
0x1af: {  	v4 =	vld [tilespmem:s22+$0x4120];
	v25 =	vmax.f32 v49, $0.0e+00;
	v49 =	vadd.f32 $2.000000000e+01, v39;
	v58 =	vmax.f32 v55, v26  }
0x1b0: {  	v15 =	vld [tilespmem:s22+$0x4620];
	v55 =	vadd.f32 $1.200000000e+01, v39;
	v24 =	vmax.f32 v58, v0;
	v58 =	vadd.f32 $1.600000000e+01, v44  }
0x1b1: {  	s3 =	sor.u32 $0x5020, s22;
	v12 =	vld [tilespmem:s22+$0x4B20];
	v27 =	vmax.f32 v24, v7;
	v24 =	vmax.f32 v48, $0.0e+00;
	v48 =	vadd.f32 $2.000000000e+01, v44  }
0x1b2: {  	[tilespmem:$0x1FD30] =	vst v13;
	v13 =	vld [tilespmem:s3+$0x0];
	v28 =	vmax.f32 v27, v14;
	v54 =	vmul.f32 v24, v22;
	v22 =	vsub.f32 v55, v56  }
0x1b3: {  	v21 =	vld [tilespmem:s22+$0x5520];
	v61 =	vsub.f32 v57, v58;
	v27 =	vmax.f32 v50, $0.0e+00;
	v24 =	vsub.f32 v33, v34  }
0x1b4: {  	v18 =	vld [tilespmem:s22+$0x5A20];
	v50 =	vadd.f32 $2.000000000e+01, v43;
	v55 =	vadd.f32 $2.400000000e+01, v44;
	v29 =	vmax.f32 v28, v4  }
0x1b5: {  	v19 =	vld [tilespmem:s22+$0x5F20];
	v33 =	vadd.f32 $2.800000000e+01, v44;
	v30 =	vmax.f32 v29, v15;
	v29 =	vsub.f32 v52, v53  }
0x1b6: {  	v17 =	vld [tilespmem:s22+$0x6420];
	v22 =	vmax.f32 v22, $0.0e+00;
	v41 =	vmax.f32 v61, $0.0e+00;
	v31 =	vmax.f32 v30, v12  }
0x1b7: {  	v24 =	vmax.f32 v24, $0.0e+00;
	v53 =	vadd.f32 $2.400000000e+01, v40;
	v20 =	vmax.f32 v31, v13  }
0x1b8: {  	v45 =	vmul.f32 v24, v41;
	v36 =	vmax.f32 v29, $0.0e+00;
	v20 =	vmax.f32 v20, v21  }
0x1b9: {  	v61 =	vadd.f32 $2.400000000e+01, v39;
	v42 =	vmul.f32 v22, v36;
	v20 =	vmax.f32 v20, v18  }
0x1ba: {  	[tilespmem:$0x1FE30] =	vst v45;
	v22 =	vadd.f32 $2.400000000e+01, v43;
	v36 =	vadd.f32 $2.800000000e+01, v39;
	v20 =	vmax.f32 v20, v19  }
0x1bb: {  	v45 =	vadd.f32 $3.200000000e+01, v44;
	[tilespmem:$0x1FE20] =	vst v42;
	v42 =	vadd.f32 $3.200000000e+01, v40;
	v20 =	vmax.f32 v20, v17  }
0x1bc: {  	[tilespmem:$0x1FD00] =	vst v51;
	v23 =	vsub.f32 v23, v20;
	v51 =	vsub.f32 v32, v20  }
0x1bd: {  	v8 =	vsub.f32 v35, v20;
	v2 =	vsub.f32 v2, v20  }
0x1be: {  	v3 =	vsub.f32 v3, v20;
	v46 =	vsub.f32 v6, v20  }
0x1bf: {  	v6 =	vsub.f32 v47, v48;
	v16 =	vsub.f32 v16, v20  }
0x1c0: {  	v52 =	vsub.f32 v26, v20;
	v32 =	vadd.f32 $2.800000000e+01, v40  }
0x1c1: {  	v35 =	vmul.f32 v27, v25;
	v25 =	vsub.f32 v61, v22;
	v0 =	vsub.f32 v0, v20  }
0x1c2: {  	v7 =	vsub.f32 v7, v20;
	v47 =	vadd.f32 $3.200000000e+01, v43  }
0x1c3: {  	v27 =	vsub.f32 v42, v45;
	v15 =	vsub.f32 v15, v20  }
0x1c4: {  	v42 =	vadd.f32 $4.400000000e+01, v40;
	v45 =	vadd.f32 $4.400000000e+01, v44  }
0x1c5: {  	v21 =	vsub.f32 v21, v20;
	v19 =	vsub.f32 v19, v20  }
0x1c6: {  	v17 =	vsub.f32 v17, v20;
	v23 =	vmul.f32 $1.442695020e+00, v23;
	v59 =	vmul.f32 $1.442695020e+00, v51  }
0x1c7: {  	v2 =	vmul.f32 $1.442695020e+00, v2;
	v3 =	vmul.f32 $1.442695020e+00, v3;
	v6 =	vmax.f32 v6, $0.0e+00  }
0x1c8: {  	v16 =	vmul.f32 $1.442695020e+00, v16;
	v24 =	vmul.f32 $1.442695020e+00, v52;
	v34 =	vsub.f32 v32, v33  }
0x1c9: {  	v25 =	vmax.f32 v25, $0.0e+00;
	(erf) = vpow2.f32 v23;
	v23 =	vmul.f32 $1.442695020e+00, v8  }
0x1ca: {  	v0 =	vmul.f32 $1.442695020e+00, v0;
	v52 =	vadd.f32 $3.600000000e+01, v44;
	(erf) = vpow2.f32 v59  }
0x1cb: {  	v33 =	vadd.f32 $5.200000000e+01, v40;
	v8 =	vadd.f32 $4.000000000e+01, v40;
	(erf) = vpow2.f32 v23  }
0x1cc: {  	v59 =	vsub.f32 v12, v20;
	v12 =	vadd.f32 $4.800000000e+01, v39;
	(erf) = vpow2.f32 v2  }
0x1cd: {  	(erf) = vpow2.f32 v3;
	v3 =	vmul.f32 $1.442695020e+00, v46;
	v46 =	vadd.f32 $3.200000000e+01, v39  }
0x1ce: {  	v7 =	vmul.f32 $1.442695020e+00, v7;
	v23 =	vsub.f32 v49, v50;
	v2 =	vsub.f32 v5, v20  }
0x1cf: {  	v50 =	vmax.f32 v34, $0.0e+00;
	v49 =	vsub.f32 v46, v47;
	v47 =	vsub.f32 v42, v45  }
0x1d0: {  	v34 =	vadd.f32 $5.200000000e+01, v44;
	v23 =	vmax.f32 v23, $0.0e+00;
	v2 =	vmul.f32 $1.442695020e+00, v2  }
0x1d1: {  	v45 =	vadd.f32 $5.200000000e+01, v39;
	v42 =	vmax.f32 v47, $0.0e+00;
	v47 =	vadd.f32 $5.600000000e+01, v40  }
0x1d2: {  	v51 =	vpop (erf);
	(erf) = vpow2.f32 v2;
	v2 =	vmul.f32 v23, v6;
	v6 =	vsub.f32 v53, v55  }
0x1d3: {  	v15 =	vmul.f32 $1.442695020e+00, v15;
	v53 =	vadd.f32 $3.600000000e+01, v39;
	v55 =	vadd.f32 $3.600000000e+01, v43  }
0x1d4: {  	v58 =	vpop (erf);
	(erf) = vpow2.f32 v3;
	v3 =	vsub.f32 v38, v20;
	v38 =	vadd.f32 $2.800000000e+01, v43  }
0x1d5: {  	v21 =	vmul.f32 $1.442695020e+00, v21;
	v5 =	vadd.f32 v58, v51;
	v51 =	vadd.f32 $3.600000000e+01, v40  }
0x1d6: {  	[tilespmem:$0x1FE10] =	vst v35;
	v35 =	vmax.f32 v6, $0.0e+00;
	v6 =	vadd.f32 $7.200000000e+01, v40;
	v41 =	vsub.f32 v36, v38  }
0x1d7: {  	[tilespmem:$0x1FE00] =	vst v54;
	v3 =	vmul.f32 $1.442695020e+00, v3;
	v36 =	vadd.f32 $4.000000000e+01, v44;
	v38 =	vadd.f32 $4.000000000e+01, v39  }
0x1d8: {  	v54 =	vpop (erf);
	[tilespmem:$0x1FE40] =	vst v2;
	v2 =	vmul.f32 v25, v35;
	v35 =	vsub.f32 v33, v34;
	v33 =	vadd.f32 $6.400000000e+01, v40  }
0x1d9: {  	v34 =	vadd.f32 $6.400000000e+01, v44;
	v5 =	vadd.f32 v5, v54;
	(erf) = vpow2.f32 v3  }
0x1da: {  	v19 =	vmul.f32 $1.442695020e+00, v19;
	v26 =	vsub.f32 v51, v52;
	v51 =	vadd.f32 $4.800000000e+01, v40  }
0x1db: {  	v57 =	vpop (erf);
	v52 =	vadd.f32 $4.800000000e+01, v44;
	v25 =	vmax.f32 v41, $0.0e+00;
	(erf) = vpow2.f32 v16  }
0x1dc: {  	v56 =	vpop (erf);
	v41 =	vadd.f32 $4.000000000e+01, v43;
	v5 =	vadd.f32 v5, v57;
	(erf) = vpow2.f32 v24  }
0x1dd: {  	v29 =	vsub.f32 v8, v36;
	v8 =	vadd.f32 $6.000000000e+01, v44;
	v61 =	vpop (erf);
	(erf) = vpow2.f32 v0  }
0x1de: {  	v17 =	vmul.f32 $1.442695020e+00, v17;
	v5 =	vadd.f32 v5, v56;
	v0 =	vsub.f32 v14, v20  }
0x1df: {  	[tilespmem:$0x1FE50] =	vst v2;
	v2 =	vmul.f32 v25, v50;
	v25 =	vsub.f32 v53, v55;
	v50 =	vadd.f32 $4.400000000e+01, v43  }
0x1e0: {  	v5 =	vadd.f32 v5, v61;
	v48 =	vpop (erf);
	(erf) = vpow2.f32 v7;
	v0 =	vmul.f32 $1.442695020e+00, v0  }
0x1e1: {  	v28 =	vmul.f32 $1.442695020e+00, v59;
	v53 =	vsub.f32 v18, v20;
	v55 =	vsub.f32 v51, v52  }
0x1e2: {  	v5 =	vadd.f32 v5, v48;
	v24 =	vpop (erf);
	(erf) = vpow2.f32 v0;
	v0 =	vsub.f32 v4, v20  }
0x1e3: {  	v59 =	vmax.f32 v26, $0.0e+00;
	v51 =	vadd.f32 $5.600000000e+01, v43;
	v46 =	vsub.f32 v38, v41  }
0x1e4: {  	v32 =	vmax.f32 v29, $0.0e+00;
	v5 =	vadd.f32 v5, v24;
	v23 =	vpop (erf);
	v0 =	vmul.f32 $1.442695020e+00, v0  }
0x1e5: {  	v41 =	vsub.f32 v33, v34;
	v33 =	vadd.f32 $7.600000000e+01, v43;
	v25 =	vmax.f32 v25, $0.0e+00;
	v22 =	vpop (erf)  }
0x1e6: {  	v5 =	vadd.f32 v5, v23;
	v16 =	vpop (erf);
	(erf) = vpow2.f32 v0;
	v0 =	vsub.f32 v13, v20  }
0x1e7: {  	[tilespmem:$0x1FE60] =	vst v2;
	v55 =	vmax.f32 v55, $0.0e+00;
	v2 =	vmul.f32 v25, v59;
	v59 =	vadd.f32 $6.000000000e+01, v40  }
0x1e8: {  	v5 =	vadd.f32 v5, v22;
	(erf) = vpow2.f32 v15;
	v0 =	vmul.f32 $1.442695020e+00, v0  }
0x1e9: {  	v7 =	vmax.f32 v49, $0.0e+00;
	v49 =	vadd.f32 $4.400000000e+01, v39;
	v14 =	vpop (erf);
	(erf) = vpow2.f32 v28  }
0x1ea: {  	v5 =	vadd.f32 v5, v16;
	(erf) = vpow2.f32 v0;
	v0 =	vmax.f32 v27, $0.0e+00  }
0x1eb: {  	v4 =	vadd.f32 $6.800000000e+01, v43;
	v13 =	vadd.f32 $4.800000000e+01, v43;
	v0 =	vmul.f32 v7, v0  }
0x1ec: {  	[tilespmem:$0x1FE80] =	vst v2;
	v28 =	vmax.f32 v46, $0.0e+00;
	v46 =	vadd.f32 $5.200000000e+01, v43;
	v5 =	vadd.f32 v5, v14  }
0x1ed: {  	v2 =	vmul.f32 v28, v32;
	[tilespmem:$0x1FE70] =	vst v0;
	v0 =	vsub.f32 v49, v50;
	v49 =	vadd.f32 $5.600000000e+01, v44  }
0x1ee: {  	v32 =	vadd.f32 $6.000000000e+01, v43;
	v15 =	vpop (erf);
	v7 =	vmul.f32 $1.442695020e+00, v53;
	v50 =	vadd.f32 $5.600000000e+01, v39  }
0x1ef: {  	v5 =	vadd.f32 v5, v15;
	v18 =	vpop (erf);
	(erf) = vpow2.f32 v21;
	v52 =	vsub.f32 v47, v49  }
0x1f0: {  	v0 =	vmax.f32 v0, $0.0e+00;
	v53 =	vsub.f32 v50, v51;
	v49 =	vadd.f32 $6.400000000e+01, v39  }
0x1f1: {  	v21 =	vmax.f32 v35, $0.0e+00;
	v50 =	vadd.f32 $6.400000000e+01, v43;
	v51 =	vadd.f32 $6.800000000e+01, v40  }
0x1f2: {  	v5 =	vadd.f32 v5, v18;
	(erf) = vpow2.f32 v7;
	v7 =	vsub.f32 v12, v13  }
0x1f3: {  	v30 =	vpop (erf);
	v0 =	vmul.f32 v0, v42;
	v12 =	vadd.f32 $6.000000000e+01, v39;
	(erf) = vpow2.f32 v19  }
0x1f4: {  	v19 =	vmax.f32 v52, $0.0e+00;
	v20 =	vmax.f32 v53, $0.0e+00;
	v52 =	vadd.f32 $6.800000000e+01, v44  }
0x1f5: {  	v36 =	vpop (erf);
	v5 =	vadd.f32 v5, v30;
	[tilespmem:$0x1FEA0] =	vst v0;
	v0 =	vsub.f32 v45, v46;
	v7 =	vmax.f32 v7, $0.0e+00  }
0x1f6: {  	v53 =	vld [tilespmem:s22+$0x7320];
	v35 =	vsub.f32 v12, v32;
	v12 =	vadd.f32 $7.200000000e+01, v39;
	v13 =	vpop (erf);
	(erf) = vpow2.f32 v17  }
0x1f7: {  	[tilespmem:$0x1FE90] =	vst v2;
	v2 =	vmul.f32 v7, v55;
	v17 =	vmax.f32 v41, $0.0e+00;
	v0 =	vmax.f32 v0, $0.0e+00  }
0x1f8: {  	v5 =	vadd.f32 v5, v36;
	v0 =	vmul.f32 v0, v21;
	v21 =	vsub.f32 v49, v50  }
0x1f9: {  	v3 =	vld [tilespmem:s22+$0xA30];
	v7 =	vmax.f32 v35, $0.0e+00;
	[tilespmem:$0x1FEB0] =	vst v2;
	v49 =	vadd.f32 $7.200000000e+01, v43;
	v50 =	vadd.f32 $7.600000000e+01, v40  }
0x1fa: {  	v55 =	vld [tilespmem:s22+$0x7820];
	v2 =	vmul.f32 v20, v19;
	v5 =	vadd.f32 v5, v13;
	[tilespmem:$0x1FEC0] =	vst v0;
	v0 =	vsub.f32 v59, v8  }
0x1fb: {  	v26 =	vld [tilespmem:s22+$0x6920];
	v27 =	vmul.f32 $2.000000030e-01, v53;
	v59 =	vadd.f32 $6.800000000e+01, v39;
	v21 =	vmax.f32 v21, $0.0e+00;
	v38 =	vpop (erf)  }
0x1fc: {  	s28 =	sor.u32 $0x30, s22;
	v29 =	vld [tilespmem:s22+$0x1430];
	v8 =	vadd.f32 $7.200000000e+01, v44;
	v5 =	vadd.f32 v5, v38;
	v0 =	vmax.f32 v0, $0.0e+00  }
0x1fd: {  	v46 =	vld [tilespmem:s28+$0x0];
	v53 =	vsub.f32 v12, v49;
	v12 =	vadd.f32 $7.600000000e+01, v39;
	v42 =	vpop (erf);
	v0 =	vmul.f32 v7, v0  }
0x1fe: {  	[tilespmem:$0x1FED0] =	vst v2;
	v2 =	vmul.f32 v21, v17;
	v19 =	vsub.f32 v59, v4;
	v4 =	vld [tilespmem:s22+$0x530];
	v5 =	vadd.f32 v5, v42  }
0x1ff: {  	v25 =	vld [tilespmem:s22+$0x6E20];
	v27 =	vmul.f32 $1.442695020e+00, v27;
	v55 =	vmul.f32 $2.000000030e-01, v55;
	v45 =	vpop (erf);
	[tilespmem:$0x1FEE0] =	vst v0;
	v0 =	vsub.f32 v51, v52  }
0x200: {  	v28 =	vld [tilespmem:s22+$0x7D20];
	v34 =	vmax.f32 v53, $0.0e+00;
	v59 =	vmax.f32 v19, $0.0e+00;
	v5 =	vadd.f32 v5, v45  }
0x201: {  	v32 =	vld [tilespmem:s22+$0x8220];
	v47 =	vpop (erf);
	v51 =	vadd.f32 $7.600000000e+01, v44;
	v52 =	vsub.f32 v6, v8;
	v0 =	vmax.f32 v0, $0.0e+00  }
0x202: {  	v41 =	vld [tilespmem:s22+$0x8C20];
	v53 =	vadd.f32 $8.000000000e+01, v44;
	v5 =	vadd.f32 v5, v47;
	v0 =	vmul.f32 v59, v0  }
0x203: {  	v6 =	vld [tilespmem:s22+$0xF30];
	v17 =	vsub.f32 v50, v51;
	v20 =	vmax.f32 v52, $0.0e+00;
	v50 =	vmax.f32 v46, v4  }
0x204: {  	v35 =	vld [tilespmem:s22+$0x8720];
	v52 =	vadd.f32 $8.000000000e+01, v40;
	(erf) = vrcp.f32 v5;
	[tilespmem:$0x1FF00] =	vst v0;
	v0 =	vmul.f32 v34, v20  }
0x205: {  	v8 =	vld [tilespmem:s22+$0x1930];
	v49 =	vmax.f32 v17, $0.0e+00;
	v5 =	vmul.f32 $1.442695020e+00, v55;
	v55 =	vadd.f32 $8.000000000e+01, v39  }
0x206: {  	v7 =	vld [tilespmem:s22+$0x3730];
	(erf) = vpow2.f32 v27;
	[tilespmem:$0x1FF10] =	vst v0;
	v0 =	vsub.f32 v12, v33;
	v33 =	vadd.f32 $8.000000000e+01, v43  }
0x207: {  	v34 =	vld [tilespmem:s22+$0x1E30];
	v20 =	vsub.f32 v52, v53;
	(erf) = vpow2.f32 v5;
	v5 =	vmax.f32 v50, v3  }
0x208: {  	s8 =	sor.u32 $0x2830, s22;
	v27 =	vld [tilespmem:s22+$0x2330];
	v51 =	vmax.f32 v5, v6;
	v0 =	vmax.f32 v0, $0.0e+00;
	v50 =	vsub.f32 v55, v33  }
0x209: {  	v5 =	vld [tilespmem:s8+$0x0];
	v19 =	vmax.f32 v51, v29;
	v0 =	vmul.f32 v0, v49  }
0x20a: {  	v59 =	vld [tilespmem:s22+$0x2D30];
	v20 =	vmax.f32 v20, $0.0e+00;
	v49 =	vmax.f32 v19, v8;
	v19 =	vmax.f32 v50, $0.0e+00  }
0x20b: {  	[tilespmem:$0x1FEF0] =	vst v2;
	v17 =	vmul.f32 $1.000000010e-01, v26;
	v53 =	vld [tilespmem:s22+$0x3C30];
	v2 =	vmul.f32 v19, v20  }
0x20c: {  	v25 =	vmul.f32 $1.000000010e-01, v25;
	v12 =	vld [tilespmem:s22+$0x3230];
	v55 =	vmax.f32 v49, v34;
	[tilespmem:$0x1FF20] =	vst v0  }
0x20d: {  	s9 =	sor.u32 $0x5030, s22;
	v17 =	vmul.f32 v35, v17;
	v21 =	vmax.f32 v55, v27;
	v0 =	vpop (erf);
	[tilespmem:$0x1FF30] =	vst v2;
	v2 =	vld [tilespmem:$0x1FFF0]  }
0x20e: {  	v52 =	vld [tilespmem:s9+$0x0];
	v33 =	vmul.f32 v41, v25;
	v21 =	vmax.f32 v21, v5;
	v58 =	vmul.f32 v0, v58  }
0x20f: {  	v55 =	vld [tilespmem:s22+$0x4130];
	v25 =	vmax.f32 v21, v59;
	v31 =	vpop (erf);
	v21 =	vmul.f32 v0, v54;
	v57 =	vmul.f32 v0, v57  }
0x210: {  	v17 =	vadd.f32 v17, v28;
	v50 =	vld [tilespmem:s22+$0x4630];
	v56 =	vmul.f32 v0, v56;
	v26 =	vmul.f32 v35, v31  }
0x211: {  	v51 =	vld [tilespmem:s22+$0x4B30];
	v20 =	vmax.f32 v25, v12;
	v61 =	vmul.f32 v0, v61;
	v23 =	vmul.f32 v0, v23;
	v35 =	vpop (erf)  }
0x212: {  	v49 =	vld [tilespmem:s22+$0x5530];
	v35 =	vmul.f32 v41, v35;
	v31 =	vmul.f32 v26, v2;
	v26 =	vmax.f32 v20, v7  }
0x213: {  	v54 =	vld [tilespmem:s22+$0x5A30];
	v2 =	vadd.f32 v33, v32;
	v41 =	vmax.f32 v26, v53;
	v26 =	vmul.f32 v0, v48  }
0x214: {  	v48 =	vld [tilespmem:s22+$0x6430];
	v33 =	vsub.f32 v17, v31;
	v31 =	vadd.f32 v31, v17;
	v17 =	vmax.f32 v41, v55  }
0x215: {  	v14 =	vmul.f32 v0, v14;
	[tilespmem:$0x1FD40] =	vst v21;
	v21 =	vmul.f32 v0, v24;
	v25 =	vmax.f32 v17, v50;
	v17 =	vld [tilespmem:s22+$0x5F30]  }
0x216: {  	v28 =	vmul.f32 v0, v15;
	v32 =	vmax.f32 v25, v51;
	v25 =	vmul.f32 v0, v22;
	v22 =	vld [tilespmem:$0x1FFF0]  }
0x217: {  	v19 =	vmul.f32 v0, v18;
	v45 =	vmul.f32 v0, v45;
	[tilespmem:$0x1FD60] =	vst v21;
	v24 =	vmax.f32 v32, v52  }
0x218: {  	v20 =	vmul.f32 v0, v30;
	v21 =	vmul.f32 v0, v36;
	[tilespmem:$0x1FD50] =	vst v26;
	v26 =	vmax.f32 v24, v49  }
0x219: {  	[tilespmem:$0x1FD90] =	vst v14;
	v36 =	vmul.f32 v0, v13;
	v41 =	vmul.f32 v0, v16;
	v32 =	vmax.f32 v26, v54  }
0x21a: {  	[tilespmem:$0x1FDA0] =	vst v28;
	v28 =	vadd.f32 $4.000000000e+00, v33;
	v24 =	vmul.f32 v0, v38;
	v14 =	vmax.f32 v32, v17  }
0x21b: {  	[tilespmem:$0x1FD70] =	vst v23;
	v26 =	vadd.f32 $4.000000000e+00, v31;
	v23 =	vmul.f32 v35, v22;
	v15 =	vmax.f32 v14, v48  }
0x21c: {  	[tilespmem:$0x1FD80] =	vst v25;
	v35 =	vadd.f32 $8.000000000e+00, v31;
	v25 =	vsub.f32 v46, v15;
	v46 =	vmul.f32 v0, v42  }
0x21d: {  	v0 =	vmul.f32 v0, v47;
	v3 =	vsub.f32 v3, v15;
	v47 =	vadd.f32 $8.000000000e+00, v33  }
0x21e: {  	[tilespmem:$0x1FDE0] =	vst v24;
	v24 =	vsub.f32 v27, v15;
	v5 =	vsub.f32 v5, v15  }
0x21f: {  	v12 =	vsub.f32 v12, v15;
	v17 =	vsub.f32 v17, v15  }
0x220: {  	v48 =	vsub.f32 v48, v15;
	v42 =	vsub.f32 v2, v23  }
0x221: {  	v38 =	vadd.f32 v23, v2;
	v2 =	vsub.f32 v26, v28  }
0x222: {  	v23 =	vsub.f32 v34, v15;
	v26 =	vadd.f32 $1.200000000e+01, v33  }
0x223: {  	[tilespmem:$0x1FDC0] =	vst v20;
	v34 =	vadd.f32 $1.600000000e+01, v33;
	v28 =	vsub.f32 v7, v15  }
0x224: {  	v13 =	vmul.f32 $1.442695020e+00, v25;
	[tilespmem:$0x1FDF0] =	vst v0;
	v0 =	vsub.f32 v4, v15;
	v20 =	vsub.f32 v35, v47  }
0x225: {  	v3 =	vmul.f32 $1.442695020e+00, v3;
	v30 =	vadd.f32 $4.000000000e+00, v38;
	v32 =	vadd.f32 $4.000000000e+00, v42  }
0x226: {  	[tilespmem:$0x1FDD0] =	vst v21;
	v25 =	vadd.f32 $1.200000000e+01, v31;
	v21 =	vadd.f32 $8.000000000e+00, v38;
	v0 =	vmul.f32 $1.442695020e+00, v0  }
0x227: {  	v22 =	vadd.f32 $8.000000000e+00, v42;
	(erf) = vpow2.f32 v13;
	v4 =	vsub.f32 v30, v32  }
0x228: {  	v2 =	vmax.f32 v2, $0.0e+00;
	v47 =	vadd.f32 $1.600000000e+01, v38;
	(erf) = vpow2.f32 v0  }
0x229: {  	v32 =	vadd.f32 $2.400000000e+01, v33;
	v0 =	vsub.f32 v6, v15;
	v4 =	vmax.f32 v4, $0.0e+00  }
0x22a: {  	(erf) = vpow2.f32 v3;
	v3 =	vsub.f32 v29, v15;
	v2 =	vmul.f32 v4, v2  }
0x22b: {  	v6 =	vmul.f32 $1.442695020e+00, v24;
	v24 =	vadd.f32 $2.000000000e+01, v31;
	v0 =	vmul.f32 $1.442695020e+00, v0  }
0x22c: {  	v29 =	vadd.f32 $2.400000000e+01, v31;
	v3 =	vmul.f32 $1.442695020e+00, v3;
	[tilespmem:$0x1FF40] =	vst v2;
	v2 =	vsub.f32 v21, v22  }
0x22d: {  	v4 =	vmul.f32 $1.442695020e+00, v23;
	(erf) = vpow2.f32 v0;
	v0 =	vmax.f32 v20, $0.0e+00  }
0x22e: {  	(erf) = vpow2.f32 v3;
	v3 =	vsub.f32 v8, v15;
	v2 =	vmax.f32 v2, $0.0e+00  }
0x22f: {  	v22 =	vsub.f32 v29, v32;
	v32 =	vadd.f32 $3.200000000e+01, v33;
	v0 =	vmul.f32 v2, v0  }
0x230: {  	v8 =	vsub.f32 v25, v26;
	v25 =	vadd.f32 $2.000000000e+01, v33;
	v3 =	vmul.f32 $1.442695020e+00, v3;
	v27 =	vpop (erf)  }
0x231: {  	v26 =	vmul.f32 $1.442695020e+00, v5;
	v2 =	vadd.f32 $1.200000000e+01, v42;
	[tilespmem:$0x1FF50] =	vst v0;
	v0 =	vadd.f32 $1.200000000e+01, v38;
	v30 =	vpop (erf)  }
0x232: {  	(erf) = vpow2.f32 v3;
	v3 =	vadd.f32 $1.600000000e+01, v31;
	v35 =	vadd.f32 v30, v27  }
0x233: {  	(erf) = vpow2.f32 v4;
	v4 =	vadd.f32 $1.600000000e+01, v42;
	v27 =	vsub.f32 v59, v15  }
0x234: {  	v8 =	vmax.f32 v8, $0.0e+00;
	v59 =	vadd.f32 $2.800000000e+01, v38;
	v0 =	vsub.f32 v0, v2  }
0x235: {  	v20 =	vpop (erf);
	v2 =	vsub.f32 v3, v34;
	v34 =	vmul.f32 $1.442695020e+00, v28;
	v28 =	vadd.f32 $3.200000000e+01, v31  }
0x236: {  	(erf) = vpow2.f32 v6;
	v13 =	vadd.f32 v35, v20;
	v35 =	vsub.f32 v53, v15  }
0x237: {  	[tilespmem:$0x1FDB0] =	vst v19;
	v53 =	vadd.f32 $2.800000000e+01, v31;
	v19 =	vpop (erf);
	v0 =	vmax.f32 v0, $0.0e+00;
	(erf) = vpow2.f32 v26  }
0x238: {  	v26 =	vsub.f32 v52, v15;
	v52 =	vadd.f32 $4.800000000e+01, v42;
	v0 =	vmul.f32 v0, v8  }
0x239: {  	v17 =	vmul.f32 $1.442695020e+00, v17;
	v13 =	vadd.f32 v13, v19;
	v8 =	vsub.f32 v24, v25  }
0x23a: {  	v22 =	vmax.f32 v22, $0.0e+00;
	v5 =	vpop (erf);
	v24 =	vsub.f32 v50, v15;
	[tilespmem:$0x1FF60] =	vst v0;
	v0 =	vsub.f32 v47, v4  }
0x23b: {  	v2 =	vmax.f32 v2, $0.0e+00;
	v25 =	vsub.f32 v51, v15;
	v13 =	vadd.f32 v13, v5  }
0x23c: {  	v47 =	vadd.f32 $2.400000000e+01, v42;
	v4 =	vadd.f32 $2.800000000e+01, v42;
	v0 =	vmax.f32 v0, $0.0e+00  }
0x23d: {  	v21 =	vmul.f32 $1.442695020e+00, v25;
	v25 =	vadd.f32 $3.600000000e+01, v42;
	v6 =	vpop (erf);
	v0 =	vmul.f32 v0, v2  }
0x23e: {  	v14 =	vmul.f32 $1.442695020e+00, v27;
	v27 =	vsub.f32 v59, v4;
	v13 =	vadd.f32 v13, v6  }
0x23f: {  	v16 =	vmul.f32 $1.442695020e+00, v35;
	v2 =	vadd.f32 $2.000000000e+01, v42;
	[tilespmem:$0x1FF70] =	vst v0;
	v0 =	vadd.f32 $2.000000000e+01, v38  }
0x240: {  	(erf) = vpow2.f32 v14;
	v59 =	vadd.f32 $3.600000000e+01, v31;
	v4 =	vadd.f32 $3.600000000e+01, v33;
	v7 =	vpop (erf)  }
0x241: {  	v13 =	vadd.f32 v13, v7;
	v0 =	vsub.f32 v0, v2;
	v2 =	vmul.f32 $1.442695020e+00, v12  }
0x242: {  	v8 =	vmax.f32 v8, $0.0e+00;
	v51 =	vsub.f32 v59, v4;
	v59 =	vsub.f32 v54, v15;
	v12 =	vpop (erf)  }
0x243: {  	v18 =	vadd.f32 v13, v12;
	v13 =	vadd.f32 $2.400000000e+01, v38;
	(erf) = vpow2.f32 v2  }
0x244: {  	v2 =	vsub.f32 v55, v15;
	v55 =	vadd.f32 $2.800000000e+01, v33;
	v0 =	vmax.f32 v0, $0.0e+00  }
0x245: {  	(erf) = vpow2.f32 v34;
	v35 =	vsub.f32 v13, v47;
	v0 =	vmul.f32 v0, v8  }
0x246: {  	v47 =	vadd.f32 $3.200000000e+01, v42;
	v34 =	vsub.f32 v28, v32;
	v2 =	vmul.f32 $1.442695020e+00, v2  }
0x247: {  	v32 =	vadd.f32 $4.400000000e+01, v38;
	v28 =	vadd.f32 $5.200000000e+01, v38;
	(erf) = vpow2.f32 v16  }
0x248: {  	v23 =	vsub.f32 v53, v55;
	v16 =	vmul.f32 $1.442695020e+00, v24;
	v13 =	vpop (erf);
	(erf) = vpow2.f32 v2  }
0x249: {  	v27 =	vmax.f32 v27, $0.0e+00;
	[tilespmem:$0x1FF80] =	vst v0;
	v0 =	vadd.f32 $3.200000000e+01, v38;
	v2 =	vadd.f32 v18, v13  }
0x24a: {  	v24 =	vsub.f32 v49, v15;
	v35 =	vmax.f32 v35, $0.0e+00;
	v14 =	vpop (erf);
	(erf) = vpow2.f32 v16  }
0x24b: {  	v8 =	vsub.f32 v0, v47;
	v0 =	vmul.f32 $1.442695020e+00, v26;
	v2 =	vadd.f32 v2, v14  }
0x24c: {  	v26 =	vadd.f32 $4.000000000e+01, v31;
	v47 =	vadd.f32 $4.000000000e+01, v33;
	v16 =	vpop (erf);
	(erf) = vpow2.f32 v21  }
0x24d: {  	v55 =	vmul.f32 $1.442695020e+00, v48;
	v3 =	vmul.f32 v35, v22;
	v2 =	vadd.f32 v2, v16  }
0x24e: {  	v35 =	vsub.f32 v26, v47;
	v47 =	vadd.f32 $4.400000000e+01, v42;
	v18 =	vpop (erf);
	(erf) = vpow2.f32 v0  }
0x24f: {  	v29 =	vmul.f32 $1.442695020e+00, v24;
	v21 =	vadd.f32 $4.000000000e+01, v42;
	v2 =	vadd.f32 v2, v18  }
0x250: {  	v23 =	vmax.f32 v23, $0.0e+00;
	v48 =	vsub.f32 v32, v47;
	v0 =	vadd.f32 $3.600000000e+01, v38;
	v49 =	vpop (erf)  }
0x251: {  	v4 =	vpop (erf);
	(erf) = vpow2.f32 v29;
	v29 =	vmul.f32 $1.442695020e+00, v59;
	v2 =	vadd.f32 v2, v49  }
0x252: {  	v32 =	vadd.f32 $4.800000000e+01, v33;
	v22 =	vsub.f32 v0, v25;
	v0 =	vmul.f32 v27, v23  }
0x253: {  	v23 =	vadd.f32 $4.000000000e+01, v38;
	v15 =	vpop (erf);
	(erf) = vpow2.f32 v29;
	v2 =	vadd.f32 v2, v4  }
0x254: {  	v59 =	vadd.f32 $4.400000000e+01, v33;
	v29 =	vadd.f32 $4.400000000e+01, v31  }
0x255: {  	v23 =	vsub.f32 v23, v21;
	v2 =	vadd.f32 v2, v15;
	v54 =	vpop (erf);
	(erf) = vpow2.f32 v17  }
0x256: {  	v8 =	vmax.f32 v8, $0.0e+00;
	v21 =	vadd.f32 $4.800000000e+01, v31;
	v29 =	vsub.f32 v29, v59  }
0x257: {  	v59 =	vmax.f32 v34, $0.0e+00;
	v17 =	vpop (erf);
	(erf) = vpow2.f32 v55;
	v2 =	vadd.f32 v2, v54  }
0x258: {  	v26 =	vadd.f32 $5.200000000e+01, v33;
	v47 =	vadd.f32 $4.800000000e+01, v38;
	[tilespmem:$0x1FFA0] =	vst v0;
	v0 =	vmul.f32 v8, v59  }
0x259: {  	v34 =	vsub.f32 v21, v32;
	v2 =	vadd.f32 v2, v17  }
0x25a: {  	v53 =	vmax.f32 v51, $0.0e+00;
	[tilespmem:$0x1FF90] =	vst v3;
	v8 =	vsub.f32 v47, v52;
	v47 =	vadd.f32 $5.200000000e+01, v31;
	v3 =	vpop (erf)  }
0x25b: {  	v22 =	vmax.f32 v22, $0.0e+00;
	v32 =	vadd.f32 $5.200000000e+01, v42;
	v2 =	vadd.f32 v2, v3  }
0x25c: {  	v27 =	vld [tilespmem:$0x1FA30];
	v59 =	vmul.f32 v22, v53;
	[tilespmem:$0x1FFB0] =	vst v0;
	v22 =	vsub.f32 v47, v26;
	v0 =	vpop (erf)  }
0x25d: {  	v47 =	vsub.f32 v28, v32;
	v28 =	vld [tilespmem:$0x1FA40];
	v2 =	vadd.f32 v2, v0  }
0x25e: {  	v55 =	vmax.f32 v35, $0.0e+00;
	v35 =	vpop (erf)  }
0x25f: {  	v25 =	vmax.f32 v48, $0.0e+00;
	v21 =	vmax.f32 v29, $0.0e+00;
	v32 =	vld [tilespmem:$0x1FA60];
	v2 =	vadd.f32 v2, v35  }
0x260: {  	v34 =	vmax.f32 v34, $0.0e+00;
	v29 =	vld [tilespmem:$0x1FA50];
	v8 =	vmax.f32 v8, $0.0e+00;
	v26 =	vmax.f32 v22, $0.0e+00;
	v22 =	vpop (erf)  }
0x261: {  	vm1 =	vgt.f32 v27, $9.999999770e-03;
	v53 =	vmul.f32 v8, v34;
	v34 =	vld [tilespmem:$0x1FA70];
	v2 =	vadd.f32 v2, v22  }
0x262: {  	v23 =	vmax.f32 v23, $0.0e+00;
	vm1 =	vmand vm14, vm1;
	vm15 =	vgt.f32 v28, $9.999999770e-03  }
0x263: {  	v48 =	vld [tilespmem:$0x1FA80];
	(erf) = vrcp.f32 v2;
	v2 =	vnsel vm1, $0x0, v27;
	vm1 =	vmand vm14, vm15  }
0x264: {  	v55 =	vmul.f32 v23, v55;
	vm15 =	vgt.f32 v32, $9.999999770e-03;
	v8 =	vnsel vm1, $0x0, v28;
	v28 =	vld [tilespmem:$0x1FAA0]  }
0x265: {  	v23 =	vmax.f32 v47, $0.0e+00;
	vm1 =	vgt.f32 v29, $9.999999770e-03;
	vm15 =	vmand vm14, vm15  }
0x266: {  	vm2 =	vgt.f32 v34, $9.999999770e-03;
	vm1 =	vmand vm14, vm1;
	v47 =	vnsel vm15, $0x0, v32;
	v32 =	vld [tilespmem:$0x1FAB0]  }
0x267: {  	[tilespmem:s23+$0x9600] =	vst v2;
	v2 =	vnsel vm1, $0x0, v29;
	vm1 =	vmand vm14, vm2  }
0x268: {  	[tilespmem:s23+$0xA000] =	vst v2;
	v2 =	vnsel vm1, $0x0, v34;
	vm1 =	vgt.f32 v48, $9.999999770e-03  }
0x269: {  	[tilespmem:s23+$0xA500] =	vst v47;
	vm1 =	vmand vm14, vm1;
	vm15 =	vgt.f32 v28, $9.999999770e-03  }
0x26a: {  	v50 =	vld [tilespmem:$0x1FA90];
	[tilespmem:s23+$0xBE00] =	vst v2;
	v2 =	vnsel vm1, $0x0, v48;
	vm1 =	vmand vm14, vm15  }
0x26b: {  	v47 =	vld [tilespmem:$0x1FAD0];
	[tilespmem:s23+$0xC300] =	vst v2;
	v2 =	vnsel vm1, $0x0, v28;
	vm1 =	vgt.f32 v32, $9.999999770e-03  }
0x26c: {  	v34 =	vld [tilespmem:$0x1FAC0];
	vm1 =	vmand vm14, vm1  }
0x26d: {  	[tilespmem:s23+$0xD200] =	vst v2;
	v2 =	vnsel vm1, $0x0, v32  }
0x26e: {  	[tilespmem:s23+$0xD700] =	vst v2;
	v2 =	vld [tilespmem:$0x1FAE0]  }
0x26f: {  	vm2 =	vgt.f32 v50, $9.999999770e-03  }
0x270: {  	vm2 =	vmand vm14, vm2  }
0x271: {  	v29 =	vnsel vm2, $0x0, v50;
	vm15 =	vgt.f32 v47, $9.999999770e-03;
	vm2 =	vgt.f32 v34, $9.999999770e-03  }
0x272: {  	[tilespmem:s23+$0x9B00] =	vst v8;
	vm2 =	vmand vm14, vm2;
	vm1 =	vmand vm14, vm15  }
0x273: {  	[tilespmem:s23+$0xC800] =	vst v29;
	v48 =	vnsel vm2, $0x0, v34;
	v50 =	vnsel vm1, $0x0, v47;
	vm1 =	vgt.f32 v2, $9.999999770e-03  }
0x274: {  	[tilespmem:s23+$0xE600] =	vst v48;
	vm1 =	vmand vm14, vm1  }
0x275: {  	[tilespmem:s23+$0xEB00] =	vst v50;
	v47 =	vnsel vm1, $0x0, v2  }
0x276: {  	v2 =	vld [tilespmem:$0x1FAF0];
	[tilespmem:s23+$0xF000] =	vst v47  }
0x277: {  	[tilespmem:s22+$0xF500] =	vst v11  }
0x278: {  	[tilespmem:s23+$0xFA00] =	vst v10  }
0x279: {  	s11 =	sadd.s32 $0xF00, s23;
	[tilespmem:s23+$0xFF00] =	vst v9  }
0x27a: {  	[tilespmem:s11+$0xF500] =	vst v37  }
0x27b: {  	[tilespmem:s22+$0x10900] =	vst v2;
	v2 =	vld [tilespmem:$0x1FB00];
	_ =	sdelay $0x4  }
0x27c: {  	[tilespmem:s23+$0x10E00] =	vst v2;
	v2 =	vld [tilespmem:$0x1FB20];
	_ =	sdelay $0x4  }
0x27d: {  	[tilespmem:s23+$0x11800] =	vst v2;
	v2 =	vld [tilespmem:$0x1FB40];
	_ =	sdelay $0x4  }
0x27e: {  	[tilespmem:s23+$0x11D00] =	vst v2;
	v2 =	vld [tilespmem:$0x1FB50];
	_ =	sdelay $0x4  }
0x27f: {  	[tilespmem:s23+$0x12200] =	vst v2;
	v2 =	vld [tilespmem:$0x1FB60];
	_ =	sdelay $0x4  }
0x280: {  	[tilespmem:s23+$0x12700] =	vst v2;
	v2 =	vld [tilespmem:$0x1FBA0];
	_ =	sdelay $0x4  }
0x281: {  	[tilespmem:s23+$0x12C00] =	vst v2;
	v2 =	vld [tilespmem:$0x1FBB0];
	_ =	sdelay $0x4  }
0x282: {  	[tilespmem:s22+$0x13100] =	vst v2;
	v2 =	vld [tilespmem:$0x1FBC0];
	_ =	sdelay $0x2  }
0x283: {  	v52 =	vmul.f32 v23, v26;
	v23 =	vpop (erf)  }
0x284: {  	v32 =	vmul.f32 v23, v0;
	v0 =	vld [tilespmem:$0x1FB10]  }
0x285: {  	[tilespmem:s23+$0x13600] =	vst v2;
	v2 =	vld [tilespmem:$0x1FC00];
	_ =	sdelay $0x3  }
0x286: {  	[tilespmem:s23+$0x11300] =	vst v0;
	v0 =	vld [tilespmem:$0x1FB30]  }
0x287: {  	v51 =	vmul.f32 v25, v21;
	[tilespmem:s23+$0x13B00] =	vst v2;
	v2 =	vld [tilespmem:$0x1FC10]  }
0x288: {  	s10 =	sadd.s32 s6, s24;
	v21 =	vmul.f32 v23, v30;
	v30 =	vmul.f32 v23, v3;
	v3 =	vld [tilespmem:$0x1FB80]  }
0x289: {  	p1 =	slt.u32 s10, $0x4E20;
	vm14 =	vmmov vm0  }
0x28a: {  	v25 =	vmul.f32 v23, v7;
	vm14 =	vmneg @p1 vm14;
	vm1 =	vgt.f32 v60, $9.999999770e-03  }
0x28b: {  	v28 =	vmul.f32 v23, v17;
	vm2 =	vgt.f32 v63, $9.999999770e-03;
	vm1 =	vmand vm14, vm1  }
0x28c: {  	vm2 =	vmand vm14, vm2;
	v7 =	vnsel vm1, $0x0, v60;
	vm1 =	vgt.f32 v0, $9.999999770e-03;
	[tilespmem:s23+$0x14000] =	vst v2;
	v2 =	vld [tilespmem:$0x1FC20]  }
0x28d: {  	v17 =	vnsel vm2, $0x0, v63;
	vm2 =	vgt.f32 v3, $9.999999770e-03;
	vm1 =	vmand vm14, vm1  }
0x28e: {  	v10 =	vmul.f32 v23, v18;
	v18 =	vmul.f32 v23, v4;
	v4 =	vnsel vm1, $0x0, v0;
	v0 =	vld [tilespmem:$0x1FB70]  }
0x28f: {  	vm2 =	vmand vm14, vm2  }
0x290: {  	v26 =	vmul.f32 v23, v49;
	v49 =	vmul.f32 v23, v22;
	v22 =	vnsel vm2, $0x0, v3;
	v3 =	vld [tilespmem:$0x1FBE0]  }
0x291: {  	[tilespmem:s23+$0x14500] =	vst v2;
	v2 =	vld [tilespmem:$0x1FC60];
	_ =	sdelay $0x1  }
0x292: {  	v27 =	vmul.f32 v23, v20;
	vm1 =	vgt.f32 v0, $9.999999770e-03  }
0x293: {  	v29 =	vmul.f32 v23, v19;
	v24 =	vmul.f32 v23, v5;
	v63 =	vld [tilespmem:$0x1FB90];
	vm1 =	vmand vm14, vm1  }
0x294: {  	v12 =	vmul.f32 v23, v12;
	v14 =	vmul.f32 v23, v14;
	v20 =	vnsel vm1, $0x0, v0;
	v0 =	vld [tilespmem:$0x1FBD0]  }
0x295: {  	v48 =	vadd.f32 $5.600000000e+01, v31;
	v50 =	vadd.f32 $5.600000000e+01, v33;
	vm2 =	vgt.f32 v3, $9.999999770e-03;
	[tilespmem:s23+$0x14A00] =	vst v2;
	v2 =	vld [tilespmem:$0x1FC70]  }
0x296: {  	v16 =	vmul.f32 v23, v16;
	vm15 =	vgt.f32 v62, $9.999999770e-03;
	vm2 =	vmand vm14, vm2  }
0x297: {  	v34 =	vmul.f32 v23, v6;
	v47 =	vsub.f32 v48, v50;
	v37 =	vnsel vm2, $0x0, v3;
	v3 =	vld [tilespmem:$0x1FC40]  }
0x298: {  	v50 =	vmul.f32 v23, v35;
	vm15 =	vmand vm14, vm15;
	v11 =	vmul.f32 v23, v13  }
0x299: {  	v19 =	vnsel vm15, $0x0, v62;
	vm15 =	vgt.f32 v63, $9.999999770e-03;
	vm1 =	vgt.f32 v0, $9.999999770e-03  }
0x29a: {  	v13 =	vmul.f32 v23, v15;
	vm15 =	vmand vm14, vm15;
	vm1 =	vmand vm14, vm1;
	[tilespmem:s23+$0x14F00] =	vst v2;
	v2 =	vld [tilespmem:$0x1FC80]  }
0x29b: {  	v15 =	vmul.f32 v23, v54;
	v23 =	vnsel vm15, $0x0, v63;
	v63 =	vnsel vm1, $0x0, v0;
	v0 =	vld [tilespmem:$0x1FC30]  }
0x29c: {  	vm2 =	vgt.f32 v3, $9.999999770e-03  }
0x29d: {  	vm2 =	vmand vm14, vm2  }
0x29e: {  	v62 =	vnsel vm2, $0x0, v3;
	v3 =	vld [tilespmem:$0x1FCA0]  }
0x29f: {  	[tilespmem:s23+$0x15400] =	vst v2;
	v2 =	vld [tilespmem:$0x1FCC0]  }
0x2a0: {  	vm1 =	vgt.f32 v0, $9.999999770e-03  }
0x2a1: {  	v8 =	vld [tilespmem:$0x1FBF0];
	vm1 =	vmand vm14, vm1  }
0x2a2: {  	v60 =	vnsel vm1, $0x0, v0;
	v0 =	vld [tilespmem:$0x1FC90]  }
0x2a3: {  	v9 =	vld [tilespmem:$0x1FC50];
	vm2 =	vgt.f32 v3, $9.999999770e-03  }
0x2a4: {  	vm2 =	vmand vm14, vm2;
	[tilespmem:s22+$0x15900] =	vst v2;
	v2 =	vld [tilespmem:$0x1FCD0]  }
0x2a5: {  	v5 =	vnsel vm2, $0x0, v3;
	v3 =	vld [tilespmem:$0x1FCE0]  }
0x2a6: {  	v35 =	vld [tilespmem:$0x1FCB0]  }
0x2a7: {  	v6 =	vld [tilespmem:$0x1FCF0];
	vm15 =	vgt.f32 v8, $9.999999770e-03;
	vm1 =	vgt.f32 v0, $9.999999770e-03  }
0x2a8: {  	v48 =	vld [tilespmem:$0x1FD00];
	vm15 =	vmand vm14, vm15;
	vm1 =	vmand vm14, vm1  }
0x2a9: {  	v54 =	vnsel vm15, $0x0, v8;
	vm15 =	vgt.f32 v9, $9.999999770e-03;
	[tilespmem:s23+$0x15E00] =	vst v2;
	v2 =	vnsel vm1, $0x0, v0;
	v0 =	vld [tilespmem:$0x1FD10]  }
0x2aa: {  	vm15 =	vmand vm14, vm15;
	[tilespmem:s23+$0x16300] =	vst v3;
	v3 =	vld [tilespmem:$0x1FD20]  }
0x2ab: {  	v9 =	vnsel vm15, $0x0, v9;
	vm15 =	vgt.f32 v35, $9.999999770e-03  }
0x2ac: {  	vm15 =	vmand vm14, vm15  }
0x2ad: {  	v8 =	vnsel vm15, $0x0, v35;
	vm2 =	vgt.f32 v48, $9.999999770e-03  }
0x2ae: {  	vm2 =	vmand vm14, vm2;
	vm1 =	vgt.f32 v6, $9.999999770e-03;
	vm15 =	vgt.f32 v0, $9.999999770e-03  }
0x2af: {  	[tilespmem:s23+$0x16800] =	vst v3;
	vm1 =	vmand vm14, vm1;
	v3 =	vnsel vm2, $0x0, v48;
	v48 =	vld [tilespmem:$0x1FD30];
	vm15 =	vmand vm14, vm15  }
0x2b0: {  	[tilespmem:s22+$0x9110] =	vst v7;
	v7 =	vnsel vm1, $0x0, v6;
	v6 =	vnsel vm15, $0x0, v0;
	v0 =	vld [tilespmem:$0x1FD40];
	_ =	sdelay $0x2  }
0x2b1: {  	s24 =	sadd.s32 s6, s26  }
0x2b2: {  	p1 =	slt.u32 s24, $0x4E20;
	vm1 =	vgt.f32 v48, $9.999999770e-03;
	vm15 =	vmmov vm0  }
0x2b3: {  	vm1 =	vmand vm14, vm1;
	vm15 =	vmneg @p1 vm15;
	vm14 =	vgt.f32 v0, $9.999999770e-03  }
0x2b4: {  	v35 =	vnsel vm1, $0x0, v48;
	vm1 =	vmand vm15, vm14  }
0x2b5: {  	[tilespmem:s22+$0x9B10] =	vst v17;
	v17 =	vnsel vm1, $0x0, v0;
	v0 =	vld [tilespmem:$0x1FD50]  }
0x2b6: {  	vm2 =	vgt.f32 v58, $9.999999770e-03  }
0x2b7: {  	vm2 =	vmand vm15, vm2;
	vm1 =	vgt.f32 v57, $9.999999770e-03  }
0x2b8: {  	[tilespmem:s22+$0xA010] =	vst v19;
	v19 =	vnsel vm2, $0x0, v58;
	vm14 =	vgt.f32 v61, $9.999999770e-03;
	vm1 =	vmand vm15, vm1  }
0x2b9: {  	[tilespmem:s22+$0xA510] =	vst v20;
	v48 =	vld [tilespmem:$0x1FD70];
	vm2 =	vgt.f32 v56, $9.999999770e-03;
	v20 =	vnsel vm1, $0x0, v57;
	vm1 =	vmand vm15, vm14  }
0x2ba: {  	[tilespmem:s22+$0xB410] =	vst v63;
	vm2 =	vmand vm15, vm2;
	v63 =	vnsel vm1, $0x0, v61;
	vm1 =	vgt.f32 v0, $9.999999770e-03  }
0x2bb: {  	[tilespmem:s22+$0xAA10] =	vst v22;
	v22 =	vnsel vm2, $0x0, v56;
	v56 =	vld [tilespmem:$0x1FD80];
	vm1 =	vmand vm15, vm1  }
0x2bc: {  	[tilespmem:s22+$0x9610] =	vst v4;
	v4 =	vnsel vm1, $0x0, v0;
	v0 =	vld [tilespmem:$0x1FD90];
	_ =	sdelay $0x1  }
0x2bd: {  	vm14 =	vgt.f32 v48, $9.999999770e-03  }
0x2be: {  	vm1 =	vmand vm15, vm14  }
0x2bf: {  	[tilespmem:s22+$0xC310] =	vst v60;
	v60 =	vnsel vm1, $0x0, v48;
	vm1 =	vgt.f32 v56, $9.999999770e-03  }
0x2c0: {  	[tilespmem:s22+$0xD210] =	vst v2;
	v2 =	vld [tilespmem:$0x1FDA0];
	vm1 =	vmand vm15, vm1;
	vm14 =	vgt.f32 v0, $9.999999770e-03  }
0x2c1: {  	[tilespmem:s22+$0xC810] =	vst v62;
	v61 =	vld [tilespmem:$0x1FD60];
	v62 =	vnsel vm1, $0x0, v56;
	vm1 =	vmand vm15, vm14  }
0x2c2: {  	v56 =	vnsel vm1, $0x0, v0;
	v0 =	vld [tilespmem:$0x1FDC0];
	_ =	sdelay $0x3  }
0x2c3: {  	vm2 =	vgt.f32 v61, $9.999999770e-03;
	vm1 =	vgt.f32 v2, $9.999999770e-03  }
0x2c4: {  	vm2 =	vmand vm15, vm2;
	vm1 =	vmand vm15, vm1;
	vm14 =	vgt.f32 v0, $9.999999770e-03  }
0x2c5: {  	[tilespmem:s22+$0xAF10] =	vst v23;
	v23 =	vnsel vm2, $0x0, v61;
	v61 =	vnsel vm1, $0x0, v2;
	vm1 =	vmand vm15, vm14  }
0x2c6: {  	[tilespmem:s22+$0xBE10] =	vst v54;
	v54 =	vnsel vm1, $0x0, v0;
	v0 =	vld [tilespmem:$0x1FDD0];
	_ =	sdelay $0x3  }
0x2c7: {  	v2 =	vld [tilespmem:$0x1FDE0]  }
0x2c8: {  	[tilespmem:s22+$0xFA10] =	vst v43;
	vm2 =	vgt.f32 v41, $9.999999770e-03;
	vm1 =	vgt.f32 v0, $9.999999770e-03  }
0x2c9: {  	[tilespmem:s22+$0xB910] =	vst v37;
	vm2 =	vmand vm15, vm2;
	vm1 =	vmand vm15, vm1  }
0x2ca: {  	[tilespmem:s22+$0xCD10] =	vst v9;
	v58 =	vnsel vm2, $0x0, v41;
	v41 =	vnsel vm1, $0x0, v0;
	v0 =	vld [tilespmem:$0x1FDF0]  }
0x2cb: {  	[tilespmem:s22+$0xDC10] =	vst v8  }
0x2cc: {  	[tilespmem:s22+$0xD710] =	vst v5;
	vm14 =	vgt.f32 v2, $9.999999770e-03  }
0x2cd: {  	[tilespmem:s22+$0xE610] =	vst v3;
	vm1 =	vmand vm15, vm14  }
0x2ce: {  	[tilespmem:s22+$0xF010] =	vst v35;
	v35 =	vnsel vm1, $0x0, v2;
	vm1 =	vgt.f32 v46, $9.999999770e-03  }
0x2cf: {  	[tilespmem:s22+$0xE110] =	vst v7;
	vm1 =	vmand vm15, vm1;
	vm14 =	vgt.f32 v0, $9.999999770e-03  }
0x2d0: {  	s26 =	sadd.s32 s6, s28;
	s28 =	sadd.s32 $0xF10, s22;
	[tilespmem:s22+$0xEB10] =	vst v6;
	v43 =	vnsel vm1, $0x0, v46;
	vm1 =	vmand vm15, vm14  }
0x2d1: {  	[tilespmem:s28+$0xF500] =	vst v39;
	v39 =	vnsel vm1, $0x0, v0;
	v0 =	vld [tilespmem:$0x1FE00];
	_ =	sdelay $0x4  }
0x2d2: {  	[tilespmem:s22+$0x10910] =	vst v0;
	v0 =	vld [tilespmem:$0x1FE10];
	_ =	sdelay $0x4  }
0x2d3: {  	[tilespmem:s22+$0x10E10] =	vst v0;
	v0 =	vld [tilespmem:$0x1FE20];
	_ =	sdelay $0x4  }
0x2d4: {  	[tilespmem:s22+$0x11310] =	vst v0;
	v0 =	vld [tilespmem:$0x1FE30];
	_ =	sdelay $0x4  }
0x2d5: {  	[tilespmem:s22+$0x11810] =	vst v0;
	v0 =	vld [tilespmem:$0x1FE40];
	_ =	sdelay $0x4  }
0x2d6: {  	[tilespmem:s22+$0x11D10] =	vst v0;
	v0 =	vld [tilespmem:$0x1FE50];
	_ =	sdelay $0x4  }
0x2d7: {  	[tilespmem:s22+$0x12210] =	vst v0;
	v0 =	vld [tilespmem:$0x1FE60];
	_ =	sdelay $0x4  }
0x2d8: {  	[tilespmem:s22+$0x12710] =	vst v0;
	v0 =	vld [tilespmem:$0x1FE70]  }
0x2d9: {  	v57 =	vld [tilespmem:$0x1FDB0];
	_ =	sdelay $0x3  }
0x2da: {  	[tilespmem:s22+$0x12C10] =	vst v0;
	v0 =	vld [tilespmem:$0x1FE80]  }
0x2db: {  	vm2 =	vgt.f32 v57, $9.999999770e-03  }
0x2dc: {  	vm2 =	vmand vm15, vm2  }
0x2dd: {  	v57 =	vnsel vm2, $0x0, v57;
	vm2 =	vgt.f32 v36, $9.999999770e-03  }
0x2de: {  	[tilespmem:s22+$0xA520] =	vst v63;
	vm2 =	vmand vm15, vm2  }
0x2df: {  	v63 =	vadd.f32 $7.200000000e+01, v42;
	v36 =	vnsel vm2, $0x0, v36;
	vm2 =	vgt.f32 v45, $9.999999770e-03;
	[tilespmem:s22+$0x13110] =	vst v0;
	v0 =	vld [tilespmem:$0x1FE90]  }
0x2e0: {  	p1 =	slt.u32 s26, $0x4E20;
	[tilespmem:s22+$0xB420] =	vst v60;
	v60 =	vadd.f32 $7.200000000e+01, v33;
	vm2 =	vmand vm15, vm2;
	vm15 =	vmmov vm0  }
0x2e1: {  	v37 =	vnsel vm2, $0x0, v45;
	vm2 =	vgt.f32 v21, $9.999999770e-03;
	vm15 =	vmneg @p1 vm15  }
0x2e2: {  	[tilespmem:s22+$0xB920] =	vst v62;
	v62 =	vadd.f32 $7.200000000e+01, v38;
	vm14 =	vgt.f32 v27, $9.999999770e-03;
	vm1 =	vmand vm15, vm2  }
0x2e3: {  	[tilespmem:s22+$0xFF10] =	vst v40;
	vm2 =	vmand vm15, vm14;
	v46 =	vnsel vm1, $0x0, v21;
	vm1 =	vgt.f32 v29, $9.999999770e-03  }
0x2e4: {  	v40 =	vnsel vm2, $0x0, v27;
	vm2 =	vgt.f32 v24, $9.999999770e-03;
	vm1 =	vmand vm15, vm1;
	[tilespmem:s22+$0x13610] =	vst v0;
	v0 =	vld [tilespmem:$0x1FEA0]  }
0x2e5: {  	vm14 =	vgt.f32 v34, $9.999999770e-03;
	v29 =	vnsel vm1, $0x0, v29;
	vm1 =	vmand vm15, vm2  }
0x2e6: {  	vm2 =	vmand vm15, vm14;
	v21 =	vnsel vm1, $0x0, v24;
	vm1 =	vgt.f32 v25, $9.999999770e-03  }
0x2e7: {  	[tilespmem:s22+$0xF510] =	vst v44;
	v44 =	vnsel vm2, $0x0, v34;
	vm2 =	vgt.f32 v12, $9.999999770e-03;
	vm1 =	vmand vm15, vm1  }
0x2e8: {  	vm14 =	vgt.f32 v11, $9.999999770e-03;
	v27 =	vnsel vm1, $0x0, v25;
	vm1 =	vmand vm15, vm2  }
0x2e9: {  	vm2 =	vmand vm15, vm14;
	v34 =	vnsel vm1, $0x0, v12;
	vm1 =	vgt.f32 v14, $9.999999770e-03;
	[tilespmem:s22+$0x13B10] =	vst v0;
	v0 =	vld [tilespmem:$0x1FEB0]  }
0x2ea: {  	v12 =	vnsel vm2, $0x0, v11;
	vm2 =	vgt.f32 v16, $9.999999770e-03;
	vm1 =	vmand vm15, vm1  }
0x2eb: {  	vm14 =	vgt.f32 v10, $9.999999770e-03;
	v24 =	vnsel vm1, $0x0, v14;
	vm1 =	vmand vm15, vm2  }
0x2ec: {  	vm2 =	vmand vm15, vm14;
	v3 =	vnsel vm1, $0x0, v16;
	vm1 =	vgt.f32 v26, $9.999999770e-03  }
0x2ed: {  	[tilespmem:s22+$0x9120] =	vst v19;
	v19 =	vld [tilespmem:s22+$0x6E30];
	v45 =	vnsel vm2, $0x0, v10;
	vm2 =	vgt.f32 v18, $9.999999770e-03;
	vm1 =	vmand vm15, vm1  }
0x2ee: {  	vm14 =	vgt.f32 v13, $9.999999770e-03;
	v5 =	vnsel vm1, $0x0, v26;
	vm1 =	vmand vm15, vm2;
	[tilespmem:s22+$0x14010] =	vst v0;
	v0 =	vld [tilespmem:$0x1FEC0]  }
0x2ef: {  	[tilespmem:s22+$0x9620] =	vst v17;
	v17 =	vld [tilespmem:s22+$0x6930];
	vm2 =	vmand vm15, vm14;
	v6 =	vnsel vm1, $0x0, v18;
	vm1 =	vgt.f32 v15, $9.999999770e-03  }
0x2f0: {  	[tilespmem:s22+$0xAF20] =	vst v23;
	v2 =	vld [tilespmem:$0x1FEE0];
	v48 =	vnsel vm2, $0x0, v13;
	vm2 =	vgt.f32 v28, $9.999999770e-03;
	vm1 =	vmand vm15, vm1  }
0x2f1: {  	v23 =	vsub.f32 v62, v63;
	[tilespmem:s22+$0xC320] =	vst v56;
	v10 =	vld [tilespmem:s22+$0x7330];
	v7 =	vnsel vm1, $0x0, v15;
	vm1 =	vmand vm15, vm2  }
0x2f2: {  	v56 =	vadd.f32 $7.600000000e+01, v31;
	[tilespmem:s22+$0xCD20] =	vst v57;
	vm2 =	vgt.f32 v32, $9.999999770e-03;
	v8 =	vnsel vm1, $0x0, v28;
	v28 =	vld [tilespmem:$0x1FF10]  }
0x2f3: {  	v57 =	vadd.f32 $7.600000000e+01, v38;
	v26 =	vadd.f32 $6.000000000e+01, v31;
	vm2 =	vmand vm15, vm2;
	[tilespmem:s22+$0x14510] =	vst v0;
	v0 =	vld [tilespmem:$0x1FED0]  }
0x2f4: {  	[tilespmem:s22+$0xDC20] =	vst v36;
	v25 =	vld [tilespmem:$0x1FF00];
	vm1 =	vgt.f32 v30, $9.999999770e-03;
	v9 =	vnsel vm2, $0x0, v32;
	v32 =	vadd.f32 $6.000000000e+01, v33  }
0x2f5: {  	v36 =	vadd.f32 $8.000000000e+01, v31;
	[tilespmem:s22+$0xD220] =	vst v54;
	v54 =	vadd.f32 $8.000000000e+01, v33;
	vm1 =	vmand vm15, vm1  }
0x2f6: {  	[tilespmem:s22+$0x14F10] =	vst v2;
	v10 =	vmul.f32 $2.000000030e-01, v10;
	v13 =	vnsel vm1, $0x0, v30;
	v30 =	vld [tilespmem:$0x1FF20];
	v11 =	vsub.f32 v26, v32  }
0x2f7: {  	v19 =	vmul.f32 $1.000000010e-01, v19;
	v14 =	vld [tilespmem:s22+$0x7830];
	v26 =	vadd.f32 $6.000000000e+01, v38;
	[tilespmem:s22+$0x15E10] =	vst v28;
	v28 =	vadd.f32 $6.000000000e+01, v42  }
0x2f8: {  	v2 =	vadd.f32 $5.600000000e+01, v42;
	v10 =	vmul.f32 $1.442695020e+00, v10;
	[tilespmem:s22+$0x14A10] =	vst v0;
	v0 =	vadd.f32 $5.600000000e+01, v38  }
0x2f9: {  	v17 =	vmul.f32 $1.000000010e-01, v17;
	[tilespmem:s22+$0x15910] =	vst v25;
	v25 =	vld [tilespmem:$0x1FF30];
	v32 =	vadd.f32 $6.400000000e+01, v33;
	v15 =	vsub.f32 v26, v28  }
0x2fa: {  	[tilespmem:s22+$0xA020] =	vst v22;
	(erf) = vpow2.f32 v10;
	v22 =	vmax.f32 v11, $0.0e+00;
	v0 =	vsub.f32 v0, v2  }
0x2fb: {  	[tilespmem:s22+$0x16310] =	vst v30;
	v30 =	vadd.f32 $6.400000000e+01, v31;
	v26 =	vadd.f32 $6.800000000e+01, v33;
	v28 =	vmax.f32 v15, $0.0e+00  }
0x2fc: {  	[tilespmem:s22+$0x9B20] =	vst v20;
	v2 =	vmax.f32 v47, $0.0e+00;
	v47 =	vmul.f32 $2.000000030e-01, v14;
	v0 =	vmax.f32 v0, $0.0e+00  }
0x2fd: {  	[tilespmem:s22+$0xAA20] =	vst v4;
	v18 =	vld [tilespmem:$0x1FEF0];
	v14 =	vmul.f32 v0, v2;
	v0 =	vadd.f32 $6.400000000e+01, v38;
	v2 =	vadd.f32 $6.400000000e+01, v42  }
0x2fe: {  	[tilespmem:s22+$0x16810] =	vst v25;
	v25 =	vsub.f32 v30, v32;
	v4 =	vmul.f32 v28, v22;
	v22 =	vld [tilespmem:s22+$0x8730];
	v20 =	vmul.f32 $1.442695020e+00, v47  }
0x2ff: {  	v23 =	vmax.f32 v23, $0.0e+00;
	[tilespmem:s22+$0xD720] =	vst v41;
	v41 =	vld [tilespmem:$0x1FFF0];
	v30 =	vadd.f32 $6.800000000e+01, v38;
	v0 =	vsub.f32 v0, v2  }
0x300: {  	v16 =	vld [tilespmem:s22+$0x7D30];
	v32 =	vadd.f32 $6.800000000e+01, v42;
	(erf) = vpow2.f32 v20;
	v2 =	vadd.f32 $6.800000000e+01, v31  }
0x301: {  	v11 =	vmax.f32 v25, $0.0e+00;
	v47 =	vadd.f32 $7.200000000e+01, v31;
	v20 =	vld [tilespmem:s22+$0x8C30];
	v0 =	vmax.f32 v0, $0.0e+00  }
0x302: {  	[tilespmem:s22+$0xBE20] =	vst v58;
	v2 =	vsub.f32 v2, v26;
	v26 =	vmul.f32 v0, v11;
	v0 =	vadd.f32 $7.600000000e+01, v33  }
0x303: {  	[tilespmem:s22+$0x15410] =	vst v18;
	v15 =	vsub.f32 v30, v32;
	v58 =	vpop (erf);
	v17 =	vmul.f32 v22, v17;
	v18 =	vsub.f32 v47, v60  }
0x304: {  	[tilespmem:s22+$0xC820] =	vst v61;
	v61 =	vld [tilespmem:s22+$0x8230];
	v60 =	vadd.f32 $7.600000000e+01, v42;
	v25 =	vsub.f32 v56, v0;
	v0 =	vmul.f32 v22, v58  }
0x305: {  	v36 =	vsub.f32 v36, v54;
	v15 =	vmax.f32 v15, $0.0e+00;
	v62 =	vadd.f32 v17, v16  }
0x306: {  	v63 =	vmul.f32 v20, v19;
	v22 =	vsub.f32 v57, v60;
	v19 =	vmul.f32 v0, v41  }
0x307: {  	[tilespmem:s22+$0xF520] =	vst v33;
	v47 =	vld [tilespmem:$0x1FFF0];
	v2 =	vmax.f32 v2, $0.0e+00;
	v56 =	vadd.f32 $8.000000000e+01, v38;
	v57 =	vadd.f32 $8.000000000e+01, v42  }
0x308: {  	[tilespmem:s22+$0xFA20] =	vst v42;
	v30 =	vmul.f32 v15, v2;
	v58 =	vmax.f32 v18, $0.0e+00;
	v10 =	vadd.f32 v19, v62  }
0x309: {  	[tilespmem:s22+$0xEB20] =	vst v37;
	v15 =	vmax.f32 v36, $0.0e+00;
	v11 =	vadd.f32 v63, v61;
	v32 =	vpop (erf);
	v0 =	vsub.f32 v62, v19  }
0x30a: {  	[tilespmem:s22+$0xE120] =	vst v35;
	v37 =	vsub.f32 v56, v57;
	v16 =	vmul.f32 v20, v32;
	v60 =	vadd.f32 $4.000000000e+00, v10  }
0x30b: {  	[tilespmem:s22+$0xE620] =	vst v43;
	v42 =	vmax.f32 v22, $0.0e+00;
	v61 =	vadd.f32 $4.000000000e+00, v0;
	v22 =	vadd.f32 $8.000000000e+00, v10  }
0x30c: {  	[tilespmem:s22+$0xF020] =	vst v39;
	v16 =	vmul.f32 v16, v47;
	v43 =	vadd.f32 $8.000000000e+00, v0;
	v35 =	vadd.f32 $4.400000000e+01, v10  }
0x30d: {  	[tilespmem:s22+$0xA530] =	vst v44;
	v39 =	vmax.f32 v25, $0.0e+00;
	v36 =	vadd.f32 $4.400000000e+01, v0;
	v44 =	vadd.f32 $4.800000000e+01, v0  }
0x30e: {  	s29 =	sadd.s32 $0xF20, s22;
	[tilespmem:s22+$0xFF20] =	vst v31;
	v19 =	vmul.f32 v42, v39;
	v42 =	vld [tilespmem:$0x1FF90];
	v31 =	vadd.f32 $6.000000000e+01, v10;
	v2 =	vsub.f32 v11, v16  }
0x30f: {  	[tilespmem:s29+$0xF500] =	vst v38;
	v23 =	vmul.f32 v23, v58;
	v58 =	vld [tilespmem:$0x1FF70];
	v11 =	vadd.f32 v16, v11;
	v16 =	vsub.f32 v60, v61  }
0x310: {  	[tilespmem:s22+$0x13120] =	vst v59;
	v41 =	vld [tilespmem:$0x1FF50];
	v60 =	vadd.f32 $1.200000000e+01, v10;
	v61 =	vadd.f32 $1.200000000e+01, v0  }
0x311: {  	[tilespmem:s22+$0xA030] =	vst v21;
	v22 =	vsub.f32 v22, v43;
	v21 =	vsub.f32 v35, v36  }
0x312: {  	[tilespmem:s22+$0x13B20] =	vst v51;
	v35 =	vadd.f32 $6.400000000e+01, v10;
	v36 =	vadd.f32 $6.400000000e+01, v0  }
0x313: {  	[tilespmem:s22+$0x12220] =	vst v42;
	v42 =	vadd.f32 $2.000000000e+01, v0;
	v62 =	vadd.f32 $4.000000000e+00, v11  }
0x314: {  	[tilespmem:s22+$0x11820] =	vst v58;
	v63 =	vadd.f32 $4.000000000e+00, v2;
	v56 =	vadd.f32 $8.000000000e+00, v11  }
0x315: {  	v58 =	vld [tilespmem:$0x1FFB0];
	[tilespmem:s22+$0x10E20] =	vst v41;
	v57 =	vadd.f32 $8.000000000e+00, v2;
	v41 =	vadd.f32 $1.200000000e+01, v2  }
0x316: {  	[tilespmem:s22+$0x14520] =	vst v52;
	v51 =	vadd.f32 $2.000000000e+01, v2;
	v59 =	vadd.f32 $2.400000000e+01, v11  }
0x317: {  	v54 =	vld [tilespmem:$0x1FF60];
	[tilespmem:s22+$0x9130] =	vst v46;
	v32 =	vadd.f32 $2.800000000e+01, v2;
	v52 =	vadd.f32 $3.200000000e+01, v11  }
0x318: {  	[tilespmem:s22+$0xC330] =	vst v45;
	v33 =	vadd.f32 $4.000000000e+01, v2;
	v45 =	vadd.f32 $4.800000000e+01, v11  }
0x319: {  	[tilespmem:s22+$0xD230] =	vst v48;
	v46 =	vadd.f32 $4.800000000e+01, v2;
	v48 =	vadd.f32 $7.200000000e+01, v11  }
0x31a: {  	vm1 =	vgt.f32 v50, $9.999999770e-03;
	v43 =	vld [tilespmem:$0x1FFA0];
	[tilespmem:s22+$0x12C20] =	vst v58;
	v58 =	vadd.f32 $2.400000000e+01, v0;
	v18 =	vsub.f32 v62, v63  }
0x31b: {  	vm14 =	vmand vm15, vm1;
	v63 =	vadd.f32 $1.200000000e+01, v11;
	v20 =	vsub.f32 v56, v57  }
0x31c: {  	[tilespmem:s22+$0x11320] =	vst v54;
	v17 =	vmax.f32 v37, $0.0e+00;
	v56 =	vsub.f32 v60, v61;
	v60 =	vadd.f32 $1.600000000e+01, v10  }
0x31d: {  	[tilespmem:s22+$0xCD30] =	vst v6;
	v17 =	vmul.f32 v17, v15;
	v61 =	vadd.f32 $1.600000000e+01, v0;
	v6 =	vsub.f32 v45, v46  }
0x31e: {  	[tilespmem:s22+$0x13620] =	vst v55;
	v54 =	vmax.f32 v16, $0.0e+00;
	v45 =	vadd.f32 $7.200000000e+01, v10;
	v46 =	vadd.f32 $7.200000000e+01, v0  }
0x31f: {  	v22 =	vmax.f32 v22, $0.0e+00;
	[tilespmem:s22+$0x12720] =	vst v43;
	v43 =	vadd.f32 $2.000000000e+01, v11;
	v57 =	vsub.f32 v63, v41  }
0x320: {  	[tilespmem:s22+$0x14020] =	vst v53;
	v18 =	vmax.f32 v18, $0.0e+00;
	v63 =	vadd.f32 $1.600000000e+01, v2;
	v41 =	vadd.f32 $2.000000000e+01, v10  }
0x321: {  	[tilespmem:s22+$0x9630] =	vst v40;
	v62 =	vld [tilespmem:$0x1FF80];
	v20 =	vmax.f32 v20, $0.0e+00;
	v53 =	vsub.f32 v60, v61;
	v16 =	vmax.f32 v56, $0.0e+00  }
0x322: {  	[tilespmem:s22+$0x9B30] =	vst v29;
	v60 =	vadd.f32 $2.400000000e+01, v2;
	v61 =	vadd.f32 $2.800000000e+01, v10;
	v15 =	vmul.f32 v18, v54  }
0x323: {  	[tilespmem:s22+$0xAA30] =	vst v27;
	v38 =	vld [tilespmem:$0x1FF40];
	v20 =	vmul.f32 v20, v22;
	v55 =	vsub.f32 v43, v51;
	v43 =	vadd.f32 $3.200000000e+01, v10  }
0x324: {  	[tilespmem:s22+$0x14F20] =	vst v4;
	v51 =	vadd.f32 $3.200000000e+01, v0;
	v54 =	vsub.f32 v41, v42;
	v56 =	vmax.f32 v57, $0.0e+00  }
0x325: {  	[tilespmem:s22+$0x14A20] =	vst v14;
	v57 =	vadd.f32 $2.400000000e+01, v10;
	v22 =	vmax.f32 v53, $0.0e+00;
	v14 =	vsub.f32 v59, v60  }
0x326: {  	v53 =	vadd.f32 $3.200000000e+01, v2;
	[tilespmem:s22+$0x11D20] =	vst v62;
	v62 =	vadd.f32 $1.600000000e+01, v11;
	v4 =	vmul.f32 v56, v16  }
0x327: {  	[tilespmem:s22+$0xAF30] =	vst v34;
	v42 =	vmax.f32 v55, $0.0e+00;
	v55 =	vadd.f32 $3.600000000e+01, v0;
	v56 =	vadd.f32 $3.600000000e+01, v11  }
0x328: {  	[tilespmem:s22+$0x10920] =	vst v38;
	v37 =	vsub.f32 v57, v58;
	v38 =	vmax.f32 v54, $0.0e+00;
	v54 =	vadd.f32 $3.600000000e+01, v10  }
0x329: {  	[tilespmem:s22+$0xB430] =	vst v12;
	vm1 =	vgt.f32 v49, $9.999999770e-03;
	v57 =	vadd.f32 $3.600000000e+01, v2;
	v58 =	vsub.f32 v43, v51  }
0x32a: {  	vm15 =	vmand vm15, vm1;
	[tilespmem:s22+$0x16820] =	vst v17;
	v17 =	vsub.f32 v52, v53;
	v43 =	vadd.f32 $4.800000000e+01, v10  }
0x32b: {  	[tilespmem:s22+$0xB930] =	vst v24;
	v51 =	vnsel vm15, $0x0, v49;
	v49 =	vadd.f32 $7.200000000e+01, v2;
	v18 =	vsub.f32 v62, v63  }
0x32c: {  	[tilespmem:s22+$0xBE30] =	vst v3;
	v62 =	vadd.f32 $2.800000000e+01, v0;
	v63 =	vadd.f32 $2.800000000e+01, v11  }
0x32d: {  	v16 =	vmul.f32 v42, v38;
	v38 =	vadd.f32 $4.400000000e+01, v2;
	[tilespmem:s22+$0xF030] =	vst v51;
	v51 =	vsub.f32 v45, v46  }
0x32e: {  	[tilespmem:s22+$0xC830] =	vst v5;
	v50 =	vnsel vm14, $0x0, v50;
	v59 =	vsub.f32 v54, v55;
	v60 =	vsub.f32 v56, v57  }
0x32f: {  	[tilespmem:s22+$0xD730] =	vst v7;
	v6 =	vmax.f32 v6, $0.0e+00;
	v53 =	vsub.f32 v43, v44;
	v54 =	vadd.f32 $5.200000000e+01, v10  }
0x330: {  	[tilespmem:s22+$0xDC30] =	vst v8;
	v14 =	vmax.f32 v14, $0.0e+00;
	v55 =	vadd.f32 $5.200000000e+01, v0;
	v57 =	vadd.f32 $5.200000000e+01, v11  }
0x331: {  	[tilespmem:s22+$0xE630] =	vst v9;
	v34 =	vmax.f32 v58, $0.0e+00;
	v58 =	vadd.f32 $5.200000000e+01, v2;
	v43 =	vadd.f32 $6.800000000e+01, v2  }
0x332: {  	[tilespmem:s22+$0xE130] =	vst v13;
	v17 =	vmax.f32 v17, $0.0e+00;
	v39 =	vsub.f32 v61, v62;
	v41 =	vsub.f32 v63, v32  }
0x333: {  	s30 =	sadd.s32 $0xF30, s22;
	[tilespmem:s22+$0xEB30] =	vst v50;
	v56 =	vmax.f32 v21, $0.0e+00;
	v61 =	vadd.f32 $4.000000000e+01, v10;
	v62 =	vadd.f32 $4.000000000e+01, v0  }
0x334: {  	[tilespmem:s30+$0xF500] =	vst v11;
	v18 =	vmax.f32 v18, $0.0e+00;
	v63 =	vadd.f32 $4.000000000e+01, v11;
	v32 =	vadd.f32 $6.000000000e+01, v0  }
0x335: {  	v3 =	vmul.f32 v17, v34;
	v34 =	vadd.f32 $6.000000000e+01, v2;
	[tilespmem:s22+$0x10E30] =	vst v20;
	v20 =	vsub.f32 v35, v36  }
0x336: {  	v18 =	vmul.f32 v18, v22;
	v22 =	vmax.f32 v37, $0.0e+00;
	v37 =	vadd.f32 $4.400000000e+01, v11  }
0x337: {  	v42 =	vmax.f32 v60, $0.0e+00;
	v60 =	vadd.f32 $5.600000000e+01, v10;
	v8 =	vsub.f32 v54, v55  }
0x338: {  	[tilespmem:s22+$0x15420] =	vst v26;
	v28 =	vmax.f32 v53, $0.0e+00;
	v29 =	vsub.f32 v57, v58;
	v53 =	vadd.f32 $7.600000000e+01, v0  }
0x339: {  	[tilespmem:s22+$0x16320] =	vst v19;
	v55 =	vadd.f32 $7.600000000e+01, v11;
	v14 =	vmul.f32 v14, v22;
	v19 =	vmax.f32 v39, $0.0e+00  }
0x33a: {  	[tilespmem:s22+$0x15E20] =	vst v23;
	v23 =	vmax.f32 v41, $0.0e+00;
	v39 =	vsub.f32 v61, v62;
	v40 =	vsub.f32 v63, v33  }
0x33b: {  	[tilespmem:s22+$0x15920] =	vst v30;
	v22 =	vmax.f32 v59, $0.0e+00;
	v61 =	vadd.f32 $5.600000000e+01, v0;
	v62 =	vadd.f32 $5.600000000e+01, v11  }
0x33c: {  	[tilespmem:s22+$0xF530] =	vst v0;
	v63 =	vadd.f32 $5.600000000e+01, v2;
	v6 =	vmul.f32 v6, v28;
	v33 =	vadd.f32 $6.000000000e+01, v11  }
0x33d: {  	[tilespmem:s22+$0x12C30] =	vst v3;
	v3 =	vmax.f32 v20, $0.0e+00;
	v19 =	vmul.f32 v23, v19;
	v41 =	vsub.f32 v37, v38  }
0x33e: {  	[tilespmem:s22+$0xFF30] =	vst v10;
	v5 =	vmul.f32 v42, v22;
	v8 =	vmax.f32 v8, $0.0e+00;
	v38 =	vadd.f32 $6.400000000e+01, v11  }
0x33f: {  	[tilespmem:s22+$0xFA30] =	vst v2;
	v17 =	vmax.f32 v29, $0.0e+00;
	v42 =	vadd.f32 $6.800000000e+01, v11;
	v30 =	vsub.f32 v60, v61  }
0x340: {  	[tilespmem:s22+$0x10930] =	vst v15;
	v12 =	vmax.f32 v39, $0.0e+00;
	v13 =	vsub.f32 v62, v63;
	v39 =	vadd.f32 $6.400000000e+01, v2  }
0x341: {  	[tilespmem:s22+$0x11330] =	vst v4;
	v52 =	vmax.f32 v40, $0.0e+00;
	v15 =	vsub.f32 v33, v34;
	v40 =	vadd.f32 $6.800000000e+01, v10  }
0x342: {  	[tilespmem:s22+$0x12230] =	vst v14;
	v14 =	vsub.f32 v48, v49;
	v7 =	vmul.f32 v52, v12;
	v12 =	vsub.f32 v31, v32  }
0x343: {  	[tilespmem:s22+$0x11D30] =	vst v16;
	v59 =	vmax.f32 v41, $0.0e+00;
	v41 =	vadd.f32 $6.800000000e+01, v0;
	v16 =	vsub.f32 v42, v43  }
0x344: {  	[tilespmem:s22+$0x11830] =	vst v18;
	v37 =	vmul.f32 v17, v8;
	v52 =	vadd.f32 $7.600000000e+01, v10;
	v10 =	vadd.f32 $8.000000000e+01, v10  }
0x345: {  	[tilespmem:s22+$0x14030] =	vst v6;
	v0 =	vadd.f32 $8.000000000e+01, v0;
	v9 =	vmul.f32 v59, v56;
	v21 =	vmax.f32 v30, $0.0e+00  }
0x346: {  	[tilespmem:s22+$0x12730] =	vst v19;
	v13 =	vmax.f32 v13, $0.0e+00;
	v8 =	vsub.f32 v38, v39;
	v56 =	vadd.f32 $7.600000000e+01, v2  }
0x347: {  	[tilespmem:s22+$0x13130] =	vst v5;
	v44 =	vmax.f32 v15, $0.0e+00;
	v59 =	vadd.f32 $8.000000000e+01, v11;
	v2 =	vadd.f32 $8.000000000e+01, v2  }
0x348: {  	[tilespmem:s22+$0x14530] =	vst v37;
	v61 =	vmax.f32 v14, $0.0e+00;
	v13 =	vmul.f32 v13, v21;
	v12 =	vmax.f32 v12, $0.0e+00  }
0x349: {  	v17 =	vsub.f32 v40, v41;
	[tilespmem:s22+$0x13630] =	vst v7;
	v57 =	vmax.f32 v16, $0.0e+00;
	v5 =	vsub.f32 v52, v53  }
0x34a: {  	v0 =	vsub.f32 v10, v0;
	v12 =	vmul.f32 v44, v12;
	v50 =	vmax.f32 v8, $0.0e+00;
	[tilespmem:s22+$0x13B30] =	vst v9  }
0x34b: {  	v60 =	vsub.f32 v55, v56;
	v3 =	vmul.f32 v50, v3;
	v54 =	vmax.f32 v17, $0.0e+00;
	[tilespmem:s22+$0x14A30] =	vst v13  }
0x34c: {  	p1 =	slt.u32 s21, $0x4C;
	v8 =	vmax.f32 v51, $0.0e+00;
	v2 =	vsub.f32 v59, v2;
	v58 =	vmul.f32 v57, v54;
	[tilespmem:s22+$0x14F30] =	vst v12  }
.Ltmp0:
0x34d: {  	v5 =	vmax.f32 v5, $0.0e+00;
	v62 =	vmax.f32 v60, $0.0e+00;
	[tilespmem:s22+$0x15430] =	vst v3;
	v3 =	vmul.f32 v61, v8;
	(pc) =	sbr.rel @p1 .LBB2_2-.Ltmp0, $4  }
0x34e: {  	v0 =	vmax.f32 v0, $0.0e+00;
	v2 =	vmax.f32 v2, $0.0e+00;
	v63 =	vmul.f32 v62, v5;
	[tilespmem:s22+$0x15930] =	vst v58  }
0x34f: {  	v0 =	vmul.f32 v2, v0;
	[tilespmem:s22+$0x15E30] =	vst v3  }
0x350: {  	s31 =	sadd.s32 $0x4, s21;
	[tilespmem:s22+$0x16330] =	vst v63  }
0x351: {  	s21 =	smov.u32 s31;
	[tilespmem:s22+$0x16830] =	vst v0  }
0x352: {  	v0 =	vimm.f32 $-1.000000000e+00;
	vm1 =	vcmask $0xF00;
	v42 =	vld [tilespmem:$0x1FFC0]  }
0x353: {  	v43 =	vld [tilespmem:$0x1FFD0];
	[tilespmem:$0x16D00] =	vst v0;
	v0 =	vsel vm1, $0x0, v0  }
0x354: {  	s0 =	simm.s32 $0x0;
	s1 =	simm.s32 $0x9140;
	s2 =	simm.s32 $0x0;
	v41 =	vlaneseq.u32;
	v44 =	vld [tilespmem:$0x1FFE0];
	[tilespmem:$0x16D10] =	vst v0  }
.LBB2_4:
0x355: {  	v0 =	vld [tilespmem:s1+$0xFFFFFFC0];
	_ =	sdelay $0x1  }
0x356: {  	v2 =	vld [tilespmem:s1+$0xFFFFFFD0];
	_ =	sdelay $0x1  }
0x357: {  	v3 =	vimm.f32 $-1.000000000e+00;
	v4 =	vld [tilespmem:s1+$0xFFFFFFE0]  }
0x358: {  	vm1 =	vgt.f32 v0, v3  }
0x359: {  	v0 =	vsel vm1, v0, v3;
	v3 =	vld [tilespmem:s1+$0xFFFFFFF0]  }
0x35a: {  	vm2 =	vgt.f32 v2, v0  }
0x35b: {  	v0 =	vsel vm2, v2, v0  }
0x35c: {  	vm14 =	vgt.f32 v4, v0  }
0x35d: {  	v5 =	vld [tilespmem:s1+$0x0];
	v6 =	vadd.s32 s0, v1;
	s3 =	simm.s32 $0x10;
	v2 =	vimm.s32 $0x0;
	v4 =	vsel vm14, v4, v0  }
0x35e: {  	s28 =	simm.s32 $0x20;
	v2 =	vsel vm1, v6, v2;
	v6 =	vadd.s32 s3, v1;
	vm1 =	vgt.f32 v3, v4  }
0x35f: {  	s29 =	simm.s32 $0x30;
	v0 =	vld [tilespmem:s1+$0x10];
	v2 =	vsel vm2, v6, v2;
	v3 =	vsel vm1, v3, v4;
	v4 =	vadd.s32 s28, v1  }
0x360: {  	v2 =	vsel vm14, v4, v2;
	v4 =	vadd.s32 s29, v1  }
0x361: {  	v4 =	vsel vm1, v4, v2;
	v2 =	vld [tilespmem:s1+$0x20]  }
0x362: {  	s30 =	simm.s32 $0x40;
	vm2 =	vgt.f32 v5, v3  }
0x363: {  	s31 =	simm.s32 $0x50;
	v6 =	vadd.s32 s30, v1;
	v5 =	vsel vm2, v5, v3;
	v3 =	vld [tilespmem:s1+$0x30]  }
0x364: {  	s8 =	simm.s32 $0x0;
	s9 =	sadd.s32 $0x80, s1;
	s3 =	simm.s32 $0x0;
	v4 =	vsel vm2, v6, v4;
	vm14 =	vgt.f32 v0, v5;
	v6 =	vadd.s32 s31, v1  }
.LBB2_5:
0x365: {  	v7 =	vld [tilespmem:s9+$0xFFFFFFC0];
	s8 =	sadd.s32 $0x8, s8;
	v0 =	vsel vm14, v0, v5;
	v4 =	vsel vm14, v6, v4;
	s10 =	sadd.s32 $0x60, s3  }
0x366: {  	p1 =	slt.u32 s8, $0x48;
	vm1 =	vgt.f32 v2, v0;
	v5 =	vadd.s32 s10, v1  }
0x367: {  	s10 =	sadd.s32 $0x70, s3;
	v6 =	vld [tilespmem:s9+$0xFFFFFFD0];
	v0 =	vsel vm1, v2, v0;
	v2 =	vsel vm1, v5, v4  }
0x368: {  	v4 =	vadd.s32 s10, v1;
	vm1 =	vgt.f32 v3, v0  }
0x369: {  	s3 =	sadd.s32 $0x80, s3;
	v5 =	vld [tilespmem:s9+$0xFFFFFFE0];
	v0 =	vsel vm1, v3, v0;
	v2 =	vsel vm1, v4, v2  }
0x36a: {  	v3 =	vadd.s32 s3, v1;
	vm1 =	vgt.f32 v7, v0  }
0x36b: {  	s10 =	sadd.s32 $0x10, s3;
	v0 =	vsel vm1, v7, v0;
	v2 =	vsel vm1, v3, v2;
	v3 =	vld [tilespmem:s9+$0xFFFFFFF0]  }
0x36c: {  	v4 =	vadd.s32 s10, v1;
	vm1 =	vgt.f32 v6, v0  }
0x36d: {  	s10 =	sadd.s32 $0x20, s3;
	v0 =	vsel vm1, v6, v0;
	v2 =	vsel vm1, v4, v2;
	v4 =	vld [tilespmem:s9+$0x0]  }
0x36e: {  	v6 =	vadd.s32 s10, v1;
	vm1 =	vgt.f32 v5, v0  }
0x36f: {  	s10 =	sadd.s32 $0x30, s3;
	v5 =	vsel vm1, v5, v0;
	v2 =	vsel vm1, v6, v2;
	v0 =	vld [tilespmem:s9+$0x10]  }
.Ltmp1:
0x370: {  	v6 =	vadd.s32 s10, v1;
	vm1 =	vgt.f32 v3, v5;
	(pc) =	sbr.rel @p1 .LBB2_5-.Ltmp1, $4  }
0x371: {  	s10 =	sadd.s32 $0x40, s3;
	v3 =	vsel vm1, v3, v5;
	v6 =	vsel vm1, v6, v2;
	v2 =	vld [tilespmem:s9+$0x20]  }
0x372: {  	v7 =	vadd.s32 s10, v1;
	vm1 =	vgt.f32 v4, v3  }
0x373: {  	s10 =	sadd.s32 $0x50, s3;
	v5 =	vsel vm1, v4, v3;
	v4 =	vsel vm1, v7, v6;
	v3 =	vld [tilespmem:s9+$0x30]  }
0x374: {  	v6 =	vadd.s32 s10, v1;
	s9 =	sadd.s32 $0x80, s9;
	vm14 =	vgt.f32 v0, v5  }
0x375: {  	v0 =	vsel vm14, v0, v5  }
0x376: {  	vm1 =	vgt.f32 v2, v0  }
0x377: {  	v0 =	vsel vm1, v2, v0  }
0x378: {  	vm2 =	vgt.f32 v3, v0  }
0x379: {  	v0 =	vsel vm2, v3, v0  }
0x37a: {  	(xrf0) =	vmax.scan.msk.f32 $0xffff, v0;
	_ =	sdelay $0x4  }
0x37b: {  	s8 =	sadd.s32 $0x60, s3  }
0x37c: {  	s26 =	sadd.s32 $0x70, s3;
	v2 =	vsel vm14, v6, v4;
	v3 =	vadd.s32 s8, v1;
	v62, _, _ =	vpop (xrf0)  }
0x37d: {  	v2 =	vsel vm1, v3, v2;
	v3 =	vadd.s32 s26, v1;
	v4 =	vbroadcast v62, $0xF  }
0x37e: {  	v2 =	vsel vm2, v3, v2  }
0x37f: {  	vm1 =	veq.f32 v0, v4;
	v0 =	vxor.u32 $0x80000000, v2  }
0x380: {  	v0 =	vnsel vm1, $0xC0000000, v0  }
0x381: {  	(xrf0) =	vmin.scan.msk.u32 $0xffff, v0;
	_ =	sdelay $0x5  }
0x382: {  	v0, _, _ =	vpop (xrf0)  }
0x383: {  	(v2sf) =	vpush v0, $0xF;
	_ =	sdelay $0xe  }
0x384: {  	s28 =	spop (v2sf)  }
0x385: {  	s3 =	sxor.u32 $0x80000000, s28  }
0x386: {  	s29 =	ssub.s32 s3, s6  }
0x387: {  	v0 =	vmov s29  }
0x388: {  	v2 =	vadd.s32 $0x500, v0  }
0x389: {  	v3 =	vadd.s32 $0xA00, v0  }
0x38a: {  	v63 =	vadd.s32 $0xF00, v0;
	_ =	sdelay $0x1  }
0x38b: {  	v0 =	vld.idx.msk [tilespmem:v0+s13+$0x0], $0xffff  }
0x38c: {  	v2 =	vld.idx.msk [tilespmem:v2+s13+$0x0], $0xffff  }
0x38d: {  	v3 =	vld.idx.msk [tilespmem:v3+s13+$0x0], $0xffff  }
0x38e: {  	v5 =	vld.idx.msk [tilespmem:v63+s13+$0x0], $0xffff;
	_ =	sdelay $0x1  }
0x38f: {  	(xrf0) =	vmax.scan.msk.f32 $0xffff, v0  }
0x390: {  	(xrf0) =	vmax.scan.msk.f32 $0xffff, v2  }
0x391: {  	(xrf0) =	vmax.scan.msk.f32 $0xffff, v3  }
0x392: {  	(xrf0) =	vmax.scan.msk.f32 $0xffff, v5;
	_ =	sdelay $0x2  }
0x393: {  	v0, _, _ =	vpop (xrf0)  }
0x394: {  	v2, _, _ =	vpop (xrf0)  }
0x395: {  	v3, _, _ =	vpop (xrf0)  }
0x396: {  	v5, _, _ =	vpop (xrf0)  }
0x397: {  	v5 =	vbroadcast v5, $0xF  }
0x398: {  	v3 =	vbroadcast v3, $0xF  }
0x399: {  	s30 =	sshll.u32 s2, $0x4;
	s2 =	sadd.s32 $0x1, s2;
	v2 =	vbroadcast v2, $0xF;
	v5 =	vnsel vm3, $0x0, v5  }
0x39a: {  	p1 =	sne.s32 s2, $0x14;
	v0 =	vbroadcast v0, $0xF;
	v3 =	vsel vm5, v5, v3  }
.Ltmp2:
0x39b: {  	s3 =	scvt.s32.f32 s3;
	v2 =	vsel vm9, v3, v2;
	(pc) =	sbr.rel @p1 .LBB2_4-.Ltmp2, $4  }
0x39c: {  	vm1 =	veq.s32 v41, $0x1;
	v0 =	vsel vm10, v2, v0  }
0x39d: {  	vm14 =	vmmov $0x1;
	v0 =	vsel vm1, s3, v0  }
0x39e: {  	s31 =	sand.u32 $0x3FFFFFF0, s30;
	v0 =	vsel vm14, v4, v0  }
0x39f: {  	s1 =	sadd.s32 $0x500, s1;
	[tilespmem:s31+$0x16F00] =	vst v0  }
0x3a0: {  	s0 =	rddreg [dreg:$0x16];
	s1 =	simm.s32 $0x16F00  }
0x3a1: {  	[spmem:s0] =	stream.linear.scatter [tilespmem:s1], [sflag:$0x2], $0x140, $0x38;
	[tilespmem:$0x18C50] =	vst v63  }
0x3a2: {  	_ =	swait.ge [sflag:s14], $0x140  }
0x3a3: {  	[sflag:s14] =	ssyncset.done $0x0  }
0x3a4: {  	v0 =	vmul.u32 $0x140, v41;
	[sflag:s14] =	ssyncadd.s32 $0xFFFFFEC0  }
0x3a5: {  	s2 =	simm.s32 $0x0;
	[bflag:$0x0] =	sbarrier.arrive $0xFFFF  }
0x3a6: {  	v2 =	vadd.s32 s2, v0;
	s3 =	rddreg [dreg:$0x4]  }
0x3a7: {  	[tilespmem:s15], [sflag:$0x2] =	stream.linear.gather [spmem:s3], $0x1400, $0x38;
	[tilespmem:$0x18C50] =	vst v63  }
0x3a8: {  	_ =	swait.ge [sflag:s14], $0x1400  }
0x3a9: {  	[sflag:s14] =	ssyncset.done $0x0  }
0x3aa: {  	[sflag:s14] =	ssyncadd.s32 $0xFFFFEC00  }
0x3ab: {  	v2 =	vld.idx.msk [tilespmem:v2+s15+$0x0], $0xffff;
	_ =	sdelay $0x3  }
0x3ac: {  	s8 =	simm.s32 $0x1  }
0x3ad: {  	v3 =	vadd.s32 s8, v0;
	(xrf0) =	vmax.scan.msk.f32 $0xffff, v2;
	_ =	sdelay $0x4  }
0x3ae: {  	v3 =	vld.idx.msk [tilespmem:v3+s15+$0x0], $0xffff  }
0x3af: {  	v4, _, _ =	vpop (xrf0)  }
0x3b0: {  	v4 =	vbroadcast v4, $0xF;
	_ =	sdelay $0x1  }
0x3b1: {  	vm1 =	veq.f32 v2, v4  }
0x3b2: {  	s9 =	simm.s32 $0x2;
	v2 =	vnsel vm1, $0x4E6E6B28, v3  }
0x3b3: {  	s10 =	simm.s32 $0x3;
	v3 =	vadd.s32 s9, v0;
	(xrf0) =	vmin.scan.msk.f32 $0xffff, v2  }
0x3b4: {  	s11 =	simm.s32 $0x4;
	v5 =	vadd.s32 s10, v0  }
0x3b5: {  	s21 =	simm.s32 $0x5;
	v6 =	vadd.s32 s11, v0  }
0x3b6: {  	v7 =	vadd.s32 s21, v0;
	_ =	sdelay $0x1  }
0x3b7: {  	v3 =	vld.idx.msk [tilespmem:v3+s15+$0x0], $0xffff  }
0x3b8: {  	v5 =	vld.idx.msk [tilespmem:v5+s15+$0x0], $0xffff;
	v8, _, _ =	vpop (xrf0)  }
0x3b9: {  	v6 =	vld.idx.msk [tilespmem:v6+s15+$0x0], $0xffff;
	v8 =	vbroadcast v8, $0xF  }
0x3ba: {  	v7 =	vld.idx.msk [tilespmem:v7+s15+$0x0], $0xffff  }
0x3bb: {  	vm1 =	veq.f32 v2, v8  }
0x3bc: {  	v2 =	vnsel vm1, $0xFF61B1E6, v3  }
0x3bd: {  	v3 =	vnsel vm1, $0xFF61B1E6, v5;
	(xrf0) =	vmax.scan.msk.f32 $0xffff, v2  }
0x3be: {  	s22 =	simm.s32 $0x0;
	v2 =	vnsel vm1, $0xFF61B1E6, v6;
	(xrf0) =	vmax.scan.msk.f32 $0xffff, v3  }
0x3bf: {  	s23 =	simm.s32 $0x20;
	v3 =	vmov s22;
	(xrf0) =	vmax.scan.msk.f32 $0xffff, v2;
	v2 =	vnsel vm1, $0xFF61B1E6, v7  }
0x3c0: {  	s24 =	simm.s32 $0x40;
	v5 =	vmov s23;
	(xrf0) =	vmax.scan.msk.f32 $0xffff, v2  }
0x3c1: {  	s26 =	simm.s32 $0x60;
	v2 =	vmov s24  }
0x3c2: {  	s28 =	simm.s32 $0x80;
	v9 =	vmov s26  }
0x3c3: {  	s29 =	simm.s32 $0xA0;
	v10 =	vmov s28;
	v6, _, _ =	vpop (xrf0)  }
0x3c4: {  	s30 =	simm.s32 $0x10;
	[tilespmem:v3+s16+$0x0] =	vst.idx.msk $0x1, v4;
	v3 =	vbroadcast v6, $0xF;
	v4, _, _ =	vpop (xrf0);
	v6 =	vmov s29  }
0x3c5: {  	v7 =	vadd.s32 s30, v0;
	[tilespmem:v5+s16+$0x0] =	vst.idx.msk $0x1, v8;
	v4 =	vbroadcast v4, $0xF;
	v5, _, _ =	vpop (xrf0)  }
0x3c6: {  	s2 =	simm.s32 $0x11;
	[tilespmem:v2+s16+$0x0] =	vst.idx.msk $0x1, v3;
	v11 =	vbroadcast v5, $0xF;
	v8, _, _ =	vpop (xrf0)  }
0x3c7: {  	s31 =	simm.s32 $0x12;
	v45 =	vimm.f32 $0.0e+00;
	s8 =	simm.s32 $0x14;
	s3 =	simm.s32 $0x13;
	v5 =	vadd.s32 s2, v0;
	[tilespmem:v9+s16+$0x0] =	vst.idx.msk $0x1, v4;
	v8 =	vbroadcast v8, $0xF  }
0x3c8: {  	s0 =	simm.s32 $0x1;
	s1 =	simm.s32 $0x15;
	v2 =	vadd.s32 s31, v0;
	s2 =	simm.s32 $0x2;
	v3 =	vadd.s32 s3, v0;
	v4 =	vadd.s32 s8, v0;
	[tilespmem:v10+s16+$0x0] =	vst.idx.msk $0x1, v11  }
.LBB2_8:
0x3c9: {  	p1 =	sne.s32 s2, $0x13;
	[tilespmem:v6+s16+$0x0] =	vst.idx.msk $0x1, v8;
	s3 =	smov.u32 s2;
	s2 =	sadd.s32 $0x1, s2  }
0x3ca: {  	v6 =	vld.idx.msk [tilespmem:v7+s15+$0x0], $0xffff;
	_ =	sdelay $0x5  }
0x3cb: {  	(xrf0) =	vmax.scan.msk.f32 $0xffff, v6;
	_ =	sdelay $0x3  }
0x3cc: {  	v5 =	vld.idx.msk [tilespmem:v5+s15+$0x0], $0xffff;
	_ =	sdelay $0x1  }
0x3cd: {  	v7, _, _ =	vpop (xrf0)  }
0x3ce: {  	v7 =	vbroadcast v7, $0xF;
	_ =	sdelay $0x1  }
0x3cf: {  	vm1 =	veq.f32 v6, v7  }
0x3d0: {  	v5 =	vnsel vm1, $0x4E6E6B28, v5  }
0x3d1: {  	(xrf0) =	vmin.scan.msk.f32 $0xffff, v5;
	_ =	sdelay $0x1  }
0x3d2: {  	v6 =	vadd.s32 s1, v0;
	v3 =	vld.idx.msk [tilespmem:v3+s15+$0x0], $0xffff  }
0x3d3: {  	v8 =	vmov s0;
	v4 =	vld.idx.msk [tilespmem:v4+s15+$0x0], $0xffff  }
0x3d4: {  	v2 =	vld.idx.msk [tilespmem:v2+s15+$0x0], $0xffff;
	_ =	sdelay $0x1  }
0x3d5: {  	v9, _, _ =	vpop (xrf0)  }
0x3d6: {  	v9 =	vbroadcast v9, $0xF;
	v6 =	vld.idx.msk [tilespmem:v6+s15+$0x0], $0xffff  }
0x3d7: {  	[tilespmem:v8+s16+$0x0] =	vst.idx.msk $0x1, v7  }
0x3d8: {  	vm1 =	veq.f32 v5, v9  }
0x3d9: {  	v2 =	vnsel vm1, $0xFF61B1E6, v2;
	v3 =	vnsel vm1, $0xFF61B1E6, v3;
	v4 =	vnsel vm1, $0xFF61B1E6, v4  }
0x3da: {  	(xrf0) =	vmax.scan.msk.f32 $0xffff, v2  }
0x3db: {  	(xrf0) =	vmax.scan.msk.f32 $0xffff, v3  }
0x3dc: {  	s8 =	sadd.s32 $0x20, s0;
	v2 =	vnsel vm1, $0xFF61B1E6, v6;
	(xrf0) =	vmax.scan.msk.f32 $0xffff, v4  }
0x3dd: {  	v3 =	vmov s8;
	s8 =	sadd.s32 $0x40, s0;
	(xrf0) =	vmax.scan.msk.f32 $0xffff, v2  }
0x3de: {  	v4 =	vmov s8;
	s8 =	sadd.s32 $0x60, s0  }
0x3df: {  	v8 =	vmov s8;
	s8 =	sadd.s32 $0x80, s0  }
0x3e0: {  	s1 =	sadd.s32 $0x10, s1;
	v10 =	vmov s8;
	s8 =	sadd.s32 $0xA0, s0;
	s0 =	smov.u32 s3;
	v2, _, _ =	vpop (xrf0)  }
.Ltmp3:
0x3e1: {  	s9 =	sadd.s32 $0xFFFFFFFC, s1;
	s3 =	sadd.s32 $0xFFFFFFFB, s1;
	v6 =	vmov s8;
	v11 =	vbroadcast v2, $0xF;
	v2, _, _ =	vpop (xrf0);
	(pc) =	sbr.rel @p1 .LBB2_8-.Ltmp3, $4  }
0x3e2: {  	v5 =	vadd.s32 s9, v0;
	v7 =	vadd.s32 s3, v0;
	s3 =	sadd.s32 $0xFFFFFFFD, s1;
	s8 =	sadd.s32 $0xFFFFFFFE, s1;
	[tilespmem:v3+s16+$0x0] =	vst.idx.msk $0x1, v9;
	v9 =	vbroadcast v2, $0xF;
	v12, _, _ =	vpop (xrf0)  }
0x3e3: {  	v2 =	vadd.s32 s3, v0;
	v3 =	vadd.s32 s8, v0;
	s3 =	sadd.s32 $0xFFFFFFFF, s1;
	[tilespmem:v4+s16+$0x0] =	vst.idx.msk $0x1, v11;
	v11 =	vbroadcast v12, $0xF;
	v12, _, _ =	vpop (xrf0)  }
0x3e4: {  	v4 =	vadd.s32 s3, v0;
	[tilespmem:v8+s16+$0x0] =	vst.idx.msk $0x1, v9;
	v8 =	vbroadcast v12, $0xF  }
0x3e5: {  	[tilespmem:v10+s16+$0x0] =	vst.idx.msk $0x1, v11  }
0x3e6: {  	_ =	sdelay $0x3  }
0x3e7: {  	[tilespmem:v6+s16+$0x0] =	vst.idx.msk $0x1, v8  }
0x3e8: {  	v6 =	vld.idx.msk [tilespmem:v7+s15+$0x0], $0xffff;
	_ =	sdelay $0x4  }
0x3e9: {  	(xrf0) =	vmax.scan.msk.f32 $0xffff, v6;
	_ =	sdelay $0x4  }
0x3ea: {  	v5 =	vld.idx.msk [tilespmem:v5+s15+$0x0], $0xffff  }
0x3eb: {  	v56, _, _ =	vpop (xrf0)  }
0x3ec: {  	v7 =	vbroadcast v56, $0xF;
	_ =	sdelay $0x1  }
0x3ed: {  	vm1 =	veq.f32 v6, v7  }
0x3ee: {  	v5 =	vnsel vm1, $0x4E6E6B28, v5  }
0x3ef: {  	(xrf0) =	vmin.scan.msk.f32 $0xffff, v5;
	_ =	sdelay $0x4  }
0x3f0: {  	v0 =	vadd.s32 s1, v0;
	v2 =	vld.idx.msk [tilespmem:v2+s15+$0x0], $0xffff  }
0x3f1: {  	v57, _, _ =	vpop (xrf0)  }
0x3f2: {  	v3 =	vld.idx.msk [tilespmem:v3+s15+$0x0], $0xffff;
	v6 =	vbroadcast v57, $0xF;
	_ =	sdelay $0x1  }
0x3f3: {  	v4 =	vld.idx.msk [tilespmem:v4+s15+$0x0], $0xffff;
	vm1 =	veq.f32 v5, v6  }
0x3f4: {  	v0 =	vld.idx.msk [tilespmem:v0+s15+$0x0], $0xffff;
	v2 =	vnsel vm1, $0xFF61B1E6, v2  }
0x3f5: {  	(xrf0) =	vmax.scan.msk.f32 $0xffff, v2  }
0x3f6: {  	v3 =	vnsel vm1, $0xFF61B1E6, v3  }
0x3f7: {  	(xrf0) =	vmax.scan.msk.f32 $0xffff, v3;
	v3 =	vmov s0  }
0x3f8: {  	v2 =	vnsel vm1, $0xFF61B1E6, v4  }
0x3f9: {  	s21 =	sadd.s32 $0x20, s0;
	v0 =	vnsel vm1, $0xFF61B1E6, v0;
	(xrf0) =	vmax.scan.msk.f32 $0xffff, v2  }
0x3fa: {  	s22 =	sadd.s32 $0x40, s0;
	v2 =	vmov s21;
	(xrf0) =	vmax.scan.msk.f32 $0xffff, v0  }
0x3fb: {  	s23 =	sadd.s32 $0x60, s0;
	v0 =	vmov s22;
	v60, _, _ =	vpop (xrf0)  }
0x3fc: {  	s24 =	sadd.s32 $0x80, s0;
	v58 =	vmov s23;
	[tilespmem:v3+s16+$0x0] =	vst.idx.msk $0x1, v7;
	v3 =	vbroadcast v60, $0xF  }
0x3fd: {  	s26 =	sadd.s32 $0xA0, s0;
	v59 =	vmov s24  }
0x3fe: {  	v61 =	vmov s26;
	v62, _, _ =	vpop (xrf0)  }
0x3ff: {  	[tilespmem:v2+s16+$0x0] =	vst.idx.msk $0x1, v6;
	v2 =	vbroadcast v62, $0xF;
	v63, _, _ =	vpop (xrf0)  }
0x400: {  	[tilespmem:v0+s16+$0x0] =	vst.idx.msk $0x1, v3;
	v0 =	vbroadcast v63, $0xF;
	v3, _, _ =	vpop (xrf0)  }
0x401: {  	[tilespmem:v58+s16+$0x0] =	vst.idx.msk $0x1, v2;
	v2 =	vbroadcast v3, $0xF  }
0x402: {  	[tilespmem:v59+s16+$0x0] =	vst.idx.msk $0x1, v0  }
0x403: {  	[tilespmem:v61+s16+$0x0] =	vst.idx.msk $0x1, v2  }
0x404: {  	v0 =	vld [tilespmem:$0x16D00]  }
0x405: {  	v2 =	vld [tilespmem:$0x16D10];
	_ =	sdelay $0x3  }
0x406: {  	(xrf0) =	vmax.scan.msk.f32 $0xffff, v0  }
0x407: {  	(xrf0) =	vmax.scan.msk.f32 $0xffff, v2;
	_ =	sdelay $0x4  }
0x408: {  	v3, _, _ =	vpop (xrf0)  }
0x409: {  	(v2sf) =	vpush v3, $0xF;
	v3, _, _ =	vpop (xrf0)  }
0x40a: {  	(v2sf) =	vpush v3, $0xF;
	_ =	sdelay $0x8  }
0x40b: {  	v3 =	vld [tilespmem:$0x16D20]  }
0x40c: {  	v4 =	vld [tilespmem:$0x16D30];
	_ =	sdelay $0x3  }
0x40d: {  	v3 =	vmul.f32 $2.000000000e+01, v3;
	s29 =	spop (v2sf)  }
0x40e: {  	v4 =	vmul.f32 $2.000000000e+01, v4;
	s30 =	spop (v2sf)  }
0x40f: {  	v3 =	vadd.f32 v42, v3;
	s0 =	smax.f32 s29, s30  }
0x410: {  	vm1 =	veq.f32 v0, s0;
	v0 =	vadd.f32 v43, v4  }
0x411: {  	v3 =	vnsel vm1, $0x4E6E6B28, v3;
	vm1 =	veq.f32 v2, s0  }
0x412: {  	v0 =	vnsel vm1, $0x4E6E6B28, v0;
	(xrf0) =	vmin.scan.msk.f32 $0xffff, v3  }
0x413: {  	(xrf0) =	vmin.scan.msk.f32 $0xffff, v0;
	_ =	sdelay $0x4  }
0x414: {  	v0, _, _ =	vpop (xrf0)  }
0x415: {  	(v2sf) =	vpush v0, $0xF;
	v0, _, _ =	vpop (xrf0)  }
0x416: {  	(v2sf) =	vpush v0, $0xF;
	_ =	sdelay $0xd  }
0x417: {  	s31 =	spop (v2sf)  }
0x418: {  	s2 =	spop (v2sf)  }
0x419: {  	s1 =	smin.f32 s31, s2  }
0x41a: {  	s2 =	scvt.f32.s32 s1;
	_ =	sdelay $0x1  }
0x41b: {  	s3 =	smulhi.u32 $0x66666667, s2;
	s8 =	sshra.s32 s2, $0x1F  }
0x41c: {  	s8 =	smul.u32 $0x66666667, s8;
	_ =	sdelay $0x1  }
0x41d: {  	s3 =	sadd.s32 s8, s3  }
0x41e: {  	s8 =	sshrl.u32 s3, $0x1F;
	s3 =	sshra.s32 s3, $0x3  }
0x41f: {  	s3 =	sadd.s32 s8, s3  }
0x420: {  	s3 =	smul.u32 $0x14, s3;
	_ =	sdelay $0x1  }
0x421: {  	s2 =	ssub.s32 s2, s3  }
0x422: {  	v0 =	vadd.s32 s2, v44;
	_ =	sdelay $0x4  }
0x423: {  	v0 =	vld.idx.msk [tilespmem:v0+s16+$0x0], $0xffff;
	_ =	sdelay $0x4  }
0x424: {  	v2 =	vnsel vm14, $0xFF61B1E6, v0  }
0x425: {  	(xrf0) =	vmax.scan.msk.f32 $0xffff, v2;
	v2 =	vsel vm11, $0xFF61B1E6, v0  }
0x426: {  	(xrf0) =	vmax.scan.msk.f32 $0xffff, v2;
	v2 =	vsel vm12, $0xFF61B1E6, v0  }
0x427: {  	v0 =	vsel vm13, $0xFF61B1E6, v0;
	(xrf0) =	vmax.scan.msk.f32 $0xffff, v2  }
0x428: {  	(xrf0) =	vmax.scan.msk.f32 $0xffff, v0;
	_ =	sdelay $0x2  }
0x429: {  	v0, _, _ =	vpop (xrf0)  }
0x42a: {  	(v2sf) =	vpush v0, $0xF;
	v0, _, _ =	vpop (xrf0)  }
0x42b: {  	(v2sf) =	vpush v0, $0xF;
	v0, _, _ =	vpop (xrf0)  }
0x42c: {  	(v2sf) =	vpush v0, $0xF;
	v0, _, _ =	vpop (xrf0)  }
0x42d: {  	(v2sf) =	vpush v0, $0xF;
	_ =	sdelay $0xb  }
0x42e: {  	s3 =	spop (v2sf)  }
0x42f: {  	s2 =	spop (v2sf)  }
0x430: {  	s28 =	spop (v2sf)  }
0x431: {  	s21 =	simm.s32 $0x0;
	s22 =	simm.s32 $0x0;
	s24 =	spop (v2sf)  }
.LBB2_10:
0x432: {  	s1 =	scvt.f32.s32 s1;
	_ =	sdelay $0x1  }
0x433: {  	s8 =	smulhi.u32 $0x66666667, s1;
	s9 =	sshra.s32 s1, $0x1F  }
0x434: {  	s9 =	smul.u32 $0x66666667, s9;
	_ =	sdelay $0x1  }
0x435: {  	s8 =	sadd.s32 s9, s8  }
0x436: {  	s9 =	sshrl.u32 s8, $0x1F;
	s8 =	sshra.s32 s8, $0x3  }
0x437: {  	s8 =	sadd.s32 s9, s8  }
0x438: {  	s9 =	smul.u32 $0xFFFFFFEC, s8  }
0x439: {  	s8 =	ssub.s32 s8, s6  }
0x43a: {  	v0 =	vmov s3;
	vm1 =	vcmask $0x300;
	p2 =	sgt.s32 s8, $0x0;
	s23 =	sadd.s32 s1, s9  }
0x43b: {  	vm2 =	vcmask $0x704;
	v0 =	vnsel vm1, $0x0, v0;
	vm1 =	vmmov vm0;
	p1 =	slt.u32 s8, $0x500;
	s8 =	simm.s32 @!p2 $0x0;
	s26 =	smul.u32 $0x500, s23  }
0x43c: {  	v0 =	vsel vm2, s2, v0;
	vm2 =	vcmask $0xB08;
	vm1 =	vmneg @p1 vm1;
	s8 =	smin.u32 s8, $0x4FF  }
0x43d: {  	v0 =	vsel vm2, s28, v0;
	s9 =	sadd.s32 $0x1, s23;
	vm1 =	vmand vm1, vm14;
	s1 =	sadd.s32 s26, s8  }
0x43e: {  	v0 =	vsel vm8, s24, v0;
	s8 =	scvt.s32.f32 s9;
	v2 =	vmov s1  }
0x43f: {  	p6 =	sgt.f32 s0, $0.0e+00;
	v0 =	vsel vm7, s0, v0  }
0x440: {  	v3 =	vsel vm3, $0xBF800000, v45;
	s10 =	sshll.u32 s22, $0x4;
	v0 =	vsel vm3, s8, v0  }
0x441: {  	s0 =	sand.u32 $0x3FFFFFF0, s10;
	v0 =	vpsel p6, v0, v3  }
0x442: {  	[tilespmem:s0+$0x18480] =	vst v0  }
0x443: {  	s0 =	simm.s32 $0xF500;
	[tilespmem:v2+s17+$0x0] =	vst.idx.msk vm1, v45  }
0x444: {  	v0 =	vld [tilespmem:s0+$0x30]  }
0x445: {  	v3 =	vld [tilespmem:s0+$0x530]  }
0x446: {  	v5 =	vld [tilespmem:s0+$0xA30]  }
0x447: {  	v7 =	vld [tilespmem:s0+$0xF30]  }
0x448: {  	v8 =	vld [tilespmem:s0+$0x20]  }
0x449: {  	v9 =	vld [tilespmem:s0+$0x520]  }
0x44a: {  	v10 =	vld [tilespmem:s0+$0xA20]  }
0x44b: {  	s1 =	smul.f32 $4.000000000e+00, s8;
	v11 =	vld [tilespmem:s0+$0xF20]  }
0x44c: {  	v12 =	vld [tilespmem:s0+$0x10]  }
0x44d: {  	s11 =	sadd.f32 s1, s3;
	v13 =	vld [tilespmem:s0+$0x510]  }
0x44e: {  	s2 =	sadd.f32 s1, s2;
	v14 =	vld [tilespmem:s0+$0xA10]  }
0x44f: {  	s8 =	sadd.f32 s1, s28;
	v15 =	vld [tilespmem:s0+$0xF10]  }
0x450: {  	s9 =	sadd.f32 s1, s24;
	v6 =	vmov s1;
	v16 =	vld [tilespmem:s0+$0x0];
	s0 =	sand.u32 $0x7C0, s21  }
0x451: {  	v23 =	vimm.f32 $-1.000000000e+00;
	s10 =	ssub.f32 s8, s11;
	v18 =	vld [tilespmem:s0+$0xFA00];
	v17 =	vadd.f32 v0, v6;
	v19 =	vadd.f32 v3, v6  }
0x452: {  	v25 =	vimm.s32 $0x0;
	s24 =	ssub.f32 s9, s2;
	v20 =	vld [tilespmem:s0+$0xFF00];
	v21 =	vadd.f32 v5, v6;
	v7 =	vadd.f32 v7, v6  }
0x453: {  	v2 =	vmov s11;
	v22 =	vld [tilespmem:s0+$0x10400];
	v8 =	vadd.f32 v8, v6;
	v9 =	vadd.f32 v9, v6  }
0x454: {  	v4 =	vmov s2;
	s11 =	smax.f32 s10, $0.0e+00;
	s24 =	smax.f32 s24, $0.0e+00;
	v10 =	vadd.f32 v10, v6;
	v11 =	vadd.f32 v11, v6  }
0x455: {  	s1 =	smul.f32 s24, s11;
	v3 =	vmov s8;
	v12 =	vadd.f32 v12, v6;
	v13 =	vadd.f32 v13, v6  }
0x456: {  	v5 =	vmov s9;
	v14 =	vadd.f32 v14, v6;
	v15 =	vadd.f32 v15, v6  }
0x457: {  	v0 =	vmov s1;
	v16 =	vadd.f32 v16, v6;
	v18 =	vadd.f32 v18, v6  }
0x458: {  	s0 =	simm.s32 $0x30;
	s11 =	simm.s32 $0xF540;
	s8 =	sadd.s32 $0x0, s26;
	v20 =	vadd.f32 v20, v6;
	v22 =	vadd.f32 v22, v6;
	v17 =	vmax.f32 v2, v17  }
0x459: {  	v27 =	vld [tilespmem:s11+$0x30];
	s9 =	sand.u32 $0x70, s0;
	s8 =	sand.u32 $0xFFFFFF80, s8;
	v19 =	vmax.f32 v4, v19;
	v21 =	vmin.f32 v3, v21;
	v7 =	vmin.f32 v5, v7  }
0x45a: {  	v28 =	vld [tilespmem:s11+$0x530];
	s24 =	sor.u32 s9, s8;
	v8 =	vmax.f32 v2, v8;
	v9 =	vmax.f32 v4, v9;
	v10 =	vmin.f32 v3, v10;
	s9 =	sand.u32 $0x40, s21  }
0x45b: {  	s3 =	simm.s32 $0x20;
	v30 =	vld [tilespmem:s11+$0xA30];
	v12 =	vmax.f32 v2, v12;
	v13 =	vmax.f32 v4, v13;
	v16 =	vmax.f32 v2, v16;
	s2 =	sor.u32 s9, s8;
	s9 =	simm.s32 $0x10  }
0x45c: {  	s10 =	sand.u32 $0x60, s3;
	v14 =	vmin.f32 v3, v14;
	v18 =	vmax.f32 v4, v18;
	v20 =	vmin.f32 v3, v20;
	v29 =	vld [tilespmem:s2+$0x10900];
	s28 =	sand.u32 $0x50, s9  }
0x45d: {  	s1 =	sor.u32 s10, s8;
	v24 =	vld [tilespmem:s24+$0x10900];
	v22 =	vmin.f32 v5, v22;
	v12 =	vsub.f32 v14, v12;
	v14 =	vsub.f32 v21, v17;
	s8 =	sor.u32 s28, s8  }
0x45e: {  	v15 =	vmin.f32 v5, v15;
	v16 =	vsub.f32 v20, v16;
	v18 =	vsub.f32 v22, v18;
	v20 =	vld [tilespmem:s8+$0x10900]  }
0x45f: {  	v11 =	vmin.f32 v5, v11;
	v26 =	vld [tilespmem:s1+$0x10900];
	v13 =	vsub.f32 v15, v13;
	v8 =	vsub.f32 v10, v8  }
0x460: {  	v17 =	vld [tilespmem:s11+$0x20];
	v9 =	vsub.f32 v11, v9;
	v16 =	vmax.f32 v16, $0.0e+00;
	v18 =	vmax.f32 v18, $0.0e+00  }
0x461: {  	v15 =	vld [tilespmem:s11+$0x520];
	v7 =	vsub.f32 v7, v19;
	v31 =	vmul.f32 v18, v16;
	v16 =	vadd.f32 v29, v0  }
0x462: {  	v10 =	vld [tilespmem:s11+$0xA20];
	v12 =	vmax.f32 v12, $0.0e+00;
	v13 =	vmax.f32 v13, $0.0e+00;
	v8 =	vmax.f32 v8, $0.0e+00  }
0x463: {  	v11 =	vld [tilespmem:s11+$0xF20];
	v12 =	vmul.f32 v13, v12;
	v16 =	vsub.f32 v16, v31;
	v13 =	vadd.f32 v20, v0  }
0x464: {  	v19 =	vld [tilespmem:s11+$0x510];
	v9 =	vmax.f32 v9, $0.0e+00;
	v7 =	vmax.f32 v7, $0.0e+00;
	v26 =	vadd.f32 v26, v0  }
0x465: {  	v22 =	vld [tilespmem:s11+$0xF30];
	v29 =	vmul.f32 v9, v8;
	v16 =	vmax.f32 v16, $9.999999710e-10;
	v13 =	vsub.f32 v13, v12  }
0x466: {  	v24 =	vadd.f32 v24, v0;
	v8 =	vld [tilespmem:s11+$0xA10];
	v9 =	vmax.f32 v14, $0.0e+00;
	(erf) = vrcp.f32 v16  }
0x467: {  	v14 =	vld [tilespmem:s11+$0xF10];
	v16 =	vsub.f32 v26, v29;
	v26 =	vmul.f32 v7, v9;
	v13 =	vmax.f32 v13, $9.999999710e-10  }
0x468: {  	s30 =	simm.s32 $0x40;
	v32 =	vadd.s32 s21, v1;
	v39 =	vadd.s32 s3, v1;
	v20 =	vld [tilespmem:s11+$0x10];
	(erf) = vrcp.f32 v13  }
0x469: {  	v27 =	vadd.f32 v27, v6;
	v9 =	vld [tilespmem:s11+$0x0];
	s11 =	sand.u32 $0x7C0, s30;
	v7 =	vmax.f32 v16, $9.999999710e-10;
	v16 =	vsub.f32 v24, v26  }
0x46a: {  	v28 =	vadd.f32 v28, v6;
	v30 =	vadd.f32 v30, v6;
	v34 =	vld [tilespmem:s11+$0x10400];
	(erf) = vrcp.f32 v7  }
0x46b: {  	v35 =	vadd.f32 v17, v6;
	v36 =	vadd.f32 v15, v6;
	v24 =	vld [tilespmem:s11+$0xFF00];
	v7 =	vmax.f32 v16, $9.999999710e-10  }
0x46c: {  	v37 =	vadd.f32 v10, v6;
	v18 =	vadd.f32 v11, v6;
	v13 =	vld [tilespmem:s11+$0xFA00];
	(erf) = vrcp.f32 v7  }
0x46d: {  	v40 =	vadd.s32 s9, v1;
	v17 =	vadd.f32 v19, v6;
	v33 =	vadd.f32 v22, v6  }
0x46e: {  	v38 =	vld [tilespmem:s2+$0x9100];
	v15 =	vmin.f32 v3, v30;
	v11 =	vadd.f32 v8, v6;
	v10 =	vadd.f32 v14, v6  }
0x46f: {  	v22 =	vadd.f32 v20, v6;
	v7 =	vadd.s32 s0, v1;
	v21 =	vadd.f32 v9, v6;
	v8 =	vpop (erf)  }
0x470: {  	v9 =	vmin.f32 v5, v33;
	v19 =	vadd.f32 v24, v6;
	v24 =	vld [tilespmem:s8+$0x9100];
	v14 =	vmul.f32 v8, v31  }
0x471: {  	v20 =	vadd.f32 v34, v6;
	v16 =	vadd.f32 v13, v6;
	v13 =	vmax.f32 v2, v27;
	v27 =	vpop (erf)  }
0x472: {  	v8 =	vmax.f32 v4, v28;
	v28 =	vld [tilespmem:s1+$0x9100];
	vm1 =	vgt.f32 v14, $4.499999880e-01;
	v27 =	vmul.f32 v27, v12  }
0x473: {  	s29 =	simm.s32 $0x70;
	s9 =	sadd.s32 $0x40, s26;
	v14 =	vmax.f32 v2, v35;
	v12 =	vmax.f32 v4, v36;
	v31 =	vpop (erf);
	v30 =	vsel vm1, $0x0, v38  }
0x474: {  	s10 =	sand.u32 $0x70, s29;
	s9 =	sand.u32 $0xFFFFFF80, s9;
	s0 =	simm.s32 $0x60;
	vm1 =	vgt.f32 v30, v23;
	vm2 =	vgt.f32 v27, $4.499999880e-01;
	v27 =	vmul.f32 v31, v29;
	v29 =	vld [tilespmem:s24+$0x9100]  }
0x475: {  	s3 =	sor.u32 s10, s9;
	s11 =	sand.u32 $0x60, s0;
	v31 =	vpop (erf);
	v23 =	vsel vm1, v30, v23;
	v25 =	vsel vm1, v32, v25;
	v24 =	vsel vm2, $0x0, v24  }
0x476: {  	s28 =	sor.u32 s11, s9;
	v26 =	vmul.f32 v31, v26;
	vm1 =	vgt.f32 v24, v23;
	vm2 =	vgt.f32 v27, $4.499999880e-01;
	v27 =	vld [tilespmem:s3+$0x10900]  }
0x477: {  	[tilespmem:s2+$0x9100] =	vst v30;
	v23 =	vsel vm1, v24, v23;
	v30 =	vsel vm1, v40, v25;
	v31 =	vsel vm2, $0x0, v28;
	v28 =	vld [tilespmem:s28+$0x10900]  }
0x478: {  	[tilespmem:s8+$0x9100] =	vst v24;
	v25 =	vmin.f32 v3, v37;
	vm2 =	vgt.f32 v26, $4.499999880e-01;
	vm1 =	vgt.f32 v31, v23  }
0x479: {  	s31 =	simm.s32 $0x40;
	s2 =	simm.s32 $0x4;
	[tilespmem:s1+$0x9100] =	vst v31;
	s1 =	simm.s32 $0xF580;
	v26 =	vsel vm1, v31, v23;
	v24 =	vsel vm1, v39, v30;
	v23 =	vsel vm2, $0x0, v29  }
.LBB2_11:
0x47a: {  	v29 =	vld [tilespmem:s1+$0x30];
	s8 =	sand.u32 $0x40, s30;
	v22 =	vmax.f32 v2, v22;
	v18 =	vmin.f32 v5, v18;
	[tilespmem:s24+$0x9100] =	vst v23;
	vm1 =	vgt.f32 v23, v26;
	s24 =	smov.u32 s3  }
0x47b: {  	s10 =	sadd.s32 $0x10, s30;
	v17 =	vmax.f32 v4, v17;
	v30 =	vld [tilespmem:s1+$0x530];
	s3 =	sor.u32 s8, s9;
	v23 =	vsel vm1, v23, v26;
	v24 =	vsel vm1, v7, v24  }
0x47c: {  	v7 =	vmax.f32 v2, v21;
	s8 =	sand.u32 $0x50, s10;
	v27 =	vadd.f32 v27, v0;
	v21 =	vld [tilespmem:s3+$0x10900];
	v26 =	vadd.f32 v28, v0  }
0x47d: {  	v16 =	vmax.f32 v4, v16;
	v19 =	vmin.f32 v3, v19;
	v20 =	vmin.f32 v5, v20;
	s8 =	sor.u32 s8, s9;
	v28 =	vld [tilespmem:s1+$0xA30]  }
0x47e: {  	v11 =	vmin.f32 v3, v11;
	v16 =	vsub.f32 v20, v16;
	v7 =	vsub.f32 v19, v7;
	v19 =	vld [tilespmem:s8+$0x10900]  }
0x47f: {  	v10 =	vmin.f32 v5, v10;
	v13 =	vsub.f32 v15, v13;
	v11 =	vsub.f32 v11, v22;
	v20 =	vld [tilespmem:s1+$0xF30]  }
0x480: {  	v10 =	vsub.f32 v10, v17;
	v16 =	vmax.f32 v16, $0.0e+00;
	v7 =	vmax.f32 v7, $0.0e+00;
	v15 =	vld [tilespmem:s1+$0x20]  }
0x481: {  	v14 =	vsub.f32 v25, v14;
	v31 =	vmul.f32 v16, v7;
	v17 =	vld [tilespmem:s1+$0x520];
	v7 =	vadd.f32 v21, v0  }
0x482: {  	v12 =	vsub.f32 v18, v12;
	v11 =	vmax.f32 v11, $0.0e+00;
	v10 =	vmax.f32 v10, $0.0e+00;
	v16 =	vld [tilespmem:s1+$0xA20]  }
0x483: {  	v25 =	vmul.f32 v10, v11;
	v18 =	vld [tilespmem:s1+$0xF20];
	v7 =	vsub.f32 v7, v31;
	v10 =	vadd.f32 v19, v0  }
0x484: {  	v8 =	vsub.f32 v9, v8;
	v14 =	vmax.f32 v14, $0.0e+00;
	v12 =	vmax.f32 v12, $0.0e+00;
	v11 =	vld [tilespmem:s1+$0x10]  }
0x485: {  	v32 =	vmul.f32 v12, v14;
	v9 =	vld [tilespmem:s1+$0x510];
	v7 =	vmax.f32 v7, $9.999999710e-10;
	v10 =	vsub.f32 v10, v25  }
0x486: {  	v13 =	vmax.f32 v13, $0.0e+00;
	v8 =	vmax.f32 v8, $0.0e+00;
	v12 =	vld [tilespmem:s1+$0xA10];
	(erf) = vrcp.f32 v7  }
0x487: {  	s30 =	sadd.s32 $0x40, s30;
	v14 =	vld [tilespmem:s1+$0xF10];
	v7 =	vmax.f32 v10, $9.999999710e-10;
	v10 =	vsub.f32 v26, v32;
	v26 =	vmul.f32 v8, v13  }
0x488: {  	s9 =	sand.u32 $0x7C0, s30;
	v13 =	vadd.f32 v29, v6;
	v29 =	vadd.s32 s31, v1;
	s31 =	smov.u32 s30;
	v8 =	vld [tilespmem:s1+$0x0];
	(erf) = vrcp.f32 v7  }
0x489: {  	v30 =	vadd.f32 v30, v6;
	v19 =	vld [tilespmem:s9+$0xFA00];
	v7 =	vmax.f32 v10, $9.999999710e-10;
	v10 =	vsub.f32 v27, v26  }
0x48a: {  	v28 =	vadd.f32 v28, v6;
	v33 =	vadd.f32 v20, v6;
	v27 =	vld [tilespmem:s9+$0xFF00];
	(erf) = vrcp.f32 v7  }
0x48b: {  	v34 =	vadd.f32 v15, v6;
	v35 =	vadd.f32 v17, v6;
	v20 =	vld [tilespmem:s9+$0x10400];
	v7 =	vmax.f32 v10, $9.999999710e-10  }
0x48c: {  	v36 =	vadd.f32 v16, v6;
	v18 =	vadd.f32 v18, v6;
	(erf) = vrcp.f32 v7  }
0x48d: {  	v22 =	vadd.f32 v11, v6;
	v17 =	vadd.f32 v9, v6;
	v7 =	vadd.s32 s29, v1  }
0x48e: {  	v38 =	vadd.s32 s0, v1;
	v11 =	vadd.f32 v12, v6;
	v10 =	vadd.f32 v14, v6;
	v37 =	vld [tilespmem:s3+$0x9100]  }
0x48f: {  	v39 =	vadd.s32 s10, v1;
	v21 =	vadd.f32 v8, v6;
	v16 =	vadd.f32 v19, v6;
	v8 =	vpop (erf)  }
0x490: {  	v19 =	vadd.f32 v27, v6;
	v20 =	vadd.f32 v20, v6;
	v12 =	vmul.f32 v8, v31;
	v27 =	vld [tilespmem:s8+$0x9100]  }
0x491: {  	v15 =	vmin.f32 v3, v28;
	v13 =	vmax.f32 v2, v13;
	v8 =	vmax.f32 v4, v30;
	v14 =	vpop (erf)  }
0x492: {  	s2 =	sadd.s32 $0x4, s2;
	v9 =	vmin.f32 v5, v33;
	vm1 =	vgt.f32 v12, $4.499999880e-01;
	v25 =	vmul.f32 v14, v25;
	v30 =	vld [tilespmem:s28+$0x9100]  }
0x493: {  	s0 =	sadd.s32 s30, s26;
	p1 =	slt.u32 s2, $0x4C;
	s29 =	sadd.s32 $0x30, s30;
	v14 =	vmax.f32 v2, v34;
	v12 =	vmax.f32 v4, v35;
	v33 =	vsel vm1, $0x0, v37;
	v31 =	vpop (erf)  }
0x494: {  	s9 =	sand.u32 $0xFFFFFF80, s0;
	s0 =	sadd.s32 $0x20, s30;
	s10 =	sand.u32 $0x70, s29;
	[tilespmem:s3+$0x9100] =	vst v33;
	vm1 =	vgt.f32 v33, v23;
	vm2 =	vgt.f32 v25, $4.499999880e-01;
	v25 =	vmul.f32 v31, v32;
	v31 =	vld [tilespmem:s24+$0x9100]  }
.Ltmp4:
0x495: {  	s11 =	sand.u32 $0x60, s0;
	s3 =	sor.u32 s10, s9;
	v23 =	vsel vm1, v33, v23;
	v24 =	vsel vm1, v29, v24;
	v29 =	vsel vm2, $0x0, v27;
	v28 =	vpop (erf);
	(pc) =	sbr.rel @p1 .LBB2_11-.Ltmp4, $4  }
0x496: {  	s10 =	sor.u32 s11, s9;
	v27 =	vld [tilespmem:s3+$0x10900];
	[tilespmem:s8+$0x9100] =	vst v29;
	vm1 =	vgt.f32 v29, v23;
	vm2 =	vgt.f32 v25, $4.499999880e-01;
	v26 =	vmul.f32 v28, v26  }
0x497: {  	v28 =	vld [tilespmem:s10+$0x10900];
	v23 =	vsel vm1, v29, v23;
	v24 =	vsel vm1, v39, v24;
	v29 =	vsel vm2, $0x0, v30  }
0x498: {  	v25 =	vmin.f32 v3, v36;
	[tilespmem:s28+$0x9100] =	vst v29;
	vm1 =	vgt.f32 v29, v23;
	vm2 =	vgt.f32 v26, $4.499999880e-01;
	s28 =	smov.u32 s10  }
0x499: {  	s1 =	sadd.s32 $0x40, s1;
	v26 =	vsel vm1, v29, v23;
	v24 =	vsel vm1, v38, v24;
	v23 =	vsel vm2, $0x0, v31  }
0x49a: {  	s1 =	sand.u32 $0x40, s30  }
0x49b: {  	v6 =	vmax.f32 v2, v22;
	v18 =	vmin.f32 v5, v18;
	s8 =	sadd.s32 $0x10, s30;
	v17 =	vmax.f32 v4, v17;
	s1 =	sor.u32 s1, s9  }
0x49c: {  	v2 =	vmax.f32 v2, v21;
	v56 =	vmax.f32 v4, v16;
	v57 =	vmin.f32 v3, v19;
	s2 =	sand.u32 $0x50, s8;
	v54 =	vld [tilespmem:s1+$0x10900]  }
0x49d: {  	v58 =	vmin.f32 v5, v20;
	v61 =	vsub.f32 v15, v13;
	v63 =	vsub.f32 v25, v14;
	s2 =	sor.u32 s2, s9  }
0x49e: {  	v3 =	vmin.f32 v3, v11;
	v2 =	vsub.f32 v57, v2;
	v4 =	vsub.f32 v58, v56;
	v59 =	vld [tilespmem:s2+$0x10900]  }
0x49f: {  	v60 =	vmin.f32 v5, v10;
	v27 =	vadd.f32 v27, v0;
	v3 =	vsub.f32 v3, v6  }
0x4a0: {  	v5 =	vsub.f32 v60, v17;
	v2 =	vmax.f32 v2, $0.0e+00;
	v4 =	vmax.f32 v4, $0.0e+00  }
0x4a1: {  	v12 =	vsub.f32 v18, v12;
	v2 =	vmul.f32 v4, v2;
	v62 =	vadd.f32 v54, v0  }
0x4a2: {  	v55 =	vadd.f32 v28, v0;
	v3 =	vmax.f32 v3, $0.0e+00;
	v5 =	vmax.f32 v5, $0.0e+00  }
0x4a3: {  	v3 =	vmul.f32 v5, v3;
	v0 =	vadd.f32 v59, v0;
	v4 =	vsub.f32 v62, v2  }
0x4a4: {  	v8 =	vsub.f32 v9, v8;
	v16 =	vmax.f32 v63, $0.0e+00;
	v17 =	vmax.f32 v12, $0.0e+00  }
0x4a5: {  	v5 =	vmul.f32 v17, v16;
	v0 =	vsub.f32 v0, v3;
	v4 =	vmax.f32 v4, $9.999999710e-10  }
0x4a6: {  	v6 =	vmax.f32 v61, $0.0e+00;
	v8 =	vmax.f32 v8, $0.0e+00;
	(erf) = vrcp.f32 v4  }
0x4a7: {  	v6 =	vmul.f32 v8, v6;
	v18 =	vsub.f32 v55, v5;
	v0 =	vmax.f32 v0, $9.999999710e-10  }
0x4a8: {  	(erf) = vrcp.f32 v0  }
0x4a9: {  	v19 =	vsub.f32 v27, v6;
	v0 =	vmax.f32 v18, $9.999999710e-10  }
0x4aa: {  	(erf) = vrcp.f32 v0  }
0x4ab: {  	v0 =	vmax.f32 v19, $9.999999710e-10  }
0x4ac: {  	(erf) = vrcp.f32 v0;
	_ =	sdelay $0x1  }
0x4ad: {  	v0 =	vld [tilespmem:s1+$0x9100]  }
0x4ae: {  	v20 =	vpop (erf)  }
0x4af: {  	v21 =	vld [tilespmem:s2+$0x9100];
	v2 =	vmul.f32 v20, v2  }
0x4b0: {  	v22 =	vpop (erf)  }
0x4b1: {  	vm1 =	vgt.f32 v23, v26;
	vm2 =	vgt.f32 v2, $4.499999880e-01;
	v2 =	vmul.f32 v22, v3;
	v3 =	vld [tilespmem:s28+$0x9100]  }
0x4b2: {  	v25 =	vsel vm1, v23, v26;
	v26 =	vpop (erf);
	v0 =	vsel vm2, $0x0, v0  }
0x4b3: {  	v27 =	vld [tilespmem:s3+$0x9100];
	vm2 =	vgt.f32 v0, v25;
	vm15 =	vgt.f32 v2, $4.499999880e-01;
	v2 =	vmul.f32 v26, v5  }
0x4b4: {  	v28 =	vpop (erf);
	v8 =	vsel vm2, v0, v25;
	v4 =	vsel vm15, $0x0, v21  }
0x4b5: {  	vm15 =	vgt.f32 v4, v8;
	vm4 =	vgt.f32 v2, $4.499999880e-01;
	v2 =	vmul.f32 v28, v6  }
0x4b6: {  	v29 =	vsel vm15, v4, v8;
	v3 =	vsel vm4, $0x0, v3  }
0x4b7: {  	vm4 =	vgt.f32 v3, v29;
	vm6 =	vgt.f32 v2, $4.499999880e-01  }
0x4b8: {  	v2 =	vsel vm4, v3, v29;
	v5 =	vsel vm6, $0x0, v27  }
0x4b9: {  	vm6 =	vgt.f32 v5, v2  }
0x4ba: {  	v2 =	vsel vm6, v5, v2  }
0x4bb: {  	(xrf0) =	vmax.scan.msk.f32 $0xffff, v2;
	_ =	sdelay $0x3  }
0x4bc: {  	v31 =	vadd.s32 s31, v1;
	v30 =	vsel vm1, v7, v24  }
0x4bd: {  	v32 =	vadd.s32 s8, v1;
	v6 =	vsel vm2, v31, v30  }
0x4be: {  	v33 =	vadd.s32 s0, v1;
	v6 =	vsel vm15, v32, v6;
	v34, _, _ =	vpop (xrf0)  }
0x4bf: {  	v35 =	vadd.s32 s29, v1;
	v6 =	vsel vm4, v33, v6;
	v36 =	vbroadcast v34, $0xF  }
0x4c0: {  	v6 =	vsel vm6, v35, v6  }
0x4c1: {  	vm1 =	veq.f32 v2, v36;
	v2 =	vxor.u32 $0x80000000, v6  }
0x4c2: {  	v2 =	vnsel vm1, $0xC0000000, v2  }
0x4c3: {  	(xrf0) =	vmin.scan.msk.u32 $0xffff, v2;
	_ =	sdelay $0x5  }
0x4c4: {  	v2, _, _ =	vpop (xrf0)  }
0x4c5: {  	(v2sf) =	vpush v2, $0xF;
	_ =	sdelay $0xe  }
0x4c6: {  	s11 =	spop (v2sf)  }
0x4c7: {  	s0 =	sxor.u32 $0x80000000, s11  }
0x4c8: {  	s26 =	ssub.s32 s0, s6  }
0x4c9: {  	[tilespmem:s24+$0x9100] =	vst v23;
	v2 =	vmov s26  }
0x4ca: {  	[tilespmem:s1+$0x9100] =	vst v0;
	v0 =	vadd.s32 $0x500, v2  }
0x4cb: {  	[tilespmem:s2+$0x9100] =	vst v4;
	v37 =	vadd.s32 $0xA00, v2  }
0x4cc: {  	[tilespmem:s28+$0x9100] =	vst v3;
	v3 =	vadd.s32 $0xF00, v2  }
0x4cd: {  	[tilespmem:s3+$0x9100] =	vst v5  }
0x4ce: {  	v2 =	vld.idx.msk [tilespmem:v2+s13+$0x0], $0xffff  }
0x4cf: {  	v0 =	vld.idx.msk [tilespmem:v0+s13+$0x0], $0xffff  }
0x4d0: {  	v4 =	vld.idx.msk [tilespmem:v37+s13+$0x0], $0xffff  }
0x4d1: {  	v3 =	vld.idx.msk [tilespmem:v3+s13+$0x0], $0xffff;
	_ =	sdelay $0x1  }
0x4d2: {  	(xrf0) =	vmax.scan.msk.f32 $0xffff, v2  }
0x4d3: {  	(xrf0) =	vmax.scan.msk.f32 $0xffff, v0  }
0x4d4: {  	(xrf0) =	vmax.scan.msk.f32 $0xffff, v4  }
0x4d5: {  	(xrf0) =	vmax.scan.msk.f32 $0xffff, v3;
	_ =	sdelay $0x2  }
0x4d6: {  	v0, _, _ =	vpop (xrf0)  }
0x4d7: {  	v2, _, _ =	vpop (xrf0)  }
0x4d8: {  	v3, _, _ =	vpop (xrf0)  }
0x4d9: {  	v38, _, _ =	vpop (xrf0)  }
0x4da: {  	v4 =	vbroadcast v38, $0xF  }
0x4db: {  	v3 =	vbroadcast v3, $0xF  }
0x4dc: {  	v2 =	vbroadcast v2, $0xF;
	v4 =	vnsel vm3, $0x0, v4  }
0x4dd: {  	v0 =	vbroadcast v0, $0xF;
	v3 =	vsel vm5, v4, v3  }
0x4de: {  	s0 =	scvt.s32.f32 s0;
	v2 =	vsel vm9, v3, v2  }
0x4df: {  	s29 =	sshll.u32 s22, $0x7;
	vm1 =	veq.s32 v41, $0x1;
	v0 =	vsel vm10, v2, v0  }
0x4e0: {  	s30 =	sand.u32 $0x80, s29;
	v0 =	vsel vm1, s0, v0  }
0x4e1: {  	s0 =	sadd.s32 s30, s4;
	v0 =	vsel vm14, v36, v0  }
0x4e2: {  	s31 =	sadd.s32 s25, s0;
	[tilespmem:$0x16E00] =	vst v0  }
0x4e3: {  	[spmem:s31] =	stream.linear.scatter [tilespmem:s18], [sflag:$0x2], $0x8, $0x38;
	[tilespmem:$0x18C50] =	vst v63  }
0x4e4: {  	_ =	swait.ge [sflag:s14], $0x8  }
0x4e5: {  	[sflag:s14] =	ssyncset.done $0x0  }
0x4e6: {  	[sflag:s14] =	ssyncadd.s32 $0xFFFFFFF8  }
0x4e7: {  	[bflag:$0x0] =	sbarrier.arrive $0xFFFF  }
0x4e8: {  	[tilespmem:s19], [sflag:$0x1] =	stream.linear.gather [spmem:s0], $0x80, $0x38;
	[tilespmem:$0x18C50] =	vst v63  }
0x4e9: {  	v0 =	vld [tilespmem:$0x16D00]  }
0x4ea: {  	v2 =	vld [tilespmem:$0x16D10];
	_ =	sdelay $0x1  }
0x4eb: {  	v3 =	vmov s23  }
0x4ec: {  	v39 =	vor.u32 $0x10, v41;
	vm1 =	veq.s32 v3, v41  }
0x4ed: {  	v0 =	vsel vm1, $0xBF800000, v0;
	vm1 =	veq.s32 v3, v39  }
0x4ee: {  	v2 =	vsel vm1, $0xBF800000, v2;
	(xrf0) =	vmax.scan.msk.f32 $0xffff, v0  }
0x4ef: {  	(xrf0) =	vmax.scan.msk.f32 $0xffff, v2;
	_ =	sdelay $0x4  }
0x4f0: {  	v40, _, _ =	vpop (xrf0)  }
0x4f1: {  	(v2sf) =	vpush v40, $0xF;
	v46, _, _ =	vpop (xrf0)  }
0x4f2: {  	(v2sf) =	vpush v46, $0xF;
	_ =	sdelay $0x8  }
0x4f3: {  	v48 =	vld [tilespmem:$0x16D20]  }
0x4f4: {  	v49 =	vld [tilespmem:$0x16D30];
	_ =	sdelay $0x3  }
0x4f5: {  	v4 =	vmul.f32 $2.000000000e+01, v48;
	s1 =	spop (v2sf)  }
0x4f6: {  	v5 =	vmul.f32 $2.000000000e+01, v49;
	s2 =	spop (v2sf)  }
0x4f7: {  	v4 =	vadd.f32 v42, v4;
	s0 =	smax.f32 s1, s2  }
0x4f8: {  	vm1 =	veq.f32 v0, s0;
	v0 =	vadd.f32 v43, v5  }
0x4f9: {  	v4 =	vnsel vm1, $0x4E6E6B28, v4;
	vm1 =	veq.f32 v2, s0  }
0x4fa: {  	v0 =	vnsel vm1, $0x4E6E6B28, v0;
	(xrf0) =	vmin.scan.msk.f32 $0xffff, v4  }
0x4fb: {  	(xrf0) =	vmin.scan.msk.f32 $0xffff, v0;
	_ =	sdelay $0x4  }
0x4fc: {  	v0, _, _ =	vpop (xrf0)  }
0x4fd: {  	(v2sf) =	vpush v0, $0xF;
	v0, _, _ =	vpop (xrf0)  }
0x4fe: {  	(v2sf) =	vpush v0, $0xF;
	_ =	sdelay $0xd  }
0x4ff: {  	s3 =	spop (v2sf)  }
0x500: {  	s8 =	spop (v2sf)  }
0x501: {  	s1 =	smin.f32 s3, s8  }
0x502: {  	s2 =	scvt.f32.s32 s1;
	_ =	sdelay $0x1  }
0x503: {  	s9 =	smulhi.u32 $0x66666667, s2;
	s10 =	sshra.s32 s2, $0x1F  }
0x504: {  	s8 =	smul.u32 $0x66666667, s10;
	_ =	sdelay $0x1  }
0x505: {  	s3 =	sadd.s32 s8, s9  }
0x506: {  	s8 =	sshrl.u32 s3, $0x1F;
	s3 =	sshra.s32 s3, $0x3  }
0x507: {  	s3 =	sadd.s32 s8, s3  }
0x508: {  	s3 =	smul.u32 $0x14, s3;
	_ =	sdelay $0x1  }
0x509: {  	s2 =	ssub.s32 s2, s3  }
0x50a: {  	v0 =	vadd.s32 s2, v44;
	_ =	sdelay $0x4  }
0x50b: {  	v0 =	vld.idx.msk [tilespmem:v0+s16+$0x0], $0xffff;
	_ =	sdelay $0x4  }
0x50c: {  	v2 =	vnsel vm14, $0xFF61B1E6, v0  }
0x50d: {  	(xrf0) =	vmax.scan.msk.f32 $0xffff, v2;
	v2 =	vsel vm11, $0xFF61B1E6, v0  }
0x50e: {  	(xrf0) =	vmax.scan.msk.f32 $0xffff, v2;
	v2 =	vsel vm12, $0xFF61B1E6, v0  }
0x50f: {  	v0 =	vsel vm13, $0xFF61B1E6, v0;
	(xrf0) =	vmax.scan.msk.f32 $0xffff, v2  }
0x510: {  	(xrf0) =	vmax.scan.msk.f32 $0xffff, v0;
	_ =	sdelay $0x2  }
0x511: {  	v0, _, _ =	vpop (xrf0)  }
0x512: {  	(v2sf) =	vpush v0, $0xF;
	v0, _, _ =	vpop (xrf0)  }
0x513: {  	(v2sf) =	vpush v0, $0xF;
	v0, _, _ =	vpop (xrf0)  }
0x514: {  	(v2sf) =	vpush v0, $0xF;
	v0, _, _ =	vpop (xrf0)  }
0x515: {  	(v2sf) =	vpush v0, $0xF;
	_ =	sdelay $0xb  }
0x516: {  	s3 =	spop (v2sf)  }
0x517: {  	v0 =	vmul.u32 $0x8, v41;
	s2 =	spop (v2sf)  }
0x518: {  	s28 =	spop (v2sf)  }
0x519: {  	s24 =	spop (v2sf)  }
0x51a: {  	_ =	swait.ge [sflag:s12], $0x80  }
0x51b: {  	[sflag:s12] =	ssyncset.done $0x0  }
0x51c: {  	[sflag:s12] =	ssyncadd.s32 $0xFFFFFF80  }
0x51d: {  	v2 =	vld.idx.msk [tilespmem:v0+s19+$0x0], $0xffff;
	_ =	sdelay $0x4  }
0x51e: {  	v50 =	vor.u32 $0x1, v0;
	(xrf0) =	vmax.scan.msk.f32 $0xffff, v2;
	_ =	sdelay $0x4  }
0x51f: {  	v4 =	vld.idx.msk [tilespmem:v50+s19+$0x0], $0xffff  }
0x520: {  	v51, _, _ =	vpop (xrf0)  }
0x521: {  	v52 =	vbroadcast v51, $0xF;
	_ =	sdelay $0x1  }
0x522: {  	vm1 =	veq.f32 v2, v52  }
0x523: {  	v2 =	vnsel vm1, $0x4E6E6B28, v4  }
0x524: {  	v53 =	vor.u32 $0x2, v0;
	(xrf0) =	vmin.scan.msk.f32 $0xffff, v2  }
0x525: {  	v54 =	vor.u32 $0x3, v0  }
0x526: {  	v55 =	vor.u32 $0x4, v0  }
0x527: {  	v0 =	vor.u32 $0x5, v0;
	_ =	sdelay $0x1  }
0x528: {  	v4 =	vld.idx.msk [tilespmem:v53+s19+$0x0], $0xffff  }
0x529: {  	v7 =	vld.idx.msk [tilespmem:v54+s19+$0x0], $0xffff;
	v56, _, _ =	vpop (xrf0)  }
0x52a: {  	v8 =	vld.idx.msk [tilespmem:v55+s19+$0x0], $0xffff;
	v57 =	vbroadcast v56, $0xF  }
0x52b: {  	v0 =	vld.idx.msk [tilespmem:v0+s19+$0x0], $0xffff  }
0x52c: {  	(v2sf) =	vpush v51, $0xF;
	vm1 =	veq.f32 v2, v57  }
0x52d: {  	(v2sf) =	vpush v56, $0xF;
	v2 =	vnsel vm1, $0xFF61B1E6, v4  }
0x52e: {  	(xrf0) =	vmax.scan.msk.f32 $0xffff, v2;
	v2 =	vnsel vm1, $0xFF61B1E6, v7  }
0x52f: {  	(xrf0) =	vmax.scan.msk.f32 $0xffff, v2;
	v2 =	vnsel vm1, $0xFF61B1E6, v8  }
0x530: {  	v0 =	vnsel vm1, $0xFF61B1E6, v0;
	(xrf0) =	vmax.scan.msk.f32 $0xffff, v2  }
0x531: {  	(xrf0) =	vmax.scan.msk.f32 $0xffff, v0;
	_ =	sdelay $0x2  }
0x532: {  	v0, _, _ =	vpop (xrf0)  }
0x533: {  	v2, _, _ =	vpop (xrf0);
	(v2sf) =	vpush v0, $0xF  }
0x534: {  	v58, _, _ =	vpop (xrf0);
	(v2sf) =	vpush v2, $0xF  }
0x535: {  	(v2sf) =	vpush v58, $0xF;
	v59, _, _ =	vpop (xrf0)  }
0x536: {  	(v2sf) =	vpush v59, $0xF;
	_ =	sdelay $0x2  }
0x537: {  	s8 =	spop (v2sf)  }
0x538: {  	s11 =	spop (v2sf)  }
0x539: {  	s10 =	scvt.s32.f32 s23;
	s9 =	smul.f32 $2.000000000e+01, s11  }
0x53a: {  	s11 =	sadd.s32 $0x20, s23  }
0x53b: {  	s26 =	sadd.s32 $0x40, s23;
	v60 =	vmov s11;
	s9 =	sadd.f32 s10, s9  }
0x53c: {  	s29 =	sadd.s32 $0x60, s23;
	v61 =	vmov s26  }
0x53d: {  	v62 =	vmov s29;
	s30 =	sadd.s32 $0x80, s23;
	p1 =	seq.f32 s8, s0;
	p2 =	slt.f32 s9, s1  }
0x53e: {  	s22 =	sadd.s32 $0x1, s22;
	v63 =	vmov s30;
	s31 =	sadd.s32 $0xA0, s23  }
0x53f: {  	[tilespmem:v3+s16+$0x0] =	vst.idx.msk $0x1, v52;
	v3 =	vmov s31;
	p3 =	sgt.f32 s8, s0;
	v0 =	vbroadcast v0, $0xF;
	p1 =	por !p1, !p2;
	p2 =	sne.s32 s22, $0x64  }
.Ltmp5:
0x540: {  	v2 =	vbroadcast v2, $0xF;
	[tilespmem:v60+s16+$0x0] =	vst.idx.msk $0x1, v57;
	p1 =	por !p1, !p1;
	s11 =	spop (v2sf);
	(pc) =	sbr.rel @p2 .LBB2_10-.Ltmp5, $4  }
0x541: {  	[tilespmem:v61+s16+$0x0] =	vst.idx.msk $0x1, v0;
	v0 =	vbroadcast v58, $0xF;
	p1 =	por p3, p1;
	s23 =	spop (v2sf)  }
0x542: {  	[tilespmem:v62+s16+$0x0] =	vst.idx.msk $0x1, v2;
	v2 =	vbroadcast v59, $0xF;
	s0 =	smov.u32 @p1 s8;
	s10 =	spop (v2sf)  }
0x543: {  	s1 =	smov.u32 @p1 s9;
	[tilespmem:v63+s16+$0x0] =	vst.idx.msk $0x1, v0;
	s3 =	smov.u32 @p1 s11;
	s26 =	spop (v2sf)  }
0x544: {  	[tilespmem:v3+s16+$0x0] =	vst.idx.msk $0x1, v2;
	s2 =	smov.u32 @p1 s23;
	s28 =	smov.u32 @p1 s10;
	s24 =	smov.u32 @p1 s26  }
0x545: {  	s0 =	simm.s32 @!p0 $0x0;
	s1 =	simm.s32 @!p0 $0x18480;
	s2 =	rddreg [dreg:$0x3]  }
0x546: {  	[hbm4b:s2+s0] =	stream.linear.scatter @!p0 [tilespmem:s1], [sflag:$0x2], $0x680, $0x38;
	[tilespmem:$0x18C50] =	vst v63  }
0x547: {  	s0 =	simm.s32 @!p0 $0x2  }
0x548: {  	_ =	swait.ge @!p0 [sflag:s0], $0x680  }
0x549: {  	s20 =	sadd.s32 $0x1, s20;
	s31 =	rddreg [dreg:$0x17]  }
0x54a: {  	p1 =	sne.s32 s20, s31  }
.Ltmp6:
0x54b: {  	_ = 	snop;
	(pc) =	sbr.rel @p1 .LBB2_1-.Ltmp6, $3  }
0x54c: {  	_ =	sdelay $0x1  }
0x54d: {  	[sflag:s0] =	ssyncset.done @!p0 $0x0  }
0x54e: {  	[sflag:s0] =	ssyncadd.s32 @!p0 $0xFFFFF980  }
0x54f: {  	_ =	sfence.sel $0x180000  }
0x550: {  	[bflag:$0x0] =	sbarrier.arrive $0xFFFF  }
0x551: {  	_ =	strace $0x90000047  }
0x552: {  	s0 =	stileid.u32;
	[bflag:$0x2] =	sbarrier.arrive $0xFFFF  }
0x553: {  	p0 =	sne.s32 s0, $0x0;
	s0 =	rddreg [dreg:$0x6]  }
0x554: {  	s0 =	sadd.s32 @!p0 $0x100000, s0  }
0x555: {  	[sflag:s0] =	ssyncadd.tile.s32 @!p0 $0x1;
	_ =	shalt  }
.Lfunc_end2:
_tile_overlayer_lowered:
.L_overlay_start_2:
0x556: {  	(tag) =	ssettag $0x2  }
0x557: {  	s0 =	rddreg [dreg:$0x0];
	s2 =	stileid.u32  }
0x558: {  	s1 =	rddreg [dreg:$0x1];
	p0 =	sne.s32 s2, $0x0  }
0x559: {  	s3 =	rddreg [dreg:$0x2];
	[bflag:$0x3] =	sbarrier.arrive $0xFFFF;
	s2 =	simm.s32 @!p0 $0x1C02  }
0x55a: {  	[timem:s3], [sflag:s2] =	dma.local @!p0 [hbm:s0], s1  }
0x55b: {  	s0 =	simm.s32 @!p0 $0x2  }
0x55c: {  	_ =	swait.ge @!p0 [sflag:s0], s1  }
0x55d: {  	s1 =	ssub.s32 @!p0 $0x0, s1;
	[sflag:s0] =	ssyncset.done @!p0 $0x0  }
0x55e: {  	[sflag:s0] =	ssyncadd.s32 @!p0 s1  }
0x55f: {  	[bflag:$0x3] =	sbarrier.arrive $0xFFFF  }
0x560: {  	_ =	shalt  }

</sc_bundles>
